<compile_context>
chip_gen: v7x
topology: tpu7x:2x2x1
jax: 0.10.2.dev20260603
libtpu: 0.0.44.dev20260713+nightly
codegen_flags: <defaults>
</compile_context>

<pallas_src>
import functools

import jax
import jax.numpy as jnp
from jax import lax
from jax.experimental import pallas as pl
from jax.experimental.pallas import tpu as pltpu
from jax.experimental.pallas import tpu_sc as plsc

BATCH = 16384
BAG_LEN = 50
D = 64
VOCAB = 1000000

NC = 2
NS = 16
NW = NC * NS
BAGS_PER_W = BATCH // NW
STEP_BAGS = 2
ROWS_PER_STEP = STEP_BAGS * BAG_LEN
NSTEP = BAGS_PER_W // STEP_BAGS
NBUF = 8
UNROLL = 5

WPR = D // 2
REPACK_CHUNK = 16384
QUARTER = REPACK_CHUNK // 4
NBLK = (VOCAB + REPACK_CHUNK - 1) // REPACK_CHUNK
VOCAB2 = NBLK * REPACK_CHUNK


def _repack_tc(table_T):

    def body(x_ref, o_ref):
        x = x_ref[...].astype(jnp.bfloat16)
        eye = jnp.eye(D, dtype=jnp.bfloat16)
        xt = lax.dot_general(x, eye, (((0,), (0,)), ((), ())),
                             preferred_element_type=jnp.float32)
        parts = []
        for k in range(4):
            q = xt[k * QUARTER : (k + 1) * QUARTER]
            lo = lax.bitcast_convert_type(q[:, :WPR], jnp.uint32)
            hi = lax.bitcast_convert_type(q[:, WPR:], jnp.uint32)
            word = jnp.bitwise_or(
                lax.shift_right_logical(lo, jnp.uint32(16)),
                jnp.bitwise_and(hi, jnp.uint32(0xFFFF0000)),
            )
            parts.append(lax.bitcast_convert_type(word, jnp.int32))
        o_ref[...] = jnp.concatenate(parts, axis=1)

    return pl.pallas_call(
        body,
        out_shape=jax.ShapeDtypeStruct((NBLK * QUARTER, 2 * D), jnp.int32),
        grid=(NBLK,),
        in_specs=[pl.BlockSpec((D, REPACK_CHUNK), lambda i: (0, i))],
        out_specs=pl.BlockSpec((QUARTER, 2 * D), lambda i: (i, 0)),
        compiler_params=pltpu.CompilerParams(fuse_transposed_lhs_in_matmul=True),
    )(table_T)


def _bag_sum_sc(tokens2d, table_pk):
    mesh = plsc.VectorSubcoreMesh(core_axis_name="c", subcore_axis_name="s")

    @functools.partial(
        pl.kernel,
        out_type=jax.ShapeDtypeStruct((BATCH, D), jnp.float32),
        mesh=mesh,
        scratch_types=[
            pltpu.VMEM((NSTEP, ROWS_PER_STEP), jnp.int32),
            pltpu.VMEM((NBUF, ROWS_PER_STEP, WPR), jnp.int32),
            pltpu.VMEM((BAGS_PER_W, D), jnp.float32),
            pltpu.SemaphoreType.DMA,
        ],
        compiler_params=pltpu.CompilerParams(
            use_tc_tiling_on_sc=False, needs_layout_passes=False
        ),
    )
    def kern(tokens_hbm, table_hbm, out_hbm, idx_v, ring_v, pooled_v, sem):
        wid = lax.axis_index("s") * NC + lax.axis_index("c")
        row_base = wid * NSTEP

        pltpu.sync_copy(tokens_hbm.at[pl.ds(row_base, NSTEP)], idx_v)

        for s in range(NBUF):
            pltpu.async_copy(table_hbm.at[idx_v.at[s]], ring_v.at[s], sem)

        himask = jnp.full((16,), -65536, jnp.int32)

        def accumulate(slot, bag, j):
            def body(i, carry):
                a0, a1, a2, a3 = carry
                for u in range(UNROLL):
                    r = bag * BAG_LEN + i * UNROLL + u
                    w0 = ring_v[slot, r, pl.ds(0, 16)]
                    w1 = ring_v[slot, r, pl.ds(16, 16)]
                    a0 = a0 + plsc.bitcast(w0 << 16, jnp.float32)
                    a2 = a2 + plsc.bitcast(w0 & himask, jnp.float32)
                    a1 = a1 + plsc.bitcast(w1 << 16, jnp.float32)
                    a3 = a3 + plsc.bitcast(w1 & himask, jnp.float32)
                return (a0, a1, a2, a3)

            zeros = tuple(jnp.zeros((16,), jnp.float32) for _ in range(4))
            accs = lax.fori_loop(0, BAG_LEN // UNROLL, body, zeros)
            for q in range(4):
                pooled_v[j * STEP_BAGS + bag, pl.ds(q * 16, 16)] = accs[q]

        @pl.loop(0, NSTEP, step=NBUF)
        def _steps(j0):
            for s in range(NBUF):
                j = j0 + s
                pltpu.make_async_copy(
                    table_hbm.at[pl.ds(0, ROWS_PER_STEP)], ring_v.at[s], sem
                ).wait()
                for bag in range(STEP_BAGS):
                    accumulate(s, bag, j)
                nj = j + NBUF

                @pl.when(nj < NSTEP)
                def _():
                    pltpu.async_copy(
                        table_hbm.at[idx_v.at[nj]], ring_v.at[s], sem
                    )

        pltpu.sync_copy(pooled_v, out_hbm.at[pl.ds(wid * BAGS_PER_W, BAGS_PER_W)])

    return kern(tokens2d, table_pk)


def _project_tc(pooled_sum, W, b2d):
    BLK = 2048

    def body(p_ref, w_ref, b_ref, o_ref):
        x = p_ref[...] * (1.0 / BAG_LEN)
        o_ref[...] = (
            lax.dot_general(
                x, w_ref[...], (((1,), (1,)), ((), ())),
                preferred_element_type=jnp.float32,
            )
            + b_ref[...]
        )

    return pl.pallas_call(
        body,
        out_shape=jax.ShapeDtypeStruct((BATCH, D), jnp.float32),
        grid=(BATCH // BLK,),
        in_specs=[
            pl.BlockSpec((BLK, D), lambda i: (i, 0)),
            pl.BlockSpec((D, D), lambda i: (0, 0)),
            pl.BlockSpec((1, D), lambda i: (0, 0)),
        ],
        out_specs=pl.BlockSpec((BLK, D), lambda i: (i, 0)),
    )(pooled_sum, W, b2d)


@jax.jit
def kernel(tokens, table, W, b):
    packed = _repack_tc(table.T)
    packed = jax.lax.optimization_barrier(packed)
    table_pk = packed.reshape(VOCAB2, WPR)
    t = tokens.astype(jnp.int32)
    C = REPACK_CHUNK
    rows = 4 * (QUARTER * (t // C) + t % QUARTER) + (t % C) // QUARTER
    tokens2d = rows.reshape(NW * NSTEP, ROWS_PER_STEP)
    pooled_sum = _bag_sum_sc(tokens2d, table_pk)
    return _project_tc(pooled_sum, W, b.reshape(1, D))

# --- scband reference (transcript-rebuilt; emitter-appended) ---
"""Pipeline reference for scband-goal-encoder-9534827397175 (READ-ONLY COPY).

The authoritative reference and input builder live on the scoring server;
editing this copy changes nothing except your own understanding.
"""

import jax, jax.numpy as jnp
import numpy as np

VOCAB = 1000000
EMBED_DIM = 64
BATCH = 16384
BAG_LEN = 50


def setup_inputs(seed: int = 0) -> dict:
    key = jax.random.key(seed)
    k1, k2, k3, k4 = jax.random.split(key, 4)
    tokens = jax.random.randint(k1, (BATCH, BAG_LEN), 0, VOCAB, dtype=jnp.int64)
    # learned params
    table = jax.random.normal(k2, (VOCAB, EMBED_DIM), dtype=jnp.float32)
    W = jax.random.normal(k3, (EMBED_DIM, EMBED_DIM), dtype=jnp.float32) * (1.0 / np.sqrt(EMBED_DIM))
    b = jax.random.normal(k4, (EMBED_DIM,), dtype=jnp.float32) * 0.01
    return {"tokens": tokens, "table": table, "W": W, "b": b}


def reference(tokens, table, W, b):
    # EmbeddingBag(mode='mean'): gather rows then mean-pool over the bag dim
    emb = jnp.take(table, tokens, axis=0)            # [B, L, D] gather
    pooled = jnp.mean(emb, axis=1)                   # [B, D] mean bag reduction
    # Linear projection (torch Linear: x @ W.T + b)
    out = pooled @ W.T + b                           # [B, D]
    return out

if __name__ == "__main__":
    import jax
    _d = setup_inputs()
    print(jax.jit(kernel)(*tuple(_d.values())))

</pallas_src>

<mosaic_0001>
#map = affine_map<(d0, d1) -> (0, 0)>
module attributes {stable_mosaic.version = 14 : i64} {
  func.func @kern(%arg0: i32, %arg1: i32, %arg2: memref<8192x100xi32, #tpu.memory_space<hbm>>, %arg3: memref<1015808x32xi32, #tpu.memory_space<hbm>>, %arg4: memref<16384x64xf32, #tpu.memory_space<hbm>>, %arg5: memref<256x100xi32, #tpu.memory_space<vmem>>, %arg6: memref<8x100x32xi32, #tpu.memory_space<vmem>>, %arg7: memref<512x64xf32, #tpu.memory_space<vmem>>, %arg8: memref<!tpu.dma_semaphore, #tpu.memory_space<semaphore_mem>>) attributes {dimension_semantics = [#tpu.dimension_semantics<core_parallel>, #tpu.dimension_semantics<subcore_parallel>], iteration_bounds = array<i64: 2, 16>, scalar_prefetch = 0 : i64, scratch_operands = 4 : i64, tpu.core_type = #tpu.core_type<sc_vector_subcore>, window_params = [{transform_indices = #map}, {transform_indices = #map}, {transform_indices = #map}]} {
    %mul3A = arith.constant 2 : i32
    %mul3A_0 = arith.muli %arg1, %mul3A : i32
    %add3A = arith.addi %mul3A_0, %arg0 : i32
    %mul3A_1 = arith.constant 256 : i32
    %mul3A_2 = arith.muli %add3A, %mul3A_1 : i32
    "tpu.region"() ({
      %run_scoped3A = tpu.sem_alloc : memref<!tpu.dma_semaphore, #tpu.memory_space<semaphore_mem>>
      %dma_start3A_105 = arith.constant 0 : i32
      %dma_start3A_106 = tpu.memref_slice %arg2[%mul3A_2, %dma_start3A_105] : memref<8192x100xi32, #tpu.memory_space<hbm>> -> memref<256x100xi32, #tpu.memory_space<hbm>>
      %dma_start3A_107 = arith.constant 0 : i32
      %dma_start3A_108 = tpu.memref_slice %arg2[%mul3A_2, %dma_start3A_107] : memref<8192x100xi32, #tpu.memory_space<hbm>> -> memref<256x100xi32, #tpu.memory_space<hbm>>
      tpu.enqueue_dma source(%dma_start3A_108 : memref<256x100xi32, #tpu.memory_space<hbm>>) target(%arg5 : memref<256x100xi32, #tpu.memory_space<vmem>>) target_semaphore(%run_scoped3A : memref<!tpu.dma_semaphore, #tpu.memory_space<semaphore_mem>>)
      %dma_wait3A = arith.constant 0 : i32
      %dma_wait3A_109 = tpu.memref_slice %arg2[%mul3A_2, %dma_wait3A] : memref<8192x100xi32, #tpu.memory_space<hbm>> -> memref<256x100xi32, #tpu.memory_space<hbm>>
      %dma_wait3A_110 = arith.constant 0 : i32
      %dma_wait3A_111 = tpu.memref_slice %arg2[%mul3A_2, %dma_wait3A_110] : memref<8192x100xi32, #tpu.memory_space<hbm>> -> memref<256x100xi32, #tpu.memory_space<hbm>>
      tpu.wait_dma2 semaphore(%run_scoped3A : memref<!tpu.dma_semaphore, #tpu.memory_space<semaphore_mem>>) src(%dma_wait3A_111 : memref<256x100xi32, #tpu.memory_space<hbm>>) dst(%arg5 : memref<256x100xi32, #tpu.memory_space<vmem>>)
      tpu.yield
    }) : () -> ()
    %dma_start3A = arith.constant 0 : i32
    %dma_start3A_3 = arith.constant 0 : i32
    %dma_start3A_4 = arith.constant 0 : i32
    %dma_start3A_5 = arith.constant 0 : i32
    %dma_start3A_6 = tpu.memref_slice %arg6[%dma_start3A_3, %dma_start3A_4, %dma_start3A_5] : memref<8x100x32xi32, #tpu.memory_space<vmem>> -> memref<1x100x32xi32, #tpu.memory_space<vmem>>
    %dma_start3A_7 = tpu.memref_squeeze %dma_start3A_6 : memref<1x100x32xi32, #tpu.memory_space<vmem>> -> memref<100x32xi32, #tpu.memory_space<vmem>>
    %dma_start3A_8 = arith.constant 0 : i32
    %dma_start3A_9 = tpu.memref_slice %arg5[%dma_start3A, %dma_start3A_8] : memref<256x100xi32, #tpu.memory_space<vmem>> -> memref<1x100xi32, #tpu.memory_space<vmem>>
    %dma_start3A_10 = tpu.memref_squeeze %dma_start3A_9 : memref<1x100xi32, #tpu.memory_space<vmem>> -> memref<100xi32, #tpu.memory_space<vmem>>
    %dma_start3A_11 = arith.constant 0 : i32
    %dma_start3A_12 = arith.constant 0 : i32
    %dma_start3A_13 = tpu.memref_slice %arg3[%dma_start3A_11, %dma_start3A_12] : memref<1015808x32xi32, #tpu.memory_space<hbm>> -> memref<1015808x32xi32, #tpu.memory_space<hbm>>
    tpu.enqueue_indirect_dma source(%dma_start3A_13 : memref<1015808x32xi32, #tpu.memory_space<hbm>>) target(%dma_start3A_7 : memref<100x32xi32, #tpu.memory_space<vmem>>) offsets(%dma_start3A_10 : memref<100xi32, #tpu.memory_space<vmem>>) semaphore(%arg8 : memref<!tpu.dma_semaphore, #tpu.memory_space<semaphore_mem>>)
    %dma_start3A_14 = arith.constant 1 : i32
    %dma_start3A_15 = arith.constant 1 : i32
    %dma_start3A_16 = arith.constant 0 : i32
    %dma_start3A_17 = arith.constant 0 : i32
    %dma_start3A_18 = tpu.memref_slice %arg6[%dma_start3A_15, %dma_start3A_16, %dma_start3A_17] : memref<8x100x32xi32, #tpu.memory_space<vmem>> -> memref<1x100x32xi32, #tpu.memory_space<vmem>>
    %dma_start3A_19 = tpu.memref_squeeze %dma_start3A_18 : memref<1x100x32xi32, #tpu.memory_space<vmem>> -> memref<100x32xi32, #tpu.memory_space<vmem>>
    %dma_start3A_20 = arith.constant 0 : i32
    %dma_start3A_21 = tpu.memref_slice %arg5[%dma_start3A_14, %dma_start3A_20] : memref<256x100xi32, #tpu.memory_space<vmem>> -> memref<1x100xi32, #tpu.memory_space<vmem>>
    %dma_start3A_22 = tpu.memref_squeeze %dma_start3A_21 : memref<1x100xi32, #tpu.memory_space<vmem>> -> memref<100xi32, #tpu.memory_space<vmem>>
    %dma_start3A_23 = arith.constant 0 : i32
    %dma_start3A_24 = arith.constant 0 : i32
    %dma_start3A_25 = tpu.memref_slice %arg3[%dma_start3A_23, %dma_start3A_24] : memref<1015808x32xi32, #tpu.memory_space<hbm>> -> memref<1015808x32xi32, #tpu.memory_space<hbm>>
    tpu.enqueue_indirect_dma source(%dma_start3A_25 : memref<1015808x32xi32, #tpu.memory_space<hbm>>) target(%dma_start3A_19 : memref<100x32xi32, #tpu.memory_space<vmem>>) offsets(%dma_start3A_22 : memref<100xi32, #tpu.memory_space<vmem>>) semaphore(%arg8 : memref<!tpu.dma_semaphore, #tpu.memory_space<semaphore_mem>>)
    %dma_start3A_26 = arith.constant 2 : i32
    %dma_start3A_27 = arith.constant 2 : i32
    %dma_start3A_28 = arith.constant 0 : i32
    %dma_start3A_29 = arith.constant 0 : i32
    %dma_start3A_30 = tpu.memref_slice %arg6[%dma_start3A_27, %dma_start3A_28, %dma_start3A_29] : memref<8x100x32xi32, #tpu.memory_space<vmem>> -> memref<1x100x32xi32, #tpu.memory_space<vmem>>
    %dma_start3A_31 = tpu.memref_squeeze %dma_start3A_30 : memref<1x100x32xi32, #tpu.memory_space<vmem>> -> memref<100x32xi32, #tpu.memory_space<vmem>>
    %dma_start3A_32 = arith.constant 0 : i32
    %dma_start3A_33 = tpu.memref_slice %arg5[%dma_start3A_26, %dma_start3A_32] : memref<256x100xi32, #tpu.memory_space<vmem>> -> memref<1x100xi32, #tpu.memory_space<vmem>>
    %dma_start3A_34 = tpu.memref_squeeze %dma_start3A_33 : memref<1x100xi32, #tpu.memory_space<vmem>> -> memref<100xi32, #tpu.memory_space<vmem>>
    %dma_start3A_35 = arith.constant 0 : i32
    %dma_start3A_36 = arith.constant 0 : i32
    %dma_start3A_37 = tpu.memref_slice %arg3[%dma_start3A_35, %dma_start3A_36] : memref<1015808x32xi32, #tpu.memory_space<hbm>> -> memref<1015808x32xi32, #tpu.memory_space<hbm>>
    tpu.enqueue_indirect_dma source(%dma_start3A_37 : memref<1015808x32xi32, #tpu.memory_space<hbm>>) target(%dma_start3A_31 : memref<100x32xi32, #tpu.memory_space<vmem>>) offsets(%dma_start3A_34 : memref<100xi32, #tpu.memory_space<vmem>>) semaphore(%arg8 : memref<!tpu.dma_semaphore, #tpu.memory_space<semaphore_mem>>)
    %dma_start3A_38 = arith.constant 3 : i32
    %dma_start3A_39 = arith.constant 3 : i32
    %dma_start3A_40 = arith.constant 0 : i32
    %dma_start3A_41 = arith.constant 0 : i32
    %dma_start3A_42 = tpu.memref_slice %arg6[%dma_start3A_39, %dma_start3A_40, %dma_start3A_41] : memref<8x100x32xi32, #tpu.memory_space<vmem>> -> memref<1x100x32xi32, #tpu.memory_space<vmem>>
    %dma_start3A_43 = tpu.memref_squeeze %dma_start3A_42 : memref<1x100x32xi32, #tpu.memory_space<vmem>> -> memref<100x32xi32, #tpu.memory_space<vmem>>
    %dma_start3A_44 = arith.constant 0 : i32
    %dma_start3A_45 = tpu.memref_slice %arg5[%dma_start3A_38, %dma_start3A_44] : memref<256x100xi32, #tpu.memory_space<vmem>> -> memref<1x100xi32, #tpu.memory_space<vmem>>
    %dma_start3A_46 = tpu.memref_squeeze %dma_start3A_45 : memref<1x100xi32, #tpu.memory_space<vmem>> -> memref<100xi32, #tpu.memory_space<vmem>>
    %dma_start3A_47 = arith.constant 0 : i32
    %dma_start3A_48 = arith.constant 0 : i32
    %dma_start3A_49 = tpu.memref_slice %arg3[%dma_start3A_47, %dma_start3A_48] : memref<1015808x32xi32, #tpu.memory_space<hbm>> -> memref<1015808x32xi32, #tpu.memory_space<hbm>>
    tpu.enqueue_indirect_dma source(%dma_start3A_49 : memref<1015808x32xi32, #tpu.memory_space<hbm>>) target(%dma_start3A_43 : memref<100x32xi32, #tpu.memory_space<vmem>>) offsets(%dma_start3A_46 : memref<100xi32, #tpu.memory_space<vmem>>) semaphore(%arg8 : memref<!tpu.dma_semaphore, #tpu.memory_space<semaphore_mem>>)
    %dma_start3A_50 = arith.constant 4 : i32
    %dma_start3A_51 = arith.constant 4 : i32
    %dma_start3A_52 = arith.constant 0 : i32
    %dma_start3A_53 = arith.constant 0 : i32
    %dma_start3A_54 = tpu.memref_slice %arg6[%dma_start3A_51, %dma_start3A_52, %dma_start3A_53] : memref<8x100x32xi32, #tpu.memory_space<vmem>> -> memref<1x100x32xi32, #tpu.memory_space<vmem>>
    %dma_start3A_55 = tpu.memref_squeeze %dma_start3A_54 : memref<1x100x32xi32, #tpu.memory_space<vmem>> -> memref<100x32xi32, #tpu.memory_space<vmem>>
    %dma_start3A_56 = arith.constant 0 : i32
    %dma_start3A_57 = tpu.memref_slice %arg5[%dma_start3A_50, %dma_start3A_56] : memref<256x100xi32, #tpu.memory_space<vmem>> -> memref<1x100xi32, #tpu.memory_space<vmem>>
    %dma_start3A_58 = tpu.memref_squeeze %dma_start3A_57 : memref<1x100xi32, #tpu.memory_space<vmem>> -> memref<100xi32, #tpu.memory_space<vmem>>
    %dma_start3A_59 = arith.constant 0 : i32
    %dma_start3A_60 = arith.constant 0 : i32
    %dma_start3A_61 = tpu.memref_slice %arg3[%dma_start3A_59, %dma_start3A_60] : memref<1015808x32xi32, #tpu.memory_space<hbm>> -> memref<1015808x32xi32, #tpu.memory_space<hbm>>
    tpu.enqueue_indirect_dma source(%dma_start3A_61 : memref<1015808x32xi32, #tpu.memory_space<hbm>>) target(%dma_start3A_55 : memref<100x32xi32, #tpu.memory_space<vmem>>) offsets(%dma_start3A_58 : memref<100xi32, #tpu.memory_space<vmem>>) semaphore(%arg8 : memref<!tpu.dma_semaphore, #tpu.memory_space<semaphore_mem>>)
    %dma_start3A_62 = arith.constant 5 : i32
    %dma_start3A_63 = arith.constant 5 : i32
    %dma_start3A_64 = arith.constant 0 : i32
    %dma_start3A_65 = arith.constant 0 : i32
    %dma_start3A_66 = tpu.memref_slice %arg6[%dma_start3A_63, %dma_start3A_64, %dma_start3A_65] : memref<8x100x32xi32, #tpu.memory_space<vmem>> -> memref<1x100x32xi32, #tpu.memory_space<vmem>>
    %dma_start3A_67 = tpu.memref_squeeze %dma_start3A_66 : memref<1x100x32xi32, #tpu.memory_space<vmem>> -> memref<100x32xi32, #tpu.memory_space<vmem>>
    %dma_start3A_68 = arith.constant 0 : i32
    %dma_start3A_69 = tpu.memref_slice %arg5[%dma_start3A_62, %dma_start3A_68] : memref<256x100xi32, #tpu.memory_space<vmem>> -> memref<1x100xi32, #tpu.memory_space<vmem>>
    %dma_start3A_70 = tpu.memref_squeeze %dma_start3A_69 : memref<1x100xi32, #tpu.memory_space<vmem>> -> memref<100xi32, #tpu.memory_space<vmem>>
    %dma_start3A_71 = arith.constant 0 : i32
    %dma_start3A_72 = arith.constant 0 : i32
    %dma_start3A_73 = tpu.memref_slice %arg3[%dma_start3A_71, %dma_start3A_72] : memref<1015808x32xi32, #tpu.memory_space<hbm>> -> memref<1015808x32xi32, #tpu.memory_space<hbm>>
    tpu.enqueue_indirect_dma source(%dma_start3A_73 : memref<1015808x32xi32, #tpu.memory_space<hbm>>) target(%dma_start3A_67 : memref<100x32xi32, #tpu.memory_space<vmem>>) offsets(%dma_start3A_70 : memref<100xi32, #tpu.memory_space<vmem>>) semaphore(%arg8 : memref<!tpu.dma_semaphore, #tpu.memory_space<semaphore_mem>>)
    %dma_start3A_74 = arith.constant 6 : i32
    %dma_start3A_75 = arith.constant 6 : i32
    %dma_start3A_76 = arith.constant 0 : i32
    %dma_start3A_77 = arith.constant 0 : i32
    %dma_start3A_78 = tpu.memref_slice %arg6[%dma_start3A_75, %dma_start3A_76, %dma_start3A_77] : memref<8x100x32xi32, #tpu.memory_space<vmem>> -> memref<1x100x32xi32, #tpu.memory_space<vmem>>
    %dma_start3A_79 = tpu.memref_squeeze %dma_start3A_78 : memref<1x100x32xi32, #tpu.memory_space<vmem>> -> memref<100x32xi32, #tpu.memory_space<vmem>>
    %dma_start3A_80 = arith.constant 0 : i32
    %dma_start3A_81 = tpu.memref_slice %arg5[%dma_start3A_74, %dma_start3A_80] : memref<256x100xi32, #tpu.memory_space<vmem>> -> memref<1x100xi32, #tpu.memory_space<vmem>>
    %dma_start3A_82 = tpu.memref_squeeze %dma_start3A_81 : memref<1x100xi32, #tpu.memory_space<vmem>> -> memref<100xi32, #tpu.memory_space<vmem>>
    %dma_start3A_83 = arith.constant 0 : i32
    %dma_start3A_84 = arith.constant 0 : i32
    %dma_start3A_85 = tpu.memref_slice %arg3[%dma_start3A_83, %dma_start3A_84] : memref<1015808x32xi32, #tpu.memory_space<hbm>> -> memref<1015808x32xi32, #tpu.memory_space<hbm>>
    tpu.enqueue_indirect_dma source(%dma_start3A_85 : memref<1015808x32xi32, #tpu.memory_space<hbm>>) target(%dma_start3A_79 : memref<100x32xi32, #tpu.memory_space<vmem>>) offsets(%dma_start3A_82 : memref<100xi32, #tpu.memory_space<vmem>>) semaphore(%arg8 : memref<!tpu.dma_semaphore, #tpu.memory_space<semaphore_mem>>)
    %dma_start3A_86 = arith.constant 7 : i32
    %dma_start3A_87 = arith.constant 7 : i32
    %dma_start3A_88 = arith.constant 0 : i32
    %dma_start3A_89 = arith.constant 0 : i32
    %dma_start3A_90 = tpu.memref_slice %arg6[%dma_start3A_87, %dma_start3A_88, %dma_start3A_89] : memref<8x100x32xi32, #tpu.memory_space<vmem>> -> memref<1x100x32xi32, #tpu.memory_space<vmem>>
    %dma_start3A_91 = tpu.memref_squeeze %dma_start3A_90 : memref<1x100x32xi32, #tpu.memory_space<vmem>> -> memref<100x32xi32, #tpu.memory_space<vmem>>
    %dma_start3A_92 = arith.constant 0 : i32
    %dma_start3A_93 = tpu.memref_slice %arg5[%dma_start3A_86, %dma_start3A_92] : memref<256x100xi32, #tpu.memory_space<vmem>> -> memref<1x100xi32, #tpu.memory_space<vmem>>
    %dma_start3A_94 = tpu.memref_squeeze %dma_start3A_93 : memref<1x100xi32, #tpu.memory_space<vmem>> -> memref<100xi32, #tpu.memory_space<vmem>>
    %dma_start3A_95 = arith.constant 0 : i32
    %dma_start3A_96 = arith.constant 0 : i32
    %dma_start3A_97 = tpu.memref_slice %arg3[%dma_start3A_95, %dma_start3A_96] : memref<1015808x32xi32, #tpu.memory_space<hbm>> -> memref<1015808x32xi32, #tpu.memory_space<hbm>>
    tpu.enqueue_indirect_dma source(%dma_start3A_97 : memref<1015808x32xi32, #tpu.memory_space<hbm>>) target(%dma_start3A_91 : memref<100x32xi32, #tpu.memory_space<vmem>>) offsets(%dma_start3A_94 : memref<100xi32, #tpu.memory_space<vmem>>) semaphore(%arg8 : memref<!tpu.dma_semaphore, #tpu.memory_space<semaphore_mem>>)
    %broadcast_in_dim3A = arith.constant -65536 : i32
    %broadcast_in_dim3A_98 = vector.broadcast %broadcast_in_dim3A : i32 to vector<16xi32>
    %scan3A = arith.constant 0 : i32
    %scan3A_99 = arith.constant 32 : i32
    %scan3A_100 = arith.addi %scan3A, %scan3A_99 : i32
    %scan3A_101 = arith.constant 1 : i32
    scf.for %scan3A_105 = %scan3A to %scan3A_100 step %scan3A_101  : i32 {
      %mul3A_106 = arith.constant 8 : i32
      %mul3A_107 = arith.muli %scan3A_105, %mul3A_106 : i32
      %add3A_108 = arith.constant 0 : i32
      %add3A_109 = arith.addi %add3A_108, %mul3A_107 : i32
      %add3A_110 = arith.constant 0 : i32
      %add3A_111 = arith.addi %add3A_109, %add3A_110 : i32
      %dma_wait3A = arith.constant 0 : i32
      %dma_wait3A_112 = arith.constant 0 : i32
      %dma_wait3A_113 = arith.constant 0 : i32
      %dma_wait3A_114 = tpu.memref_slice %arg6[%dma_wait3A, %dma_wait3A_112, %dma_wait3A_113] : memref<8x100x32xi32, #tpu.memory_space<vmem>> -> memref<1x100x32xi32, #tpu.memory_space<vmem>>
      %dma_wait3A_115 = tpu.memref_squeeze %dma_wait3A_114 : memref<1x100x32xi32, #tpu.memory_space<vmem>> -> memref<100x32xi32, #tpu.memory_space<vmem>>
      %dma_wait3A_116 = arith.constant 0 : i32
      %dma_wait3A_117 = arith.constant 0 : i32
      %dma_wait3A_118 = tpu.memref_slice %arg3[%dma_wait3A_116, %dma_wait3A_117] : memref<1015808x32xi32, #tpu.memory_space<hbm>> -> memref<100x32xi32, #tpu.memory_space<hbm>>
      %dma_wait3A_119 = arith.constant 0 : i32
      %dma_wait3A_120 = arith.constant 0 : i32
      %dma_wait3A_121 = tpu.memref_slice %arg6[%dma_wait3A, %dma_wait3A_119, %dma_wait3A_120] : memref<8x100x32xi32, #tpu.memory_space<vmem>> -> memref<1x100x32xi32, #tpu.memory_space<vmem>>
      %dma_wait3A_122 = tpu.memref_squeeze %dma_wait3A_121 : memref<1x100x32xi32, #tpu.memory_space<vmem>> -> memref<100x32xi32, #tpu.memory_space<vmem>>
      %dma_wait3A_123 = arith.constant 0 : i32
      %dma_wait3A_124 = arith.constant 0 : i32
      %dma_wait3A_125 = tpu.memref_slice %arg3[%dma_wait3A_123, %dma_wait3A_124] : memref<1015808x32xi32, #tpu.memory_space<hbm>> -> memref<100x32xi32, #tpu.memory_space<hbm>>
      tpu.wait_dma2 semaphore(%arg8 : memref<!tpu.dma_semaphore, #tpu.memory_space<semaphore_mem>>) src(%dma_wait3A_125 : memref<100x32xi32, #tpu.memory_space<hbm>>) dst(%dma_wait3A_122 : memref<100x32xi32, #tpu.memory_space<vmem>>)
      %broadcast_in_dim3A_126 = arith.constant 0.000000e+00 : f32
      %broadcast_in_dim3A_127 = vector.broadcast %broadcast_in_dim3A_126 : f32 to vector<16xf32>
      %broadcast_in_dim3A_128 = arith.constant 0.000000e+00 : f32
      %broadcast_in_dim3A_129 = vector.broadcast %broadcast_in_dim3A_128 : f32 to vector<16xf32>
      %broadcast_in_dim3A_130 = arith.constant 0.000000e+00 : f32
      %broadcast_in_dim3A_131 = vector.broadcast %broadcast_in_dim3A_130 : f32 to vector<16xf32>
      %broadcast_in_dim3A_132 = arith.constant 0.000000e+00 : f32
      %broadcast_in_dim3A_133 = vector.broadcast %broadcast_in_dim3A_132 : f32 to vector<16xf32>
      %scan3A_134 = arith.constant 0 : i32
      %scan3A_135 = arith.constant 10 : i32
      %scan3A_136 = arith.addi %scan3A_134, %scan3A_135 : i32
      %scan3A_137 = arith.constant 1 : i32
      %scan3A_138:4 = scf.for %scan3A_969 = %scan3A_134 to %scan3A_136 step %scan3A_137 iter_args(%scan3A_970 = %broadcast_in_dim3A_127, %scan3A_971 = %broadcast_in_dim3A_129, %scan3A_972 = %broadcast_in_dim3A_131, %scan3A_973 = %broadcast_in_dim3A_133) -> (vector<16xf32>, vector<16xf32>, vector<16xf32>, vector<16xf32>)  : i32 {
        %mul3A_974 = arith.constant 5 : i32
        %mul3A_975 = arith.muli %scan3A_969, %mul3A_974 : i32
        %add3A_976 = arith.constant 0 : i32
        %add3A_977 = arith.addi %add3A_976, %mul3A_975 : i32
        %add3A_978 = arith.constant 0 : i32
        %add3A_979 = arith.addi %add3A_977, %add3A_978 : i32
        %get3A = arith.constant 0 : i32
        %get3A_980 = arith.index_cast %get3A : i32 to index
        %get3A_981 = arith.index_cast %add3A_979 : i32 to index
        %get3A_982 = arith.constant 0 : index
        %get3A_983 = tpu.vector_load %arg6[%get3A_980, %get3A_981, %get3A_982] {strides = array<i32>} : memref<8x100x32xi32, #tpu.memory_space<vmem>>, vector<16xi32>,
        %get3A_984 = arith.constant 0 : i32
        %get3A_985 = arith.index_cast %get3A_984 : i32 to index
        %get3A_986 = arith.index_cast %add3A_979 : i32 to index
        %get3A_987 = arith.constant 16 : index
        %get3A_988 = tpu.vector_load %arg6[%get3A_985, %get3A_986, %get3A_987] {strides = array<i32>} : memref<8x100x32xi32, #tpu.memory_space<vmem>>, vector<16xi32>,
        %shift_left3A = arith.constant 16 : i32
        %shift_left3A_989 = vector.broadcast %shift_left3A : i32 to vector<16xi32>
        %shift_left3A_990 = arith.shli %get3A_983, %shift_left3A_989 : vector<16xi32>
        %bitcast3A = vector.bitcast %shift_left3A_990 : vector<16xi32> to vector<16xf32>
        %add3A_991 = arith.addf %scan3A_970, %bitcast3A : vector<16xf32>
        %and3A = arith.andi %get3A_983, %broadcast_in_dim3A_98 : vector<16xi32>
        %bitcast3A_992 = vector.bitcast %and3A : vector<16xi32> to vector<16xf32>
        %add3A_993 = arith.addf %scan3A_972, %bitcast3A_992 : vector<16xf32>
        %shift_left3A_994 = arith.constant 16 : i32
        %shift_left3A_995 = vector.broadcast %shift_left3A_994 : i32 to vector<16xi32>
        %shift_left3A_996 = arith.shli %get3A_988, %shift_left3A_995 : vector<16xi32>
        %bitcast3A_997 = vector.bitcast %shift_left3A_996 : vector<16xi32> to vector<16xf32>
        %add3A_998 = arith.addf %scan3A_971, %bitcast3A_997 : vector<16xf32>
        %and3A_999 = arith.andi %get3A_988, %broadcast_in_dim3A_98 : vector<16xi32>
        %bitcast3A_1000 = vector.bitcast %and3A_999 : vector<16xi32> to vector<16xf32>
        %add3A_1001 = arith.addf %scan3A_973, %bitcast3A_1000 : vector<16xf32>
        %mul3A_1002 = arith.constant 5 : i32
        %mul3A_1003 = arith.muli %scan3A_969, %mul3A_1002 : i32
        %add3A_1004 = arith.constant 0 : i32
        %add3A_1005 = arith.addi %add3A_1004, %mul3A_1003 : i32
        %add3A_1006 = arith.constant 1 : i32
        %add3A_1007 = arith.addi %add3A_1005, %add3A_1006 : i32
        %get3A_1008 = arith.constant 0 : i32
        %get3A_1009 = arith.index_cast %get3A_1008 : i32 to index
        %get3A_1010 = arith.index_cast %add3A_1007 : i32 to index
        %get3A_1011 = arith.constant 0 : index
        %get3A_1012 = tpu.vector_load %arg6[%get3A_1009, %get3A_1010, %get3A_1011] {strides = array<i32>} : memref<8x100x32xi32, #tpu.memory_space<vmem>>, vector<16xi32>,
        %get3A_1013 = arith.constant 0 : i32
        %get3A_1014 = arith.index_cast %get3A_1013 : i32 to index
        %get3A_1015 = arith.index_cast %add3A_1007 : i32 to index
        %get3A_1016 = arith.constant 16 : index
        %get3A_1017 = tpu.vector_load %arg6[%get3A_1014, %get3A_1015, %get3A_1016] {strides = array<i32>} : memref<8x100x32xi32, #tpu.memory_space<vmem>>, vector<16xi32>,
        %shift_left3A_1018 = arith.constant 16 : i32
        %shift_left3A_1019 = vector.broadcast %shift_left3A_1018 : i32 to vector<16xi32>
        %shift_left3A_1020 = arith.shli %get3A_1012, %shift_left3A_1019 : vector<16xi32>
        %bitcast3A_1021 = vector.bitcast %shift_left3A_1020 : vector<16xi32> to vector<16xf32>
        %add3A_1022 = arith.addf %add3A_991, %bitcast3A_1021 : vector<16xf32>
        %and3A_1023 = arith.andi %get3A_1012, %broadcast_in_dim3A_98 : vector<16xi32>
        %bitcast3A_1024 = vector.bitcast %and3A_1023 : vector<16xi32> to vector<16xf32>
        %add3A_1025 = arith.addf %add3A_993, %bitcast3A_1024 : vector<16xf32>
        %shift_left3A_1026 = arith.constant 16 : i32
        %shift_left3A_1027 = vector.broadcast %shift_left3A_1026 : i32 to vector<16xi32>
        %shift_left3A_1028 = arith.shli %get3A_1017, %shift_left3A_1027 : vector<16xi32>
        %bitcast3A_1029 = vector.bitcast %shift_left3A_1028 : vector<16xi32> to vector<16xf32>
        %add3A_1030 = arith.addf %add3A_998, %bitcast3A_1029 : vector<16xf32>
        %and3A_1031 = arith.andi %get3A_1017, %broadcast_in_dim3A_98 : vector<16xi32>
        %bitcast3A_1032 = vector.bitcast %and3A_1031 : vector<16xi32> to vector<16xf32>
        %add3A_1033 = arith.addf %add3A_1001, %bitcast3A_1032 : vector<16xf32>
        %mul3A_1034 = arith.constant 5 : i32
        %mul3A_1035 = arith.muli %scan3A_969, %mul3A_1034 : i32
        %add3A_1036 = arith.constant 0 : i32
        %add3A_1037 = arith.addi %add3A_1036, %mul3A_1035 : i32
        %add3A_1038 = arith.constant 2 : i32
        %add3A_1039 = arith.addi %add3A_1037, %add3A_1038 : i32
        %get3A_1040 = arith.constant 0 : i32
        %get3A_1041 = arith.index_cast %get3A_1040 : i32 to index
        %get3A_1042 = arith.index_cast %add3A_1039 : i32 to index
        %get3A_1043 = arith.constant 0 : index
        %get3A_1044 = tpu.vector_load %arg6[%get3A_1041, %get3A_1042, %get3A_1043] {strides = array<i32>} : memref<8x100x32xi32, #tpu.memory_space<vmem>>, vector<16xi32>,
        %get3A_1045 = arith.constant 0 : i32
        %get3A_1046 = arith.index_cast %get3A_1045 : i32 to index
        %get3A_1047 = arith.index_cast %add3A_1039 : i32 to index
        %get3A_1048 = arith.constant 16 : index
        %get3A_1049 = tpu.vector_load %arg6[%get3A_1046, %get3A_1047, %get3A_1048] {strides = array<i32>} : memref<8x100x32xi32, #tpu.memory_space<vmem>>, vector<16xi32>,
        %shift_left3A_1050 = arith.constant 16 : i32
        %shift_left3A_1051 = vector.broadcast %shift_left3A_1050 : i32 to vector<16xi32>
        %shift_left3A_1052 = arith.shli %get3A_1044, %shift_left3A_1051 : vector<16xi32>
        %bitcast3A_1053 = vector.bitcast %shift_left3A_1052 : vector<16xi32> to vector<16xf32>
        %add3A_1054 = arith.addf %add3A_1022, %bitcast3A_1053 : vector<16xf32>
        %and3A_1055 = arith.andi %get3A_1044, %broadcast_in_dim3A_98 : vector<16xi32>
        %bitcast3A_1056 = vector.bitcast %and3A_1055 : vector<16xi32> to vector<16xf32>
        %add3A_1057 = arith.addf %add3A_1025, %bitcast3A_1056 : vector<16xf32>
        %shift_left3A_1058 = arith.constant 16 : i32
        %shift_left3A_1059 = vector.broadcast %shift_left3A_1058 : i32 to vector<16xi32>
        %shift_left3A_1060 = arith.shli %get3A_1049, %shift_left3A_1059 : vector<16xi32>
        %bitcast3A_1061 = vector.bitcast %shift_left3A_1060 : vector<16xi32> to vector<16xf32>
        %add3A_1062 = arith.addf %add3A_1030, %bitcast3A_1061 : vector<16xf32>
        %and3A_1063 = arith.andi %get3A_1049, %broadcast_in_dim3A_98 : vector<16xi32>
        %bitcast3A_1064 = vector.bitcast %and3A_1063 : vector<16xi32> to vector<16xf32>
        %add3A_1065 = arith.addf %add3A_1033, %bitcast3A_1064 : vector<16xf32>
        %mul3A_1066 = arith.constant 5 : i32
        %mul3A_1067 = arith.muli %scan3A_969, %mul3A_1066 : i32
        %add3A_1068 = arith.constant 0 : i32
        %add3A_1069 = arith.addi %add3A_1068, %mul3A_1067 : i32
        %add3A_1070 = arith.constant 3 : i32
        %add3A_1071 = arith.addi %add3A_1069, %add3A_1070 : i32
        %get3A_1072 = arith.constant 0 : i32
        %get3A_1073 = arith.index_cast %get3A_1072 : i32 to index
        %get3A_1074 = arith.index_cast %add3A_1071 : i32 to index
        %get3A_1075 = arith.constant 0 : index
        %get3A_1076 = tpu.vector_load %arg6[%get3A_1073, %get3A_1074, %get3A_1075] {strides = array<i32>} : memref<8x100x32xi32, #tpu.memory_space<vmem>>, vector<16xi32>,
        %get3A_1077 = arith.constant 0 : i32
        %get3A_1078 = arith.index_cast %get3A_1077 : i32 to index
        %get3A_1079 = arith.index_cast %add3A_1071 : i32 to index
        %get3A_1080 = arith.constant 16 : index
        %get3A_1081 = tpu.vector_load %arg6[%get3A_1078, %get3A_1079, %get3A_1080] {strides = array<i32>} : memref<8x100x32xi32, #tpu.memory_space<vmem>>, vector<16xi32>,
        %shift_left3A_1082 = arith.constant 16 : i32
        %shift_left3A_1083 = vector.broadcast %shift_left3A_1082 : i32 to vector<16xi32>
        %shift_left3A_1084 = arith.shli %get3A_1076, %shift_left3A_1083 : vector<16xi32>
        %bitcast3A_1085 = vector.bitcast %shift_left3A_1084 : vector<16xi32> to vector<16xf32>
        %add3A_1086 = arith.addf %add3A_1054, %bitcast3A_1085 : vector<16xf32>
        %and3A_1087 = arith.andi %get3A_1076, %broadcast_in_dim3A_98 : vector<16xi32>
        %bitcast3A_1088 = vector.bitcast %and3A_1087 : vector<16xi32> to vector<16xf32>
        %add3A_1089 = arith.addf %add3A_1057, %bitcast3A_1088 : vector<16xf32>
        %shift_left3A_1090 = arith.constant 16 : i32
        %shift_left3A_1091 = vector.broadcast %shift_left3A_1090 : i32 to vector<16xi32>
        %shift_left3A_1092 = arith.shli %get3A_1081, %shift_left3A_1091 : vector<16xi32>
        %bitcast3A_1093 = vector.bitcast %shift_left3A_1092 : vector<16xi32> to vector<16xf32>
        %add3A_1094 = arith.addf %add3A_1062, %bitcast3A_1093 : vector<16xf32>
        %and3A_1095 = arith.andi %get3A_1081, %broadcast_in_dim3A_98 : vector<16xi32>
        %bitcast3A_1096 = vector.bitcast %and3A_1095 : vector<16xi32> to vector<16xf32>
        %add3A_1097 = arith.addf %add3A_1065, %bitcast3A_1096 : vector<16xf32>
        %mul3A_1098 = arith.constant 5 : i32
        %mul3A_1099 = arith.muli %scan3A_969, %mul3A_1098 : i32
        %add3A_1100 = arith.constant 0 : i32
        %add3A_1101 = arith.addi %add3A_1100, %mul3A_1099 : i32
        %add3A_1102 = arith.constant 4 : i32
        %add3A_1103 = arith.addi %add3A_1101, %add3A_1102 : i32
        %get3A_1104 = arith.constant 0 : i32
        %get3A_1105 = arith.index_cast %get3A_1104 : i32 to index
        %get3A_1106 = arith.index_cast %add3A_1103 : i32 to index
        %get3A_1107 = arith.constant 0 : index
        %get3A_1108 = tpu.vector_load %arg6[%get3A_1105, %get3A_1106, %get3A_1107] {strides = array<i32>} : memref<8x100x32xi32, #tpu.memory_space<vmem>>, vector<16xi32>,
        %get3A_1109 = arith.constant 0 : i32
        %get3A_1110 = arith.index_cast %get3A_1109 : i32 to index
        %get3A_1111 = arith.index_cast %add3A_1103 : i32 to index
        %get3A_1112 = arith.constant 16 : index
        %get3A_1113 = tpu.vector_load %arg6[%get3A_1110, %get3A_1111, %get3A_1112] {strides = array<i32>} : memref<8x100x32xi32, #tpu.memory_space<vmem>>, vector<16xi32>,
        %shift_left3A_1114 = arith.constant 16 : i32
        %shift_left3A_1115 = vector.broadcast %shift_left3A_1114 : i32 to vector<16xi32>
        %shift_left3A_1116 = arith.shli %get3A_1108, %shift_left3A_1115 : vector<16xi32>
        %bitcast3A_1117 = vector.bitcast %shift_left3A_1116 : vector<16xi32> to vector<16xf32>
        %add3A_1118 = arith.addf %add3A_1086, %bitcast3A_1117 : vector<16xf32>
        %and3A_1119 = arith.andi %get3A_1108, %broadcast_in_dim3A_98 : vector<16xi32>
        %bitcast3A_1120 = vector.bitcast %and3A_1119 : vector<16xi32> to vector<16xf32>
        %add3A_1121 = arith.addf %add3A_1089, %bitcast3A_1120 : vector<16xf32>
        %shift_left3A_1122 = arith.constant 16 : i32
        %shift_left3A_1123 = vector.broadcast %shift_left3A_1122 : i32 to vector<16xi32>
        %shift_left3A_1124 = arith.shli %get3A_1113, %shift_left3A_1123 : vector<16xi32>
        %bitcast3A_1125 = vector.bitcast %shift_left3A_1124 : vector<16xi32> to vector<16xf32>
        %add3A_1126 = arith.addf %add3A_1094, %bitcast3A_1125 : vector<16xf32>
        %and3A_1127 = arith.andi %get3A_1113, %broadcast_in_dim3A_98 : vector<16xi32>
        %bitcast3A_1128 = vector.bitcast %and3A_1127 : vector<16xi32> to vector<16xf32>
        %add3A_1129 = arith.addf %add3A_1097, %bitcast3A_1128 : vector<16xf32>
        scf.yield %add3A_1118, %add3A_1126, %add3A_1121, %add3A_1129 : vector<16xf32>, vector<16xf32>, vector<16xf32>, vector<16xf32>
      }
      %scan3A_139 = arith.constant 10 : i32
      %mul3A_140 = arith.constant 2 : i32
      %mul3A_141 = arith.muli %add3A_111, %mul3A_140 : i32
      %add3A_142 = arith.constant 0 : i32
      %add3A_143 = arith.addi %mul3A_141, %add3A_142 : i32
      %swap3A = arith.index_cast %add3A_143 : i32 to index
      %swap3A_144 = arith.constant 0 : index
      %swap3A_145 = tpu.vector_load %arg7[%swap3A, %swap3A_144] {strides = array<i32>} : memref<512x64xf32, #tpu.memory_space<vmem>>, vector<16xf32>,
      tpu.vector_store %arg7[%swap3A, %swap3A_144], %scan3A_138#0 {strides = array<i32>} : memref<512x64xf32, #tpu.memory_space<vmem>>, vector<16xf32>,
      %mul3A_146 = arith.constant 2 : i32
      %mul3A_147 = arith.muli %add3A_111, %mul3A_146 : i32
      %add3A_148 = arith.constant 0 : i32
      %add3A_149 = arith.addi %mul3A_147, %add3A_148 : i32
      %swap3A_150 = arith.index_cast %add3A_149 : i32 to index
      %swap3A_151 = arith.constant 16 : index
      %swap3A_152 = tpu.vector_load %arg7[%swap3A_150, %swap3A_151] {strides = array<i32>} : memref<512x64xf32, #tpu.memory_space<vmem>>, vector<16xf32>,
      tpu.vector_store %arg7[%swap3A_150, %swap3A_151], %scan3A_138#1 {strides = array<i32>} : memref<512x64xf32, #tpu.memory_space<vmem>>, vector<16xf32>,
      %mul3A_153 = arith.constant 2 : i32
      %mul3A_154 = arith.muli %add3A_111, %mul3A_153 : i32
      %add3A_155 = arith.constant 0 : i32
      %add3A_156 = arith.addi %mul3A_154, %add3A_155 : i32
      %swap3A_157 = arith.index_cast %add3A_156 : i32 to index
      %swap3A_158 = arith.constant 32 : index
      %swap3A_159 = tpu.vector_load %arg7[%swap3A_157, %swap3A_158] {strides = array<i32>} : memref<512x64xf32, #tpu.memory_space<vmem>>, vector<16xf32>,
      tpu.vector_store %arg7[%swap3A_157, %swap3A_158], %scan3A_138#2 {strides = array<i32>} : memref<512x64xf32, #tpu.memory_space<vmem>>, vector<16xf32>,
      %mul3A_160 = arith.constant 2 : i32
      %mul3A_161 = arith.muli %add3A_111, %mul3A_160 : i32
      %add3A_162 = arith.constant 0 : i32
      %add3A_163 = arith.addi %mul3A_161, %add3A_162 : i32
      %swap3A_164 = arith.index_cast %add3A_163 : i32 to index
      %swap3A_165 = arith.constant 48 : index
      %swap3A_166 = tpu.vector_load %arg7[%swap3A_164, %swap3A_165] {strides = array<i32>} : memref<512x64xf32, #tpu.memory_space<vmem>>, vector<16xf32>,
      tpu.vector_store %arg7[%swap3A_164, %swap3A_165], %scan3A_138#3 {strides = array<i32>} : memref<512x64xf32, #tpu.memory_space<vmem>>, vector<16xf32>,
      %broadcast_in_dim3A_167 = arith.constant 0.000000e+00 : f32
      %broadcast_in_dim3A_168 = vector.broadcast %broadcast_in_dim3A_167 : f32 to vector<16xf32>
      %broadcast_in_dim3A_169 = arith.constant 0.000000e+00 : f32
      %broadcast_in_dim3A_170 = vector.broadcast %broadcast_in_dim3A_169 : f32 to vector<16xf32>
      %broadcast_in_dim3A_171 = arith.constant 0.000000e+00 : f32
      %broadcast_in_dim3A_172 = vector.broadcast %broadcast_in_dim3A_171 : f32 to vector<16xf32>
      %broadcast_in_dim3A_173 = arith.constant 0.000000e+00 : f32
      %broadcast_in_dim3A_174 = vector.broadcast %broadcast_in_dim3A_173 : f32 to vector<16xf32>
      %scan3A_175 = arith.constant 0 : i32
      %scan3A_176 = arith.constant 10 : i32
      %scan3A_177 = arith.addi %scan3A_175, %scan3A_176 : i32
      %scan3A_178 = arith.constant 1 : i32
      %scan3A_179:4 = scf.for %scan3A_969 = %scan3A_175 to %scan3A_177 step %scan3A_178 iter_args(%scan3A_970 = %broadcast_in_dim3A_168, %scan3A_971 = %broadcast_in_dim3A_170, %scan3A_972 = %broadcast_in_dim3A_172, %scan3A_973 = %broadcast_in_dim3A_174) -> (vector<16xf32>, vector<16xf32>, vector<16xf32>, vector<16xf32>)  : i32 {
        %mul3A_974 = arith.constant 5 : i32
        %mul3A_975 = arith.muli %scan3A_969, %mul3A_974 : i32
        %add3A_976 = arith.constant 50 : i32
        %add3A_977 = arith.addi %add3A_976, %mul3A_975 : i32
        %add3A_978 = arith.constant 0 : i32
        %add3A_979 = arith.addi %add3A_977, %add3A_978 : i32
        %get3A = arith.constant 0 : i32
        %get3A_980 = arith.index_cast %get3A : i32 to index
        %get3A_981 = arith.index_cast %add3A_979 : i32 to index
        %get3A_982 = arith.constant 0 : index
        %get3A_983 = tpu.vector_load %arg6[%get3A_980, %get3A_981, %get3A_982] {strides = array<i32>} : memref<8x100x32xi32, #tpu.memory_space<vmem>>, vector<16xi32>,
        %get3A_984 = arith.constant 0 : i32
        %get3A_985 = arith.index_cast %get3A_984 : i32 to index
        %get3A_986 = arith.index_cast %add3A_979 : i32 to index
        %get3A_987 = arith.constant 16 : index
        %get3A_988 = tpu.vector_load %arg6[%get3A_985, %get3A_986, %get3A_987] {strides = array<i32>} : memref<8x100x32xi32, #tpu.memory_space<vmem>>, vector<16xi32>,
        %shift_left3A = arith.constant 16 : i32
        %shift_left3A_989 = vector.broadcast %shift_left3A : i32 to vector<16xi32>
        %shift_left3A_990 = arith.shli %get3A_983, %shift_left3A_989 : vector<16xi32>
        %bitcast3A = vector.bitcast %shift_left3A_990 : vector<16xi32> to vector<16xf32>
        %add3A_991 = arith.addf %scan3A_970, %bitcast3A : vector<16xf32>
        %and3A = arith.andi %get3A_983, %broadcast_in_dim3A_98 : vector<16xi32>
        %bitcast3A_992 = vector.bitcast %and3A : vector<16xi32> to vector<16xf32>
        %add3A_993 = arith.addf %scan3A_972, %bitcast3A_992 : vector<16xf32>
        %shift_left3A_994 = arith.constant 16 : i32
        %shift_left3A_995 = vector.broadcast %shift_left3A_994 : i32 to vector<16xi32>
        %shift_left3A_996 = arith.shli %get3A_988, %shift_left3A_995 : vector<16xi32>
        %bitcast3A_997 = vector.bitcast %shift_left3A_996 : vector<16xi32> to vector<16xf32>
        %add3A_998 = arith.addf %scan3A_971, %bitcast3A_997 : vector<16xf32>
        %and3A_999 = arith.andi %get3A_988, %broadcast_in_dim3A_98 : vector<16xi32>
        %bitcast3A_1000 = vector.bitcast %and3A_999 : vector<16xi32> to vector<16xf32>
        %add3A_1001 = arith.addf %scan3A_973, %bitcast3A_1000 : vector<16xf32>
        %mul3A_1002 = arith.constant 5 : i32
        %mul3A_1003 = arith.muli %scan3A_969, %mul3A_1002 : i32
        %add3A_1004 = arith.constant 50 : i32
        %add3A_1005 = arith.addi %add3A_1004, %mul3A_1003 : i32
        %add3A_1006 = arith.constant 1 : i32
        %add3A_1007 = arith.addi %add3A_1005, %add3A_1006 : i32
        %get3A_1008 = arith.constant 0 : i32
        %get3A_1009 = arith.index_cast %get3A_1008 : i32 to index
        %get3A_1010 = arith.index_cast %add3A_1007 : i32 to index
        %get3A_1011 = arith.constant 0 : index
        %get3A_1012 = tpu.vector_load %arg6[%get3A_1009, %get3A_1010, %get3A_1011] {strides = array<i32>} : memref<8x100x32xi32, #tpu.memory_space<vmem>>, vector<16xi32>,
        %get3A_1013 = arith.constant 0 : i32
        %get3A_1014 = arith.index_cast %get3A_1013 : i32 to index
        %get3A_1015 = arith.index_cast %add3A_1007 : i32 to index
        %get3A_1016 = arith.constant 16 : index
        %get3A_1017 = tpu.vector_load %arg6[%get3A_1014, %get3A_1015, %get3A_1016] {strides = array<i32>} : memref<8x100x32xi32, #tpu.memory_space<vmem>>, vector<16xi32>,
        %shift_left3A_1018 = arith.constant 16 : i32
        %shift_left3A_1019 = vector.broadcast %shift_left3A_1018 : i32 to vector<16xi32>
        %shift_left3A_1020 = arith.shli %get3A_1012, %shift_left3A_1019 : vector<16xi32>
        %bitcast3A_1021 = vector.bitcast %shift_left3A_1020 : vector<16xi32> to vector<16xf32>
        %add3A_1022 = arith.addf %add3A_991, %bitcast3A_1021 : vector<16xf32>
        %and3A_1023 = arith.andi %get3A_1012, %broadcast_in_dim3A_98 : vector<16xi32>
        %bitcast3A_1024 = vector.bitcast %and3A_1023 : vector<16xi32> to vector<16xf32>
        %add3A_1025 = arith.addf %add3A_993, %bitcast3A_1024 : vector<16xf32>
        %shift_left3A_1026 = arith.constant 16 : i32
        %shift_left3A_1027 = vector.broadcast %shift_left3A_1026 : i32 to vector<16xi32>
        %shift_left3A_1028 = arith.shli %get3A_1017, %shift_left3A_1027 : vector<16xi32>
        %bitcast3A_1029 = vector.bitcast %shift_left3A_1028 : vector<16xi32> to vector<16xf32>
        %add3A_1030 = arith.addf %add3A_998, %bitcast3A_1029 : vector<16xf32>
        %and3A_1031 = arith.andi %get3A_1017, %broadcast_in_dim3A_98 : vector<16xi32>
        %bitcast3A_1032 = vector.bitcast %and3A_1031 : vector<16xi32> to vector<16xf32>
        %add3A_1033 = arith.addf %add3A_1001, %bitcast3A_1032 : vector<16xf32>
        %mul3A_1034 = arith.constant 5 : i32
        %mul3A_1035 = arith.muli %scan3A_969, %mul3A_1034 : i32
        %add3A_1036 = arith.constant 50 : i32
        %add3A_1037 = arith.addi %add3A_1036, %mul3A_1035 : i32
        %add3A_1038 = arith.constant 2 : i32
        %add3A_1039 = arith.addi %add3A_1037, %add3A_1038 : i32
        %get3A_1040 = arith.constant 0 : i32
        %get3A_1041 = arith.index_cast %get3A_1040 : i32 to index
        %get3A_1042 = arith.index_cast %add3A_1039 : i32 to index
        %get3A_1043 = arith.constant 0 : index
        %get3A_1044 = tpu.vector_load %arg6[%get3A_1041, %get3A_1042, %get3A_1043] {strides = array<i32>} : memref<8x100x32xi32, #tpu.memory_space<vmem>>, vector<16xi32>,
        %get3A_1045 = arith.constant 0 : i32
        %get3A_1046 = arith.index_cast %get3A_1045 : i32 to index
        %get3A_1047 = arith.index_cast %add3A_1039 : i32 to index
        %get3A_1048 = arith.constant 16 : index
        %get3A_1049 = tpu.vector_load %arg6[%get3A_1046, %get3A_1047, %get3A_1048] {strides = array<i32>} : memref<8x100x32xi32, #tpu.memory_space<vmem>>, vector<16xi32>,
        %shift_left3A_1050 = arith.constant 16 : i32
        %shift_left3A_1051 = vector.broadcast %shift_left3A_1050 : i32 to vector<16xi32>
        %shift_left3A_1052 = arith.shli %get3A_1044, %shift_left3A_1051 : vector<16xi32>
        %bitcast3A_1053 = vector.bitcast %shift_left3A_1052 : vector<16xi32> to vector<16xf32>
        %add3A_1054 = arith.addf %add3A_1022, %bitcast3A_1053 : vector<16xf32>
        %and3A_1055 = arith.andi %get3A_1044, %broadcast_in_dim3A_98 : vector<16xi32>
        %bitcast3A_1056 = vector.bitcast %and3A_1055 : vector<16xi32> to vector<16xf32>
        %add3A_1057 = arith.addf %add3A_1025, %bitcast3A_1056 : vector<16xf32>
        %shift_left3A_1058 = arith.constant 16 : i32
        %shift_left3A_1059 = vector.broadcast %shift_left3A_1058 : i32 to vector<16xi32>
        %shift_left3A_1060 = arith.shli %get3A_1049, %shift_left3A_1059 : vector<16xi32>
        %bitcast3A_1061 = vector.bitcast %shift_left3A_1060 : vector<16xi32> to vector<16xf32>
        %add3A_1062 = arith.addf %add3A_1030, %bitcast3A_1061 : vector<16xf32>
        %and3A_1063 = arith.andi %get3A_1049, %broadcast_in_dim3A_98 : vector<16xi32>
        %bitcast3A_1064 = vector.bitcast %and3A_1063 : vector<16xi32> to vector<16xf32>
        %add3A_1065 = arith.addf %add3A_1033, %bitcast3A_1064 : vector<16xf32>
        %mul3A_1066 = arith.constant 5 : i32
        %mul3A_1067 = arith.muli %scan3A_969, %mul3A_1066 : i32
        %add3A_1068 = arith.constant 50 : i32
        %add3A_1069 = arith.addi %add3A_1068, %mul3A_1067 : i32
        %add3A_1070 = arith.constant 3 : i32
        %add3A_1071 = arith.addi %add3A_1069, %add3A_1070 : i32
        %get3A_1072 = arith.constant 0 : i32
        %get3A_1073 = arith.index_cast %get3A_1072 : i32 to index
        %get3A_1074 = arith.index_cast %add3A_1071 : i32 to index
        %get3A_1075 = arith.constant 0 : index
        %get3A_1076 = tpu.vector_load %arg6[%get3A_1073, %get3A_1074, %get3A_1075] {strides = array<i32>} : memref<8x100x32xi32, #tpu.memory_space<vmem>>, vector<16xi32>,
        %get3A_1077 = arith.constant 0 : i32
        %get3A_1078 = arith.index_cast %get3A_1077 : i32 to index
        %get3A_1079 = arith.index_cast %add3A_1071 : i32 to index
        %get3A_1080 = arith.constant 16 : index
        %get3A_1081 = tpu.vector_load %arg6[%get3A_1078, %get3A_1079, %get3A_1080] {strides = array<i32>} : memref<8x100x32xi32, #tpu.memory_space<vmem>>, vector<16xi32>,
        %shift_left3A_1082 = arith.constant 16 : i32
        %shift_left3A_1083 = vector.broadcast %shift_left3A_1082 : i32 to vector<16xi32>
        %shift_left3A_1084 = arith.shli %get3A_1076, %shift_left3A_1083 : vector<16xi32>
        %bitcast3A_1085 = vector.bitcast %shift_left3A_1084 : vector<16xi32> to vector<16xf32>
        %add3A_1086 = arith.addf %add3A_1054, %bitcast3A_1085 : vector<16xf32>
        %and3A_1087 = arith.andi %get3A_1076, %broadcast_in_dim3A_98 : vector<16xi32>
        %bitcast3A_1088 = vector.bitcast %and3A_1087 : vector<16xi32> to vector<16xf32>
        %add3A_1089 = arith.addf %add3A_1057, %bitcast3A_1088 : vector<16xf32>
        %shift_left3A_1090 = arith.constant 16 : i32
        %shift_left3A_1091 = vector.broadcast %shift_left3A_1090 : i32 to vector<16xi32>
        %shift_left3A_1092 = arith.shli %get3A_1081, %shift_left3A_1091 : vector<16xi32>
        %bitcast3A_1093 = vector.bitcast %shift_left3A_1092 : vector<16xi32> to vector<16xf32>
        %add3A_1094 = arith.addf %add3A_1062, %bitcast3A_1093 : vector<16xf32>
        %and3A_1095 = arith.andi %get3A_1081, %broadcast_in_dim3A_98 : vector<16xi32>
        %bitcast3A_1096 = vector.bitcast %and3A_1095 : vector<16xi32> to vector<16xf32>
        %add3A_1097 = arith.addf %add3A_1065, %bitcast3A_1096 : vector<16xf32>
        %mul3A_1098 = arith.constant 5 : i32
        %mul3A_1099 = arith.muli %scan3A_969, %mul3A_1098 : i32
        %add3A_1100 = arith.constant 50 : i32
        %add3A_1101 = arith.addi %add3A_1100, %mul3A_1099 : i32
        %add3A_1102 = arith.constant 4 : i32
        %add3A_1103 = arith.addi %add3A_1101, %add3A_1102 : i32
        %get3A_1104 = arith.constant 0 : i32
        %get3A_1105 = arith.index_cast %get3A_1104 : i32 to index
        %get3A_1106 = arith.index_cast %add3A_1103 : i32 to index
        %get3A_1107 = arith.constant 0 : index
        %get3A_1108 = tpu.vector_load %arg6[%get3A_1105, %get3A_1106, %get3A_1107] {strides = array<i32>} : memref<8x100x32xi32, #tpu.memory_space<vmem>>, vector<16xi32>,
        %get3A_1109 = arith.constant 0 : i32
        %get3A_1110 = arith.index_cast %get3A_1109 : i32 to index
        %get3A_1111 = arith.index_cast %add3A_1103 : i32 to index
        %get3A_1112 = arith.constant 16 : index
        %get3A_1113 = tpu.vector_load %arg6[%get3A_1110, %get3A_1111, %get3A_1112] {strides = array<i32>} : memref<8x100x32xi32, #tpu.memory_space<vmem>>, vector<16xi32>,
        %shift_left3A_1114 = arith.constant 16 : i32
        %shift_left3A_1115 = vector.broadcast %shift_left3A_1114 : i32 to vector<16xi32>
        %shift_left3A_1116 = arith.shli %get3A_1108, %shift_left3A_1115 : vector<16xi32>
        %bitcast3A_1117 = vector.bitcast %shift_left3A_1116 : vector<16xi32> to vector<16xf32>
        %add3A_1118 = arith.addf %add3A_1086, %bitcast3A_1117 : vector<16xf32>
        %and3A_1119 = arith.andi %get3A_1108, %broadcast_in_dim3A_98 : vector<16xi32>
        %bitcast3A_1120 = vector.bitcast %and3A_1119 : vector<16xi32> to vector<16xf32>
        %add3A_1121 = arith.addf %add3A_1089, %bitcast3A_1120 : vector<16xf32>
        %shift_left3A_1122 = arith.constant 16 : i32
        %shift_left3A_1123 = vector.broadcast %shift_left3A_1122 : i32 to vector<16xi32>
        %shift_left3A_1124 = arith.shli %get3A_1113, %shift_left3A_1123 : vector<16xi32>
        %bitcast3A_1125 = vector.bitcast %shift_left3A_1124 : vector<16xi32> to vector<16xf32>
        %add3A_1126 = arith.addf %add3A_1094, %bitcast3A_1125 : vector<16xf32>
        %and3A_1127 = arith.andi %get3A_1113, %broadcast_in_dim3A_98 : vector<16xi32>
        %bitcast3A_1128 = vector.bitcast %and3A_1127 : vector<16xi32> to vector<16xf32>
        %add3A_1129 = arith.addf %add3A_1097, %bitcast3A_1128 : vector<16xf32>
        scf.yield %add3A_1118, %add3A_1126, %add3A_1121, %add3A_1129 : vector<16xf32>, vector<16xf32>, vector<16xf32>, vector<16xf32>
      }
      %scan3A_180 = arith.constant 10 : i32
      %mul3A_181 = arith.constant 2 : i32
      %mul3A_182 = arith.muli %add3A_111, %mul3A_181 : i32
      %add3A_183 = arith.constant 1 : i32
      %add3A_184 = arith.addi %mul3A_182, %add3A_183 : i32
      %swap3A_185 = arith.index_cast %add3A_184 : i32 to index
      %swap3A_186 = arith.constant 0 : index
      %swap3A_187 = tpu.vector_load %arg7[%swap3A_185, %swap3A_186] {strides = array<i32>} : memref<512x64xf32, #tpu.memory_space<vmem>>, vector<16xf32>,
      tpu.vector_store %arg7[%swap3A_185, %swap3A_186], %scan3A_179#0 {strides = array<i32>} : memref<512x64xf32, #tpu.memory_space<vmem>>, vector<16xf32>,
      %mul3A_188 = arith.constant 2 : i32
      %mul3A_189 = arith.muli %add3A_111, %mul3A_188 : i32
      %add3A_190 = arith.constant 1 : i32
      %add3A_191 = arith.addi %mul3A_189, %add3A_190 : i32
      %swap3A_192 = arith.index_cast %add3A_191 : i32 to index
      %swap3A_193 = arith.constant 16 : index
      %swap3A_194 = tpu.vector_load %arg7[%swap3A_192, %swap3A_193] {strides = array<i32>} : memref<512x64xf32, #tpu.memory_space<vmem>>, vector<16xf32>,
      tpu.vector_store %arg7[%swap3A_192, %swap3A_193], %scan3A_179#1 {strides = array<i32>} : memref<512x64xf32, #tpu.memory_space<vmem>>, vector<16xf32>,
      %mul3A_195 = arith.constant 2 : i32
      %mul3A_196 = arith.muli %add3A_111, %mul3A_195 : i32
      %add3A_197 = arith.constant 1 : i32
      %add3A_198 = arith.addi %mul3A_196, %add3A_197 : i32
      %swap3A_199 = arith.index_cast %add3A_198 : i32 to index
      %swap3A_200 = arith.constant 32 : index
      %swap3A_201 = tpu.vector_load %arg7[%swap3A_199, %swap3A_200] {strides = array<i32>} : memref<512x64xf32, #tpu.memory_space<vmem>>, vector<16xf32>,
      tpu.vector_store %arg7[%swap3A_199, %swap3A_200], %scan3A_179#2 {strides = array<i32>} : memref<512x64xf32, #tpu.memory_space<vmem>>, vector<16xf32>,
      %mul3A_202 = arith.constant 2 : i32
      %mul3A_203 = arith.muli %add3A_111, %mul3A_202 : i32
      %add3A_204 = arith.constant 1 : i32
      %add3A_205 = arith.addi %mul3A_203, %add3A_204 : i32
      %swap3A_206 = arith.index_cast %add3A_205 : i32 to index
      %swap3A_207 = arith.constant 48 : index
      %swap3A_208 = tpu.vector_load %arg7[%swap3A_206, %swap3A_207] {strides = array<i32>} : memref<512x64xf32, #tpu.memory_space<vmem>>, vector<16xf32>,
      tpu.vector_store %arg7[%swap3A_206, %swap3A_207], %scan3A_179#3 {strides = array<i32>} : memref<512x64xf32, #tpu.memory_space<vmem>>, vector<16xf32>,
      %add3A_209 = arith.constant 8 : i32
      %add3A_210 = arith.addi %add3A_111, %add3A_209 : i32
      %lt3A = arith.constant 256 : i32
      %lt3A_211 = arith.cmpi slt, %add3A_210, %lt3A : i32
      %convert_element_type3A = arith.extui %lt3A_211 : i1 to i32
      %cond3A = arith.constant 0 : i32
      %cond3A_212 = arith.cmpi ne, %convert_element_type3A, %cond3A : i32
      scf.if %cond3A_212 {
        %dma_start3A_969 = arith.constant 0 : i32
        %dma_start3A_970 = arith.constant 0 : i32
        %dma_start3A_971 = arith.constant 0 : i32
        %dma_start3A_972 = tpu.memref_slice %arg6[%dma_start3A_969, %dma_start3A_970, %dma_start3A_971] : memref<8x100x32xi32, #tpu.memory_space<vmem>> -> memref<1x100x32xi32, #tpu.memory_space<vmem>>
        %dma_start3A_973 = tpu.memref_squeeze %dma_start3A_972 : memref<1x100x32xi32, #tpu.memory_space<vmem>> -> memref<100x32xi32, #tpu.memory_space<vmem>>
        %dma_start3A_974 = arith.constant 0 : i32
        %dma_start3A_975 = tpu.memref_slice %arg5[%add3A_210, %dma_start3A_974] : memref<256x100xi32, #tpu.memory_space<vmem>> -> memref<1x100xi32, #tpu.memory_space<vmem>>
        %dma_start3A_976 = tpu.memref_squeeze %dma_start3A_975 : memref<1x100xi32, #tpu.memory_space<vmem>> -> memref<100xi32, #tpu.memory_space<vmem>>
        %dma_start3A_977 = arith.constant 0 : i32
        %dma_start3A_978 = arith.constant 0 : i32
        %dma_start3A_979 = tpu.memref_slice %arg3[%dma_start3A_977, %dma_start3A_978] : memref<1015808x32xi32, #tpu.memory_space<hbm>> -> memref<1015808x32xi32, #tpu.memory_space<hbm>>
        tpu.enqueue_indirect_dma source(%dma_start3A_979 : memref<1015808x32xi32, #tpu.memory_space<hbm>>) target(%dma_start3A_973 : memref<100x32xi32, #tpu.memory_space<vmem>>) offsets(%dma_start3A_976 : memref<100xi32, #tpu.memory_space<vmem>>) semaphore(%arg8 : memref<!tpu.dma_semaphore, #tpu.memory_space<semaphore_mem>>)
      } else {
      }
      %add3A_213 = arith.constant 1 : i32
      %add3A_214 = arith.addi %add3A_109, %add3A_213 : i32
      %dma_wait3A_215 = arith.constant 1 : i32
      %dma_wait3A_216 = arith.constant 0 : i32
      %dma_wait3A_217 = arith.constant 0 : i32
      %dma_wait3A_218 = tpu.memref_slice %arg6[%dma_wait3A_215, %dma_wait3A_216, %dma_wait3A_217] : memref<8x100x32xi32, #tpu.memory_space<vmem>> -> memref<1x100x32xi32, #tpu.memory_space<vmem>>
      %dma_wait3A_219 = tpu.memref_squeeze %dma_wait3A_218 : memref<1x100x32xi32, #tpu.memory_space<vmem>> -> memref<100x32xi32, #tpu.memory_space<vmem>>
      %dma_wait3A_220 = arith.constant 0 : i32
      %dma_wait3A_221 = arith.constant 0 : i32
      %dma_wait3A_222 = tpu.memref_slice %arg3[%dma_wait3A_220, %dma_wait3A_221] : memref<1015808x32xi32, #tpu.memory_space<hbm>> -> memref<100x32xi32, #tpu.memory_space<hbm>>
      %dma_wait3A_223 = arith.constant 0 : i32
      %dma_wait3A_224 = arith.constant 0 : i32
      %dma_wait3A_225 = tpu.memref_slice %arg6[%dma_wait3A_215, %dma_wait3A_223, %dma_wait3A_224] : memref<8x100x32xi32, #tpu.memory_space<vmem>> -> memref<1x100x32xi32, #tpu.memory_space<vmem>>
      %dma_wait3A_226 = tpu.memref_squeeze %dma_wait3A_225 : memref<1x100x32xi32, #tpu.memory_space<vmem>> -> memref<100x32xi32, #tpu.memory_space<vmem>>
      %dma_wait3A_227 = arith.constant 0 : i32
      %dma_wait3A_228 = arith.constant 0 : i32
      %dma_wait3A_229 = tpu.memref_slice %arg3[%dma_wait3A_227, %dma_wait3A_228] : memref<1015808x32xi32, #tpu.memory_space<hbm>> -> memref<100x32xi32, #tpu.memory_space<hbm>>
      tpu.wait_dma2 semaphore(%arg8 : memref<!tpu.dma_semaphore, #tpu.memory_space<semaphore_mem>>) src(%dma_wait3A_229 : memref<100x32xi32, #tpu.memory_space<hbm>>) dst(%dma_wait3A_226 : memref<100x32xi32, #tpu.memory_space<vmem>>)
      %broadcast_in_dim3A_230 = arith.constant 0.000000e+00 : f32
      %broadcast_in_dim3A_231 = vector.broadcast %broadcast_in_dim3A_230 : f32 to vector<16xf32>
      %broadcast_in_dim3A_232 = arith.constant 0.000000e+00 : f32
      %broadcast_in_dim3A_233 = vector.broadcast %broadcast_in_dim3A_232 : f32 to vector<16xf32>
      %broadcast_in_dim3A_234 = arith.constant 0.000000e+00 : f32
      %broadcast_in_dim3A_235 = vector.broadcast %broadcast_in_dim3A_234 : f32 to vector<16xf32>
      %broadcast_in_dim3A_236 = arith.constant 0.000000e+00 : f32
      %broadcast_in_dim3A_237 = vector.broadcast %broadcast_in_dim3A_236 : f32 to vector<16xf32>
      %scan3A_238 = arith.constant 0 : i32
      %scan3A_239 = arith.constant 10 : i32
      %scan3A_240 = arith.addi %scan3A_238, %scan3A_239 : i32
      %scan3A_241 = arith.constant 1 : i32
      %scan3A_242:4 = scf.for %scan3A_969 = %scan3A_238 to %scan3A_240 step %scan3A_241 iter_args(%scan3A_970 = %broadcast_in_dim3A_231, %scan3A_971 = %broadcast_in_dim3A_233, %scan3A_972 = %broadcast_in_dim3A_235, %scan3A_973 = %broadcast_in_dim3A_237) -> (vector<16xf32>, vector<16xf32>, vector<16xf32>, vector<16xf32>)  : i32 {
        %mul3A_974 = arith.constant 5 : i32
        %mul3A_975 = arith.muli %scan3A_969, %mul3A_974 : i32
        %add3A_976 = arith.constant 0 : i32
        %add3A_977 = arith.addi %add3A_976, %mul3A_975 : i32
        %add3A_978 = arith.constant 0 : i32
        %add3A_979 = arith.addi %add3A_977, %add3A_978 : i32
        %get3A = arith.constant 1 : i32
        %get3A_980 = arith.index_cast %get3A : i32 to index
        %get3A_981 = arith.index_cast %add3A_979 : i32 to index
        %get3A_982 = arith.constant 0 : index
        %get3A_983 = tpu.vector_load %arg6[%get3A_980, %get3A_981, %get3A_982] {strides = array<i32>} : memref<8x100x32xi32, #tpu.memory_space<vmem>>, vector<16xi32>,
        %get3A_984 = arith.constant 1 : i32
        %get3A_985 = arith.index_cast %get3A_984 : i32 to index
        %get3A_986 = arith.index_cast %add3A_979 : i32 to index
        %get3A_987 = arith.constant 16 : index
        %get3A_988 = tpu.vector_load %arg6[%get3A_985, %get3A_986, %get3A_987] {strides = array<i32>} : memref<8x100x32xi32, #tpu.memory_space<vmem>>, vector<16xi32>,
        %shift_left3A = arith.constant 16 : i32
        %shift_left3A_989 = vector.broadcast %shift_left3A : i32 to vector<16xi32>
        %shift_left3A_990 = arith.shli %get3A_983, %shift_left3A_989 : vector<16xi32>
        %bitcast3A = vector.bitcast %shift_left3A_990 : vector<16xi32> to vector<16xf32>
        %add3A_991 = arith.addf %scan3A_970, %bitcast3A : vector<16xf32>
        %and3A = arith.andi %get3A_983, %broadcast_in_dim3A_98 : vector<16xi32>
        %bitcast3A_992 = vector.bitcast %and3A : vector<16xi32> to vector<16xf32>
        %add3A_993 = arith.addf %scan3A_972, %bitcast3A_992 : vector<16xf32>
        %shift_left3A_994 = arith.constant 16 : i32
        %shift_left3A_995 = vector.broadcast %shift_left3A_994 : i32 to vector<16xi32>
        %shift_left3A_996 = arith.shli %get3A_988, %shift_left3A_995 : vector<16xi32>
        %bitcast3A_997 = vector.bitcast %shift_left3A_996 : vector<16xi32> to vector<16xf32>
        %add3A_998 = arith.addf %scan3A_971, %bitcast3A_997 : vector<16xf32>
        %and3A_999 = arith.andi %get3A_988, %broadcast_in_dim3A_98 : vector<16xi32>
        %bitcast3A_1000 = vector.bitcast %and3A_999 : vector<16xi32> to vector<16xf32>
        %add3A_1001 = arith.addf %scan3A_973, %bitcast3A_1000 : vector<16xf32>
        %mul3A_1002 = arith.constant 5 : i32
        %mul3A_1003 = arith.muli %scan3A_969, %mul3A_1002 : i32
        %add3A_1004 = arith.constant 0 : i32
        %add3A_1005 = arith.addi %add3A_1004, %mul3A_1003 : i32
        %add3A_1006 = arith.constant 1 : i32
        %add3A_1007 = arith.addi %add3A_1005, %add3A_1006 : i32
        %get3A_1008 = arith.constant 1 : i32
        %get3A_1009 = arith.index_cast %get3A_1008 : i32 to index
        %get3A_1010 = arith.index_cast %add3A_1007 : i32 to index
        %get3A_1011 = arith.constant 0 : index
        %get3A_1012 = tpu.vector_load %arg6[%get3A_1009, %get3A_1010, %get3A_1011] {strides = array<i32>} : memref<8x100x32xi32, #tpu.memory_space<vmem>>, vector<16xi32>,
        %get3A_1013 = arith.constant 1 : i32
        %get3A_1014 = arith.index_cast %get3A_1013 : i32 to index
        %get3A_1015 = arith.index_cast %add3A_1007 : i32 to index
        %get3A_1016 = arith.constant 16 : index
        %get3A_1017 = tpu.vector_load %arg6[%get3A_1014, %get3A_1015, %get3A_1016] {strides = array<i32>} : memref<8x100x32xi32, #tpu.memory_space<vmem>>, vector<16xi32>,
        %shift_left3A_1018 = arith.constant 16 : i32
        %shift_left3A_1019 = vector.broadcast %shift_left3A_1018 : i32 to vector<16xi32>
        %shift_left3A_1020 = arith.shli %get3A_1012, %shift_left3A_1019 : vector<16xi32>
        %bitcast3A_1021 = vector.bitcast %shift_left3A_1020 : vector<16xi32> to vector<16xf32>
        %add3A_1022 = arith.addf %add3A_991, %bitcast3A_1021 : vector<16xf32>
        %and3A_1023 = arith.andi %get3A_1012, %broadcast_in_dim3A_98 : vector<16xi32>
        %bitcast3A_1024 = vector.bitcast %and3A_1023 : vector<16xi32> to vector<16xf32>
        %add3A_1025 = arith.addf %add3A_993, %bitcast3A_1024 : vector<16xf32>
        %shift_left3A_1026 = arith.constant 16 : i32
        %shift_left3A_1027 = vector.broadcast %shift_left3A_1026 : i32 to vector<16xi32>
        %shift_left3A_1028 = arith.shli %get3A_1017, %shift_left3A_1027 : vector<16xi32>
        %bitcast3A_1029 = vector.bitcast %shift_left3A_1028 : vector<16xi32> to vector<16xf32>
        %add3A_1030 = arith.addf %add3A_998, %bitcast3A_1029 : vector<16xf32>
        %and3A_1031 = arith.andi %get3A_1017, %broadcast_in_dim3A_98 : vector<16xi32>
        %bitcast3A_1032 = vector.bitcast %and3A_1031 : vector<16xi32> to vector<16xf32>
        %add3A_1033 = arith.addf %add3A_1001, %bitcast3A_1032 : vector<16xf32>
        %mul3A_1034 = arith.constant 5 : i32
        %mul3A_1035 = arith.muli %scan3A_969, %mul3A_1034 : i32
        %add3A_1036 = arith.constant 0 : i32
        %add3A_1037 = arith.addi %add3A_1036, %mul3A_1035 : i32
        %add3A_1038 = arith.constant 2 : i32
        %add3A_1039 = arith.addi %add3A_1037, %add3A_1038 : i32
        %get3A_1040 = arith.constant 1 : i32
        %get3A_1041 = arith.index_cast %get3A_1040 : i32 to index
        %get3A_1042 = arith.index_cast %add3A_1039 : i32 to index
        %get3A_1043 = arith.constant 0 : index
        %get3A_1044 = tpu.vector_load %arg6[%get3A_1041, %get3A_1042, %get3A_1043] {strides = array<i32>} : memref<8x100x32xi32, #tpu.memory_space<vmem>>, vector<16xi32>,
        %get3A_1045 = arith.constant 1 : i32
        %get3A_1046 = arith.index_cast %get3A_1045 : i32 to index
        %get3A_1047 = arith.index_cast %add3A_1039 : i32 to index
        %get3A_1048 = arith.constant 16 : index
        %get3A_1049 = tpu.vector_load %arg6[%get3A_1046, %get3A_1047, %get3A_1048] {strides = array<i32>} : memref<8x100x32xi32, #tpu.memory_space<vmem>>, vector<16xi32>,
        %shift_left3A_1050 = arith.constant 16 : i32
        %shift_left3A_1051 = vector.broadcast %shift_left3A_1050 : i32 to vector<16xi32>
        %shift_left3A_1052 = arith.shli %get3A_1044, %shift_left3A_1051 : vector<16xi32>
        %bitcast3A_1053 = vector.bitcast %shift_left3A_1052 : vector<16xi32> to vector<16xf32>
        %add3A_1054 = arith.addf %add3A_1022, %bitcast3A_1053 : vector<16xf32>
        %and3A_1055 = arith.andi %get3A_1044, %broadcast_in_dim3A_98 : vector<16xi32>
        %bitcast3A_1056 = vector.bitcast %and3A_1055 : vector<16xi32> to vector<16xf32>
        %add3A_1057 = arith.addf %add3A_1025, %bitcast3A_1056 : vector<16xf32>
        %shift_left3A_1058 = arith.constant 16 : i32
        %shift_left3A_1059 = vector.broadcast %shift_left3A_1058 : i32 to vector<16xi32>
        %shift_left3A_1060 = arith.shli %get3A_1049, %shift_left3A_1059 : vector<16xi32>
        %bitcast3A_1061 = vector.bitcast %shift_left3A_1060 : vector<16xi32> to vector<16xf32>
        %add3A_1062 = arith.addf %add3A_1030, %bitcast3A_1061 : vector<16xf32>
        %and3A_1063 = arith.andi %get3A_1049, %broadcast_in_dim3A_98 : vector<16xi32>
        %bitcast3A_1064 = vector.bitcast %and3A_1063 : vector<16xi32> to vector<16xf32>
        %add3A_1065 = arith.addf %add3A_1033, %bitcast3A_1064 : vector<16xf32>
        %mul3A_1066 = arith.constant 5 : i32
        %mul3A_1067 = arith.muli %scan3A_969, %mul3A_1066 : i32
        %add3A_1068 = arith.constant 0 : i32
        %add3A_1069 = arith.addi %add3A_1068, %mul3A_1067 : i32
        %add3A_1070 = arith.constant 3 : i32
        %add3A_1071 = arith.addi %add3A_1069, %add3A_1070 : i32
        %get3A_1072 = arith.constant 1 : i32
        %get3A_1073 = arith.index_cast %get3A_1072 : i32 to index
        %get3A_1074 = arith.index_cast %add3A_1071 : i32 to index
        %get3A_1075 = arith.constant 0 : index
        %get3A_1076 = tpu.vector_load %arg6[%get3A_1073, %get3A_1074, %get3A_1075] {strides = array<i32>} : memref<8x100x32xi32, #tpu.memory_space<vmem>>, vector<16xi32>,
        %get3A_1077 = arith.constant 1 : i32
        %get3A_1078 = arith.index_cast %get3A_1077 : i32 to index
        %get3A_1079 = arith.index_cast %add3A_1071 : i32 to index
        %get3A_1080 = arith.constant 16 : index
        %get3A_1081 = tpu.vector_load %arg6[%get3A_1078, %get3A_1079, %get3A_1080] {strides = array<i32>} : memref<8x100x32xi32, #tpu.memory_space<vmem>>, vector<16xi32>,
        %shift_left3A_1082 = arith.constant 16 : i32
        %shift_left3A_1083 = vector.broadcast %shift_left3A_1082 : i32 to vector<16xi32>
        %shift_left3A_1084 = arith.shli %get3A_1076, %shift_left3A_1083 : vector<16xi32>
        %bitcast3A_1085 = vector.bitcast %shift_left3A_1084 : vector<16xi32> to vector<16xf32>
        %add3A_1086 = arith.addf %add3A_1054, %bitcast3A_1085 : vector<16xf32>
        %and3A_1087 = arith.andi %get3A_1076, %broadcast_in_dim3A_98 : vector<16xi32>
        %bitcast3A_1088 = vector.bitcast %and3A_1087 : vector<16xi32> to vector<16xf32>
        %add3A_1089 = arith.addf %add3A_1057, %bitcast3A_1088 : vector<16xf32>
        %shift_left3A_1090 = arith.constant 16 : i32
        %shift_left3A_1091 = vector.broadcast %shift_left3A_1090 : i32 to vector<16xi32>
        %shift_left3A_1092 = arith.shli %get3A_1081, %shift_left3A_1091 : vector<16xi32>
        %bitcast3A_1093 = vector.bitcast %shift_left3A_1092 : vector<16xi32> to vector<16xf32>
        %add3A_1094 = arith.addf %add3A_1062, %bitcast3A_1093 : vector<16xf32>
        %and3A_1095 = arith.andi %get3A_1081, %broadcast_in_dim3A_98 : vector<16xi32>
        %bitcast3A_1096 = vector.bitcast %and3A_1095 : vector<16xi32> to vector<16xf32>
        %add3A_1097 = arith.addf %add3A_1065, %bitcast3A_1096 : vector<16xf32>
        %mul3A_1098 = arith.constant 5 : i32
        %mul3A_1099 = arith.muli %scan3A_969, %mul3A_1098 : i32
        %add3A_1100 = arith.constant 0 : i32
        %add3A_1101 = arith.addi %add3A_1100, %mul3A_1099 : i32
        %add3A_1102 = arith.constant 4 : i32
        %add3A_1103 = arith.addi %add3A_1101, %add3A_1102 : i32
        %get3A_1104 = arith.constant 1 : i32
        %get3A_1105 = arith.index_cast %get3A_1104 : i32 to index
        %get3A_1106 = arith.index_cast %add3A_1103 : i32 to index
        %get3A_1107 = arith.constant 0 : index
        %get3A_1108 = tpu.vector_load %arg6[%get3A_1105, %get3A_1106, %get3A_1107] {strides = array<i32>} : memref<8x100x32xi32, #tpu.memory_space<vmem>>, vector<16xi32>,
        %get3A_1109 = arith.constant 1 : i32
        %get3A_1110 = arith.index_cast %get3A_1109 : i32 to index
        %get3A_1111 = arith.index_cast %add3A_1103 : i32 to index
        %get3A_1112 = arith.constant 16 : index
        %get3A_1113 = tpu.vector_load %arg6[%get3A_1110, %get3A_1111, %get3A_1112] {strides = array<i32>} : memref<8x100x32xi32, #tpu.memory_space<vmem>>, vector<16xi32>,
        %shift_left3A_1114 = arith.constant 16 : i32
        %shift_left3A_1115 = vector.broadcast %shift_left3A_1114 : i32 to vector<16xi32>
        %shift_left3A_1116 = arith.shli %get3A_1108, %shift_left3A_1115 : vector<16xi32>
        %bitcast3A_1117 = vector.bitcast %shift_left3A_1116 : vector<16xi32> to vector<16xf32>
        %add3A_1118 = arith.addf %add3A_1086, %bitcast3A_1117 : vector<16xf32>
        %and3A_1119 = arith.andi %get3A_1108, %broadcast_in_dim3A_98 : vector<16xi32>
        %bitcast3A_1120 = vector.bitcast %and3A_1119 : vector<16xi32> to vector<16xf32>
        %add3A_1121 = arith.addf %add3A_1089, %bitcast3A_1120 : vector<16xf32>
        %shift_left3A_1122 = arith.constant 16 : i32
        %shift_left3A_1123 = vector.broadcast %shift_left3A_1122 : i32 to vector<16xi32>
        %shift_left3A_1124 = arith.shli %get3A_1113, %shift_left3A_1123 : vector<16xi32>
        %bitcast3A_1125 = vector.bitcast %shift_left3A_1124 : vector<16xi32> to vector<16xf32>
        %add3A_1126 = arith.addf %add3A_1094, %bitcast3A_1125 : vector<16xf32>
        %and3A_1127 = arith.andi %get3A_1113, %broadcast_in_dim3A_98 : vector<16xi32>
        %bitcast3A_1128 = vector.bitcast %and3A_1127 : vector<16xi32> to vector<16xf32>
        %add3A_1129 = arith.addf %add3A_1097, %bitcast3A_1128 : vector<16xf32>
        scf.yield %add3A_1118, %add3A_1126, %add3A_1121, %add3A_1129 : vector<16xf32>, vector<16xf32>, vector<16xf32>, vector<16xf32>
      }
      %scan3A_243 = arith.constant 10 : i32
      %mul3A_244 = arith.constant 2 : i32
      %mul3A_245 = arith.muli %add3A_214, %mul3A_244 : i32
      %add3A_246 = arith.constant 0 : i32
      %add3A_247 = arith.addi %mul3A_245, %add3A_246 : i32
      %swap3A_248 = arith.index_cast %add3A_247 : i32 to index
      %swap3A_249 = arith.constant 0 : index
      %swap3A_250 = tpu.vector_load %arg7[%swap3A_248, %swap3A_249] {strides = array<i32>} : memref<512x64xf32, #tpu.memory_space<vmem>>, vector<16xf32>,
      tpu.vector_store %arg7[%swap3A_248, %swap3A_249], %scan3A_242#0 {strides = array<i32>} : memref<512x64xf32, #tpu.memory_space<vmem>>, vector<16xf32>,
      %mul3A_251 = arith.constant 2 : i32
      %mul3A_252 = arith.muli %add3A_214, %mul3A_251 : i32
      %add3A_253 = arith.constant 0 : i32
      %add3A_254 = arith.addi %mul3A_252, %add3A_253 : i32
      %swap3A_255 = arith.index_cast %add3A_254 : i32 to index
      %swap3A_256 = arith.constant 16 : index
      %swap3A_257 = tpu.vector_load %arg7[%swap3A_255, %swap3A_256] {strides = array<i32>} : memref<512x64xf32, #tpu.memory_space<vmem>>, vector<16xf32>,
      tpu.vector_store %arg7[%swap3A_255, %swap3A_256], %scan3A_242#1 {strides = array<i32>} : memref<512x64xf32, #tpu.memory_space<vmem>>, vector<16xf32>,
      %mul3A_258 = arith.constant 2 : i32
      %mul3A_259 = arith.muli %add3A_214, %mul3A_258 : i32
      %add3A_260 = arith.constant 0 : i32
      %add3A_261 = arith.addi %mul3A_259, %add3A_260 : i32
      %swap3A_262 = arith.index_cast %add3A_261 : i32 to index
      %swap3A_263 = arith.constant 32 : index
      %swap3A_264 = tpu.vector_load %arg7[%swap3A_262, %swap3A_263] {strides = array<i32>} : memref<512x64xf32, #tpu.memory_space<vmem>>, vector<16xf32>,
      tpu.vector_store %arg7[%swap3A_262, %swap3A_263], %scan3A_242#2 {strides = array<i32>} : memref<512x64xf32, #tpu.memory_space<vmem>>, vector<16xf32>,
      %mul3A_265 = arith.constant 2 : i32
      %mul3A_266 = arith.muli %add3A_214, %mul3A_265 : i32
      %add3A_267 = arith.constant 0 : i32
      %add3A_268 = arith.addi %mul3A_266, %add3A_267 : i32
      %swap3A_269 = arith.index_cast %add3A_268 : i32 to index
      %swap3A_270 = arith.constant 48 : index
      %swap3A_271 = tpu.vector_load %arg7[%swap3A_269, %swap3A_270] {strides = array<i32>} : memref<512x64xf32, #tpu.memory_space<vmem>>, vector<16xf32>,
      tpu.vector_store %arg7[%swap3A_269, %swap3A_270], %scan3A_242#3 {strides = array<i32>} : memref<512x64xf32, #tpu.memory_space<vmem>>, vector<16xf32>,
      %broadcast_in_dim3A_272 = arith.constant 0.000000e+00 : f32
      %broadcast_in_dim3A_273 = vector.broadcast %broadcast_in_dim3A_272 : f32 to vector<16xf32>
      %broadcast_in_dim3A_274 = arith.constant 0.000000e+00 : f32
      %broadcast_in_dim3A_275 = vector.broadcast %broadcast_in_dim3A_274 : f32 to vector<16xf32>
      %broadcast_in_dim3A_276 = arith.constant 0.000000e+00 : f32
      %broadcast_in_dim3A_277 = vector.broadcast %broadcast_in_dim3A_276 : f32 to vector<16xf32>
      %broadcast_in_dim3A_278 = arith.constant 0.000000e+00 : f32
      %broadcast_in_dim3A_279 = vector.broadcast %broadcast_in_dim3A_278 : f32 to vector<16xf32>
      %scan3A_280 = arith.constant 0 : i32
      %scan3A_281 = arith.constant 10 : i32
      %scan3A_282 = arith.addi %scan3A_280, %scan3A_281 : i32
      %scan3A_283 = arith.constant 1 : i32
      %scan3A_284:4 = scf.for %scan3A_969 = %scan3A_280 to %scan3A_282 step %scan3A_283 iter_args(%scan3A_970 = %broadcast_in_dim3A_273, %scan3A_971 = %broadcast_in_dim3A_275, %scan3A_972 = %broadcast_in_dim3A_277, %scan3A_973 = %broadcast_in_dim3A_279) -> (vector<16xf32>, vector<16xf32>, vector<16xf32>, vector<16xf32>)  : i32 {
        %mul3A_974 = arith.constant 5 : i32
        %mul3A_975 = arith.muli %scan3A_969, %mul3A_974 : i32
        %add3A_976 = arith.constant 50 : i32
        %add3A_977 = arith.addi %add3A_976, %mul3A_975 : i32
        %add3A_978 = arith.constant 0 : i32
        %add3A_979 = arith.addi %add3A_977, %add3A_978 : i32
        %get3A = arith.constant 1 : i32
        %get3A_980 = arith.index_cast %get3A : i32 to index
        %get3A_981 = arith.index_cast %add3A_979 : i32 to index
        %get3A_982 = arith.constant 0 : index
        %get3A_983 = tpu.vector_load %arg6[%get3A_980, %get3A_981, %get3A_982] {strides = array<i32>} : memref<8x100x32xi32, #tpu.memory_space<vmem>>, vector<16xi32>,
        %get3A_984 = arith.constant 1 : i32
        %get3A_985 = arith.index_cast %get3A_984 : i32 to index
        %get3A_986 = arith.index_cast %add3A_979 : i32 to index
        %get3A_987 = arith.constant 16 : index
        %get3A_988 = tpu.vector_load %arg6[%get3A_985, %get3A_986, %get3A_987] {strides = array<i32>} : memref<8x100x32xi32, #tpu.memory_space<vmem>>, vector<16xi32>,
        %shift_left3A = arith.constant 16 : i32
        %shift_left3A_989 = vector.broadcast %shift_left3A : i32 to vector<16xi32>
        %shift_left3A_990 = arith.shli %get3A_983, %shift_left3A_989 : vector<16xi32>
        %bitcast3A = vector.bitcast %shift_left3A_990 : vector<16xi32> to vector<16xf32>
        %add3A_991 = arith.addf %scan3A_970, %bitcast3A : vector<16xf32>
        %and3A = arith.andi %get3A_983, %broadcast_in_dim3A_98 : vector<16xi32>
        %bitcast3A_992 = vector.bitcast %and3A : vector<16xi32> to vector<16xf32>
        %add3A_993 = arith.addf %scan3A_972, %bitcast3A_992 : vector<16xf32>
        %shift_left3A_994 = arith.constant 16 : i32
        %shift_left3A_995 = vector.broadcast %shift_left3A_994 : i32 to vector<16xi32>
        %shift_left3A_996 = arith.shli %get3A_988, %shift_left3A_995 : vector<16xi32>
        %bitcast3A_997 = vector.bitcast %shift_left3A_996 : vector<16xi32> to vector<16xf32>
        %add3A_998 = arith.addf %scan3A_971, %bitcast3A_997 : vector<16xf32>
        %and3A_999 = arith.andi %get3A_988, %broadcast_in_dim3A_98 : vector<16xi32>
        %bitcast3A_1000 = vector.bitcast %and3A_999 : vector<16xi32> to vector<16xf32>
        %add3A_1001 = arith.addf %scan3A_973, %bitcast3A_1000 : vector<16xf32>
        %mul3A_1002 = arith.constant 5 : i32
        %mul3A_1003 = arith.muli %scan3A_969, %mul3A_1002 : i32
        %add3A_1004 = arith.constant 50 : i32
        %add3A_1005 = arith.addi %add3A_1004, %mul3A_1003 : i32
        %add3A_1006 = arith.constant 1 : i32
        %add3A_1007 = arith.addi %add3A_1005, %add3A_1006 : i32
        %get3A_1008 = arith.constant 1 : i32
        %get3A_1009 = arith.index_cast %get3A_1008 : i32 to index
        %get3A_1010 = arith.index_cast %add3A_1007 : i32 to index
        %get3A_1011 = arith.constant 0 : index
        %get3A_1012 = tpu.vector_load %arg6[%get3A_1009, %get3A_1010, %get3A_1011] {strides = array<i32>} : memref<8x100x32xi32, #tpu.memory_space<vmem>>, vector<16xi32>,
        %get3A_1013 = arith.constant 1 : i32
        %get3A_1014 = arith.index_cast %get3A_1013 : i32 to index
        %get3A_1015 = arith.index_cast %add3A_1007 : i32 to index
        %get3A_1016 = arith.constant 16 : index
        %get3A_1017 = tpu.vector_load %arg6[%get3A_1014, %get3A_1015, %get3A_1016] {strides = array<i32>} : memref<8x100x32xi32, #tpu.memory_space<vmem>>, vector<16xi32>,
        %shift_left3A_1018 = arith.constant 16 : i32
        %shift_left3A_1019 = vector.broadcast %shift_left3A_1018 : i32 to vector<16xi32>
        %shift_left3A_1020 = arith.shli %get3A_1012, %shift_left3A_1019 : vector<16xi32>
        %bitcast3A_1021 = vector.bitcast %shift_left3A_1020 : vector<16xi32> to vector<16xf32>
        %add3A_1022 = arith.addf %add3A_991, %bitcast3A_1021 : vector<16xf32>
        %and3A_1023 = arith.andi %get3A_1012, %broadcast_in_dim3A_98 : vector<16xi32>
        %bitcast3A_1024 = vector.bitcast %and3A_1023 : vector<16xi32> to vector<16xf32>
        %add3A_1025 = arith.addf %add3A_993, %bitcast3A_1024 : vector<16xf32>
        %shift_left3A_1026 = arith.constant 16 : i32
        %shift_left3A_1027 = vector.broadcast %shift_left3A_1026 : i32 to vector<16xi32>
        %shift_left3A_1028 = arith.shli %get3A_1017, %shift_left3A_1027 : vector<16xi32>
        %bitcast3A_1029 = vector.bitcast %shift_left3A_1028 : vector<16xi32> to vector<16xf32>
        %add3A_1030 = arith.addf %add3A_998, %bitcast3A_1029 : vector<16xf32>
        %and3A_1031 = arith.andi %get3A_1017, %broadcast_in_dim3A_98 : vector<16xi32>
        %bitcast3A_1032 = vector.bitcast %and3A_1031 : vector<16xi32> to vector<16xf32>
        %add3A_1033 = arith.addf %add3A_1001, %bitcast3A_1032 : vector<16xf32>
        %mul3A_1034 = arith.constant 5 : i32
        %mul3A_1035 = arith.muli %scan3A_969, %mul3A_1034 : i32
        %add3A_1036 = arith.constant 50 : i32
        %add3A_1037 = arith.addi %add3A_1036, %mul3A_1035 : i32
        %add3A_1038 = arith.constant 2 : i32
        %add3A_1039 = arith.addi %add3A_1037, %add3A_1038 : i32
        %get3A_1040 = arith.constant 1 : i32
        %get3A_1041 = arith.index_cast %get3A_1040 : i32 to index
        %get3A_1042 = arith.index_cast %add3A_1039 : i32 to index
        %get3A_1043 = arith.constant 0 : index
        %get3A_1044 = tpu.vector_load %arg6[%get3A_1041, %get3A_1042, %get3A_1043] {strides = array<i32>} : memref<8x100x32xi32, #tpu.memory_space<vmem>>, vector<16xi32>,
        %get3A_1045 = arith.constant 1 : i32
        %get3A_1046 = arith.index_cast %get3A_1045 : i32 to index
        %get3A_1047 = arith.index_cast %add3A_1039 : i32 to index
        %get3A_1048 = arith.constant 16 : index
        %get3A_1049 = tpu.vector_load %arg6[%get3A_1046, %get3A_1047, %get3A_1048] {strides = array<i32>} : memref<8x100x32xi32, #tpu.memory_space<vmem>>, vector<16xi32>,
        %shift_left3A_1050 = arith.constant 16 : i32
        %shift_left3A_1051 = vector.broadcast %shift_left3A_1050 : i32 to vector<16xi32>
        %shift_left3A_1052 = arith.shli %get3A_1044, %shift_left3A_1051 : vector<16xi32>
        %bitcast3A_1053 = vector.bitcast %shift_left3A_1052 : vector<16xi32> to vector<16xf32>
        %add3A_1054 = arith.addf %add3A_1022, %bitcast3A_1053 : vector<16xf32>
        %and3A_1055 = arith.andi %get3A_1044, %broadcast_in_dim3A_98 : vector<16xi32>
        %bitcast3A_1056 = vector.bitcast %and3A_1055 : vector<16xi32> to vector<16xf32>
        %add3A_1057 = arith.addf %add3A_1025, %bitcast3A_1056 : vector<16xf32>
        %shift_left3A_1058 = arith.constant 16 : i32
        %shift_left3A_1059 = vector.broadcast %shift_left3A_1058 : i32 to vector<16xi32>
        %shift_left3A_1060 = arith.shli %get3A_1049, %shift_left3A_1059 : vector<16xi32>
        %bitcast3A_1061 = vector.bitcast %shift_left3A_1060 : vector<16xi32> to vector<16xf32>
        %add3A_1062 = arith.addf %add3A_1030, %bitcast3A_1061 : vector<16xf32>
        %and3A_1063 = arith.andi %get3A_1049, %broadcast_in_dim3A_98 : vector<16xi32>
        %bitcast3A_1064 = vector.bitcast %and3A_1063 : vector<16xi32> to vector<16xf32>
        %add3A_1065 = arith.addf %add3A_1033, %bitcast3A_1064 : vector<16xf32>
        %mul3A_1066 = arith.constant 5 : i32
        %mul3A_1067 = arith.muli %scan3A_969, %mul3A_1066 : i32
        %add3A_1068 = arith.constant 50 : i32
        %add3A_1069 = arith.addi %add3A_1068, %mul3A_1067 : i32
        %add3A_1070 = arith.constant 3 : i32
        %add3A_1071 = arith.addi %add3A_1069, %add3A_1070 : i32
        %get3A_1072 = arith.constant 1 : i32
        %get3A_1073 = arith.index_cast %get3A_1072 : i32 to index
        %get3A_1074 = arith.index_cast %add3A_1071 : i32 to index
        %get3A_1075 = arith.constant 0 : index
        %get3A_1076 = tpu.vector_load %arg6[%get3A_1073, %get3A_1074, %get3A_1075] {strides = array<i32>} : memref<8x100x32xi32, #tpu.memory_space<vmem>>, vector<16xi32>,
        %get3A_1077 = arith.constant 1 : i32
        %get3A_1078 = arith.index_cast %get3A_1077 : i32 to index
        %get3A_1079 = arith.index_cast %add3A_1071 : i32 to index
        %get3A_1080 = arith.constant 16 : index
        %get3A_1081 = tpu.vector_load %arg6[%get3A_1078, %get3A_1079, %get3A_1080] {strides = array<i32>} : memref<8x100x32xi32, #tpu.memory_space<vmem>>, vector<16xi32>,
        %shift_left3A_1082 = arith.constant 16 : i32
        %shift_left3A_1083 = vector.broadcast %shift_left3A_1082 : i32 to vector<16xi32>
        %shift_left3A_1084 = arith.shli %get3A_1076, %shift_left3A_1083 : vector<16xi32>
        %bitcast3A_1085 = vector.bitcast %shift_left3A_1084 : vector<16xi32> to vector<16xf32>
        %add3A_1086 = arith.addf %add3A_1054, %bitcast3A_1085 : vector<16xf32>
        %and3A_1087 = arith.andi %get3A_1076, %broadcast_in_dim3A_98 : vector<16xi32>
        %bitcast3A_1088 = vector.bitcast %and3A_1087 : vector<16xi32> to vector<16xf32>
        %add3A_1089 = arith.addf %add3A_1057, %bitcast3A_1088 : vector<16xf32>
        %shift_left3A_1090 = arith.constant 16 : i32
        %shift_left3A_1091 = vector.broadcast %shift_left3A_1090 : i32 to vector<16xi32>
        %shift_left3A_1092 = arith.shli %get3A_1081, %shift_left3A_1091 : vector<16xi32>
        %bitcast3A_1093 = vector.bitcast %shift_left3A_1092 : vector<16xi32> to vector<16xf32>
        %add3A_1094 = arith.addf %add3A_1062, %bitcast3A_1093 : vector<16xf32>
        %and3A_1095 = arith.andi %get3A_1081, %broadcast_in_dim3A_98 : vector<16xi32>
        %bitcast3A_1096 = vector.bitcast %and3A_1095 : vector<16xi32> to vector<16xf32>
        %add3A_1097 = arith.addf %add3A_1065, %bitcast3A_1096 : vector<16xf32>
        %mul3A_1098 = arith.constant 5 : i32
        %mul3A_1099 = arith.muli %scan3A_969, %mul3A_1098 : i32
        %add3A_1100 = arith.constant 50 : i32
        %add3A_1101 = arith.addi %add3A_1100, %mul3A_1099 : i32
        %add3A_1102 = arith.constant 4 : i32
        %add3A_1103 = arith.addi %add3A_1101, %add3A_1102 : i32
        %get3A_1104 = arith.constant 1 : i32
        %get3A_1105 = arith.index_cast %get3A_1104 : i32 to index
        %get3A_1106 = arith.index_cast %add3A_1103 : i32 to index
        %get3A_1107 = arith.constant 0 : index
        %get3A_1108 = tpu.vector_load %arg6[%get3A_1105, %get3A_1106, %get3A_1107] {strides = array<i32>} : memref<8x100x32xi32, #tpu.memory_space<vmem>>, vector<16xi32>,
        %get3A_1109 = arith.constant 1 : i32
        %get3A_1110 = arith.index_cast %get3A_1109 : i32 to index
        %get3A_1111 = arith.index_cast %add3A_1103 : i32 to index
        %get3A_1112 = arith.constant 16 : index
        %get3A_1113 = tpu.vector_load %arg6[%get3A_1110, %get3A_1111, %get3A_1112] {strides = array<i32>} : memref<8x100x32xi32, #tpu.memory_space<vmem>>, vector<16xi32>,
        %shift_left3A_1114 = arith.constant 16 : i32
        %shift_left3A_1115 = vector.broadcast %shift_left3A_1114 : i32 to vector<16xi32>
        %shift_left3A_1116 = arith.shli %get3A_1108, %shift_left3A_1115 : vector<16xi32>
        %bitcast3A_1117 = vector.bitcast %shift_left3A_1116 : vector<16xi32> to vector<16xf32>
        %add3A_1118 = arith.addf %add3A_1086, %bitcast3A_1117 : vector<16xf32>
        %and3A_1119 = arith.andi %get3A_1108, %broadcast_in_dim3A_98 : vector<16xi32>
        %bitcast3A_1120 = vector.bitcast %and3A_1119 : vector<16xi32> to vector<16xf32>
        %add3A_1121 = arith.addf %add3A_1089, %bitcast3A_1120 : vector<16xf32>
        %shift_left3A_1122 = arith.constant 16 : i32
        %shift_left3A_1123 = vector.broadcast %shift_left3A_1122 : i32 to vector<16xi32>
        %shift_left3A_1124 = arith.shli %get3A_1113, %shift_left3A_1123 : vector<16xi32>
        %bitcast3A_1125 = vector.bitcast %shift_left3A_1124 : vector<16xi32> to vector<16xf32>
        %add3A_1126 = arith.addf %add3A_1094, %bitcast3A_1125 : vector<16xf32>
        %and3A_1127 = arith.andi %get3A_1113, %broadcast_in_dim3A_98 : vector<16xi32>
        %bitcast3A_1128 = vector.bitcast %and3A_1127 : vector<16xi32> to vector<16xf32>
        %add3A_1129 = arith.addf %add3A_1097, %bitcast3A_1128 : vector<16xf32>
        scf.yield %add3A_1118, %add3A_1126, %add3A_1121, %add3A_1129 : vector<16xf32>, vector<16xf32>, vector<16xf32>, vector<16xf32>
      }
      %scan3A_285 = arith.constant 10 : i32
      %mul3A_286 = arith.constant 2 : i32
      %mul3A_287 = arith.muli %add3A_214, %mul3A_286 : i32
      %add3A_288 = arith.constant 1 : i32
      %add3A_289 = arith.addi %mul3A_287, %add3A_288 : i32
      %swap3A_290 = arith.index_cast %add3A_289 : i32 to index
      %swap3A_291 = arith.constant 0 : index
      %swap3A_292 = tpu.vector_load %arg7[%swap3A_290, %swap3A_291] {strides = array<i32>} : memref<512x64xf32, #tpu.memory_space<vmem>>, vector<16xf32>,
      tpu.vector_store %arg7[%swap3A_290, %swap3A_291], %scan3A_284#0 {strides = array<i32>} : memref<512x64xf32, #tpu.memory_space<vmem>>, vector<16xf32>,
      %mul3A_293 = arith.constant 2 : i32
      %mul3A_294 = arith.muli %add3A_214, %mul3A_293 : i32
      %add3A_295 = arith.constant 1 : i32
      %add3A_296 = arith.addi %mul3A_294, %add3A_295 : i32
      %swap3A_297 = arith.index_cast %add3A_296 : i32 to index
      %swap3A_298 = arith.constant 16 : index
      %swap3A_299 = tpu.vector_load %arg7[%swap3A_297, %swap3A_298] {strides = array<i32>} : memref<512x64xf32, #tpu.memory_space<vmem>>, vector<16xf32>,
      tpu.vector_store %arg7[%swap3A_297, %swap3A_298], %scan3A_284#1 {strides = array<i32>} : memref<512x64xf32, #tpu.memory_space<vmem>>, vector<16xf32>,
      %mul3A_300 = arith.constant 2 : i32
      %mul3A_301 = arith.muli %add3A_214, %mul3A_300 : i32
      %add3A_302 = arith.constant 1 : i32
      %add3A_303 = arith.addi %mul3A_301, %add3A_302 : i32
      %swap3A_304 = arith.index_cast %add3A_303 : i32 to index
      %swap3A_305 = arith.constant 32 : index
      %swap3A_306 = tpu.vector_load %arg7[%swap3A_304, %swap3A_305] {strides = array<i32>} : memref<512x64xf32, #tpu.memory_space<vmem>>, vector<16xf32>,
      tpu.vector_store %arg7[%swap3A_304, %swap3A_305], %scan3A_284#2 {strides = array<i32>} : memref<512x64xf32, #tpu.memory_space<vmem>>, vector<16xf32>,
      %mul3A_307 = arith.constant 2 : i32
      %mul3A_308 = arith.muli %add3A_214, %mul3A_307 : i32
      %add3A_309 = arith.constant 1 : i32
      %add3A_310 = arith.addi %mul3A_308, %add3A_309 : i32
      %swap3A_311 = arith.index_cast %add3A_310 : i32 to index
      %swap3A_312 = arith.constant 48 : index
      %swap3A_313 = tpu.vector_load %arg7[%swap3A_311, %swap3A_312] {strides = array<i32>} : memref<512x64xf32, #tpu.memory_space<vmem>>, vector<16xf32>,
      tpu.vector_store %arg7[%swap3A_311, %swap3A_312], %scan3A_284#3 {strides = array<i32>} : memref<512x64xf32, #tpu.memory_space<vmem>>, vector<16xf32>,
      %add3A_314 = arith.constant 8 : i32
      %add3A_315 = arith.addi %add3A_214, %add3A_314 : i32
      %lt3A_316 = arith.constant 256 : i32
      %lt3A_317 = arith.cmpi slt, %add3A_315, %lt3A_316 : i32
      %convert_element_type3A_318 = arith.extui %lt3A_317 : i1 to i32
      %cond3A_319 = arith.constant 0 : i32
      %cond3A_320 = arith.cmpi ne, %convert_element_type3A_318, %cond3A_319 : i32
      scf.if %cond3A_320 {
        %dma_start3A_969 = arith.constant 1 : i32
        %dma_start3A_970 = arith.constant 0 : i32
        %dma_start3A_971 = arith.constant 0 : i32
        %dma_start3A_972 = tpu.memref_slice %arg6[%dma_start3A_969, %dma_start3A_970, %dma_start3A_971] : memref<8x100x32xi32, #tpu.memory_space<vmem>> -> memref<1x100x32xi32, #tpu.memory_space<vmem>>
        %dma_start3A_973 = tpu.memref_squeeze %dma_start3A_972 : memref<1x100x32xi32, #tpu.memory_space<vmem>> -> memref<100x32xi32, #tpu.memory_space<vmem>>
        %dma_start3A_974 = arith.constant 0 : i32
        %dma_start3A_975 = tpu.memref_slice %arg5[%add3A_315, %dma_start3A_974] : memref<256x100xi32, #tpu.memory_space<vmem>> -> memref<1x100xi32, #tpu.memory_space<vmem>>
        %dma_start3A_976 = tpu.memref_squeeze %dma_start3A_975 : memref<1x100xi32, #tpu.memory_space<vmem>> -> memref<100xi32, #tpu.memory_space<vmem>>
        %dma_start3A_977 = arith.constant 0 : i32
        %dma_start3A_978 = arith.constant 0 : i32
        %dma_start3A_979 = tpu.memref_slice %arg3[%dma_start3A_977, %dma_start3A_978] : memref<1015808x32xi32, #tpu.memory_space<hbm>> -> memref<1015808x32xi32, #tpu.memory_space<hbm>>
        tpu.enqueue_indirect_dma source(%dma_start3A_979 : memref<1015808x32xi32, #tpu.memory_space<hbm>>) target(%dma_start3A_973 : memref<100x32xi32, #tpu.memory_space<vmem>>) offsets(%dma_start3A_976 : memref<100xi32, #tpu.memory_space<vmem>>) semaphore(%arg8 : memref<!tpu.dma_semaphore, #tpu.memory_space<semaphore_mem>>)
      } else {
      }
      %add3A_321 = arith.constant 2 : i32
      %add3A_322 = arith.addi %add3A_109, %add3A_321 : i32
      %dma_wait3A_323 = arith.constant 2 : i32
      %dma_wait3A_324 = arith.constant 0 : i32
      %dma_wait3A_325 = arith.constant 0 : i32
      %dma_wait3A_326 = tpu.memref_slice %arg6[%dma_wait3A_323, %dma_wait3A_324, %dma_wait3A_325] : memref<8x100x32xi32, #tpu.memory_space<vmem>> -> memref<1x100x32xi32, #tpu.memory_space<vmem>>
      %dma_wait3A_327 = tpu.memref_squeeze %dma_wait3A_326 : memref<1x100x32xi32, #tpu.memory_space<vmem>> -> memref<100x32xi32, #tpu.memory_space<vmem>>
      %dma_wait3A_328 = arith.constant 0 : i32
      %dma_wait3A_329 = arith.constant 0 : i32
      %dma_wait3A_330 = tpu.memref_slice %arg3[%dma_wait3A_328, %dma_wait3A_329] : memref<1015808x32xi32, #tpu.memory_space<hbm>> -> memref<100x32xi32, #tpu.memory_space<hbm>>
      %dma_wait3A_331 = arith.constant 0 : i32
      %dma_wait3A_332 = arith.constant 0 : i32
      %dma_wait3A_333 = tpu.memref_slice %arg6[%dma_wait3A_323, %dma_wait3A_331, %dma_wait3A_332] : memref<8x100x32xi32, #tpu.memory_space<vmem>> -> memref<1x100x32xi32, #tpu.memory_space<vmem>>
      %dma_wait3A_334 = tpu.memref_squeeze %dma_wait3A_333 : memref<1x100x32xi32, #tpu.memory_space<vmem>> -> memref<100x32xi32, #tpu.memory_space<vmem>>
      %dma_wait3A_335 = arith.constant 0 : i32
      %dma_wait3A_336 = arith.constant 0 : i32
      %dma_wait3A_337 = tpu.memref_slice %arg3[%dma_wait3A_335, %dma_wait3A_336] : memref<1015808x32xi32, #tpu.memory_space<hbm>> -> memref<100x32xi32, #tpu.memory_space<hbm>>
      tpu.wait_dma2 semaphore(%arg8 : memref<!tpu.dma_semaphore, #tpu.memory_space<semaphore_mem>>) src(%dma_wait3A_337 : memref<100x32xi32, #tpu.memory_space<hbm>>) dst(%dma_wait3A_334 : memref<100x32xi32, #tpu.memory_space<vmem>>)
      %broadcast_in_dim3A_338 = arith.constant 0.000000e+00 : f32
      %broadcast_in_dim3A_339 = vector.broadcast %broadcast_in_dim3A_338 : f32 to vector<16xf32>
      %broadcast_in_dim3A_340 = arith.constant 0.000000e+00 : f32
      %broadcast_in_dim3A_341 = vector.broadcast %broadcast_in_dim3A_340 : f32 to vector<16xf32>
      %broadcast_in_dim3A_342 = arith.constant 0.000000e+00 : f32
      %broadcast_in_dim3A_343 = vector.broadcast %broadcast_in_dim3A_342 : f32 to vector<16xf32>
      %broadcast_in_dim3A_344 = arith.constant 0.000000e+00 : f32
      %broadcast_in_dim3A_345 = vector.broadcast %broadcast_in_dim3A_344 : f32 to vector<16xf32>
      %scan3A_346 = arith.constant 0 : i32
      %scan3A_347 = arith.constant 10 : i32
      %scan3A_348 = arith.addi %scan3A_346, %scan3A_347 : i32
      %scan3A_349 = arith.constant 1 : i32
      %scan3A_350:4 = scf.for %scan3A_969 = %scan3A_346 to %scan3A_348 step %scan3A_349 iter_args(%scan3A_970 = %broadcast_in_dim3A_339, %scan3A_971 = %broadcast_in_dim3A_341, %scan3A_972 = %broadcast_in_dim3A_343, %scan3A_973 = %broadcast_in_dim3A_345) -> (vector<16xf32>, vector<16xf32>, vector<16xf32>, vector<16xf32>)  : i32 {
        %mul3A_974 = arith.constant 5 : i32
        %mul3A_975 = arith.muli %scan3A_969, %mul3A_974 : i32
        %add3A_976 = arith.constant 0 : i32
        %add3A_977 = arith.addi %add3A_976, %mul3A_975 : i32
        %add3A_978 = arith.constant 0 : i32
        %add3A_979 = arith.addi %add3A_977, %add3A_978 : i32
        %get3A = arith.constant 2 : i32
        %get3A_980 = arith.index_cast %get3A : i32 to index
        %get3A_981 = arith.index_cast %add3A_979 : i32 to index
        %get3A_982 = arith.constant 0 : index
        %get3A_983 = tpu.vector_load %arg6[%get3A_980, %get3A_981, %get3A_982] {strides = array<i32>} : memref<8x100x32xi32, #tpu.memory_space<vmem>>, vector<16xi32>,
        %get3A_984 = arith.constant 2 : i32
        %get3A_985 = arith.index_cast %get3A_984 : i32 to index
        %get3A_986 = arith.index_cast %add3A_979 : i32 to index
        %get3A_987 = arith.constant 16 : index
        %get3A_988 = tpu.vector_load %arg6[%get3A_985, %get3A_986, %get3A_987] {strides = array<i32>} : memref<8x100x32xi32, #tpu.memory_space<vmem>>, vector<16xi32>,
        %shift_left3A = arith.constant 16 : i32
        %shift_left3A_989 = vector.broadcast %shift_left3A : i32 to vector<16xi32>
        %shift_left3A_990 = arith.shli %get3A_983, %shift_left3A_989 : vector<16xi32>
        %bitcast3A = vector.bitcast %shift_left3A_990 : vector<16xi32> to vector<16xf32>
        %add3A_991 = arith.addf %scan3A_970, %bitcast3A : vector<16xf32>
        %and3A = arith.andi %get3A_983, %broadcast_in_dim3A_98 : vector<16xi32>
        %bitcast3A_992 = vector.bitcast %and3A : vector<16xi32> to vector<16xf32>
        %add3A_993 = arith.addf %scan3A_972, %bitcast3A_992 : vector<16xf32>
        %shift_left3A_994 = arith.constant 16 : i32
        %shift_left3A_995 = vector.broadcast %shift_left3A_994 : i32 to vector<16xi32>
        %shift_left3A_996 = arith.shli %get3A_988, %shift_left3A_995 : vector<16xi32>
        %bitcast3A_997 = vector.bitcast %shift_left3A_996 : vector<16xi32> to vector<16xf32>
        %add3A_998 = arith.addf %scan3A_971, %bitcast3A_997 : vector<16xf32>
        %and3A_999 = arith.andi %get3A_988, %broadcast_in_dim3A_98 : vector<16xi32>
        %bitcast3A_1000 = vector.bitcast %and3A_999 : vector<16xi32> to vector<16xf32>
        %add3A_1001 = arith.addf %scan3A_973, %bitcast3A_1000 : vector<16xf32>
        %mul3A_1002 = arith.constant 5 : i32
        %mul3A_1003 = arith.muli %scan3A_969, %mul3A_1002 : i32
        %add3A_1004 = arith.constant 0 : i32
        %add3A_1005 = arith.addi %add3A_1004, %mul3A_1003 : i32
        %add3A_1006 = arith.constant 1 : i32
        %add3A_1007 = arith.addi %add3A_1005, %add3A_1006 : i32
        %get3A_1008 = arith.constant 2 : i32
        %get3A_1009 = arith.index_cast %get3A_1008 : i32 to index
        %get3A_1010 = arith.index_cast %add3A_1007 : i32 to index
        %get3A_1011 = arith.constant 0 : index
        %get3A_1012 = tpu.vector_load %arg6[%get3A_1009, %get3A_1010, %get3A_1011] {strides = array<i32>} : memref<8x100x32xi32, #tpu.memory_space<vmem>>, vector<16xi32>,
        %get3A_1013 = arith.constant 2 : i32
        %get3A_1014 = arith.index_cast %get3A_1013 : i32 to index
        %get3A_1015 = arith.index_cast %add3A_1007 : i32 to index
        %get3A_1016 = arith.constant 16 : index
        %get3A_1017 = tpu.vector_load %arg6[%get3A_1014, %get3A_1015, %get3A_1016] {strides = array<i32>} : memref<8x100x32xi32, #tpu.memory_space<vmem>>, vector<16xi32>,
        %shift_left3A_1018 = arith.constant 16 : i32
        %shift_left3A_1019 = vector.broadcast %shift_left3A_1018 : i32 to vector<16xi32>
        %shift_left3A_1020 = arith.shli %get3A_1012, %shift_left3A_1019 : vector<16xi32>
        %bitcast3A_1021 = vector.bitcast %shift_left3A_1020 : vector<16xi32> to vector<16xf32>
        %add3A_1022 = arith.addf %add3A_991, %bitcast3A_1021 : vector<16xf32>
        %and3A_1023 = arith.andi %get3A_1012, %broadcast_in_dim3A_98 : vector<16xi32>
        %bitcast3A_1024 = vector.bitcast %and3A_1023 : vector<16xi32> to vector<16xf32>
        %add3A_1025 = arith.addf %add3A_993, %bitcast3A_1024 : vector<16xf32>
        %shift_left3A_1026 = arith.constant 16 : i32
        %shift_left3A_1027 = vector.broadcast %shift_left3A_1026 : i32 to vector<16xi32>
        %shift_left3A_1028 = arith.shli %get3A_1017, %shift_left3A_1027 : vector<16xi32>
        %bitcast3A_1029 = vector.bitcast %shift_left3A_1028 : vector<16xi32> to vector<16xf32>
        %add3A_1030 = arith.addf %add3A_998, %bitcast3A_1029 : vector<16xf32>
        %and3A_1031 = arith.andi %get3A_1017, %broadcast_in_dim3A_98 : vector<16xi32>
        %bitcast3A_1032 = vector.bitcast %and3A_1031 : vector<16xi32> to vector<16xf32>
        %add3A_1033 = arith.addf %add3A_1001, %bitcast3A_1032 : vector<16xf32>
        %mul3A_1034 = arith.constant 5 : i32
        %mul3A_1035 = arith.muli %scan3A_969, %mul3A_1034 : i32
        %add3A_1036 = arith.constant 0 : i32
        %add3A_1037 = arith.addi %add3A_1036, %mul3A_1035 : i32
        %add3A_1038 = arith.constant 2 : i32
        %add3A_1039 = arith.addi %add3A_1037, %add3A_1038 : i32
        %get3A_1040 = arith.constant 2 : i32
        %get3A_1041 = arith.index_cast %get3A_1040 : i32 to index
        %get3A_1042 = arith.index_cast %add3A_1039 : i32 to index
        %get3A_1043 = arith.constant 0 : index
        %get3A_1044 = tpu.vector_load %arg6[%get3A_1041, %get3A_1042, %get3A_1043] {strides = array<i32>} : memref<8x100x32xi32, #tpu.memory_space<vmem>>, vector<16xi32>,
        %get3A_1045 = arith.constant 2 : i32
        %get3A_1046 = arith.index_cast %get3A_1045 : i32 to index
        %get3A_1047 = arith.index_cast %add3A_1039 : i32 to index
        %get3A_1048 = arith.constant 16 : index
        %get3A_1049 = tpu.vector_load %arg6[%get3A_1046, %get3A_1047, %get3A_1048] {strides = array<i32>} : memref<8x100x32xi32, #tpu.memory_space<vmem>>, vector<16xi32>,
        %shift_left3A_1050 = arith.constant 16 : i32
        %shift_left3A_1051 = vector.broadcast %shift_left3A_1050 : i32 to vector<16xi32>
        %shift_left3A_1052 = arith.shli %get3A_1044, %shift_left3A_1051 : vector<16xi32>
        %bitcast3A_1053 = vector.bitcast %shift_left3A_1052 : vector<16xi32> to vector<16xf32>
        %add3A_1054 = arith.addf %add3A_1022, %bitcast3A_1053 : vector<16xf32>
        %and3A_1055 = arith.andi %get3A_1044, %broadcast_in_dim3A_98 : vector<16xi32>
        %bitcast3A_1056 = vector.bitcast %and3A_1055 : vector<16xi32> to vector<16xf32>
        %add3A_1057 = arith.addf %add3A_1025, %bitcast3A_1056 : vector<16xf32>
        %shift_left3A_1058 = arith.constant 16 : i32
        %shift_left3A_1059 = vector.broadcast %shift_left3A_1058 : i32 to vector<16xi32>
        %shift_left3A_1060 = arith.shli %get3A_1049, %shift_left3A_1059 : vector<16xi32>
        %bitcast3A_1061 = vector.bitcast %shift_left3A_1060 : vector<16xi32> to vector<16xf32>
        %add3A_1062 = arith.addf %add3A_1030, %bitcast3A_1061 : vector<16xf32>
        %and3A_1063 = arith.andi %get3A_1049, %broadcast_in_dim3A_98 : vector<16xi32>
        %bitcast3A_1064 = vector.bitcast %and3A_1063 : vector<16xi32> to vector<16xf32>
        %add3A_1065 = arith.addf %add3A_1033, %bitcast3A_1064 : vector<16xf32>
        %mul3A_1066 = arith.constant 5 : i32
        %mul3A_1067 = arith.muli %scan3A_969, %mul3A_1066 : i32
        %add3A_1068 = arith.constant 0 : i32
        %add3A_1069 = arith.addi %add3A_1068, %mul3A_1067 : i32
        %add3A_1070 = arith.constant 3 : i32
        %add3A_1071 = arith.addi %add3A_1069, %add3A_1070 : i32
        %get3A_1072 = arith.constant 2 : i32
        %get3A_1073 = arith.index_cast %get3A_1072 : i32 to index
        %get3A_1074 = arith.index_cast %add3A_1071 : i32 to index
        %get3A_1075 = arith.constant 0 : index
        %get3A_1076 = tpu.vector_load %arg6[%get3A_1073, %get3A_1074, %get3A_1075] {strides = array<i32>} : memref<8x100x32xi32, #tpu.memory_space<vmem>>, vector<16xi32>,
        %get3A_1077 = arith.constant 2 : i32
        %get3A_1078 = arith.index_cast %get3A_1077 : i32 to index
        %get3A_1079 = arith.index_cast %add3A_1071 : i32 to index
        %get3A_1080 = arith.constant 16 : index
        %get3A_1081 = tpu.vector_load %arg6[%get3A_1078, %get3A_1079, %get3A_1080] {strides = array<i32>} : memref<8x100x32xi32, #tpu.memory_space<vmem>>, vector<16xi32>,
        %shift_left3A_1082 = arith.constant 16 : i32
        %shift_left3A_1083 = vector.broadcast %shift_left3A_1082 : i32 to vector<16xi32>
        %shift_left3A_1084 = arith.shli %get3A_1076, %shift_left3A_1083 : vector<16xi32>
        %bitcast3A_1085 = vector.bitcast %shift_left3A_1084 : vector<16xi32> to vector<16xf32>
        %add3A_1086 = arith.addf %add3A_1054, %bitcast3A_1085 : vector<16xf32>
        %and3A_1087 = arith.andi %get3A_1076, %broadcast_in_dim3A_98 : vector<16xi32>
        %bitcast3A_1088 = vector.bitcast %and3A_1087 : vector<16xi32> to vector<16xf32>
        %add3A_1089 = arith.addf %add3A_1057, %bitcast3A_1088 : vector<16xf32>
        %shift_left3A_1090 = arith.constant 16 : i32
        %shift_left3A_1091 = vector.broadcast %shift_left3A_1090 : i32 to vector<16xi32>
        %shift_left3A_1092 = arith.shli %get3A_1081, %shift_left3A_1091 : vector<16xi32>
        %bitcast3A_1093 = vector.bitcast %shift_left3A_1092 : vector<16xi32> to vector<16xf32>
        %add3A_1094 = arith.addf %add3A_1062, %bitcast3A_1093 : vector<16xf32>
        %and3A_1095 = arith.andi %get3A_1081, %broadcast_in_dim3A_98 : vector<16xi32>
        %bitcast3A_1096 = vector.bitcast %and3A_1095 : vector<16xi32> to vector<16xf32>
        %add3A_1097 = arith.addf %add3A_1065, %bitcast3A_1096 : vector<16xf32>
        %mul3A_1098 = arith.constant 5 : i32
        %mul3A_1099 = arith.muli %scan3A_969, %mul3A_1098 : i32
        %add3A_1100 = arith.constant 0 : i32
        %add3A_1101 = arith.addi %add3A_1100, %mul3A_1099 : i32
        %add3A_1102 = arith.constant 4 : i32
        %add3A_1103 = arith.addi %add3A_1101, %add3A_1102 : i32
        %get3A_1104 = arith.constant 2 : i32
        %get3A_1105 = arith.index_cast %get3A_1104 : i32 to index
        %get3A_1106 = arith.index_cast %add3A_1103 : i32 to index
        %get3A_1107 = arith.constant 0 : index
        %get3A_1108 = tpu.vector_load %arg6[%get3A_1105, %get3A_1106, %get3A_1107] {strides = array<i32>} : memref<8x100x32xi32, #tpu.memory_space<vmem>>, vector<16xi32>,
        %get3A_1109 = arith.constant 2 : i32
        %get3A_1110 = arith.index_cast %get3A_1109 : i32 to index
        %get3A_1111 = arith.index_cast %add3A_1103 : i32 to index
        %get3A_1112 = arith.constant 16 : index
        %get3A_1113 = tpu.vector_load %arg6[%get3A_1110, %get3A_1111, %get3A_1112] {strides = array<i32>} : memref<8x100x32xi32, #tpu.memory_space<vmem>>, vector<16xi32>,
        %shift_left3A_1114 = arith.constant 16 : i32
        %shift_left3A_1115 = vector.broadcast %shift_left3A_1114 : i32 to vector<16xi32>
        %shift_left3A_1116 = arith.shli %get3A_1108, %shift_left3A_1115 : vector<16xi32>
        %bitcast3A_1117 = vector.bitcast %shift_left3A_1116 : vector<16xi32> to vector<16xf32>
        %add3A_1118 = arith.addf %add3A_1086, %bitcast3A_1117 : vector<16xf32>
        %and3A_1119 = arith.andi %get3A_1108, %broadcast_in_dim3A_98 : vector<16xi32>
        %bitcast3A_1120 = vector.bitcast %and3A_1119 : vector<16xi32> to vector<16xf32>
        %add3A_1121 = arith.addf %add3A_1089, %bitcast3A_1120 : vector<16xf32>
        %shift_left3A_1122 = arith.constant 16 : i32
        %shift_left3A_1123 = vector.broadcast %shift_left3A_1122 : i32 to vector<16xi32>
        %shift_left3A_1124 = arith.shli %get3A_1113, %shift_left3A_1123 : vector<16xi32>
        %bitcast3A_1125 = vector.bitcast %shift_left3A_1124 : vector<16xi32> to vector<16xf32>
        %add3A_1126 = arith.addf %add3A_1094, %bitcast3A_1125 : vector<16xf32>
        %and3A_1127 = arith.andi %get3A_1113, %broadcast_in_dim3A_98 : vector<16xi32>
        %bitcast3A_1128 = vector.bitcast %and3A_1127 : vector<16xi32> to vector<16xf32>
        %add3A_1129 = arith.addf %add3A_1097, %bitcast3A_1128 : vector<16xf32>
        scf.yield %add3A_1118, %add3A_1126, %add3A_1121, %add3A_1129 : vector<16xf32>, vector<16xf32>, vector<16xf32>, vector<16xf32>
      }
      %scan3A_351 = arith.constant 10 : i32
      %mul3A_352 = arith.constant 2 : i32
      %mul3A_353 = arith.muli %add3A_322, %mul3A_352 : i32
      %add3A_354 = arith.constant 0 : i32
      %add3A_355 = arith.addi %mul3A_353, %add3A_354 : i32
      %swap3A_356 = arith.index_cast %add3A_355 : i32 to index
      %swap3A_357 = arith.constant 0 : index
      %swap3A_358 = tpu.vector_load %arg7[%swap3A_356, %swap3A_357] {strides = array<i32>} : memref<512x64xf32, #tpu.memory_space<vmem>>, vector<16xf32>,
      tpu.vector_store %arg7[%swap3A_356, %swap3A_357], %scan3A_350#0 {strides = array<i32>} : memref<512x64xf32, #tpu.memory_space<vmem>>, vector<16xf32>,
      %mul3A_359 = arith.constant 2 : i32
      %mul3A_360 = arith.muli %add3A_322, %mul3A_359 : i32
      %add3A_361 = arith.constant 0 : i32
      %add3A_362 = arith.addi %mul3A_360, %add3A_361 : i32
      %swap3A_363 = arith.index_cast %add3A_362 : i32 to index
      %swap3A_364 = arith.constant 16 : index
      %swap3A_365 = tpu.vector_load %arg7[%swap3A_363, %swap3A_364] {strides = array<i32>} : memref<512x64xf32, #tpu.memory_space<vmem>>, vector<16xf32>,
      tpu.vector_store %arg7[%swap3A_363, %swap3A_364], %scan3A_350#1 {strides = array<i32>} : memref<512x64xf32, #tpu.memory_space<vmem>>, vector<16xf32>,
      %mul3A_366 = arith.constant 2 : i32
      %mul3A_367 = arith.muli %add3A_322, %mul3A_366 : i32
      %add3A_368 = arith.constant 0 : i32
      %add3A_369 = arith.addi %mul3A_367, %add3A_368 : i32
      %swap3A_370 = arith.index_cast %add3A_369 : i32 to index
      %swap3A_371 = arith.constant 32 : index
      %swap3A_372 = tpu.vector_load %arg7[%swap3A_370, %swap3A_371] {strides = array<i32>} : memref<512x64xf32, #tpu.memory_space<vmem>>, vector<16xf32>,
      tpu.vector_store %arg7[%swap3A_370, %swap3A_371], %scan3A_350#2 {strides = array<i32>} : memref<512x64xf32, #tpu.memory_space<vmem>>, vector<16xf32>,
      %mul3A_373 = arith.constant 2 : i32
      %mul3A_374 = arith.muli %add3A_322, %mul3A_373 : i32
      %add3A_375 = arith.constant 0 : i32
      %add3A_376 = arith.addi %mul3A_374, %add3A_375 : i32
      %swap3A_377 = arith.index_cast %add3A_376 : i32 to index
      %swap3A_378 = arith.constant 48 : index
      %swap3A_379 = tpu.vector_load %arg7[%swap3A_377, %swap3A_378] {strides = array<i32>} : memref<512x64xf32, #tpu.memory_space<vmem>>, vector<16xf32>,
      tpu.vector_store %arg7[%swap3A_377, %swap3A_378], %scan3A_350#3 {strides = array<i32>} : memref<512x64xf32, #tpu.memory_space<vmem>>, vector<16xf32>,
      %broadcast_in_dim3A_380 = arith.constant 0.000000e+00 : f32
      %broadcast_in_dim3A_381 = vector.broadcast %broadcast_in_dim3A_380 : f32 to vector<16xf32>
      %broadcast_in_dim3A_382 = arith.constant 0.000000e+00 : f32
      %broadcast_in_dim3A_383 = vector.broadcast %broadcast_in_dim3A_382 : f32 to vector<16xf32>
      %broadcast_in_dim3A_384 = arith.constant 0.000000e+00 : f32
      %broadcast_in_dim3A_385 = vector.broadcast %broadcast_in_dim3A_384 : f32 to vector<16xf32>
      %broadcast_in_dim3A_386 = arith.constant 0.000000e+00 : f32
      %broadcast_in_dim3A_387 = vector.broadcast %broadcast_in_dim3A_386 : f32 to vector<16xf32>
      %scan3A_388 = arith.constant 0 : i32
      %scan3A_389 = arith.constant 10 : i32
      %scan3A_390 = arith.addi %scan3A_388, %scan3A_389 : i32
      %scan3A_391 = arith.constant 1 : i32
      %scan3A_392:4 = scf.for %scan3A_969 = %scan3A_388 to %scan3A_390 step %scan3A_391 iter_args(%scan3A_970 = %broadcast_in_dim3A_381, %scan3A_971 = %broadcast_in_dim3A_383, %scan3A_972 = %broadcast_in_dim3A_385, %scan3A_973 = %broadcast_in_dim3A_387) -> (vector<16xf32>, vector<16xf32>, vector<16xf32>, vector<16xf32>)  : i32 {
        %mul3A_974 = arith.constant 5 : i32
        %mul3A_975 = arith.muli %scan3A_969, %mul3A_974 : i32
        %add3A_976 = arith.constant 50 : i32
        %add3A_977 = arith.addi %add3A_976, %mul3A_975 : i32
        %add3A_978 = arith.constant 0 : i32
        %add3A_979 = arith.addi %add3A_977, %add3A_978 : i32
        %get3A = arith.constant 2 : i32
        %get3A_980 = arith.index_cast %get3A : i32 to index
        %get3A_981 = arith.index_cast %add3A_979 : i32 to index
        %get3A_982 = arith.constant 0 : index
        %get3A_983 = tpu.vector_load %arg6[%get3A_980, %get3A_981, %get3A_982] {strides = array<i32>} : memref<8x100x32xi32, #tpu.memory_space<vmem>>, vector<16xi32>,
        %get3A_984 = arith.constant 2 : i32
        %get3A_985 = arith.index_cast %get3A_984 : i32 to index
        %get3A_986 = arith.index_cast %add3A_979 : i32 to index
        %get3A_987 = arith.constant 16 : index
        %get3A_988 = tpu.vector_load %arg6[%get3A_985, %get3A_986, %get3A_987] {strides = array<i32>} : memref<8x100x32xi32, #tpu.memory_space<vmem>>, vector<16xi32>,
        %shift_left3A = arith.constant 16 : i32
        %shift_left3A_989 = vector.broadcast %shift_left3A : i32 to vector<16xi32>
        %shift_left3A_990 = arith.shli %get3A_983, %shift_left3A_989 : vector<16xi32>
        %bitcast3A = vector.bitcast %shift_left3A_990 : vector<16xi32> to vector<16xf32>
        %add3A_991 = arith.addf %scan3A_970, %bitcast3A : vector<16xf32>
        %and3A = arith.andi %get3A_983, %broadcast_in_dim3A_98 : vector<16xi32>
        %bitcast3A_992 = vector.bitcast %and3A : vector<16xi32> to vector<16xf32>
        %add3A_993 = arith.addf %scan3A_972, %bitcast3A_992 : vector<16xf32>
        %shift_left3A_994 = arith.constant 16 : i32
        %shift_left3A_995 = vector.broadcast %shift_left3A_994 : i32 to vector<16xi32>
        %shift_left3A_996 = arith.shli %get3A_988, %shift_left3A_995 : vector<16xi32>
        %bitcast3A_997 = vector.bitcast %shift_left3A_996 : vector<16xi32> to vector<16xf32>
        %add3A_998 = arith.addf %scan3A_971, %bitcast3A_997 : vector<16xf32>
        %and3A_999 = arith.andi %get3A_988, %broadcast_in_dim3A_98 : vector<16xi32>
        %bitcast3A_1000 = vector.bitcast %and3A_999 : vector<16xi32> to vector<16xf32>
        %add3A_1001 = arith.addf %scan3A_973, %bitcast3A_1000 : vector<16xf32>
        %mul3A_1002 = arith.constant 5 : i32
        %mul3A_1003 = arith.muli %scan3A_969, %mul3A_1002 : i32
        %add3A_1004 = arith.constant 50 : i32
        %add3A_1005 = arith.addi %add3A_1004, %mul3A_1003 : i32
        %add3A_1006 = arith.constant 1 : i32
        %add3A_1007 = arith.addi %add3A_1005, %add3A_1006 : i32
        %get3A_1008 = arith.constant 2 : i32
        %get3A_1009 = arith.index_cast %get3A_1008 : i32 to index
        %get3A_1010 = arith.index_cast %add3A_1007 : i32 to index
        %get3A_1011 = arith.constant 0 : index
        %get3A_1012 = tpu.vector_load %arg6[%get3A_1009, %get3A_1010, %get3A_1011] {strides = array<i32>} : memref<8x100x32xi32, #tpu.memory_space<vmem>>, vector<16xi32>,
        %get3A_1013 = arith.constant 2 : i32
        %get3A_1014 = arith.index_cast %get3A_1013 : i32 to index
        %get3A_1015 = arith.index_cast %add3A_1007 : i32 to index
        %get3A_1016 = arith.constant 16 : index
        %get3A_1017 = tpu.vector_load %arg6[%get3A_1014, %get3A_1015, %get3A_1016] {strides = array<i32>} : memref<8x100x32xi32, #tpu.memory_space<vmem>>, vector<16xi32>,
        %shift_left3A_1018 = arith.constant 16 : i32
        %shift_left3A_1019 = vector.broadcast %shift_left3A_1018 : i32 to vector<16xi32>
        %shift_left3A_1020 = arith.shli %get3A_1012, %shift_left3A_1019 : vector<16xi32>
        %bitcast3A_1021 = vector.bitcast %shift_left3A_1020 : vector<16xi32> to vector<16xf32>
        %add3A_1022 = arith.addf %add3A_991, %bitcast3A_1021 : vector<16xf32>
        %and3A_1023 = arith.andi %get3A_1012, %broadcast_in_dim3A_98 : vector<16xi32>
        %bitcast3A_1024 = vector.bitcast %and3A_1023 : vector<16xi32> to vector<16xf32>
        %add3A_1025 = arith.addf %add3A_993, %bitcast3A_1024 : vector<16xf32>
        %shift_left3A_1026 = arith.constant 16 : i32
        %shift_left3A_1027 = vector.broadcast %shift_left3A_1026 : i32 to vector<16xi32>
        %shift_left3A_1028 = arith.shli %get3A_1017, %shift_left3A_1027 : vector<16xi32>
        %bitcast3A_1029 = vector.bitcast %shift_left3A_1028 : vector<16xi32> to vector<16xf32>
        %add3A_1030 = arith.addf %add3A_998, %bitcast3A_1029 : vector<16xf32>
        %and3A_1031 = arith.andi %get3A_1017, %broadcast_in_dim3A_98 : vector<16xi32>
        %bitcast3A_1032 = vector.bitcast %and3A_1031 : vector<16xi32> to vector<16xf32>
        %add3A_1033 = arith.addf %add3A_1001, %bitcast3A_1032 : vector<16xf32>
        %mul3A_1034 = arith.constant 5 : i32
        %mul3A_1035 = arith.muli %scan3A_969, %mul3A_1034 : i32
        %add3A_1036 = arith.constant 50 : i32
        %add3A_1037 = arith.addi %add3A_1036, %mul3A_1035 : i32
        %add3A_1038 = arith.constant 2 : i32
        %add3A_1039 = arith.addi %add3A_1037, %add3A_1038 : i32
        %get3A_1040 = arith.constant 2 : i32
        %get3A_1041 = arith.index_cast %get3A_1040 : i32 to index
        %get3A_1042 = arith.index_cast %add3A_1039 : i32 to index
        %get3A_1043 = arith.constant 0 : index
        %get3A_1044 = tpu.vector_load %arg6[%get3A_1041, %get3A_1042, %get3A_1043] {strides = array<i32>} : memref<8x100x32xi32, #tpu.memory_space<vmem>>, vector<16xi32>,
        %get3A_1045 = arith.constant 2 : i32
        %get3A_1046 = arith.index_cast %get3A_1045 : i32 to index
        %get3A_1047 = arith.index_cast %add3A_1039 : i32 to index
        %get3A_1048 = arith.constant 16 : index
        %get3A_1049 = tpu.vector_load %arg6[%get3A_1046, %get3A_1047, %get3A_1048] {strides = array<i32>} : memref<8x100x32xi32, #tpu.memory_space<vmem>>, vector<16xi32>,
        %shift_left3A_1050 = arith.constant 16 : i32
        %shift_left3A_1051 = vector.broadcast %shift_left3A_1050 : i32 to vector<16xi32>
        %shift_left3A_1052 = arith.shli %get3A_1044, %shift_left3A_1051 : vector<16xi32>
        %bitcast3A_1053 = vector.bitcast %shift_left3A_1052 : vector<16xi32> to vector<16xf32>
        %add3A_1054 = arith.addf %add3A_1022, %bitcast3A_1053 : vector<16xf32>
        %and3A_1055 = arith.andi %get3A_1044, %broadcast_in_dim3A_98 : vector<16xi32>
        %bitcast3A_1056 = vector.bitcast %and3A_1055 : vector<16xi32> to vector<16xf32>
        %add3A_1057 = arith.addf %add3A_1025, %bitcast3A_1056 : vector<16xf32>
        %shift_left3A_1058 = arith.constant 16 : i32
        %shift_left3A_1059 = vector.broadcast %shift_left3A_1058 : i32 to vector<16xi32>
        %shift_left3A_1060 = arith.shli %get3A_1049, %shift_left3A_1059 : vector<16xi32>
        %bitcast3A_1061 = vector.bitcast %shift_left3A_1060 : vector<16xi32> to vector<16xf32>
        %add3A_1062 = arith.addf %add3A_1030, %bitcast3A_1061 : vector<16xf32>
        %and3A_1063 = arith.andi %get3A_1049, %broadcast_in_dim3A_98 : vector<16xi32>
        %bitcast3A_1064 = vector.bitcast %and3A_1063 : vector<16xi32> to vector<16xf32>
        %add3A_1065 = arith.addf %add3A_1033, %bitcast3A_1064 : vector<16xf32>
        %mul3A_1066 = arith.constant 5 : i32
        %mul3A_1067 = arith.muli %scan3A_969, %mul3A_1066 : i32
        %add3A_1068 = arith.constant 50 : i32
        %add3A_1069 = arith.addi %add3A_1068, %mul3A_1067 : i32
        %add3A_1070 = arith.constant 3 : i32
        %add3A_1071 = arith.addi %add3A_1069, %add3A_1070 : i32
        %get3A_1072 = arith.constant 2 : i32
        %get3A_1073 = arith.index_cast %get3A_1072 : i32 to index
        %get3A_1074 = arith.index_cast %add3A_1071 : i32 to index
        %get3A_1075 = arith.constant 0 : index
        %get3A_1076 = tpu.vector_load %arg6[%get3A_1073, %get3A_1074, %get3A_1075] {strides = array<i32>} : memref<8x100x32xi32, #tpu.memory_space<vmem>>, vector<16xi32>,
        %get3A_1077 = arith.constant 2 : i32
        %get3A_1078 = arith.index_cast %get3A_1077 : i32 to index
        %get3A_1079 = arith.index_cast %add3A_1071 : i32 to index
        %get3A_1080 = arith.constant 16 : index
        %get3A_1081 = tpu.vector_load %arg6[%get3A_1078, %get3A_1079, %get3A_1080] {strides = array<i32>} : memref<8x100x32xi32, #tpu.memory_space<vmem>>, vector<16xi32>,
        %shift_left3A_1082 = arith.constant 16 : i32
        %shift_left3A_1083 = vector.broadcast %shift_left3A_1082 : i32 to vector<16xi32>
        %shift_left3A_1084 = arith.shli %get3A_1076, %shift_left3A_1083 : vector<16xi32>
        %bitcast3A_1085 = vector.bitcast %shift_left3A_1084 : vector<16xi32> to vector<16xf32>
        %add3A_1086 = arith.addf %add3A_1054, %bitcast3A_1085 : vector<16xf32>
        %and3A_1087 = arith.andi %get3A_1076, %broadcast_in_dim3A_98 : vector<16xi32>
        %bitcast3A_1088 = vector.bitcast %and3A_1087 : vector<16xi32> to vector<16xf32>
        %add3A_1089 = arith.addf %add3A_1057, %bitcast3A_1088 : vector<16xf32>
        %shift_left3A_1090 = arith.constant 16 : i32
        %shift_left3A_1091 = vector.broadcast %shift_left3A_1090 : i32 to vector<16xi32>
        %shift_left3A_1092 = arith.shli %get3A_1081, %shift_left3A_1091 : vector<16xi32>
        %bitcast3A_1093 = vector.bitcast %shift_left3A_1092 : vector<16xi32> to vector<16xf32>
        %add3A_1094 = arith.addf %add3A_1062, %bitcast3A_1093 : vector<16xf32>
        %and3A_1095 = arith.andi %get3A_1081, %broadcast_in_dim3A_98 : vector<16xi32>
        %bitcast3A_1096 = vector.bitcast %and3A_1095 : vector<16xi32> to vector<16xf32>
        %add3A_1097 = arith.addf %add3A_1065, %bitcast3A_1096 : vector<16xf32>
        %mul3A_1098 = arith.constant 5 : i32
        %mul3A_1099 = arith.muli %scan3A_969, %mul3A_1098 : i32
        %add3A_1100 = arith.constant 50 : i32
        %add3A_1101 = arith.addi %add3A_1100, %mul3A_1099 : i32
        %add3A_1102 = arith.constant 4 : i32
        %add3A_1103 = arith.addi %add3A_1101, %add3A_1102 : i32
        %get3A_1104 = arith.constant 2 : i32
        %get3A_1105 = arith.index_cast %get3A_1104 : i32 to index
        %get3A_1106 = arith.index_cast %add3A_1103 : i32 to index
        %get3A_1107 = arith.constant 0 : index
        %get3A_1108 = tpu.vector_load %arg6[%get3A_1105, %get3A_1106, %get3A_1107] {strides = array<i32>} : memref<8x100x32xi32, #tpu.memory_space<vmem>>, vector<16xi32>,
        %get3A_1109 = arith.constant 2 : i32
        %get3A_1110 = arith.index_cast %get3A_1109 : i32 to index
        %get3A_1111 = arith.index_cast %add3A_1103 : i32 to index
        %get3A_1112 = arith.constant 16 : index
        %get3A_1113 = tpu.vector_load %arg6[%get3A_1110, %get3A_1111, %get3A_1112] {strides = array<i32>} : memref<8x100x32xi32, #tpu.memory_space<vmem>>, vector<16xi32>,
        %shift_left3A_1114 = arith.constant 16 : i32
        %shift_left3A_1115 = vector.broadcast %shift_left3A_1114 : i32 to vector<16xi32>
        %shift_left3A_1116 = arith.shli %get3A_1108, %shift_left3A_1115 : vector<16xi32>
        %bitcast3A_1117 = vector.bitcast %shift_left3A_1116 : vector<16xi32> to vector<16xf32>
        %add3A_1118 = arith.addf %add3A_1086, %bitcast3A_1117 : vector<16xf32>
        %and3A_1119 = arith.andi %get3A_1108, %broadcast_in_dim3A_98 : vector<16xi32>
        %bitcast3A_1120 = vector.bitcast %and3A_1119 : vector<16xi32> to vector<16xf32>
        %add3A_1121 = arith.addf %add3A_1089, %bitcast3A_1120 : vector<16xf32>
        %shift_left3A_1122 = arith.constant 16 : i32
        %shift_left3A_1123 = vector.broadcast %shift_left3A_1122 : i32 to vector<16xi32>
        %shift_left3A_1124 = arith.shli %get3A_1113, %shift_left3A_1123 : vector<16xi32>
        %bitcast3A_1125 = vector.bitcast %shift_left3A_1124 : vector<16xi32> to vector<16xf32>
        %add3A_1126 = arith.addf %add3A_1094, %bitcast3A_1125 : vector<16xf32>
        %and3A_1127 = arith.andi %get3A_1113, %broadcast_in_dim3A_98 : vector<16xi32>
        %bitcast3A_1128 = vector.bitcast %and3A_1127 : vector<16xi32> to vector<16xf32>
        %add3A_1129 = arith.addf %add3A_1097, %bitcast3A_1128 : vector<16xf32>
        scf.yield %add3A_1118, %add3A_1126, %add3A_1121, %add3A_1129 : vector<16xf32>, vector<16xf32>, vector<16xf32>, vector<16xf32>
      }
      %scan3A_393 = arith.constant 10 : i32
      %mul3A_394 = arith.constant 2 : i32
      %mul3A_395 = arith.muli %add3A_322, %mul3A_394 : i32
      %add3A_396 = arith.constant 1 : i32
      %add3A_397 = arith.addi %mul3A_395, %add3A_396 : i32
      %swap3A_398 = arith.index_cast %add3A_397 : i32 to index
      %swap3A_399 = arith.constant 0 : index
      %swap3A_400 = tpu.vector_load %arg7[%swap3A_398, %swap3A_399] {strides = array<i32>} : memref<512x64xf32, #tpu.memory_space<vmem>>, vector<16xf32>,
      tpu.vector_store %arg7[%swap3A_398, %swap3A_399], %scan3A_392#0 {strides = array<i32>} : memref<512x64xf32, #tpu.memory_space<vmem>>, vector<16xf32>,
      %mul3A_401 = arith.constant 2 : i32
      %mul3A_402 = arith.muli %add3A_322, %mul3A_401 : i32
      %add3A_403 = arith.constant 1 : i32
      %add3A_404 = arith.addi %mul3A_402, %add3A_403 : i32
      %swap3A_405 = arith.index_cast %add3A_404 : i32 to index
      %swap3A_406 = arith.constant 16 : index
      %swap3A_407 = tpu.vector_load %arg7[%swap3A_405, %swap3A_406] {strides = array<i32>} : memref<512x64xf32, #tpu.memory_space<vmem>>, vector<16xf32>,
      tpu.vector_store %arg7[%swap3A_405, %swap3A_406], %scan3A_392#1 {strides = array<i32>} : memref<512x64xf32, #tpu.memory_space<vmem>>, vector<16xf32>,
      %mul3A_408 = arith.constant 2 : i32
      %mul3A_409 = arith.muli %add3A_322, %mul3A_408 : i32
      %add3A_410 = arith.constant 1 : i32
      %add3A_411 = arith.addi %mul3A_409, %add3A_410 : i32
      %swap3A_412 = arith.index_cast %add3A_411 : i32 to index
      %swap3A_413 = arith.constant 32 : index
      %swap3A_414 = tpu.vector_load %arg7[%swap3A_412, %swap3A_413] {strides = array<i32>} : memref<512x64xf32, #tpu.memory_space<vmem>>, vector<16xf32>,
      tpu.vector_store %arg7[%swap3A_412, %swap3A_413], %scan3A_392#2 {strides = array<i32>} : memref<512x64xf32, #tpu.memory_space<vmem>>, vector<16xf32>,
      %mul3A_415 = arith.constant 2 : i32
      %mul3A_416 = arith.muli %add3A_322, %mul3A_415 : i32
      %add3A_417 = arith.constant 1 : i32
      %add3A_418 = arith.addi %mul3A_416, %add3A_417 : i32
      %swap3A_419 = arith.index_cast %add3A_418 : i32 to index
      %swap3A_420 = arith.constant 48 : index
      %swap3A_421 = tpu.vector_load %arg7[%swap3A_419, %swap3A_420] {strides = array<i32>} : memref<512x64xf32, #tpu.memory_space<vmem>>, vector<16xf32>,
      tpu.vector_store %arg7[%swap3A_419, %swap3A_420], %scan3A_392#3 {strides = array<i32>} : memref<512x64xf32, #tpu.memory_space<vmem>>, vector<16xf32>,
      %add3A_422 = arith.constant 8 : i32
      %add3A_423 = arith.addi %add3A_322, %add3A_422 : i32
      %lt3A_424 = arith.constant 256 : i32
      %lt3A_425 = arith.cmpi slt, %add3A_423, %lt3A_424 : i32
      %convert_element_type3A_426 = arith.extui %lt3A_425 : i1 to i32
      %cond3A_427 = arith.constant 0 : i32
      %cond3A_428 = arith.cmpi ne, %convert_element_type3A_426, %cond3A_427 : i32
      scf.if %cond3A_428 {
        %dma_start3A_969 = arith.constant 2 : i32
        %dma_start3A_970 = arith.constant 0 : i32
        %dma_start3A_971 = arith.constant 0 : i32
        %dma_start3A_972 = tpu.memref_slice %arg6[%dma_start3A_969, %dma_start3A_970, %dma_start3A_971] : memref<8x100x32xi32, #tpu.memory_space<vmem>> -> memref<1x100x32xi32, #tpu.memory_space<vmem>>
        %dma_start3A_973 = tpu.memref_squeeze %dma_start3A_972 : memref<1x100x32xi32, #tpu.memory_space<vmem>> -> memref<100x32xi32, #tpu.memory_space<vmem>>
        %dma_start3A_974 = arith.constant 0 : i32
        %dma_start3A_975 = tpu.memref_slice %arg5[%add3A_423, %dma_start3A_974] : memref<256x100xi32, #tpu.memory_space<vmem>> -> memref<1x100xi32, #tpu.memory_space<vmem>>
        %dma_start3A_976 = tpu.memref_squeeze %dma_start3A_975 : memref<1x100xi32, #tpu.memory_space<vmem>> -> memref<100xi32, #tpu.memory_space<vmem>>
        %dma_start3A_977 = arith.constant 0 : i32
        %dma_start3A_978 = arith.constant 0 : i32
        %dma_start3A_979 = tpu.memref_slice %arg3[%dma_start3A_977, %dma_start3A_978] : memref<1015808x32xi32, #tpu.memory_space<hbm>> -> memref<1015808x32xi32, #tpu.memory_space<hbm>>
        tpu.enqueue_indirect_dma source(%dma_start3A_979 : memref<1015808x32xi32, #tpu.memory_space<hbm>>) target(%dma_start3A_973 : memref<100x32xi32, #tpu.memory_space<vmem>>) offsets(%dma_start3A_976 : memref<100xi32, #tpu.memory_space<vmem>>) semaphore(%arg8 : memref<!tpu.dma_semaphore, #tpu.memory_space<semaphore_mem>>)
      } else {
      }
      %add3A_429 = arith.constant 3 : i32
      %add3A_430 = arith.addi %add3A_109, %add3A_429 : i32
      %dma_wait3A_431 = arith.constant 3 : i32
      %dma_wait3A_432 = arith.constant 0 : i32
      %dma_wait3A_433 = arith.constant 0 : i32
      %dma_wait3A_434 = tpu.memref_slice %arg6[%dma_wait3A_431, %dma_wait3A_432, %dma_wait3A_433] : memref<8x100x32xi32, #tpu.memory_space<vmem>> -> memref<1x100x32xi32, #tpu.memory_space<vmem>>
      %dma_wait3A_435 = tpu.memref_squeeze %dma_wait3A_434 : memref<1x100x32xi32, #tpu.memory_space<vmem>> -> memref<100x32xi32, #tpu.memory_space<vmem>>
      %dma_wait3A_436 = arith.constant 0 : i32
      %dma_wait3A_437 = arith.constant 0 : i32
      %dma_wait3A_438 = tpu.memref_slice %arg3[%dma_wait3A_436, %dma_wait3A_437] : memref<1015808x32xi32, #tpu.memory_space<hbm>> -> memref<100x32xi32, #tpu.memory_space<hbm>>
      %dma_wait3A_439 = arith.constant 0 : i32
      %dma_wait3A_440 = arith.constant 0 : i32
      %dma_wait3A_441 = tpu.memref_slice %arg6[%dma_wait3A_431, %dma_wait3A_439, %dma_wait3A_440] : memref<8x100x32xi32, #tpu.memory_space<vmem>> -> memref<1x100x32xi32, #tpu.memory_space<vmem>>
      %dma_wait3A_442 = tpu.memref_squeeze %dma_wait3A_441 : memref<1x100x32xi32, #tpu.memory_space<vmem>> -> memref<100x32xi32, #tpu.memory_space<vmem>>
      %dma_wait3A_443 = arith.constant 0 : i32
      %dma_wait3A_444 = arith.constant 0 : i32
      %dma_wait3A_445 = tpu.memref_slice %arg3[%dma_wait3A_443, %dma_wait3A_444] : memref<1015808x32xi32, #tpu.memory_space<hbm>> -> memref<100x32xi32, #tpu.memory_space<hbm>>
      tpu.wait_dma2 semaphore(%arg8 : memref<!tpu.dma_semaphore, #tpu.memory_space<semaphore_mem>>) src(%dma_wait3A_445 : memref<100x32xi32, #tpu.memory_space<hbm>>) dst(%dma_wait3A_442 : memref<100x32xi32, #tpu.memory_space<vmem>>)
      %broadcast_in_dim3A_446 = arith.constant 0.000000e+00 : f32
      %broadcast_in_dim3A_447 = vector.broadcast %broadcast_in_dim3A_446 : f32 to vector<16xf32>
      %broadcast_in_dim3A_448 = arith.constant 0.000000e+00 : f32
      %broadcast_in_dim3A_449 = vector.broadcast %broadcast_in_dim3A_448 : f32 to vector<16xf32>
      %broadcast_in_dim3A_450 = arith.constant 0.000000e+00 : f32
      %broadcast_in_dim3A_451 = vector.broadcast %broadcast_in_dim3A_450 : f32 to vector<16xf32>
      %broadcast_in_dim3A_452 = arith.constant 0.000000e+00 : f32
      %broadcast_in_dim3A_453 = vector.broadcast %broadcast_in_dim3A_452 : f32 to vector<16xf32>
      %scan3A_454 = arith.constant 0 : i32
      %scan3A_455 = arith.constant 10 : i32
      %scan3A_456 = arith.addi %scan3A_454, %scan3A_455 : i32
      %scan3A_457 = arith.constant 1 : i32
      %scan3A_458:4 = scf.for %scan3A_969 = %scan3A_454 to %scan3A_456 step %scan3A_457 iter_args(%scan3A_970 = %broadcast_in_dim3A_447, %scan3A_971 = %broadcast_in_dim3A_449, %scan3A_972 = %broadcast_in_dim3A_451, %scan3A_973 = %broadcast_in_dim3A_453) -> (vector<16xf32>, vector<16xf32>, vector<16xf32>, vector<16xf32>)  : i32 {
        %mul3A_974 = arith.constant 5 : i32
        %mul3A_975 = arith.muli %scan3A_969, %mul3A_974 : i32
        %add3A_976 = arith.constant 0 : i32
        %add3A_977 = arith.addi %add3A_976, %mul3A_975 : i32
        %add3A_978 = arith.constant 0 : i32
        %add3A_979 = arith.addi %add3A_977, %add3A_978 : i32
        %get3A = arith.constant 3 : i32
        %get3A_980 = arith.index_cast %get3A : i32 to index
        %get3A_981 = arith.index_cast %add3A_979 : i32 to index
        %get3A_982 = arith.constant 0 : index
        %get3A_983 = tpu.vector_load %arg6[%get3A_980, %get3A_981, %get3A_982] {strides = array<i32>} : memref<8x100x32xi32, #tpu.memory_space<vmem>>, vector<16xi32>,
        %get3A_984 = arith.constant 3 : i32
        %get3A_985 = arith.index_cast %get3A_984 : i32 to index
        %get3A_986 = arith.index_cast %add3A_979 : i32 to index
        %get3A_987 = arith.constant 16 : index
        %get3A_988 = tpu.vector_load %arg6[%get3A_985, %get3A_986, %get3A_987] {strides = array<i32>} : memref<8x100x32xi32, #tpu.memory_space<vmem>>, vector<16xi32>,
        %shift_left3A = arith.constant 16 : i32
        %shift_left3A_989 = vector.broadcast %shift_left3A : i32 to vector<16xi32>
        %shift_left3A_990 = arith.shli %get3A_983, %shift_left3A_989 : vector<16xi32>
        %bitcast3A = vector.bitcast %shift_left3A_990 : vector<16xi32> to vector<16xf32>
        %add3A_991 = arith.addf %scan3A_970, %bitcast3A : vector<16xf32>
        %and3A = arith.andi %get3A_983, %broadcast_in_dim3A_98 : vector<16xi32>
        %bitcast3A_992 = vector.bitcast %and3A : vector<16xi32> to vector<16xf32>
        %add3A_993 = arith.addf %scan3A_972, %bitcast3A_992 : vector<16xf32>
        %shift_left3A_994 = arith.constant 16 : i32
        %shift_left3A_995 = vector.broadcast %shift_left3A_994 : i32 to vector<16xi32>
        %shift_left3A_996 = arith.shli %get3A_988, %shift_left3A_995 : vector<16xi32>
        %bitcast3A_997 = vector.bitcast %shift_left3A_996 : vector<16xi32> to vector<16xf32>
        %add3A_998 = arith.addf %scan3A_971, %bitcast3A_997 : vector<16xf32>
        %and3A_999 = arith.andi %get3A_988, %broadcast_in_dim3A_98 : vector<16xi32>
        %bitcast3A_1000 = vector.bitcast %and3A_999 : vector<16xi32> to vector<16xf32>
        %add3A_1001 = arith.addf %scan3A_973, %bitcast3A_1000 : vector<16xf32>
        %mul3A_1002 = arith.constant 5 : i32
        %mul3A_1003 = arith.muli %scan3A_969, %mul3A_1002 : i32
        %add3A_1004 = arith.constant 0 : i32
        %add3A_1005 = arith.addi %add3A_1004, %mul3A_1003 : i32
        %add3A_1006 = arith.constant 1 : i32
        %add3A_1007 = arith.addi %add3A_1005, %add3A_1006 : i32
        %get3A_1008 = arith.constant 3 : i32
        %get3A_1009 = arith.index_cast %get3A_1008 : i32 to index
        %get3A_1010 = arith.index_cast %add3A_1007 : i32 to index
        %get3A_1011 = arith.constant 0 : index
        %get3A_1012 = tpu.vector_load %arg6[%get3A_1009, %get3A_1010, %get3A_1011] {strides = array<i32>} : memref<8x100x32xi32, #tpu.memory_space<vmem>>, vector<16xi32>,
        %get3A_1013 = arith.constant 3 : i32
        %get3A_1014 = arith.index_cast %get3A_1013 : i32 to index
        %get3A_1015 = arith.index_cast %add3A_1007 : i32 to index
        %get3A_1016 = arith.constant 16 : index
        %get3A_1017 = tpu.vector_load %arg6[%get3A_1014, %get3A_1015, %get3A_1016] {strides = array<i32>} : memref<8x100x32xi32, #tpu.memory_space<vmem>>, vector<16xi32>,
        %shift_left3A_1018 = arith.constant 16 : i32
        %shift_left3A_1019 = vector.broadcast %shift_left3A_1018 : i32 to vector<16xi32>
        %shift_left3A_1020 = arith.shli %get3A_1012, %shift_left3A_1019 : vector<16xi32>
        %bitcast3A_1021 = vector.bitcast %shift_left3A_1020 : vector<16xi32> to vector<16xf32>
        %add3A_1022 = arith.addf %add3A_991, %bitcast3A_1021 : vector<16xf32>
        %and3A_1023 = arith.andi %get3A_1012, %broadcast_in_dim3A_98 : vector<16xi32>
        %bitcast3A_1024 = vector.bitcast %and3A_1023 : vector<16xi32> to vector<16xf32>
        %add3A_1025 = arith.addf %add3A_993, %bitcast3A_1024 : vector<16xf32>
        %shift_left3A_1026 = arith.constant 16 : i32
        %shift_left3A_1027 = vector.broadcast %shift_left3A_1026 : i32 to vector<16xi32>
        %shift_left3A_1028 = arith.shli %get3A_1017, %shift_left3A_1027 : vector<16xi32>
        %bitcast3A_1029 = vector.bitcast %shift_left3A_1028 : vector<16xi32> to vector<16xf32>
        %add3A_1030 = arith.addf %add3A_998, %bitcast3A_1029 : vector<16xf32>
        %and3A_1031 = arith.andi %get3A_1017, %broadcast_in_dim3A_98 : vector<16xi32>
        %bitcast3A_1032 = vector.bitcast %and3A_1031 : vector<16xi32> to vector<16xf32>
        %add3A_1033 = arith.addf %add3A_1001, %bitcast3A_1032 : vector<16xf32>
        %mul3A_1034 = arith.constant 5 : i32
        %mul3A_1035 = arith.muli %scan3A_969, %mul3A_1034 : i32
        %add3A_1036 = arith.constant 0 : i32
        %add3A_1037 = arith.addi %add3A_1036, %mul3A_1035 : i32
        %add3A_1038 = arith.constant 2 : i32
        %add3A_1039 = arith.addi %add3A_1037, %add3A_1038 : i32
        %get3A_1040 = arith.constant 3 : i32
        %get3A_1041 = arith.index_cast %get3A_1040 : i32 to index
        %get3A_1042 = arith.index_cast %add3A_1039 : i32 to index
        %get3A_1043 = arith.constant 0 : index
        %get3A_1044 = tpu.vector_load %arg6[%get3A_1041, %get3A_1042, %get3A_1043] {strides = array<i32>} : memref<8x100x32xi32, #tpu.memory_space<vmem>>, vector<16xi32>,
        %get3A_1045 = arith.constant 3 : i32
        %get3A_1046 = arith.index_cast %get3A_1045 : i32 to index
        %get3A_1047 = arith.index_cast %add3A_1039 : i32 to index
        %get3A_1048 = arith.constant 16 : index
        %get3A_1049 = tpu.vector_load %arg6[%get3A_1046, %get3A_1047, %get3A_1048] {strides = array<i32>} : memref<8x100x32xi32, #tpu.memory_space<vmem>>, vector<16xi32>,
        %shift_left3A_1050 = arith.constant 16 : i32
        %shift_left3A_1051 = vector.broadcast %shift_left3A_1050 : i32 to vector<16xi32>
        %shift_left3A_1052 = arith.shli %get3A_1044, %shift_left3A_1051 : vector<16xi32>
        %bitcast3A_1053 = vector.bitcast %shift_left3A_1052 : vector<16xi32> to vector<16xf32>
        %add3A_1054 = arith.addf %add3A_1022, %bitcast3A_1053 : vector<16xf32>
        %and3A_1055 = arith.andi %get3A_1044, %broadcast_in_dim3A_98 : vector<16xi32>
        %bitcast3A_1056 = vector.bitcast %and3A_1055 : vector<16xi32> to vector<16xf32>
        %add3A_1057 = arith.addf %add3A_1025, %bitcast3A_1056 : vector<16xf32>
        %shift_left3A_1058 = arith.constant 16 : i32
        %shift_left3A_1059 = vector.broadcast %shift_left3A_1058 : i32 to vector<16xi32>
        %shift_left3A_1060 = arith.shli %get3A_1049, %shift_left3A_1059 : vector<16xi32>
        %bitcast3A_1061 = vector.bitcast %shift_left3A_1060 : vector<16xi32> to vector<16xf32>
        %add3A_1062 = arith.addf %add3A_1030, %bitcast3A_1061 : vector<16xf32>
        %and3A_1063 = arith.andi %get3A_1049, %broadcast_in_dim3A_98 : vector<16xi32>
        %bitcast3A_1064 = vector.bitcast %and3A_1063 : vector<16xi32> to vector<16xf32>
        %add3A_1065 = arith.addf %add3A_1033, %bitcast3A_1064 : vector<16xf32>
        %mul3A_1066 = arith.constant 5 : i32
        %mul3A_1067 = arith.muli %scan3A_969, %mul3A_1066 : i32
        %add3A_1068 = arith.constant 0 : i32
        %add3A_1069 = arith.addi %add3A_1068, %mul3A_1067 : i32
        %add3A_1070 = arith.constant 3 : i32
        %add3A_1071 = arith.addi %add3A_1069, %add3A_1070 : i32
        %get3A_1072 = arith.constant 3 : i32
        %get3A_1073 = arith.index_cast %get3A_1072 : i32 to index
        %get3A_1074 = arith.index_cast %add3A_1071 : i32 to index
        %get3A_1075 = arith.constant 0 : index
        %get3A_1076 = tpu.vector_load %arg6[%get3A_1073, %get3A_1074, %get3A_1075] {strides = array<i32>} : memref<8x100x32xi32, #tpu.memory_space<vmem>>, vector<16xi32>,
        %get3A_1077 = arith.constant 3 : i32
        %get3A_1078 = arith.index_cast %get3A_1077 : i32 to index
        %get3A_1079 = arith.index_cast %add3A_1071 : i32 to index
        %get3A_1080 = arith.constant 16 : index
        %get3A_1081 = tpu.vector_load %arg6[%get3A_1078, %get3A_1079, %get3A_1080] {strides = array<i32>} : memref<8x100x32xi32, #tpu.memory_space<vmem>>, vector<16xi32>,
        %shift_left3A_1082 = arith.constant 16 : i32
        %shift_left3A_1083 = vector.broadcast %shift_left3A_1082 : i32 to vector<16xi32>
        %shift_left3A_1084 = arith.shli %get3A_1076, %shift_left3A_1083 : vector<16xi32>
        %bitcast3A_1085 = vector.bitcast %shift_left3A_1084 : vector<16xi32> to vector<16xf32>
        %add3A_1086 = arith.addf %add3A_1054, %bitcast3A_1085 : vector<16xf32>
        %and3A_1087 = arith.andi %get3A_1076, %broadcast_in_dim3A_98 : vector<16xi32>
        %bitcast3A_1088 = vector.bitcast %and3A_1087 : vector<16xi32> to vector<16xf32>
        %add3A_1089 = arith.addf %add3A_1057, %bitcast3A_1088 : vector<16xf32>
        %shift_left3A_1090 = arith.constant 16 : i32
        %shift_left3A_1091 = vector.broadcast %shift_left3A_1090 : i32 to vector<16xi32>
        %shift_left3A_1092 = arith.shli %get3A_1081, %shift_left3A_1091 : vector<16xi32>
        %bitcast3A_1093 = vector.bitcast %shift_left3A_1092 : vector<16xi32> to vector<16xf32>
        %add3A_1094 = arith.addf %add3A_1062, %bitcast3A_1093 : vector<16xf32>
        %and3A_1095 = arith.andi %get3A_1081, %broadcast_in_dim3A_98 : vector<16xi32>
        %bitcast3A_1096 = vector.bitcast %and3A_1095 : vector<16xi32> to vector<16xf32>
        %add3A_1097 = arith.addf %add3A_1065, %bitcast3A_1096 : vector<16xf32>
        %mul3A_1098 = arith.constant 5 : i32
        %mul3A_1099 = arith.muli %scan3A_969, %mul3A_1098 : i32
        %add3A_1100 = arith.constant 0 : i32
        %add3A_1101 = arith.addi %add3A_1100, %mul3A_1099 : i32
        %add3A_1102 = arith.constant 4 : i32
        %add3A_1103 = arith.addi %add3A_1101, %add3A_1102 : i32
        %get3A_1104 = arith.constant 3 : i32
        %get3A_1105 = arith.index_cast %get3A_1104 : i32 to index
        %get3A_1106 = arith.index_cast %add3A_1103 : i32 to index
        %get3A_1107 = arith.constant 0 : index
        %get3A_1108 = tpu.vector_load %arg6[%get3A_1105, %get3A_1106, %get3A_1107] {strides = array<i32>} : memref<8x100x32xi32, #tpu.memory_space<vmem>>, vector<16xi32>,
        %get3A_1109 = arith.constant 3 : i32
        %get3A_1110 = arith.index_cast %get3A_1109 : i32 to index
        %get3A_1111 = arith.index_cast %add3A_1103 : i32 to index
        %get3A_1112 = arith.constant 16 : index
        %get3A_1113 = tpu.vector_load %arg6[%get3A_1110, %get3A_1111, %get3A_1112] {strides = array<i32>} : memref<8x100x32xi32, #tpu.memory_space<vmem>>, vector<16xi32>,
        %shift_left3A_1114 = arith.constant 16 : i32
        %shift_left3A_1115 = vector.broadcast %shift_left3A_1114 : i32 to vector<16xi32>
        %shift_left3A_1116 = arith.shli %get3A_1108, %shift_left3A_1115 : vector<16xi32>
        %bitcast3A_1117 = vector.bitcast %shift_left3A_1116 : vector<16xi32> to vector<16xf32>
        %add3A_1118 = arith.addf %add3A_1086, %bitcast3A_1117 : vector<16xf32>
        %and3A_1119 = arith.andi %get3A_1108, %broadcast_in_dim3A_98 : vector<16xi32>
        %bitcast3A_1120 = vector.bitcast %and3A_1119 : vector<16xi32> to vector<16xf32>
        %add3A_1121 = arith.addf %add3A_1089, %bitcast3A_1120 : vector<16xf32>
        %shift_left3A_1122 = arith.constant 16 : i32
        %shift_left3A_1123 = vector.broadcast %shift_left3A_1122 : i32 to vector<16xi32>
        %shift_left3A_1124 = arith.shli %get3A_1113, %shift_left3A_1123 : vector<16xi32>
        %bitcast3A_1125 = vector.bitcast %shift_left3A_1124 : vector<16xi32> to vector<16xf32>
        %add3A_1126 = arith.addf %add3A_1094, %bitcast3A_1125 : vector<16xf32>
        %and3A_1127 = arith.andi %get3A_1113, %broadcast_in_dim3A_98 : vector<16xi32>
        %bitcast3A_1128 = vector.bitcast %and3A_1127 : vector<16xi32> to vector<16xf32>
        %add3A_1129 = arith.addf %add3A_1097, %bitcast3A_1128 : vector<16xf32>
        scf.yield %add3A_1118, %add3A_1126, %add3A_1121, %add3A_1129 : vector<16xf32>, vector<16xf32>, vector<16xf32>, vector<16xf32>
      }
      %scan3A_459 = arith.constant 10 : i32
      %mul3A_460 = arith.constant 2 : i32
      %mul3A_461 = arith.muli %add3A_430, %mul3A_460 : i32
      %add3A_462 = arith.constant 0 : i32
      %add3A_463 = arith.addi %mul3A_461, %add3A_462 : i32
      %swap3A_464 = arith.index_cast %add3A_463 : i32 to index
      %swap3A_465 = arith.constant 0 : index
      %swap3A_466 = tpu.vector_load %arg7[%swap3A_464, %swap3A_465] {strides = array<i32>} : memref<512x64xf32, #tpu.memory_space<vmem>>, vector<16xf32>,
      tpu.vector_store %arg7[%swap3A_464, %swap3A_465], %scan3A_458#0 {strides = array<i32>} : memref<512x64xf32, #tpu.memory_space<vmem>>, vector<16xf32>,
      %mul3A_467 = arith.constant 2 : i32
      %mul3A_468 = arith.muli %add3A_430, %mul3A_467 : i32
      %add3A_469 = arith.constant 0 : i32
      %add3A_470 = arith.addi %mul3A_468, %add3A_469 : i32
      %swap3A_471 = arith.index_cast %add3A_470 : i32 to index
      %swap3A_472 = arith.constant 16 : index
      %swap3A_473 = tpu.vector_load %arg7[%swap3A_471, %swap3A_472] {strides = array<i32>} : memref<512x64xf32, #tpu.memory_space<vmem>>, vector<16xf32>,
      tpu.vector_store %arg7[%swap3A_471, %swap3A_472], %scan3A_458#1 {strides = array<i32>} : memref<512x64xf32, #tpu.memory_space<vmem>>, vector<16xf32>,
      %mul3A_474 = arith.constant 2 : i32
      %mul3A_475 = arith.muli %add3A_430, %mul3A_474 : i32
      %add3A_476 = arith.constant 0 : i32
      %add3A_477 = arith.addi %mul3A_475, %add3A_476 : i32
      %swap3A_478 = arith.index_cast %add3A_477 : i32 to index
      %swap3A_479 = arith.constant 32 : index
      %swap3A_480 = tpu.vector_load %arg7[%swap3A_478, %swap3A_479] {strides = array<i32>} : memref<512x64xf32, #tpu.memory_space<vmem>>, vector<16xf32>,
      tpu.vector_store %arg7[%swap3A_478, %swap3A_479], %scan3A_458#2 {strides = array<i32>} : memref<512x64xf32, #tpu.memory_space<vmem>>, vector<16xf32>,
      %mul3A_481 = arith.constant 2 : i32
      %mul3A_482 = arith.muli %add3A_430, %mul3A_481 : i32
      %add3A_483 = arith.constant 0 : i32
      %add3A_484 = arith.addi %mul3A_482, %add3A_483 : i32
      %swap3A_485 = arith.index_cast %add3A_484 : i32 to index
      %swap3A_486 = arith.constant 48 : index
      %swap3A_487 = tpu.vector_load %arg7[%swap3A_485, %swap3A_486] {strides = array<i32>} : memref<512x64xf32, #tpu.memory_space<vmem>>, vector<16xf32>,
      tpu.vector_store %arg7[%swap3A_485, %swap3A_486], %scan3A_458#3 {strides = array<i32>} : memref<512x64xf32, #tpu.memory_space<vmem>>, vector<16xf32>,
      %broadcast_in_dim3A_488 = arith.constant 0.000000e+00 : f32
      %broadcast_in_dim3A_489 = vector.broadcast %broadcast_in_dim3A_488 : f32 to vector<16xf32>
      %broadcast_in_dim3A_490 = arith.constant 0.000000e+00 : f32
      %broadcast_in_dim3A_491 = vector.broadcast %broadcast_in_dim3A_490 : f32 to vector<16xf32>
      %broadcast_in_dim3A_492 = arith.constant 0.000000e+00 : f32
      %broadcast_in_dim3A_493 = vector.broadcast %broadcast_in_dim3A_492 : f32 to vector<16xf32>
      %broadcast_in_dim3A_494 = arith.constant 0.000000e+00 : f32
      %broadcast_in_dim3A_495 = vector.broadcast %broadcast_in_dim3A_494 : f32 to vector<16xf32>
      %scan3A_496 = arith.constant 0 : i32
      %scan3A_497 = arith.constant 10 : i32
      %scan3A_498 = arith.addi %scan3A_496, %scan3A_497 : i32
      %scan3A_499 = arith.constant 1 : i32
      %scan3A_500:4 = scf.for %scan3A_969 = %scan3A_496 to %scan3A_498 step %scan3A_499 iter_args(%scan3A_970 = %broadcast_in_dim3A_489, %scan3A_971 = %broadcast_in_dim3A_491, %scan3A_972 = %broadcast_in_dim3A_493, %scan3A_973 = %broadcast_in_dim3A_495) -> (vector<16xf32>, vector<16xf32>, vector<16xf32>, vector<16xf32>)  : i32 {
        %mul3A_974 = arith.constant 5 : i32
        %mul3A_975 = arith.muli %scan3A_969, %mul3A_974 : i32
        %add3A_976 = arith.constant 50 : i32
        %add3A_977 = arith.addi %add3A_976, %mul3A_975 : i32
        %add3A_978 = arith.constant 0 : i32
        %add3A_979 = arith.addi %add3A_977, %add3A_978 : i32
        %get3A = arith.constant 3 : i32
        %get3A_980 = arith.index_cast %get3A : i32 to index
        %get3A_981 = arith.index_cast %add3A_979 : i32 to index
        %get3A_982 = arith.constant 0 : index
        %get3A_983 = tpu.vector_load %arg6[%get3A_980, %get3A_981, %get3A_982] {strides = array<i32>} : memref<8x100x32xi32, #tpu.memory_space<vmem>>, vector<16xi32>,
        %get3A_984 = arith.constant 3 : i32
        %get3A_985 = arith.index_cast %get3A_984 : i32 to index
        %get3A_986 = arith.index_cast %add3A_979 : i32 to index
        %get3A_987 = arith.constant 16 : index
        %get3A_988 = tpu.vector_load %arg6[%get3A_985, %get3A_986, %get3A_987] {strides = array<i32>} : memref<8x100x32xi32, #tpu.memory_space<vmem>>, vector<16xi32>,
        %shift_left3A = arith.constant 16 : i32
        %shift_left3A_989 = vector.broadcast %shift_left3A : i32 to vector<16xi32>
        %shift_left3A_990 = arith.shli %get3A_983, %shift_left3A_989 : vector<16xi32>
        %bitcast3A = vector.bitcast %shift_left3A_990 : vector<16xi32> to vector<16xf32>
        %add3A_991 = arith.addf %scan3A_970, %bitcast3A : vector<16xf32>
        %and3A = arith.andi %get3A_983, %broadcast_in_dim3A_98 : vector<16xi32>
        %bitcast3A_992 = vector.bitcast %and3A : vector<16xi32> to vector<16xf32>
        %add3A_993 = arith.addf %scan3A_972, %bitcast3A_992 : vector<16xf32>
        %shift_left3A_994 = arith.constant 16 : i32
        %shift_left3A_995 = vector.broadcast %shift_left3A_994 : i32 to vector<16xi32>
        %shift_left3A_996 = arith.shli %get3A_988, %shift_left3A_995 : vector<16xi32>
        %bitcast3A_997 = vector.bitcast %shift_left3A_996 : vector<16xi32> to vector<16xf32>
        %add3A_998 = arith.addf %scan3A_971, %bitcast3A_997 : vector<16xf32>
        %and3A_999 = arith.andi %get3A_988, %broadcast_in_dim3A_98 : vector<16xi32>
        %bitcast3A_1000 = vector.bitcast %and3A_999 : vector<16xi32> to vector<16xf32>
        %add3A_1001 = arith.addf %scan3A_973, %bitcast3A_1000 : vector<16xf32>
        %mul3A_1002 = arith.constant 5 : i32
        %mul3A_1003 = arith.muli %scan3A_969, %mul3A_1002 : i32
        %add3A_1004 = arith.constant 50 : i32
        %add3A_1005 = arith.addi %add3A_1004, %mul3A_1003 : i32
        %add3A_1006 = arith.constant 1 : i32
        %add3A_1007 = arith.addi %add3A_1005, %add3A_1006 : i32
        %get3A_1008 = arith.constant 3 : i32
        %get3A_1009 = arith.index_cast %get3A_1008 : i32 to index
        %get3A_1010 = arith.index_cast %add3A_1007 : i32 to index
        %get3A_1011 = arith.constant 0 : index
        %get3A_1012 = tpu.vector_load %arg6[%get3A_1009, %get3A_1010, %get3A_1011] {strides = array<i32>} : memref<8x100x32xi32, #tpu.memory_space<vmem>>, vector<16xi32>,
        %get3A_1013 = arith.constant 3 : i32
        %get3A_1014 = arith.index_cast %get3A_1013 : i32 to index
        %get3A_1015 = arith.index_cast %add3A_1007 : i32 to index
        %get3A_1016 = arith.constant 16 : index
        %get3A_1017 = tpu.vector_load %arg6[%get3A_1014, %get3A_1015, %get3A_1016] {strides = array<i32>} : memref<8x100x32xi32, #tpu.memory_space<vmem>>, vector<16xi32>,
        %shift_left3A_1018 = arith.constant 16 : i32
        %shift_left3A_1019 = vector.broadcast %shift_left3A_1018 : i32 to vector<16xi32>
        %shift_left3A_1020 = arith.shli %get3A_1012, %shift_left3A_1019 : vector<16xi32>
        %bitcast3A_1021 = vector.bitcast %shift_left3A_1020 : vector<16xi32> to vector<16xf32>
        %add3A_1022 = arith.addf %add3A_991, %bitcast3A_1021 : vector<16xf32>
        %and3A_1023 = arith.andi %get3A_1012, %broadcast_in_dim3A_98 : vector<16xi32>
        %bitcast3A_1024 = vector.bitcast %and3A_1023 : vector<16xi32> to vector<16xf32>
        %add3A_1025 = arith.addf %add3A_993, %bitcast3A_1024 : vector<16xf32>
        %shift_left3A_1026 = arith.constant 16 : i32
        %shift_left3A_1027 = vector.broadcast %shift_left3A_1026 : i32 to vector<16xi32>
        %shift_left3A_1028 = arith.shli %get3A_1017, %shift_left3A_1027 : vector<16xi32>
        %bitcast3A_1029 = vector.bitcast %shift_left3A_1028 : vector<16xi32> to vector<16xf32>
        %add3A_1030 = arith.addf %add3A_998, %bitcast3A_1029 : vector<16xf32>
        %and3A_1031 = arith.andi %get3A_1017, %broadcast_in_dim3A_98 : vector<16xi32>
        %bitcast3A_1032 = vector.bitcast %and3A_1031 : vector<16xi32> to vector<16xf32>
        %add3A_1033 = arith.addf %add3A_1001, %bitcast3A_1032 : vector<16xf32>
        %mul3A_1034 = arith.constant 5 : i32
        %mul3A_1035 = arith.muli %scan3A_969, %mul3A_1034 : i32
        %add3A_1036 = arith.constant 50 : i32
        %add3A_1037 = arith.addi %add3A_1036, %mul3A_1035 : i32
        %add3A_1038 = arith.constant 2 : i32
        %add3A_1039 = arith.addi %add3A_1037, %add3A_1038 : i32
        %get3A_1040 = arith.constant 3 : i32
        %get3A_1041 = arith.index_cast %get3A_1040 : i32 to index
        %get3A_1042 = arith.index_cast %add3A_1039 : i32 to index
        %get3A_1043 = arith.constant 0 : index
        %get3A_1044 = tpu.vector_load %arg6[%get3A_1041, %get3A_1042, %get3A_1043] {strides = array<i32>} : memref<8x100x32xi32, #tpu.memory_space<vmem>>, vector<16xi32>,
        %get3A_1045 = arith.constant 3 : i32
        %get3A_1046 = arith.index_cast %get3A_1045 : i32 to index
        %get3A_1047 = arith.index_cast %add3A_1039 : i32 to index
        %get3A_1048 = arith.constant 16 : index
        %get3A_1049 = tpu.vector_load %arg6[%get3A_1046, %get3A_1047, %get3A_1048] {strides = array<i32>} : memref<8x100x32xi32, #tpu.memory_space<vmem>>, vector<16xi32>,
        %shift_left3A_1050 = arith.constant 16 : i32
        %shift_left3A_1051 = vector.broadcast %shift_left3A_1050 : i32 to vector<16xi32>
        %shift_left3A_1052 = arith.shli %get3A_1044, %shift_left3A_1051 : vector<16xi32>
        %bitcast3A_1053 = vector.bitcast %shift_left3A_1052 : vector<16xi32> to vector<16xf32>
        %add3A_1054 = arith.addf %add3A_1022, %bitcast3A_1053 : vector<16xf32>
        %and3A_1055 = arith.andi %get3A_1044, %broadcast_in_dim3A_98 : vector<16xi32>
        %bitcast3A_1056 = vector.bitcast %and3A_1055 : vector<16xi32> to vector<16xf32>
        %add3A_1057 = arith.addf %add3A_1025, %bitcast3A_1056 : vector<16xf32>
        %shift_left3A_1058 = arith.constant 16 : i32
        %shift_left3A_1059 = vector.broadcast %shift_left3A_1058 : i32 to vector<16xi32>
        %shift_left3A_1060 = arith.shli %get3A_1049, %shift_left3A_1059 : vector<16xi32>
        %bitcast3A_1061 = vector.bitcast %shift_left3A_1060 : vector<16xi32> to vector<16xf32>
        %add3A_1062 = arith.addf %add3A_1030, %bitcast3A_1061 : vector<16xf32>
        %and3A_1063 = arith.andi %get3A_1049, %broadcast_in_dim3A_98 : vector<16xi32>
        %bitcast3A_1064 = vector.bitcast %and3A_1063 : vector<16xi32> to vector<16xf32>
        %add3A_1065 = arith.addf %add3A_1033, %bitcast3A_1064 : vector<16xf32>
        %mul3A_1066 = arith.constant 5 : i32
        %mul3A_1067 = arith.muli %scan3A_969, %mul3A_1066 : i32
        %add3A_1068 = arith.constant 50 : i32
        %add3A_1069 = arith.addi %add3A_1068, %mul3A_1067 : i32
        %add3A_1070 = arith.constant 3 : i32
        %add3A_1071 = arith.addi %add3A_1069, %add3A_1070 : i32
        %get3A_1072 = arith.constant 3 : i32
        %get3A_1073 = arith.index_cast %get3A_1072 : i32 to index
        %get3A_1074 = arith.index_cast %add3A_1071 : i32 to index
        %get3A_1075 = arith.constant 0 : index
        %get3A_1076 = tpu.vector_load %arg6[%get3A_1073, %get3A_1074, %get3A_1075] {strides = array<i32>} : memref<8x100x32xi32, #tpu.memory_space<vmem>>, vector<16xi32>,
        %get3A_1077 = arith.constant 3 : i32
        %get3A_1078 = arith.index_cast %get3A_1077 : i32 to index
        %get3A_1079 = arith.index_cast %add3A_1071 : i32 to index
        %get3A_1080 = arith.constant 16 : index
        %get3A_1081 = tpu.vector_load %arg6[%get3A_1078, %get3A_1079, %get3A_1080] {strides = array<i32>} : memref<8x100x32xi32, #tpu.memory_space<vmem>>, vector<16xi32>,
        %shift_left3A_1082 = arith.constant 16 : i32
        %shift_left3A_1083 = vector.broadcast %shift_left3A_1082 : i32 to vector<16xi32>
        %shift_left3A_1084 = arith.shli %get3A_1076, %shift_left3A_1083 : vector<16xi32>
        %bitcast3A_1085 = vector.bitcast %shift_left3A_1084 : vector<16xi32> to vector<16xf32>
        %add3A_1086 = arith.addf %add3A_1054, %bitcast3A_1085 : vector<16xf32>
        %and3A_1087 = arith.andi %get3A_1076, %broadcast_in_dim3A_98 : vector<16xi32>
        %bitcast3A_1088 = vector.bitcast %and3A_1087 : vector<16xi32> to vector<16xf32>
        %add3A_1089 = arith.addf %add3A_1057, %bitcast3A_1088 : vector<16xf32>
        %shift_left3A_1090 = arith.constant 16 : i32
        %shift_left3A_1091 = vector.broadcast %shift_left3A_1090 : i32 to vector<16xi32>
        %shift_left3A_1092 = arith.shli %get3A_1081, %shift_left3A_1091 : vector<16xi32>
        %bitcast3A_1093 = vector.bitcast %shift_left3A_1092 : vector<16xi32> to vector<16xf32>
        %add3A_1094 = arith.addf %add3A_1062, %bitcast3A_1093 : vector<16xf32>
        %and3A_1095 = arith.andi %get3A_1081, %broadcast_in_dim3A_98 : vector<16xi32>
        %bitcast3A_1096 = vector.bitcast %and3A_1095 : vector<16xi32> to vector<16xf32>
        %add3A_1097 = arith.addf %add3A_1065, %bitcast3A_1096 : vector<16xf32>
        %mul3A_1098 = arith.constant 5 : i32
        %mul3A_1099 = arith.muli %scan3A_969, %mul3A_1098 : i32
        %add3A_1100 = arith.constant 50 : i32
        %add3A_1101 = arith.addi %add3A_1100, %mul3A_1099 : i32
        %add3A_1102 = arith.constant 4 : i32
        %add3A_1103 = arith.addi %add3A_1101, %add3A_1102 : i32
        %get3A_1104 = arith.constant 3 : i32
        %get3A_1105 = arith.index_cast %get3A_1104 : i32 to index
        %get3A_1106 = arith.index_cast %add3A_1103 : i32 to index
        %get3A_1107 = arith.constant 0 : index
        %get3A_1108 = tpu.vector_load %arg6[%get3A_1105, %get3A_1106, %get3A_1107] {strides = array<i32>} : memref<8x100x32xi32, #tpu.memory_space<vmem>>, vector<16xi32>,
        %get3A_1109 = arith.constant 3 : i32
        %get3A_1110 = arith.index_cast %get3A_1109 : i32 to index
        %get3A_1111 = arith.index_cast %add3A_1103 : i32 to index
        %get3A_1112 = arith.constant 16 : index
        %get3A_1113 = tpu.vector_load %arg6[%get3A_1110, %get3A_1111, %get3A_1112] {strides = array<i32>} : memref<8x100x32xi32, #tpu.memory_space<vmem>>, vector<16xi32>,
        %shift_left3A_1114 = arith.constant 16 : i32
        %shift_left3A_1115 = vector.broadcast %shift_left3A_1114 : i32 to vector<16xi32>
        %shift_left3A_1116 = arith.shli %get3A_1108, %shift_left3A_1115 : vector<16xi32>
        %bitcast3A_1117 = vector.bitcast %shift_left3A_1116 : vector<16xi32> to vector<16xf32>
        %add3A_1118 = arith.addf %add3A_1086, %bitcast3A_1117 : vector<16xf32>
        %and3A_1119 = arith.andi %get3A_1108, %broadcast_in_dim3A_98 : vector<16xi32>
        %bitcast3A_1120 = vector.bitcast %and3A_1119 : vector<16xi32> to vector<16xf32>
        %add3A_1121 = arith.addf %add3A_1089, %bitcast3A_1120 : vector<16xf32>
        %shift_left3A_1122 = arith.constant 16 : i32
        %shift_left3A_1123 = vector.broadcast %shift_left3A_1122 : i32 to vector<16xi32>
        %shift_left3A_1124 = arith.shli %get3A_1113, %shift_left3A_1123 : vector<16xi32>
        %bitcast3A_1125 = vector.bitcast %shift_left3A_1124 : vector<16xi32> to vector<16xf32>
        %add3A_1126 = arith.addf %add3A_1094, %bitcast3A_1125 : vector<16xf32>
        %and3A_1127 = arith.andi %get3A_1113, %broadcast_in_dim3A_98 : vector<16xi32>
        %bitcast3A_1128 = vector.bitcast %and3A_1127 : vector<16xi32> to vector<16xf32>
        %add3A_1129 = arith.addf %add3A_1097, %bitcast3A_1128 : vector<16xf32>
        scf.yield %add3A_1118, %add3A_1126, %add3A_1121, %add3A_1129 : vector<16xf32>, vector<16xf32>, vector<16xf32>, vector<16xf32>
      }
      %scan3A_501 = arith.constant 10 : i32
      %mul3A_502 = arith.constant 2 : i32
      %mul3A_503 = arith.muli %add3A_430, %mul3A_502 : i32
      %add3A_504 = arith.constant 1 : i32
      %add3A_505 = arith.addi %mul3A_503, %add3A_504 : i32
      %swap3A_506 = arith.index_cast %add3A_505 : i32 to index
      %swap3A_507 = arith.constant 0 : index
      %swap3A_508 = tpu.vector_load %arg7[%swap3A_506, %swap3A_507] {strides = array<i32>} : memref<512x64xf32, #tpu.memory_space<vmem>>, vector<16xf32>,
      tpu.vector_store %arg7[%swap3A_506, %swap3A_507], %scan3A_500#0 {strides = array<i32>} : memref<512x64xf32, #tpu.memory_space<vmem>>, vector<16xf32>,
      %mul3A_509 = arith.constant 2 : i32
      %mul3A_510 = arith.muli %add3A_430, %mul3A_509 : i32
      %add3A_511 = arith.constant 1 : i32
      %add3A_512 = arith.addi %mul3A_510, %add3A_511 : i32
      %swap3A_513 = arith.index_cast %add3A_512 : i32 to index
      %swap3A_514 = arith.constant 16 : index
      %swap3A_515 = tpu.vector_load %arg7[%swap3A_513, %swap3A_514] {strides = array<i32>} : memref<512x64xf32, #tpu.memory_space<vmem>>, vector<16xf32>,
      tpu.vector_store %arg7[%swap3A_513, %swap3A_514], %scan3A_500#1 {strides = array<i32>} : memref<512x64xf32, #tpu.memory_space<vmem>>, vector<16xf32>,
      %mul3A_516 = arith.constant 2 : i32
      %mul3A_517 = arith.muli %add3A_430, %mul3A_516 : i32
      %add3A_518 = arith.constant 1 : i32
      %add3A_519 = arith.addi %mul3A_517, %add3A_518 : i32
      %swap3A_520 = arith.index_cast %add3A_519 : i32 to index
      %swap3A_521 = arith.constant 32 : index
      %swap3A_522 = tpu.vector_load %arg7[%swap3A_520, %swap3A_521] {strides = array<i32>} : memref<512x64xf32, #tpu.memory_space<vmem>>, vector<16xf32>,
      tpu.vector_store %arg7[%swap3A_520, %swap3A_521], %scan3A_500#2 {strides = array<i32>} : memref<512x64xf32, #tpu.memory_space<vmem>>, vector<16xf32>,
      %mul3A_523 = arith.constant 2 : i32
      %mul3A_524 = arith.muli %add3A_430, %mul3A_523 : i32
      %add3A_525 = arith.constant 1 : i32
      %add3A_526 = arith.addi %mul3A_524, %add3A_525 : i32
      %swap3A_527 = arith.index_cast %add3A_526 : i32 to index
      %swap3A_528 = arith.constant 48 : index
      %swap3A_529 = tpu.vector_load %arg7[%swap3A_527, %swap3A_528] {strides = array<i32>} : memref<512x64xf32, #tpu.memory_space<vmem>>, vector<16xf32>,
      tpu.vector_store %arg7[%swap3A_527, %swap3A_528], %scan3A_500#3 {strides = array<i32>} : memref<512x64xf32, #tpu.memory_space<vmem>>, vector<16xf32>,
      %add3A_530 = arith.constant 8 : i32
      %add3A_531 = arith.addi %add3A_430, %add3A_530 : i32
      %lt3A_532 = arith.constant 256 : i32
      %lt3A_533 = arith.cmpi slt, %add3A_531, %lt3A_532 : i32
      %convert_element_type3A_534 = arith.extui %lt3A_533 : i1 to i32
      %cond3A_535 = arith.constant 0 : i32
      %cond3A_536 = arith.cmpi ne, %convert_element_type3A_534, %cond3A_535 : i32
      scf.if %cond3A_536 {
        %dma_start3A_969 = arith.constant 3 : i32
        %dma_start3A_970 = arith.constant 0 : i32
        %dma_start3A_971 = arith.constant 0 : i32
        %dma_start3A_972 = tpu.memref_slice %arg6[%dma_start3A_969, %dma_start3A_970, %dma_start3A_971] : memref<8x100x32xi32, #tpu.memory_space<vmem>> -> memref<1x100x32xi32, #tpu.memory_space<vmem>>
        %dma_start3A_973 = tpu.memref_squeeze %dma_start3A_972 : memref<1x100x32xi32, #tpu.memory_space<vmem>> -> memref<100x32xi32, #tpu.memory_space<vmem>>
        %dma_start3A_974 = arith.constant 0 : i32
        %dma_start3A_975 = tpu.memref_slice %arg5[%add3A_531, %dma_start3A_974] : memref<256x100xi32, #tpu.memory_space<vmem>> -> memref<1x100xi32, #tpu.memory_space<vmem>>
        %dma_start3A_976 = tpu.memref_squeeze %dma_start3A_975 : memref<1x100xi32, #tpu.memory_space<vmem>> -> memref<100xi32, #tpu.memory_space<vmem>>
        %dma_start3A_977 = arith.constant 0 : i32
        %dma_start3A_978 = arith.constant 0 : i32
        %dma_start3A_979 = tpu.memref_slice %arg3[%dma_start3A_977, %dma_start3A_978] : memref<1015808x32xi32, #tpu.memory_space<hbm>> -> memref<1015808x32xi32, #tpu.memory_space<hbm>>
        tpu.enqueue_indirect_dma source(%dma_start3A_979 : memref<1015808x32xi32, #tpu.memory_space<hbm>>) target(%dma_start3A_973 : memref<100x32xi32, #tpu.memory_space<vmem>>) offsets(%dma_start3A_976 : memref<100xi32, #tpu.memory_space<vmem>>) semaphore(%arg8 : memref<!tpu.dma_semaphore, #tpu.memory_space<semaphore_mem>>)
      } else {
      }
      %add3A_537 = arith.constant 4 : i32
      %add3A_538 = arith.addi %add3A_109, %add3A_537 : i32
      %dma_wait3A_539 = arith.constant 4 : i32
      %dma_wait3A_540 = arith.constant 0 : i32
      %dma_wait3A_541 = arith.constant 0 : i32
      %dma_wait3A_542 = tpu.memref_slice %arg6[%dma_wait3A_539, %dma_wait3A_540, %dma_wait3A_541] : memref<8x100x32xi32, #tpu.memory_space<vmem>> -> memref<1x100x32xi32, #tpu.memory_space<vmem>>
      %dma_wait3A_543 = tpu.memref_squeeze %dma_wait3A_542 : memref<1x100x32xi32, #tpu.memory_space<vmem>> -> memref<100x32xi32, #tpu.memory_space<vmem>>
      %dma_wait3A_544 = arith.constant 0 : i32
      %dma_wait3A_545 = arith.constant 0 : i32
      %dma_wait3A_546 = tpu.memref_slice %arg3[%dma_wait3A_544, %dma_wait3A_545] : memref<1015808x32xi32, #tpu.memory_space<hbm>> -> memref<100x32xi32, #tpu.memory_space<hbm>>
      %dma_wait3A_547 = arith.constant 0 : i32
      %dma_wait3A_548 = arith.constant 0 : i32
      %dma_wait3A_549 = tpu.memref_slice %arg6[%dma_wait3A_539, %dma_wait3A_547, %dma_wait3A_548] : memref<8x100x32xi32, #tpu.memory_space<vmem>> -> memref<1x100x32xi32, #tpu.memory_space<vmem>>
      %dma_wait3A_550 = tpu.memref_squeeze %dma_wait3A_549 : memref<1x100x32xi32, #tpu.memory_space<vmem>> -> memref<100x32xi32, #tpu.memory_space<vmem>>
      %dma_wait3A_551 = arith.constant 0 : i32
      %dma_wait3A_552 = arith.constant 0 : i32
      %dma_wait3A_553 = tpu.memref_slice %arg3[%dma_wait3A_551, %dma_wait3A_552] : memref<1015808x32xi32, #tpu.memory_space<hbm>> -> memref<100x32xi32, #tpu.memory_space<hbm>>
      tpu.wait_dma2 semaphore(%arg8 : memref<!tpu.dma_semaphore, #tpu.memory_space<semaphore_mem>>) src(%dma_wait3A_553 : memref<100x32xi32, #tpu.memory_space<hbm>>) dst(%dma_wait3A_550 : memref<100x32xi32, #tpu.memory_space<vmem>>)
      %broadcast_in_dim3A_554 = arith.constant 0.000000e+00 : f32
      %broadcast_in_dim3A_555 = vector.broadcast %broadcast_in_dim3A_554 : f32 to vector<16xf32>
      %broadcast_in_dim3A_556 = arith.constant 0.000000e+00 : f32
      %broadcast_in_dim3A_557 = vector.broadcast %broadcast_in_dim3A_556 : f32 to vector<16xf32>
      %broadcast_in_dim3A_558 = arith.constant 0.000000e+00 : f32
      %broadcast_in_dim3A_559 = vector.broadcast %broadcast_in_dim3A_558 : f32 to vector<16xf32>
      %broadcast_in_dim3A_560 = arith.constant 0.000000e+00 : f32
      %broadcast_in_dim3A_561 = vector.broadcast %broadcast_in_dim3A_560 : f32 to vector<16xf32>
      %scan3A_562 = arith.constant 0 : i32
      %scan3A_563 = arith.constant 10 : i32
      %scan3A_564 = arith.addi %scan3A_562, %scan3A_563 : i32
      %scan3A_565 = arith.constant 1 : i32
      %scan3A_566:4 = scf.for %scan3A_969 = %scan3A_562 to %scan3A_564 step %scan3A_565 iter_args(%scan3A_970 = %broadcast_in_dim3A_555, %scan3A_971 = %broadcast_in_dim3A_557, %scan3A_972 = %broadcast_in_dim3A_559, %scan3A_973 = %broadcast_in_dim3A_561) -> (vector<16xf32>, vector<16xf32>, vector<16xf32>, vector<16xf32>)  : i32 {
        %mul3A_974 = arith.constant 5 : i32
        %mul3A_975 = arith.muli %scan3A_969, %mul3A_974 : i32
        %add3A_976 = arith.constant 0 : i32
        %add3A_977 = arith.addi %add3A_976, %mul3A_975 : i32
        %add3A_978 = arith.constant 0 : i32
        %add3A_979 = arith.addi %add3A_977, %add3A_978 : i32
        %get3A = arith.constant 4 : i32
        %get3A_980 = arith.index_cast %get3A : i32 to index
        %get3A_981 = arith.index_cast %add3A_979 : i32 to index
        %get3A_982 = arith.constant 0 : index
        %get3A_983 = tpu.vector_load %arg6[%get3A_980, %get3A_981, %get3A_982] {strides = array<i32>} : memref<8x100x32xi32, #tpu.memory_space<vmem>>, vector<16xi32>,
        %get3A_984 = arith.constant 4 : i32
        %get3A_985 = arith.index_cast %get3A_984 : i32 to index
        %get3A_986 = arith.index_cast %add3A_979 : i32 to index
        %get3A_987 = arith.constant 16 : index
        %get3A_988 = tpu.vector_load %arg6[%get3A_985, %get3A_986, %get3A_987] {strides = array<i32>} : memref<8x100x32xi32, #tpu.memory_space<vmem>>, vector<16xi32>,
        %shift_left3A = arith.constant 16 : i32
        %shift_left3A_989 = vector.broadcast %shift_left3A : i32 to vector<16xi32>
        %shift_left3A_990 = arith.shli %get3A_983, %shift_left3A_989 : vector<16xi32>
        %bitcast3A = vector.bitcast %shift_left3A_990 : vector<16xi32> to vector<16xf32>
        %add3A_991 = arith.addf %scan3A_970, %bitcast3A : vector<16xf32>
        %and3A = arith.andi %get3A_983, %broadcast_in_dim3A_98 : vector<16xi32>
        %bitcast3A_992 = vector.bitcast %and3A : vector<16xi32> to vector<16xf32>
        %add3A_993 = arith.addf %scan3A_972, %bitcast3A_992 : vector<16xf32>
        %shift_left3A_994 = arith.constant 16 : i32
        %shift_left3A_995 = vector.broadcast %shift_left3A_994 : i32 to vector<16xi32>
        %shift_left3A_996 = arith.shli %get3A_988, %shift_left3A_995 : vector<16xi32>
        %bitcast3A_997 = vector.bitcast %shift_left3A_996 : vector<16xi32> to vector<16xf32>
        %add3A_998 = arith.addf %scan3A_971, %bitcast3A_997 : vector<16xf32>
        %and3A_999 = arith.andi %get3A_988, %broadcast_in_dim3A_98 : vector<16xi32>
        %bitcast3A_1000 = vector.bitcast %and3A_999 : vector<16xi32> to vector<16xf32>
        %add3A_1001 = arith.addf %scan3A_973, %bitcast3A_1000 : vector<16xf32>
        %mul3A_1002 = arith.constant 5 : i32
        %mul3A_1003 = arith.muli %scan3A_969, %mul3A_1002 : i32
        %add3A_1004 = arith.constant 0 : i32
        %add3A_1005 = arith.addi %add3A_1004, %mul3A_1003 : i32
        %add3A_1006 = arith.constant 1 : i32
        %add3A_1007 = arith.addi %add3A_1005, %add3A_1006 : i32
        %get3A_1008 = arith.constant 4 : i32
        %get3A_1009 = arith.index_cast %get3A_1008 : i32 to index
        %get3A_1010 = arith.index_cast %add3A_1007 : i32 to index
        %get3A_1011 = arith.constant 0 : index
        %get3A_1012 = tpu.vector_load %arg6[%get3A_1009, %get3A_1010, %get3A_1011] {strides = array<i32>} : memref<8x100x32xi32, #tpu.memory_space<vmem>>, vector<16xi32>,
        %get3A_1013 = arith.constant 4 : i32
        %get3A_1014 = arith.index_cast %get3A_1013 : i32 to index
        %get3A_1015 = arith.index_cast %add3A_1007 : i32 to index
        %get3A_1016 = arith.constant 16 : index
        %get3A_1017 = tpu.vector_load %arg6[%get3A_1014, %get3A_1015, %get3A_1016] {strides = array<i32>} : memref<8x100x32xi32, #tpu.memory_space<vmem>>, vector<16xi32>,
        %shift_left3A_1018 = arith.constant 16 : i32
        %shift_left3A_1019 = vector.broadcast %shift_left3A_1018 : i32 to vector<16xi32>
        %shift_left3A_1020 = arith.shli %get3A_1012, %shift_left3A_1019 : vector<16xi32>
        %bitcast3A_1021 = vector.bitcast %shift_left3A_1020 : vector<16xi32> to vector<16xf32>
        %add3A_1022 = arith.addf %add3A_991, %bitcast3A_1021 : vector<16xf32>
        %and3A_1023 = arith.andi %get3A_1012, %broadcast_in_dim3A_98 : vector<16xi32>
        %bitcast3A_1024 = vector.bitcast %and3A_1023 : vector<16xi32> to vector<16xf32>
        %add3A_1025 = arith.addf %add3A_993, %bitcast3A_1024 : vector<16xf32>
        %shift_left3A_1026 = arith.constant 16 : i32
        %shift_left3A_1027 = vector.broadcast %shift_left3A_1026 : i32 to vector<16xi32>
        %shift_left3A_1028 = arith.shli %get3A_1017, %shift_left3A_1027 : vector<16xi32>
        %bitcast3A_1029 = vector.bitcast %shift_left3A_1028 : vector<16xi32> to vector<16xf32>
        %add3A_1030 = arith.addf %add3A_998, %bitcast3A_1029 : vector<16xf32>
        %and3A_1031 = arith.andi %get3A_1017, %broadcast_in_dim3A_98 : vector<16xi32>
        %bitcast3A_1032 = vector.bitcast %and3A_1031 : vector<16xi32> to vector<16xf32>
        %add3A_1033 = arith.addf %add3A_1001, %bitcast3A_1032 : vector<16xf32>
        %mul3A_1034 = arith.constant 5 : i32
        %mul3A_1035 = arith.muli %scan3A_969, %mul3A_1034 : i32
        %add3A_1036 = arith.constant 0 : i32
        %add3A_1037 = arith.addi %add3A_1036, %mul3A_1035 : i32
        %add3A_1038 = arith.constant 2 : i32
        %add3A_1039 = arith.addi %add3A_1037, %add3A_1038 : i32
        %get3A_1040 = arith.constant 4 : i32
        %get3A_1041 = arith.index_cast %get3A_1040 : i32 to index
        %get3A_1042 = arith.index_cast %add3A_1039 : i32 to index
        %get3A_1043 = arith.constant 0 : index
        %get3A_1044 = tpu.vector_load %arg6[%get3A_1041, %get3A_1042, %get3A_1043] {strides = array<i32>} : memref<8x100x32xi32, #tpu.memory_space<vmem>>, vector<16xi32>,
        %get3A_1045 = arith.constant 4 : i32
        %get3A_1046 = arith.index_cast %get3A_1045 : i32 to index
        %get3A_1047 = arith.index_cast %add3A_1039 : i32 to index
        %get3A_1048 = arith.constant 16 : index
        %get3A_1049 = tpu.vector_load %arg6[%get3A_1046, %get3A_1047, %get3A_1048] {strides = array<i32>} : memref<8x100x32xi32, #tpu.memory_space<vmem>>, vector<16xi32>,
        %shift_left3A_1050 = arith.constant 16 : i32
        %shift_left3A_1051 = vector.broadcast %shift_left3A_1050 : i32 to vector<16xi32>
        %shift_left3A_1052 = arith.shli %get3A_1044, %shift_left3A_1051 : vector<16xi32>
        %bitcast3A_1053 = vector.bitcast %shift_left3A_1052 : vector<16xi32> to vector<16xf32>
        %add3A_1054 = arith.addf %add3A_1022, %bitcast3A_1053 : vector<16xf32>
        %and3A_1055 = arith.andi %get3A_1044, %broadcast_in_dim3A_98 : vector<16xi32>
        %bitcast3A_1056 = vector.bitcast %and3A_1055 : vector<16xi32> to vector<16xf32>
        %add3A_1057 = arith.addf %add3A_1025, %bitcast3A_1056 : vector<16xf32>
        %shift_left3A_1058 = arith.constant 16 : i32
        %shift_left3A_1059 = vector.broadcast %shift_left3A_1058 : i32 to vector<16xi32>
        %shift_left3A_1060 = arith.shli %get3A_1049, %shift_left3A_1059 : vector<16xi32>
        %bitcast3A_1061 = vector.bitcast %shift_left3A_1060 : vector<16xi32> to vector<16xf32>
        %add3A_1062 = arith.addf %add3A_1030, %bitcast3A_1061 : vector<16xf32>
        %and3A_1063 = arith.andi %get3A_1049, %broadcast_in_dim3A_98 : vector<16xi32>
        %bitcast3A_1064 = vector.bitcast %and3A_1063 : vector<16xi32> to vector<16xf32>
        %add3A_1065 = arith.addf %add3A_1033, %bitcast3A_1064 : vector<16xf32>
        %mul3A_1066 = arith.constant 5 : i32
        %mul3A_1067 = arith.muli %scan3A_969, %mul3A_1066 : i32
        %add3A_1068 = arith.constant 0 : i32
        %add3A_1069 = arith.addi %add3A_1068, %mul3A_1067 : i32
        %add3A_1070 = arith.constant 3 : i32
        %add3A_1071 = arith.addi %add3A_1069, %add3A_1070 : i32
        %get3A_1072 = arith.constant 4 : i32
        %get3A_1073 = arith.index_cast %get3A_1072 : i32 to index
        %get3A_1074 = arith.index_cast %add3A_1071 : i32 to index
        %get3A_1075 = arith.constant 0 : index
        %get3A_1076 = tpu.vector_load %arg6[%get3A_1073, %get3A_1074, %get3A_1075] {strides = array<i32>} : memref<8x100x32xi32, #tpu.memory_space<vmem>>, vector<16xi32>,
        %get3A_1077 = arith.constant 4 : i32
        %get3A_1078 = arith.index_cast %get3A_1077 : i32 to index
        %get3A_1079 = arith.index_cast %add3A_1071 : i32 to index
        %get3A_1080 = arith.constant 16 : index
        %get3A_1081 = tpu.vector_load %arg6[%get3A_1078, %get3A_1079, %get3A_1080] {strides = array<i32>} : memref<8x100x32xi32, #tpu.memory_space<vmem>>, vector<16xi32>,
        %shift_left3A_1082 = arith.constant 16 : i32
        %shift_left3A_1083 = vector.broadcast %shift_left3A_1082 : i32 to vector<16xi32>
        %shift_left3A_1084 = arith.shli %get3A_1076, %shift_left3A_1083 : vector<16xi32>
        %bitcast3A_1085 = vector.bitcast %shift_left3A_1084 : vector<16xi32> to vector<16xf32>
        %add3A_1086 = arith.addf %add3A_1054, %bitcast3A_1085 : vector<16xf32>
        %and3A_1087 = arith.andi %get3A_1076, %broadcast_in_dim3A_98 : vector<16xi32>
        %bitcast3A_1088 = vector.bitcast %and3A_1087 : vector<16xi32> to vector<16xf32>
        %add3A_1089 = arith.addf %add3A_1057, %bitcast3A_1088 : vector<16xf32>
        %shift_left3A_1090 = arith.constant 16 : i32
        %shift_left3A_1091 = vector.broadcast %shift_left3A_1090 : i32 to vector<16xi32>
        %shift_left3A_1092 = arith.shli %get3A_1081, %shift_left3A_1091 : vector<16xi32>
        %bitcast3A_1093 = vector.bitcast %shift_left3A_1092 : vector<16xi32> to vector<16xf32>
        %add3A_1094 = arith.addf %add3A_1062, %bitcast3A_1093 : vector<16xf32>
        %and3A_1095 = arith.andi %get3A_1081, %broadcast_in_dim3A_98 : vector<16xi32>
        %bitcast3A_1096 = vector.bitcast %and3A_1095 : vector<16xi32> to vector<16xf32>
        %add3A_1097 = arith.addf %add3A_1065, %bitcast3A_1096 : vector<16xf32>
        %mul3A_1098 = arith.constant 5 : i32
        %mul3A_1099 = arith.muli %scan3A_969, %mul3A_1098 : i32
        %add3A_1100 = arith.constant 0 : i32
        %add3A_1101 = arith.addi %add3A_1100, %mul3A_1099 : i32
        %add3A_1102 = arith.constant 4 : i32
        %add3A_1103 = arith.addi %add3A_1101, %add3A_1102 : i32
        %get3A_1104 = arith.constant 4 : i32
        %get3A_1105 = arith.index_cast %get3A_1104 : i32 to index
        %get3A_1106 = arith.index_cast %add3A_1103 : i32 to index
        %get3A_1107 = arith.constant 0 : index
        %get3A_1108 = tpu.vector_load %arg6[%get3A_1105, %get3A_1106, %get3A_1107] {strides = array<i32>} : memref<8x100x32xi32, #tpu.memory_space<vmem>>, vector<16xi32>,
        %get3A_1109 = arith.constant 4 : i32
        %get3A_1110 = arith.index_cast %get3A_1109 : i32 to index
        %get3A_1111 = arith.index_cast %add3A_1103 : i32 to index
        %get3A_1112 = arith.constant 16 : index
        %get3A_1113 = tpu.vector_load %arg6[%get3A_1110, %get3A_1111, %get3A_1112] {strides = array<i32>} : memref<8x100x32xi32, #tpu.memory_space<vmem>>, vector<16xi32>,
        %shift_left3A_1114 = arith.constant 16 : i32
        %shift_left3A_1115 = vector.broadcast %shift_left3A_1114 : i32 to vector<16xi32>
        %shift_left3A_1116 = arith.shli %get3A_1108, %shift_left3A_1115 : vector<16xi32>
        %bitcast3A_1117 = vector.bitcast %shift_left3A_1116 : vector<16xi32> to vector<16xf32>
        %add3A_1118 = arith.addf %add3A_1086, %bitcast3A_1117 : vector<16xf32>
        %and3A_1119 = arith.andi %get3A_1108, %broadcast_in_dim3A_98 : vector<16xi32>
        %bitcast3A_1120 = vector.bitcast %and3A_1119 : vector<16xi32> to vector<16xf32>
        %add3A_1121 = arith.addf %add3A_1089, %bitcast3A_1120 : vector<16xf32>
        %shift_left3A_1122 = arith.constant 16 : i32
        %shift_left3A_1123 = vector.broadcast %shift_left3A_1122 : i32 to vector<16xi32>
        %shift_left3A_1124 = arith.shli %get3A_1113, %shift_left3A_1123 : vector<16xi32>
        %bitcast3A_1125 = vector.bitcast %shift_left3A_1124 : vector<16xi32> to vector<16xf32>
        %add3A_1126 = arith.addf %add3A_1094, %bitcast3A_1125 : vector<16xf32>
        %and3A_1127 = arith.andi %get3A_1113, %broadcast_in_dim3A_98 : vector<16xi32>
        %bitcast3A_1128 = vector.bitcast %and3A_1127 : vector<16xi32> to vector<16xf32>
        %add3A_1129 = arith.addf %add3A_1097, %bitcast3A_1128 : vector<16xf32>
        scf.yield %add3A_1118, %add3A_1126, %add3A_1121, %add3A_1129 : vector<16xf32>, vector<16xf32>, vector<16xf32>, vector<16xf32>
      }
      %scan3A_567 = arith.constant 10 : i32
      %mul3A_568 = arith.constant 2 : i32
      %mul3A_569 = arith.muli %add3A_538, %mul3A_568 : i32
      %add3A_570 = arith.constant 0 : i32
      %add3A_571 = arith.addi %mul3A_569, %add3A_570 : i32
      %swap3A_572 = arith.index_cast %add3A_571 : i32 to index
      %swap3A_573 = arith.constant 0 : index
      %swap3A_574 = tpu.vector_load %arg7[%swap3A_572, %swap3A_573] {strides = array<i32>} : memref<512x64xf32, #tpu.memory_space<vmem>>, vector<16xf32>,
      tpu.vector_store %arg7[%swap3A_572, %swap3A_573], %scan3A_566#0 {strides = array<i32>} : memref<512x64xf32, #tpu.memory_space<vmem>>, vector<16xf32>,
      %mul3A_575 = arith.constant 2 : i32
      %mul3A_576 = arith.muli %add3A_538, %mul3A_575 : i32
      %add3A_577 = arith.constant 0 : i32
      %add3A_578 = arith.addi %mul3A_576, %add3A_577 : i32
      %swap3A_579 = arith.index_cast %add3A_578 : i32 to index
      %swap3A_580 = arith.constant 16 : index
      %swap3A_581 = tpu.vector_load %arg7[%swap3A_579, %swap3A_580] {strides = array<i32>} : memref<512x64xf32, #tpu.memory_space<vmem>>, vector<16xf32>,
      tpu.vector_store %arg7[%swap3A_579, %swap3A_580], %scan3A_566#1 {strides = array<i32>} : memref<512x64xf32, #tpu.memory_space<vmem>>, vector<16xf32>,
      %mul3A_582 = arith.constant 2 : i32
      %mul3A_583 = arith.muli %add3A_538, %mul3A_582 : i32
      %add3A_584 = arith.constant 0 : i32
      %add3A_585 = arith.addi %mul3A_583, %add3A_584 : i32
      %swap3A_586 = arith.index_cast %add3A_585 : i32 to index
      %swap3A_587 = arith.constant 32 : index
      %swap3A_588 = tpu.vector_load %arg7[%swap3A_586, %swap3A_587] {strides = array<i32>} : memref<512x64xf32, #tpu.memory_space<vmem>>, vector<16xf32>,
      tpu.vector_store %arg7[%swap3A_586, %swap3A_587], %scan3A_566#2 {strides = array<i32>} : memref<512x64xf32, #tpu.memory_space<vmem>>, vector<16xf32>,
      %mul3A_589 = arith.constant 2 : i32
      %mul3A_590 = arith.muli %add3A_538, %mul3A_589 : i32
      %add3A_591 = arith.constant 0 : i32
      %add3A_592 = arith.addi %mul3A_590, %add3A_591 : i32
      %swap3A_593 = arith.index_cast %add3A_592 : i32 to index
      %swap3A_594 = arith.constant 48 : index
      %swap3A_595 = tpu.vector_load %arg7[%swap3A_593, %swap3A_594] {strides = array<i32>} : memref<512x64xf32, #tpu.memory_space<vmem>>, vector<16xf32>,
      tpu.vector_store %arg7[%swap3A_593, %swap3A_594], %scan3A_566#3 {strides = array<i32>} : memref<512x64xf32, #tpu.memory_space<vmem>>, vector<16xf32>,
      %broadcast_in_dim3A_596 = arith.constant 0.000000e+00 : f32
      %broadcast_in_dim3A_597 = vector.broadcast %broadcast_in_dim3A_596 : f32 to vector<16xf32>
      %broadcast_in_dim3A_598 = arith.constant 0.000000e+00 : f32
      %broadcast_in_dim3A_599 = vector.broadcast %broadcast_in_dim3A_598 : f32 to vector<16xf32>
      %broadcast_in_dim3A_600 = arith.constant 0.000000e+00 : f32
      %broadcast_in_dim3A_601 = vector.broadcast %broadcast_in_dim3A_600 : f32 to vector<16xf32>
      %broadcast_in_dim3A_602 = arith.constant 0.000000e+00 : f32
      %broadcast_in_dim3A_603 = vector.broadcast %broadcast_in_dim3A_602 : f32 to vector<16xf32>
      %scan3A_604 = arith.constant 0 : i32
      %scan3A_605 = arith.constant 10 : i32
      %scan3A_606 = arith.addi %scan3A_604, %scan3A_605 : i32
      %scan3A_607 = arith.constant 1 : i32
      %scan3A_608:4 = scf.for %scan3A_969 = %scan3A_604 to %scan3A_606 step %scan3A_607 iter_args(%scan3A_970 = %broadcast_in_dim3A_597, %scan3A_971 = %broadcast_in_dim3A_599, %scan3A_972 = %broadcast_in_dim3A_601, %scan3A_973 = %broadcast_in_dim3A_603) -> (vector<16xf32>, vector<16xf32>, vector<16xf32>, vector<16xf32>)  : i32 {
        %mul3A_974 = arith.constant 5 : i32
        %mul3A_975 = arith.muli %scan3A_969, %mul3A_974 : i32
        %add3A_976 = arith.constant 50 : i32
        %add3A_977 = arith.addi %add3A_976, %mul3A_975 : i32
        %add3A_978 = arith.constant 0 : i32
        %add3A_979 = arith.addi %add3A_977, %add3A_978 : i32
        %get3A = arith.constant 4 : i32
        %get3A_980 = arith.index_cast %get3A : i32 to index
        %get3A_981 = arith.index_cast %add3A_979 : i32 to index
        %get3A_982 = arith.constant 0 : index
        %get3A_983 = tpu.vector_load %arg6[%get3A_980, %get3A_981, %get3A_982] {strides = array<i32>} : memref<8x100x32xi32, #tpu.memory_space<vmem>>, vector<16xi32>,
        %get3A_984 = arith.constant 4 : i32
        %get3A_985 = arith.index_cast %get3A_984 : i32 to index
        %get3A_986 = arith.index_cast %add3A_979 : i32 to index
        %get3A_987 = arith.constant 16 : index
        %get3A_988 = tpu.vector_load %arg6[%get3A_985, %get3A_986, %get3A_987] {strides = array<i32>} : memref<8x100x32xi32, #tpu.memory_space<vmem>>, vector<16xi32>,
        %shift_left3A = arith.constant 16 : i32
        %shift_left3A_989 = vector.broadcast %shift_left3A : i32 to vector<16xi32>
        %shift_left3A_990 = arith.shli %get3A_983, %shift_left3A_989 : vector<16xi32>
        %bitcast3A = vector.bitcast %shift_left3A_990 : vector<16xi32> to vector<16xf32>
        %add3A_991 = arith.addf %scan3A_970, %bitcast3A : vector<16xf32>
        %and3A = arith.andi %get3A_983, %broadcast_in_dim3A_98 : vector<16xi32>
        %bitcast3A_992 = vector.bitcast %and3A : vector<16xi32> to vector<16xf32>
        %add3A_993 = arith.addf %scan3A_972, %bitcast3A_992 : vector<16xf32>
        %shift_left3A_994 = arith.constant 16 : i32
        %shift_left3A_995 = vector.broadcast %shift_left3A_994 : i32 to vector<16xi32>
        %shift_left3A_996 = arith.shli %get3A_988, %shift_left3A_995 : vector<16xi32>
        %bitcast3A_997 = vector.bitcast %shift_left3A_996 : vector<16xi32> to vector<16xf32>
        %add3A_998 = arith.addf %scan3A_971, %bitcast3A_997 : vector<16xf32>
        %and3A_999 = arith.andi %get3A_988, %broadcast_in_dim3A_98 : vector<16xi32>
        %bitcast3A_1000 = vector.bitcast %and3A_999 : vector<16xi32> to vector<16xf32>
        %add3A_1001 = arith.addf %scan3A_973, %bitcast3A_1000 : vector<16xf32>
        %mul3A_1002 = arith.constant 5 : i32
        %mul3A_1003 = arith.muli %scan3A_969, %mul3A_1002 : i32
        %add3A_1004 = arith.constant 50 : i32
        %add3A_1005 = arith.addi %add3A_1004, %mul3A_1003 : i32
        %add3A_1006 = arith.constant 1 : i32
        %add3A_1007 = arith.addi %add3A_1005, %add3A_1006 : i32
        %get3A_1008 = arith.constant 4 : i32
        %get3A_1009 = arith.index_cast %get3A_1008 : i32 to index
        %get3A_1010 = arith.index_cast %add3A_1007 : i32 to index
        %get3A_1011 = arith.constant 0 : index
        %get3A_1012 = tpu.vector_load %arg6[%get3A_1009, %get3A_1010, %get3A_1011] {strides = array<i32>} : memref<8x100x32xi32, #tpu.memory_space<vmem>>, vector<16xi32>,
        %get3A_1013 = arith.constant 4 : i32
        %get3A_1014 = arith.index_cast %get3A_1013 : i32 to index
        %get3A_1015 = arith.index_cast %add3A_1007 : i32 to index
        %get3A_1016 = arith.constant 16 : index
        %get3A_1017 = tpu.vector_load %arg6[%get3A_1014, %get3A_1015, %get3A_1016] {strides = array<i32>} : memref<8x100x32xi32, #tpu.memory_space<vmem>>, vector<16xi32>,
        %shift_left3A_1018 = arith.constant 16 : i32
        %shift_left3A_1019 = vector.broadcast %shift_left3A_1018 : i32 to vector<16xi32>
        %shift_left3A_1020 = arith.shli %get3A_1012, %shift_left3A_1019 : vector<16xi32>
        %bitcast3A_1021 = vector.bitcast %shift_left3A_1020 : vector<16xi32> to vector<16xf32>
        %add3A_1022 = arith.addf %add3A_991, %bitcast3A_1021 : vector<16xf32>
        %and3A_1023 = arith.andi %get3A_1012, %broadcast_in_dim3A_98 : vector<16xi32>
        %bitcast3A_1024 = vector.bitcast %and3A_1023 : vector<16xi32> to vector<16xf32>
        %add3A_1025 = arith.addf %add3A_993, %bitcast3A_1024 : vector<16xf32>
        %shift_left3A_1026 = arith.constant 16 : i32
        %shift_left3A_1027 = vector.broadcast %shift_left3A_1026 : i32 to vector<16xi32>
        %shift_left3A_1028 = arith.shli %get3A_1017, %shift_left3A_1027 : vector<16xi32>
        %bitcast3A_1029 = vector.bitcast %shift_left3A_1028 : vector<16xi32> to vector<16xf32>
        %add3A_1030 = arith.addf %add3A_998, %bitcast3A_1029 : vector<16xf32>
        %and3A_1031 = arith.andi %get3A_1017, %broadcast_in_dim3A_98 : vector<16xi32>
        %bitcast3A_1032 = vector.bitcast %and3A_1031 : vector<16xi32> to vector<16xf32>
        %add3A_1033 = arith.addf %add3A_1001, %bitcast3A_1032 : vector<16xf32>
        %mul3A_1034 = arith.constant 5 : i32
        %mul3A_1035 = arith.muli %scan3A_969, %mul3A_1034 : i32
        %add3A_1036 = arith.constant 50 : i32
        %add3A_1037 = arith.addi %add3A_1036, %mul3A_1035 : i32
        %add3A_1038 = arith.constant 2 : i32
        %add3A_1039 = arith.addi %add3A_1037, %add3A_1038 : i32
        %get3A_1040 = arith.constant 4 : i32
        %get3A_1041 = arith.index_cast %get3A_1040 : i32 to index
        %get3A_1042 = arith.index_cast %add3A_1039 : i32 to index
        %get3A_1043 = arith.constant 0 : index
        %get3A_1044 = tpu.vector_load %arg6[%get3A_1041, %get3A_1042, %get3A_1043] {strides = array<i32>} : memref<8x100x32xi32, #tpu.memory_space<vmem>>, vector<16xi32>,
        %get3A_1045 = arith.constant 4 : i32
        %get3A_1046 = arith.index_cast %get3A_1045 : i32 to index
        %get3A_1047 = arith.index_cast %add3A_1039 : i32 to index
        %get3A_1048 = arith.constant 16 : index
        %get3A_1049 = tpu.vector_load %arg6[%get3A_1046, %get3A_1047, %get3A_1048] {strides = array<i32>} : memref<8x100x32xi32, #tpu.memory_space<vmem>>, vector<16xi32>,
        %shift_left3A_1050 = arith.constant 16 : i32
        %shift_left3A_1051 = vector.broadcast %shift_left3A_1050 : i32 to vector<16xi32>
        %shift_left3A_1052 = arith.shli %get3A_1044, %shift_left3A_1051 : vector<16xi32>
        %bitcast3A_1053 = vector.bitcast %shift_left3A_1052 : vector<16xi32> to vector<16xf32>
        %add3A_1054 = arith.addf %add3A_1022, %bitcast3A_1053 : vector<16xf32>
        %and3A_1055 = arith.andi %get3A_1044, %broadcast_in_dim3A_98 : vector<16xi32>
        %bitcast3A_1056 = vector.bitcast %and3A_1055 : vector<16xi32> to vector<16xf32>
        %add3A_1057 = arith.addf %add3A_1025, %bitcast3A_1056 : vector<16xf32>
        %shift_left3A_1058 = arith.constant 16 : i32
        %shift_left3A_1059 = vector.broadcast %shift_left3A_1058 : i32 to vector<16xi32>
        %shift_left3A_1060 = arith.shli %get3A_1049, %shift_left3A_1059 : vector<16xi32>
        %bitcast3A_1061 = vector.bitcast %shift_left3A_1060 : vector<16xi32> to vector<16xf32>
        %add3A_1062 = arith.addf %add3A_1030, %bitcast3A_1061 : vector<16xf32>
        %and3A_1063 = arith.andi %get3A_1049, %broadcast_in_dim3A_98 : vector<16xi32>
        %bitcast3A_1064 = vector.bitcast %and3A_1063 : vector<16xi32> to vector<16xf32>
        %add3A_1065 = arith.addf %add3A_1033, %bitcast3A_1064 : vector<16xf32>
        %mul3A_1066 = arith.constant 5 : i32
        %mul3A_1067 = arith.muli %scan3A_969, %mul3A_1066 : i32
        %add3A_1068 = arith.constant 50 : i32
        %add3A_1069 = arith.addi %add3A_1068, %mul3A_1067 : i32
        %add3A_1070 = arith.constant 3 : i32
        %add3A_1071 = arith.addi %add3A_1069, %add3A_1070 : i32
        %get3A_1072 = arith.constant 4 : i32
        %get3A_1073 = arith.index_cast %get3A_1072 : i32 to index
        %get3A_1074 = arith.index_cast %add3A_1071 : i32 to index
        %get3A_1075 = arith.constant 0 : index
        %get3A_1076 = tpu.vector_load %arg6[%get3A_1073, %get3A_1074, %get3A_1075] {strides = array<i32>} : memref<8x100x32xi32, #tpu.memory_space<vmem>>, vector<16xi32>,
        %get3A_1077 = arith.constant 4 : i32
        %get3A_1078 = arith.index_cast %get3A_1077 : i32 to index
        %get3A_1079 = arith.index_cast %add3A_1071 : i32 to index
        %get3A_1080 = arith.constant 16 : index
        %get3A_1081 = tpu.vector_load %arg6[%get3A_1078, %get3A_1079, %get3A_1080] {strides = array<i32>} : memref<8x100x32xi32, #tpu.memory_space<vmem>>, vector<16xi32>,
        %shift_left3A_1082 = arith.constant 16 : i32
        %shift_left3A_1083 = vector.broadcast %shift_left3A_1082 : i32 to vector<16xi32>
        %shift_left3A_1084 = arith.shli %get3A_1076, %shift_left3A_1083 : vector<16xi32>
        %bitcast3A_1085 = vector.bitcast %shift_left3A_1084 : vector<16xi32> to vector<16xf32>
        %add3A_1086 = arith.addf %add3A_1054, %bitcast3A_1085 : vector<16xf32>
        %and3A_1087 = arith.andi %get3A_1076, %broadcast_in_dim3A_98 : vector<16xi32>
        %bitcast3A_1088 = vector.bitcast %and3A_1087 : vector<16xi32> to vector<16xf32>
        %add3A_1089 = arith.addf %add3A_1057, %bitcast3A_1088 : vector<16xf32>
        %shift_left3A_1090 = arith.constant 16 : i32
        %shift_left3A_1091 = vector.broadcast %shift_left3A_1090 : i32 to vector<16xi32>
        %shift_left3A_1092 = arith.shli %get3A_1081, %shift_left3A_1091 : vector<16xi32>
        %bitcast3A_1093 = vector.bitcast %shift_left3A_1092 : vector<16xi32> to vector<16xf32>
        %add3A_1094 = arith.addf %add3A_1062, %bitcast3A_1093 : vector<16xf32>
        %and3A_1095 = arith.andi %get3A_1081, %broadcast_in_dim3A_98 : vector<16xi32>
        %bitcast3A_1096 = vector.bitcast %and3A_1095 : vector<16xi32> to vector<16xf32>
        %add3A_1097 = arith.addf %add3A_1065, %bitcast3A_1096 : vector<16xf32>
        %mul3A_1098 = arith.constant 5 : i32
        %mul3A_1099 = arith.muli %scan3A_969, %mul3A_1098 : i32
        %add3A_1100 = arith.constant 50 : i32
        %add3A_1101 = arith.addi %add3A_1100, %mul3A_1099 : i32
        %add3A_1102 = arith.constant 4 : i32
        %add3A_1103 = arith.addi %add3A_1101, %add3A_1102 : i32
        %get3A_1104 = arith.constant 4 : i32
        %get3A_1105 = arith.index_cast %get3A_1104 : i32 to index
        %get3A_1106 = arith.index_cast %add3A_1103 : i32 to index
        %get3A_1107 = arith.constant 0 : index
        %get3A_1108 = tpu.vector_load %arg6[%get3A_1105, %get3A_1106, %get3A_1107] {strides = array<i32>} : memref<8x100x32xi32, #tpu.memory_space<vmem>>, vector<16xi32>,
        %get3A_1109 = arith.constant 4 : i32
        %get3A_1110 = arith.index_cast %get3A_1109 : i32 to index
        %get3A_1111 = arith.index_cast %add3A_1103 : i32 to index
        %get3A_1112 = arith.constant 16 : index
        %get3A_1113 = tpu.vector_load %arg6[%get3A_1110, %get3A_1111, %get3A_1112] {strides = array<i32>} : memref<8x100x32xi32, #tpu.memory_space<vmem>>, vector<16xi32>,
        %shift_left3A_1114 = arith.constant 16 : i32
        %shift_left3A_1115 = vector.broadcast %shift_left3A_1114 : i32 to vector<16xi32>
        %shift_left3A_1116 = arith.shli %get3A_1108, %shift_left3A_1115 : vector<16xi32>
        %bitcast3A_1117 = vector.bitcast %shift_left3A_1116 : vector<16xi32> to vector<16xf32>
        %add3A_1118 = arith.addf %add3A_1086, %bitcast3A_1117 : vector<16xf32>
        %and3A_1119 = arith.andi %get3A_1108, %broadcast_in_dim3A_98 : vector<16xi32>
        %bitcast3A_1120 = vector.bitcast %and3A_1119 : vector<16xi32> to vector<16xf32>
        %add3A_1121 = arith.addf %add3A_1089, %bitcast3A_1120 : vector<16xf32>
        %shift_left3A_1122 = arith.constant 16 : i32
        %shift_left3A_1123 = vector.broadcast %shift_left3A_1122 : i32 to vector<16xi32>
        %shift_left3A_1124 = arith.shli %get3A_1113, %shift_left3A_1123 : vector<16xi32>
        %bitcast3A_1125 = vector.bitcast %shift_left3A_1124 : vector<16xi32> to vector<16xf32>
        %add3A_1126 = arith.addf %add3A_1094, %bitcast3A_1125 : vector<16xf32>
        %and3A_1127 = arith.andi %get3A_1113, %broadcast_in_dim3A_98 : vector<16xi32>
        %bitcast3A_1128 = vector.bitcast %and3A_1127 : vector<16xi32> to vector<16xf32>
        %add3A_1129 = arith.addf %add3A_1097, %bitcast3A_1128 : vector<16xf32>
        scf.yield %add3A_1118, %add3A_1126, %add3A_1121, %add3A_1129 : vector<16xf32>, vector<16xf32>, vector<16xf32>, vector<16xf32>
      }
      %scan3A_609 = arith.constant 10 : i32
      %mul3A_610 = arith.constant 2 : i32
      %mul3A_611 = arith.muli %add3A_538, %mul3A_610 : i32
      %add3A_612 = arith.constant 1 : i32
      %add3A_613 = arith.addi %mul3A_611, %add3A_612 : i32
      %swap3A_614 = arith.index_cast %add3A_613 : i32 to index
      %swap3A_615 = arith.constant 0 : index
      %swap3A_616 = tpu.vector_load %arg7[%swap3A_614, %swap3A_615] {strides = array<i32>} : memref<512x64xf32, #tpu.memory_space<vmem>>, vector<16xf32>,
      tpu.vector_store %arg7[%swap3A_614, %swap3A_615], %scan3A_608#0 {strides = array<i32>} : memref<512x64xf32, #tpu.memory_space<vmem>>, vector<16xf32>,
      %mul3A_617 = arith.constant 2 : i32
      %mul3A_618 = arith.muli %add3A_538, %mul3A_617 : i32
      %add3A_619 = arith.constant 1 : i32
      %add3A_620 = arith.addi %mul3A_618, %add3A_619 : i32
      %swap3A_621 = arith.index_cast %add3A_620 : i32 to index
      %swap3A_622 = arith.constant 16 : index
      %swap3A_623 = tpu.vector_load %arg7[%swap3A_621, %swap3A_622] {strides = array<i32>} : memref<512x64xf32, #tpu.memory_space<vmem>>, vector<16xf32>,
      tpu.vector_store %arg7[%swap3A_621, %swap3A_622], %scan3A_608#1 {strides = array<i32>} : memref<512x64xf32, #tpu.memory_space<vmem>>, vector<16xf32>,
      %mul3A_624 = arith.constant 2 : i32
      %mul3A_625 = arith.muli %add3A_538, %mul3A_624 : i32
      %add3A_626 = arith.constant 1 : i32
      %add3A_627 = arith.addi %mul3A_625, %add3A_626 : i32
      %swap3A_628 = arith.index_cast %add3A_627 : i32 to index
      %swap3A_629 = arith.constant 32 : index
      %swap3A_630 = tpu.vector_load %arg7[%swap3A_628, %swap3A_629] {strides = array<i32>} : memref<512x64xf32, #tpu.memory_space<vmem>>, vector<16xf32>,
      tpu.vector_store %arg7[%swap3A_628, %swap3A_629], %scan3A_608#2 {strides = array<i32>} : memref<512x64xf32, #tpu.memory_space<vmem>>, vector<16xf32>,
      %mul3A_631 = arith.constant 2 : i32
      %mul3A_632 = arith.muli %add3A_538, %mul3A_631 : i32
      %add3A_633 = arith.constant 1 : i32
      %add3A_634 = arith.addi %mul3A_632, %add3A_633 : i32
      %swap3A_635 = arith.index_cast %add3A_634 : i32 to index
      %swap3A_636 = arith.constant 48 : index
      %swap3A_637 = tpu.vector_load %arg7[%swap3A_635, %swap3A_636] {strides = array<i32>} : memref<512x64xf32, #tpu.memory_space<vmem>>, vector<16xf32>,
      tpu.vector_store %arg7[%swap3A_635, %swap3A_636], %scan3A_608#3 {strides = array<i32>} : memref<512x64xf32, #tpu.memory_space<vmem>>, vector<16xf32>,
      %add3A_638 = arith.constant 8 : i32
      %add3A_639 = arith.addi %add3A_538, %add3A_638 : i32
      %lt3A_640 = arith.constant 256 : i32
      %lt3A_641 = arith.cmpi slt, %add3A_639, %lt3A_640 : i32
      %convert_element_type3A_642 = arith.extui %lt3A_641 : i1 to i32
      %cond3A_643 = arith.constant 0 : i32
      %cond3A_644 = arith.cmpi ne, %convert_element_type3A_642, %cond3A_643 : i32
      scf.if %cond3A_644 {
        %dma_start3A_969 = arith.constant 4 : i32
        %dma_start3A_970 = arith.constant 0 : i32
        %dma_start3A_971 = arith.constant 0 : i32
        %dma_start3A_972 = tpu.memref_slice %arg6[%dma_start3A_969, %dma_start3A_970, %dma_start3A_971] : memref<8x100x32xi32, #tpu.memory_space<vmem>> -> memref<1x100x32xi32, #tpu.memory_space<vmem>>
        %dma_start3A_973 = tpu.memref_squeeze %dma_start3A_972 : memref<1x100x32xi32, #tpu.memory_space<vmem>> -> memref<100x32xi32, #tpu.memory_space<vmem>>
        %dma_start3A_974 = arith.constant 0 : i32
        %dma_start3A_975 = tpu.memref_slice %arg5[%add3A_639, %dma_start3A_974] : memref<256x100xi32, #tpu.memory_space<vmem>> -> memref<1x100xi32, #tpu.memory_space<vmem>>
        %dma_start3A_976 = tpu.memref_squeeze %dma_start3A_975 : memref<1x100xi32, #tpu.memory_space<vmem>> -> memref<100xi32, #tpu.memory_space<vmem>>
        %dma_start3A_977 = arith.constant 0 : i32
        %dma_start3A_978 = arith.constant 0 : i32
        %dma_start3A_979 = tpu.memref_slice %arg3[%dma_start3A_977, %dma_start3A_978] : memref<1015808x32xi32, #tpu.memory_space<hbm>> -> memref<1015808x32xi32, #tpu.memory_space<hbm>>
        tpu.enqueue_indirect_dma source(%dma_start3A_979 : memref<1015808x32xi32, #tpu.memory_space<hbm>>) target(%dma_start3A_973 : memref<100x32xi32, #tpu.memory_space<vmem>>) offsets(%dma_start3A_976 : memref<100xi32, #tpu.memory_space<vmem>>) semaphore(%arg8 : memref<!tpu.dma_semaphore, #tpu.memory_space<semaphore_mem>>)
      } else {
      }
      %add3A_645 = arith.constant 5 : i32
      %add3A_646 = arith.addi %add3A_109, %add3A_645 : i32
      %dma_wait3A_647 = arith.constant 5 : i32
      %dma_wait3A_648 = arith.constant 0 : i32
      %dma_wait3A_649 = arith.constant 0 : i32
      %dma_wait3A_650 = tpu.memref_slice %arg6[%dma_wait3A_647, %dma_wait3A_648, %dma_wait3A_649] : memref<8x100x32xi32, #tpu.memory_space<vmem>> -> memref<1x100x32xi32, #tpu.memory_space<vmem>>
      %dma_wait3A_651 = tpu.memref_squeeze %dma_wait3A_650 : memref<1x100x32xi32, #tpu.memory_space<vmem>> -> memref<100x32xi32, #tpu.memory_space<vmem>>
      %dma_wait3A_652 = arith.constant 0 : i32
      %dma_wait3A_653 = arith.constant 0 : i32
      %dma_wait3A_654 = tpu.memref_slice %arg3[%dma_wait3A_652, %dma_wait3A_653] : memref<1015808x32xi32, #tpu.memory_space<hbm>> -> memref<100x32xi32, #tpu.memory_space<hbm>>
      %dma_wait3A_655 = arith.constant 0 : i32
      %dma_wait3A_656 = arith.constant 0 : i32
      %dma_wait3A_657 = tpu.memref_slice %arg6[%dma_wait3A_647, %dma_wait3A_655, %dma_wait3A_656] : memref<8x100x32xi32, #tpu.memory_space<vmem>> -> memref<1x100x32xi32, #tpu.memory_space<vmem>>
      %dma_wait3A_658 = tpu.memref_squeeze %dma_wait3A_657 : memref<1x100x32xi32, #tpu.memory_space<vmem>> -> memref<100x32xi32, #tpu.memory_space<vmem>>
      %dma_wait3A_659 = arith.constant 0 : i32
      %dma_wait3A_660 = arith.constant 0 : i32
      %dma_wait3A_661 = tpu.memref_slice %arg3[%dma_wait3A_659, %dma_wait3A_660] : memref<1015808x32xi32, #tpu.memory_space<hbm>> -> memref<100x32xi32, #tpu.memory_space<hbm>>
      tpu.wait_dma2 semaphore(%arg8 : memref<!tpu.dma_semaphore, #tpu.memory_space<semaphore_mem>>) src(%dma_wait3A_661 : memref<100x32xi32, #tpu.memory_space<hbm>>) dst(%dma_wait3A_658 : memref<100x32xi32, #tpu.memory_space<vmem>>)
      %broadcast_in_dim3A_662 = arith.constant 0.000000e+00 : f32
      %broadcast_in_dim3A_663 = vector.broadcast %broadcast_in_dim3A_662 : f32 to vector<16xf32>
      %broadcast_in_dim3A_664 = arith.constant 0.000000e+00 : f32
      %broadcast_in_dim3A_665 = vector.broadcast %broadcast_in_dim3A_664 : f32 to vector<16xf32>
      %broadcast_in_dim3A_666 = arith.constant 0.000000e+00 : f32
      %broadcast_in_dim3A_667 = vector.broadcast %broadcast_in_dim3A_666 : f32 to vector<16xf32>
      %broadcast_in_dim3A_668 = arith.constant 0.000000e+00 : f32
      %broadcast_in_dim3A_669 = vector.broadcast %broadcast_in_dim3A_668 : f32 to vector<16xf32>
      %scan3A_670 = arith.constant 0 : i32
      %scan3A_671 = arith.constant 10 : i32
      %scan3A_672 = arith.addi %scan3A_670, %scan3A_671 : i32
      %scan3A_673 = arith.constant 1 : i32
      %scan3A_674:4 = scf.for %scan3A_969 = %scan3A_670 to %scan3A_672 step %scan3A_673 iter_args(%scan3A_970 = %broadcast_in_dim3A_663, %scan3A_971 = %broadcast_in_dim3A_665, %scan3A_972 = %broadcast_in_dim3A_667, %scan3A_973 = %broadcast_in_dim3A_669) -> (vector<16xf32>, vector<16xf32>, vector<16xf32>, vector<16xf32>)  : i32 {
        %mul3A_974 = arith.constant 5 : i32
        %mul3A_975 = arith.muli %scan3A_969, %mul3A_974 : i32
        %add3A_976 = arith.constant 0 : i32
        %add3A_977 = arith.addi %add3A_976, %mul3A_975 : i32
        %add3A_978 = arith.constant 0 : i32
        %add3A_979 = arith.addi %add3A_977, %add3A_978 : i32
        %get3A = arith.constant 5 : i32
        %get3A_980 = arith.index_cast %get3A : i32 to index
        %get3A_981 = arith.index_cast %add3A_979 : i32 to index
        %get3A_982 = arith.constant 0 : index
        %get3A_983 = tpu.vector_load %arg6[%get3A_980, %get3A_981, %get3A_982] {strides = array<i32>} : memref<8x100x32xi32, #tpu.memory_space<vmem>>, vector<16xi32>,
        %get3A_984 = arith.constant 5 : i32
        %get3A_985 = arith.index_cast %get3A_984 : i32 to index
        %get3A_986 = arith.index_cast %add3A_979 : i32 to index
        %get3A_987 = arith.constant 16 : index
        %get3A_988 = tpu.vector_load %arg6[%get3A_985, %get3A_986, %get3A_987] {strides = array<i32>} : memref<8x100x32xi32, #tpu.memory_space<vmem>>, vector<16xi32>,
        %shift_left3A = arith.constant 16 : i32
        %shift_left3A_989 = vector.broadcast %shift_left3A : i32 to vector<16xi32>
        %shift_left3A_990 = arith.shli %get3A_983, %shift_left3A_989 : vector<16xi32>
        %bitcast3A = vector.bitcast %shift_left3A_990 : vector<16xi32> to vector<16xf32>
        %add3A_991 = arith.addf %scan3A_970, %bitcast3A : vector<16xf32>
        %and3A = arith.andi %get3A_983, %broadcast_in_dim3A_98 : vector<16xi32>
        %bitcast3A_992 = vector.bitcast %and3A : vector<16xi32> to vector<16xf32>
        %add3A_993 = arith.addf %scan3A_972, %bitcast3A_992 : vector<16xf32>
        %shift_left3A_994 = arith.constant 16 : i32
        %shift_left3A_995 = vector.broadcast %shift_left3A_994 : i32 to vector<16xi32>
        %shift_left3A_996 = arith.shli %get3A_988, %shift_left3A_995 : vector<16xi32>
        %bitcast3A_997 = vector.bitcast %shift_left3A_996 : vector<16xi32> to vector<16xf32>
        %add3A_998 = arith.addf %scan3A_971, %bitcast3A_997 : vector<16xf32>
        %and3A_999 = arith.andi %get3A_988, %broadcast_in_dim3A_98 : vector<16xi32>
        %bitcast3A_1000 = vector.bitcast %and3A_999 : vector<16xi32> to vector<16xf32>
        %add3A_1001 = arith.addf %scan3A_973, %bitcast3A_1000 : vector<16xf32>
        %mul3A_1002 = arith.constant 5 : i32
        %mul3A_1003 = arith.muli %scan3A_969, %mul3A_1002 : i32
        %add3A_1004 = arith.constant 0 : i32
        %add3A_1005 = arith.addi %add3A_1004, %mul3A_1003 : i32
        %add3A_1006 = arith.constant 1 : i32
        %add3A_1007 = arith.addi %add3A_1005, %add3A_1006 : i32
        %get3A_1008 = arith.constant 5 : i32
        %get3A_1009 = arith.index_cast %get3A_1008 : i32 to index
        %get3A_1010 = arith.index_cast %add3A_1007 : i32 to index
        %get3A_1011 = arith.constant 0 : index
        %get3A_1012 = tpu.vector_load %arg6[%get3A_1009, %get3A_1010, %get3A_1011] {strides = array<i32>} : memref<8x100x32xi32, #tpu.memory_space<vmem>>, vector<16xi32>,
        %get3A_1013 = arith.constant 5 : i32
        %get3A_1014 = arith.index_cast %get3A_1013 : i32 to index
        %get3A_1015 = arith.index_cast %add3A_1007 : i32 to index
        %get3A_1016 = arith.constant 16 : index
        %get3A_1017 = tpu.vector_load %arg6[%get3A_1014, %get3A_1015, %get3A_1016] {strides = array<i32>} : memref<8x100x32xi32, #tpu.memory_space<vmem>>, vector<16xi32>,
        %shift_left3A_1018 = arith.constant 16 : i32
        %shift_left3A_1019 = vector.broadcast %shift_left3A_1018 : i32 to vector<16xi32>
        %shift_left3A_1020 = arith.shli %get3A_1012, %shift_left3A_1019 : vector<16xi32>
        %bitcast3A_1021 = vector.bitcast %shift_left3A_1020 : vector<16xi32> to vector<16xf32>
        %add3A_1022 = arith.addf %add3A_991, %bitcast3A_1021 : vector<16xf32>
        %and3A_1023 = arith.andi %get3A_1012, %broadcast_in_dim3A_98 : vector<16xi32>
        %bitcast3A_1024 = vector.bitcast %and3A_1023 : vector<16xi32> to vector<16xf32>
        %add3A_1025 = arith.addf %add3A_993, %bitcast3A_1024 : vector<16xf32>
        %shift_left3A_1026 = arith.constant 16 : i32
        %shift_left3A_1027 = vector.broadcast %shift_left3A_1026 : i32 to vector<16xi32>
        %shift_left3A_1028 = arith.shli %get3A_1017, %shift_left3A_1027 : vector<16xi32>
        %bitcast3A_1029 = vector.bitcast %shift_left3A_1028 : vector<16xi32> to vector<16xf32>
        %add3A_1030 = arith.addf %add3A_998, %bitcast3A_1029 : vector<16xf32>
        %and3A_1031 = arith.andi %get3A_1017, %broadcast_in_dim3A_98 : vector<16xi32>
        %bitcast3A_1032 = vector.bitcast %and3A_1031 : vector<16xi32> to vector<16xf32>
        %add3A_1033 = arith.addf %add3A_1001, %bitcast3A_1032 : vector<16xf32>
        %mul3A_1034 = arith.constant 5 : i32
        %mul3A_1035 = arith.muli %scan3A_969, %mul3A_1034 : i32
        %add3A_1036 = arith.constant 0 : i32
        %add3A_1037 = arith.addi %add3A_1036, %mul3A_1035 : i32
        %add3A_1038 = arith.constant 2 : i32
        %add3A_1039 = arith.addi %add3A_1037, %add3A_1038 : i32
        %get3A_1040 = arith.constant 5 : i32
        %get3A_1041 = arith.index_cast %get3A_1040 : i32 to index
        %get3A_1042 = arith.index_cast %add3A_1039 : i32 to index
        %get3A_1043 = arith.constant 0 : index
        %get3A_1044 = tpu.vector_load %arg6[%get3A_1041, %get3A_1042, %get3A_1043] {strides = array<i32>} : memref<8x100x32xi32, #tpu.memory_space<vmem>>, vector<16xi32>,
        %get3A_1045 = arith.constant 5 : i32
        %get3A_1046 = arith.index_cast %get3A_1045 : i32 to index
        %get3A_1047 = arith.index_cast %add3A_1039 : i32 to index
        %get3A_1048 = arith.constant 16 : index
        %get3A_1049 = tpu.vector_load %arg6[%get3A_1046, %get3A_1047, %get3A_1048] {strides = array<i32>} : memref<8x100x32xi32, #tpu.memory_space<vmem>>, vector<16xi32>,
        %shift_left3A_1050 = arith.constant 16 : i32
        %shift_left3A_1051 = vector.broadcast %shift_left3A_1050 : i32 to vector<16xi32>
        %shift_left3A_1052 = arith.shli %get3A_1044, %shift_left3A_1051 : vector<16xi32>
        %bitcast3A_1053 = vector.bitcast %shift_left3A_1052 : vector<16xi32> to vector<16xf32>
        %add3A_1054 = arith.addf %add3A_1022, %bitcast3A_1053 : vector<16xf32>
        %and3A_1055 = arith.andi %get3A_1044, %broadcast_in_dim3A_98 : vector<16xi32>
        %bitcast3A_1056 = vector.bitcast %and3A_1055 : vector<16xi32> to vector<16xf32>
        %add3A_1057 = arith.addf %add3A_1025, %bitcast3A_1056 : vector<16xf32>
        %shift_left3A_1058 = arith.constant 16 : i32
        %shift_left3A_1059 = vector.broadcast %shift_left3A_1058 : i32 to vector<16xi32>
        %shift_left3A_1060 = arith.shli %get3A_1049, %shift_left3A_1059 : vector<16xi32>
        %bitcast3A_1061 = vector.bitcast %shift_left3A_1060 : vector<16xi32> to vector<16xf32>
        %add3A_1062 = arith.addf %add3A_1030, %bitcast3A_1061 : vector<16xf32>
        %and3A_1063 = arith.andi %get3A_1049, %broadcast_in_dim3A_98 : vector<16xi32>
        %bitcast3A_1064 = vector.bitcast %and3A_1063 : vector<16xi32> to vector<16xf32>
        %add3A_1065 = arith.addf %add3A_1033, %bitcast3A_1064 : vector<16xf32>
        %mul3A_1066 = arith.constant 5 : i32
        %mul3A_1067 = arith.muli %scan3A_969, %mul3A_1066 : i32
        %add3A_1068 = arith.constant 0 : i32
        %add3A_1069 = arith.addi %add3A_1068, %mul3A_1067 : i32
        %add3A_1070 = arith.constant 3 : i32
        %add3A_1071 = arith.addi %add3A_1069, %add3A_1070 : i32
        %get3A_1072 = arith.constant 5 : i32
        %get3A_1073 = arith.index_cast %get3A_1072 : i32 to index
        %get3A_1074 = arith.index_cast %add3A_1071 : i32 to index
        %get3A_1075 = arith.constant 0 : index
        %get3A_1076 = tpu.vector_load %arg6[%get3A_1073, %get3A_1074, %get3A_1075] {strides = array<i32>} : memref<8x100x32xi32, #tpu.memory_space<vmem>>, vector<16xi32>,
        %get3A_1077 = arith.constant 5 : i32
        %get3A_1078 = arith.index_cast %get3A_1077 : i32 to index
        %get3A_1079 = arith.index_cast %add3A_1071 : i32 to index
        %get3A_1080 = arith.constant 16 : index
        %get3A_1081 = tpu.vector_load %arg6[%get3A_1078, %get3A_1079, %get3A_1080] {strides = array<i32>} : memref<8x100x32xi32, #tpu.memory_space<vmem>>, vector<16xi32>,
        %shift_left3A_1082 = arith.constant 16 : i32
        %shift_left3A_1083 = vector.broadcast %shift_left3A_1082 : i32 to vector<16xi32>
        %shift_left3A_1084 = arith.shli %get3A_1076, %shift_left3A_1083 : vector<16xi32>
        %bitcast3A_1085 = vector.bitcast %shift_left3A_1084 : vector<16xi32> to vector<16xf32>
        %add3A_1086 = arith.addf %add3A_1054, %bitcast3A_1085 : vector<16xf32>
        %and3A_1087 = arith.andi %get3A_1076, %broadcast_in_dim3A_98 : vector<16xi32>
        %bitcast3A_1088 = vector.bitcast %and3A_1087 : vector<16xi32> to vector<16xf32>
        %add3A_1089 = arith.addf %add3A_1057, %bitcast3A_1088 : vector<16xf32>
        %shift_left3A_1090 = arith.constant 16 : i32
        %shift_left3A_1091 = vector.broadcast %shift_left3A_1090 : i32 to vector<16xi32>
        %shift_left3A_1092 = arith.shli %get3A_1081, %shift_left3A_1091 : vector<16xi32>
        %bitcast3A_1093 = vector.bitcast %shift_left3A_1092 : vector<16xi32> to vector<16xf32>
        %add3A_1094 = arith.addf %add3A_1062, %bitcast3A_1093 : vector<16xf32>
        %and3A_1095 = arith.andi %get3A_1081, %broadcast_in_dim3A_98 : vector<16xi32>
        %bitcast3A_1096 = vector.bitcast %and3A_1095 : vector<16xi32> to vector<16xf32>
        %add3A_1097 = arith.addf %add3A_1065, %bitcast3A_1096 : vector<16xf32>
        %mul3A_1098 = arith.constant 5 : i32
        %mul3A_1099 = arith.muli %scan3A_969, %mul3A_1098 : i32
        %add3A_1100 = arith.constant 0 : i32
        %add3A_1101 = arith.addi %add3A_1100, %mul3A_1099 : i32
        %add3A_1102 = arith.constant 4 : i32
        %add3A_1103 = arith.addi %add3A_1101, %add3A_1102 : i32
        %get3A_1104 = arith.constant 5 : i32
        %get3A_1105 = arith.index_cast %get3A_1104 : i32 to index
        %get3A_1106 = arith.index_cast %add3A_1103 : i32 to index
        %get3A_1107 = arith.constant 0 : index
        %get3A_1108 = tpu.vector_load %arg6[%get3A_1105, %get3A_1106, %get3A_1107] {strides = array<i32>} : memref<8x100x32xi32, #tpu.memory_space<vmem>>, vector<16xi32>,
        %get3A_1109 = arith.constant 5 : i32
        %get3A_1110 = arith.index_cast %get3A_1109 : i32 to index
        %get3A_1111 = arith.index_cast %add3A_1103 : i32 to index
        %get3A_1112 = arith.constant 16 : index
        %get3A_1113 = tpu.vector_load %arg6[%get3A_1110, %get3A_1111, %get3A_1112] {strides = array<i32>} : memref<8x100x32xi32, #tpu.memory_space<vmem>>, vector<16xi32>,
        %shift_left3A_1114 = arith.constant 16 : i32
        %shift_left3A_1115 = vector.broadcast %shift_left3A_1114 : i32 to vector<16xi32>
        %shift_left3A_1116 = arith.shli %get3A_1108, %shift_left3A_1115 : vector<16xi32>
        %bitcast3A_1117 = vector.bitcast %shift_left3A_1116 : vector<16xi32> to vector<16xf32>
        %add3A_1118 = arith.addf %add3A_1086, %bitcast3A_1117 : vector<16xf32>
        %and3A_1119 = arith.andi %get3A_1108, %broadcast_in_dim3A_98 : vector<16xi32>
        %bitcast3A_1120 = vector.bitcast %and3A_1119 : vector<16xi32> to vector<16xf32>
        %add3A_1121 = arith.addf %add3A_1089, %bitcast3A_1120 : vector<16xf32>
        %shift_left3A_1122 = arith.constant 16 : i32
        %shift_left3A_1123 = vector.broadcast %shift_left3A_1122 : i32 to vector<16xi32>
        %shift_left3A_1124 = arith.shli %get3A_1113, %shift_left3A_1123 : vector<16xi32>
        %bitcast3A_1125 = vector.bitcast %shift_left3A_1124 : vector<16xi32> to vector<16xf32>
        %add3A_1126 = arith.addf %add3A_1094, %bitcast3A_1125 : vector<16xf32>
        %and3A_1127 = arith.andi %get3A_1113, %broadcast_in_dim3A_98 : vector<16xi32>
        %bitcast3A_1128 = vector.bitcast %and3A_1127 : vector<16xi32> to vector<16xf32>
        %add3A_1129 = arith.addf %add3A_1097, %bitcast3A_1128 : vector<16xf32>
        scf.yield %add3A_1118, %add3A_1126, %add3A_1121, %add3A_1129 : vector<16xf32>, vector<16xf32>, vector<16xf32>, vector<16xf32>
      }
      %scan3A_675 = arith.constant 10 : i32
      %mul3A_676 = arith.constant 2 : i32
      %mul3A_677 = arith.muli %add3A_646, %mul3A_676 : i32
      %add3A_678 = arith.constant 0 : i32
      %add3A_679 = arith.addi %mul3A_677, %add3A_678 : i32
      %swap3A_680 = arith.index_cast %add3A_679 : i32 to index
      %swap3A_681 = arith.constant 0 : index
      %swap3A_682 = tpu.vector_load %arg7[%swap3A_680, %swap3A_681] {strides = array<i32>} : memref<512x64xf32, #tpu.memory_space<vmem>>, vector<16xf32>,
      tpu.vector_store %arg7[%swap3A_680, %swap3A_681], %scan3A_674#0 {strides = array<i32>} : memref<512x64xf32, #tpu.memory_space<vmem>>, vector<16xf32>,
      %mul3A_683 = arith.constant 2 : i32
      %mul3A_684 = arith.muli %add3A_646, %mul3A_683 : i32
      %add3A_685 = arith.constant 0 : i32
      %add3A_686 = arith.addi %mul3A_684, %add3A_685 : i32
      %swap3A_687 = arith.index_cast %add3A_686 : i32 to index
      %swap3A_688 = arith.constant 16 : index
      %swap3A_689 = tpu.vector_load %arg7[%swap3A_687, %swap3A_688] {strides = array<i32>} : memref<512x64xf32, #tpu.memory_space<vmem>>, vector<16xf32>,
      tpu.vector_store %arg7[%swap3A_687, %swap3A_688], %scan3A_674#1 {strides = array<i32>} : memref<512x64xf32, #tpu.memory_space<vmem>>, vector<16xf32>,
      %mul3A_690 = arith.constant 2 : i32
      %mul3A_691 = arith.muli %add3A_646, %mul3A_690 : i32
      %add3A_692 = arith.constant 0 : i32
      %add3A_693 = arith.addi %mul3A_691, %add3A_692 : i32
      %swap3A_694 = arith.index_cast %add3A_693 : i32 to index
      %swap3A_695 = arith.constant 32 : index
      %swap3A_696 = tpu.vector_load %arg7[%swap3A_694, %swap3A_695] {strides = array<i32>} : memref<512x64xf32, #tpu.memory_space<vmem>>, vector<16xf32>,
      tpu.vector_store %arg7[%swap3A_694, %swap3A_695], %scan3A_674#2 {strides = array<i32>} : memref<512x64xf32, #tpu.memory_space<vmem>>, vector<16xf32>,
      %mul3A_697 = arith.constant 2 : i32
      %mul3A_698 = arith.muli %add3A_646, %mul3A_697 : i32
      %add3A_699 = arith.constant 0 : i32
      %add3A_700 = arith.addi %mul3A_698, %add3A_699 : i32
      %swap3A_701 = arith.index_cast %add3A_700 : i32 to index
      %swap3A_702 = arith.constant 48 : index
      %swap3A_703 = tpu.vector_load %arg7[%swap3A_701, %swap3A_702] {strides = array<i32>} : memref<512x64xf32, #tpu.memory_space<vmem>>, vector<16xf32>,
      tpu.vector_store %arg7[%swap3A_701, %swap3A_702], %scan3A_674#3 {strides = array<i32>} : memref<512x64xf32, #tpu.memory_space<vmem>>, vector<16xf32>,
      %broadcast_in_dim3A_704 = arith.constant 0.000000e+00 : f32
      %broadcast_in_dim3A_705 = vector.broadcast %broadcast_in_dim3A_704 : f32 to vector<16xf32>
      %broadcast_in_dim3A_706 = arith.constant 0.000000e+00 : f32
      %broadcast_in_dim3A_707 = vector.broadcast %broadcast_in_dim3A_706 : f32 to vector<16xf32>
      %broadcast_in_dim3A_708 = arith.constant 0.000000e+00 : f32
      %broadcast_in_dim3A_709 = vector.broadcast %broadcast_in_dim3A_708 : f32 to vector<16xf32>
      %broadcast_in_dim3A_710 = arith.constant 0.000000e+00 : f32
      %broadcast_in_dim3A_711 = vector.broadcast %broadcast_in_dim3A_710 : f32 to vector<16xf32>
      %scan3A_712 = arith.constant 0 : i32
      %scan3A_713 = arith.constant 10 : i32
      %scan3A_714 = arith.addi %scan3A_712, %scan3A_713 : i32
      %scan3A_715 = arith.constant 1 : i32
      %scan3A_716:4 = scf.for %scan3A_969 = %scan3A_712 to %scan3A_714 step %scan3A_715 iter_args(%scan3A_970 = %broadcast_in_dim3A_705, %scan3A_971 = %broadcast_in_dim3A_707, %scan3A_972 = %broadcast_in_dim3A_709, %scan3A_973 = %broadcast_in_dim3A_711) -> (vector<16xf32>, vector<16xf32>, vector<16xf32>, vector<16xf32>)  : i32 {
        %mul3A_974 = arith.constant 5 : i32
        %mul3A_975 = arith.muli %scan3A_969, %mul3A_974 : i32
        %add3A_976 = arith.constant 50 : i32
        %add3A_977 = arith.addi %add3A_976, %mul3A_975 : i32
        %add3A_978 = arith.constant 0 : i32
        %add3A_979 = arith.addi %add3A_977, %add3A_978 : i32
        %get3A = arith.constant 5 : i32
        %get3A_980 = arith.index_cast %get3A : i32 to index
        %get3A_981 = arith.index_cast %add3A_979 : i32 to index
        %get3A_982 = arith.constant 0 : index
        %get3A_983 = tpu.vector_load %arg6[%get3A_980, %get3A_981, %get3A_982] {strides = array<i32>} : memref<8x100x32xi32, #tpu.memory_space<vmem>>, vector<16xi32>,
        %get3A_984 = arith.constant 5 : i32
        %get3A_985 = arith.index_cast %get3A_984 : i32 to index
        %get3A_986 = arith.index_cast %add3A_979 : i32 to index
        %get3A_987 = arith.constant 16 : index
        %get3A_988 = tpu.vector_load %arg6[%get3A_985, %get3A_986, %get3A_987] {strides = array<i32>} : memref<8x100x32xi32, #tpu.memory_space<vmem>>, vector<16xi32>,
        %shift_left3A = arith.constant 16 : i32
        %shift_left3A_989 = vector.broadcast %shift_left3A : i32 to vector<16xi32>
        %shift_left3A_990 = arith.shli %get3A_983, %shift_left3A_989 : vector<16xi32>
        %bitcast3A = vector.bitcast %shift_left3A_990 : vector<16xi32> to vector<16xf32>
        %add3A_991 = arith.addf %scan3A_970, %bitcast3A : vector<16xf32>
        %and3A = arith.andi %get3A_983, %broadcast_in_dim3A_98 : vector<16xi32>
        %bitcast3A_992 = vector.bitcast %and3A : vector<16xi32> to vector<16xf32>
        %add3A_993 = arith.addf %scan3A_972, %bitcast3A_992 : vector<16xf32>
        %shift_left3A_994 = arith.constant 16 : i32
        %shift_left3A_995 = vector.broadcast %shift_left3A_994 : i32 to vector<16xi32>
        %shift_left3A_996 = arith.shli %get3A_988, %shift_left3A_995 : vector<16xi32>
        %bitcast3A_997 = vector.bitcast %shift_left3A_996 : vector<16xi32> to vector<16xf32>
        %add3A_998 = arith.addf %scan3A_971, %bitcast3A_997 : vector<16xf32>
        %and3A_999 = arith.andi %get3A_988, %broadcast_in_dim3A_98 : vector<16xi32>
        %bitcast3A_1000 = vector.bitcast %and3A_999 : vector<16xi32> to vector<16xf32>
        %add3A_1001 = arith.addf %scan3A_973, %bitcast3A_1000 : vector<16xf32>
        %mul3A_1002 = arith.constant 5 : i32
        %mul3A_1003 = arith.muli %scan3A_969, %mul3A_1002 : i32
        %add3A_1004 = arith.constant 50 : i32
        %add3A_1005 = arith.addi %add3A_1004, %mul3A_1003 : i32
        %add3A_1006 = arith.constant 1 : i32
        %add3A_1007 = arith.addi %add3A_1005, %add3A_1006 : i32
        %get3A_1008 = arith.constant 5 : i32
        %get3A_1009 = arith.index_cast %get3A_1008 : i32 to index
        %get3A_1010 = arith.index_cast %add3A_1007 : i32 to index
        %get3A_1011 = arith.constant 0 : index
        %get3A_1012 = tpu.vector_load %arg6[%get3A_1009, %get3A_1010, %get3A_1011] {strides = array<i32>} : memref<8x100x32xi32, #tpu.memory_space<vmem>>, vector<16xi32>,
        %get3A_1013 = arith.constant 5 : i32
        %get3A_1014 = arith.index_cast %get3A_1013 : i32 to index
        %get3A_1015 = arith.index_cast %add3A_1007 : i32 to index
        %get3A_1016 = arith.constant 16 : index
        %get3A_1017 = tpu.vector_load %arg6[%get3A_1014, %get3A_1015, %get3A_1016] {strides = array<i32>} : memref<8x100x32xi32, #tpu.memory_space<vmem>>, vector<16xi32>,
        %shift_left3A_1018 = arith.constant 16 : i32
        %shift_left3A_1019 = vector.broadcast %shift_left3A_1018 : i32 to vector<16xi32>
        %shift_left3A_1020 = arith.shli %get3A_1012, %shift_left3A_1019 : vector<16xi32>
        %bitcast3A_1021 = vector.bitcast %shift_left3A_1020 : vector<16xi32> to vector<16xf32>
        %add3A_1022 = arith.addf %add3A_991, %bitcast3A_1021 : vector<16xf32>
        %and3A_1023 = arith.andi %get3A_1012, %broadcast_in_dim3A_98 : vector<16xi32>
        %bitcast3A_1024 = vector.bitcast %and3A_1023 : vector<16xi32> to vector<16xf32>
        %add3A_1025 = arith.addf %add3A_993, %bitcast3A_1024 : vector<16xf32>
        %shift_left3A_1026 = arith.constant 16 : i32
        %shift_left3A_1027 = vector.broadcast %shift_left3A_1026 : i32 to vector<16xi32>
        %shift_left3A_1028 = arith.shli %get3A_1017, %shift_left3A_1027 : vector<16xi32>
        %bitcast3A_1029 = vector.bitcast %shift_left3A_1028 : vector<16xi32> to vector<16xf32>
        %add3A_1030 = arith.addf %add3A_998, %bitcast3A_1029 : vector<16xf32>
        %and3A_1031 = arith.andi %get3A_1017, %broadcast_in_dim3A_98 : vector<16xi32>
        %bitcast3A_1032 = vector.bitcast %and3A_1031 : vector<16xi32> to vector<16xf32>
        %add3A_1033 = arith.addf %add3A_1001, %bitcast3A_1032 : vector<16xf32>
        %mul3A_1034 = arith.constant 5 : i32
        %mul3A_1035 = arith.muli %scan3A_969, %mul3A_1034 : i32
        %add3A_1036 = arith.constant 50 : i32
        %add3A_1037 = arith.addi %add3A_1036, %mul3A_1035 : i32
        %add3A_1038 = arith.constant 2 : i32
        %add3A_1039 = arith.addi %add3A_1037, %add3A_1038 : i32
        %get3A_1040 = arith.constant 5 : i32
        %get3A_1041 = arith.index_cast %get3A_1040 : i32 to index
        %get3A_1042 = arith.index_cast %add3A_1039 : i32 to index
        %get3A_1043 = arith.constant 0 : index
        %get3A_1044 = tpu.vector_load %arg6[%get3A_1041, %get3A_1042, %get3A_1043] {strides = array<i32>} : memref<8x100x32xi32, #tpu.memory_space<vmem>>, vector<16xi32>,
        %get3A_1045 = arith.constant 5 : i32
        %get3A_1046 = arith.index_cast %get3A_1045 : i32 to index
        %get3A_1047 = arith.index_cast %add3A_1039 : i32 to index
        %get3A_1048 = arith.constant 16 : index
        %get3A_1049 = tpu.vector_load %arg6[%get3A_1046, %get3A_1047, %get3A_1048] {strides = array<i32>} : memref<8x100x32xi32, #tpu.memory_space<vmem>>, vector<16xi32>,
        %shift_left3A_1050 = arith.constant 16 : i32
        %shift_left3A_1051 = vector.broadcast %shift_left3A_1050 : i32 to vector<16xi32>
        %shift_left3A_1052 = arith.shli %get3A_1044, %shift_left3A_1051 : vector<16xi32>
        %bitcast3A_1053 = vector.bitcast %shift_left3A_1052 : vector<16xi32> to vector<16xf32>
        %add3A_1054 = arith.addf %add3A_1022, %bitcast3A_1053 : vector<16xf32>
        %and3A_1055 = arith.andi %get3A_1044, %broadcast_in_dim3A_98 : vector<16xi32>
        %bitcast3A_1056 = vector.bitcast %and3A_1055 : vector<16xi32> to vector<16xf32>
        %add3A_1057 = arith.addf %add3A_1025, %bitcast3A_1056 : vector<16xf32>
        %shift_left3A_1058 = arith.constant 16 : i32
        %shift_left3A_1059 = vector.broadcast %shift_left3A_1058 : i32 to vector<16xi32>
        %shift_left3A_1060 = arith.shli %get3A_1049, %shift_left3A_1059 : vector<16xi32>
        %bitcast3A_1061 = vector.bitcast %shift_left3A_1060 : vector<16xi32> to vector<16xf32>
        %add3A_1062 = arith.addf %add3A_1030, %bitcast3A_1061 : vector<16xf32>
        %and3A_1063 = arith.andi %get3A_1049, %broadcast_in_dim3A_98 : vector<16xi32>
        %bitcast3A_1064 = vector.bitcast %and3A_1063 : vector<16xi32> to vector<16xf32>
        %add3A_1065 = arith.addf %add3A_1033, %bitcast3A_1064 : vector<16xf32>
        %mul3A_1066 = arith.constant 5 : i32
        %mul3A_1067 = arith.muli %scan3A_969, %mul3A_1066 : i32
        %add3A_1068 = arith.constant 50 : i32
        %add3A_1069 = arith.addi %add3A_1068, %mul3A_1067 : i32
        %add3A_1070 = arith.constant 3 : i32
        %add3A_1071 = arith.addi %add3A_1069, %add3A_1070 : i32
        %get3A_1072 = arith.constant 5 : i32
        %get3A_1073 = arith.index_cast %get3A_1072 : i32 to index
        %get3A_1074 = arith.index_cast %add3A_1071 : i32 to index
        %get3A_1075 = arith.constant 0 : index
        %get3A_1076 = tpu.vector_load %arg6[%get3A_1073, %get3A_1074, %get3A_1075] {strides = array<i32>} : memref<8x100x32xi32, #tpu.memory_space<vmem>>, vector<16xi32>,
        %get3A_1077 = arith.constant 5 : i32
        %get3A_1078 = arith.index_cast %get3A_1077 : i32 to index
        %get3A_1079 = arith.index_cast %add3A_1071 : i32 to index
        %get3A_1080 = arith.constant 16 : index
        %get3A_1081 = tpu.vector_load %arg6[%get3A_1078, %get3A_1079, %get3A_1080] {strides = array<i32>} : memref<8x100x32xi32, #tpu.memory_space<vmem>>, vector<16xi32>,
        %shift_left3A_1082 = arith.constant 16 : i32
        %shift_left3A_1083 = vector.broadcast %shift_left3A_1082 : i32 to vector<16xi32>
        %shift_left3A_1084 = arith.shli %get3A_1076, %shift_left3A_1083 : vector<16xi32>
        %bitcast3A_1085 = vector.bitcast %shift_left3A_1084 : vector<16xi32> to vector<16xf32>
        %add3A_1086 = arith.addf %add3A_1054, %bitcast3A_1085 : vector<16xf32>
        %and3A_1087 = arith.andi %get3A_1076, %broadcast_in_dim3A_98 : vector<16xi32>
        %bitcast3A_1088 = vector.bitcast %and3A_1087 : vector<16xi32> to vector<16xf32>
        %add3A_1089 = arith.addf %add3A_1057, %bitcast3A_1088 : vector<16xf32>
        %shift_left3A_1090 = arith.constant 16 : i32
        %shift_left3A_1091 = vector.broadcast %shift_left3A_1090 : i32 to vector<16xi32>
        %shift_left3A_1092 = arith.shli %get3A_1081, %shift_left3A_1091 : vector<16xi32>
        %bitcast3A_1093 = vector.bitcast %shift_left3A_1092 : vector<16xi32> to vector<16xf32>
        %add3A_1094 = arith.addf %add3A_1062, %bitcast3A_1093 : vector<16xf32>
        %and3A_1095 = arith.andi %get3A_1081, %broadcast_in_dim3A_98 : vector<16xi32>
        %bitcast3A_1096 = vector.bitcast %and3A_1095 : vector<16xi32> to vector<16xf32>
        %add3A_1097 = arith.addf %add3A_1065, %bitcast3A_1096 : vector<16xf32>
        %mul3A_1098 = arith.constant 5 : i32
        %mul3A_1099 = arith.muli %scan3A_969, %mul3A_1098 : i32
        %add3A_1100 = arith.constant 50 : i32
        %add3A_1101 = arith.addi %add3A_1100, %mul3A_1099 : i32
        %add3A_1102 = arith.constant 4 : i32
        %add3A_1103 = arith.addi %add3A_1101, %add3A_1102 : i32
        %get3A_1104 = arith.constant 5 : i32
        %get3A_1105 = arith.index_cast %get3A_1104 : i32 to index
        %get3A_1106 = arith.index_cast %add3A_1103 : i32 to index
        %get3A_1107 = arith.constant 0 : index
        %get3A_1108 = tpu.vector_load %arg6[%get3A_1105, %get3A_1106, %get3A_1107] {strides = array<i32>} : memref<8x100x32xi32, #tpu.memory_space<vmem>>, vector<16xi32>,
        %get3A_1109 = arith.constant 5 : i32
        %get3A_1110 = arith.index_cast %get3A_1109 : i32 to index
        %get3A_1111 = arith.index_cast %add3A_1103 : i32 to index
        %get3A_1112 = arith.constant 16 : index
        %get3A_1113 = tpu.vector_load %arg6[%get3A_1110, %get3A_1111, %get3A_1112] {strides = array<i32>} : memref<8x100x32xi32, #tpu.memory_space<vmem>>, vector<16xi32>,
        %shift_left3A_1114 = arith.constant 16 : i32
        %shift_left3A_1115 = vector.broadcast %shift_left3A_1114 : i32 to vector<16xi32>
        %shift_left3A_1116 = arith.shli %get3A_1108, %shift_left3A_1115 : vector<16xi32>
        %bitcast3A_1117 = vector.bitcast %shift_left3A_1116 : vector<16xi32> to vector<16xf32>
        %add3A_1118 = arith.addf %add3A_1086, %bitcast3A_1117 : vector<16xf32>
        %and3A_1119 = arith.andi %get3A_1108, %broadcast_in_dim3A_98 : vector<16xi32>
        %bitcast3A_1120 = vector.bitcast %and3A_1119 : vector<16xi32> to vector<16xf32>
        %add3A_1121 = arith.addf %add3A_1089, %bitcast3A_1120 : vector<16xf32>
        %shift_left3A_1122 = arith.constant 16 : i32
        %shift_left3A_1123 = vector.broadcast %shift_left3A_1122 : i32 to vector<16xi32>
        %shift_left3A_1124 = arith.shli %get3A_1113, %shift_left3A_1123 : vector<16xi32>
        %bitcast3A_1125 = vector.bitcast %shift_left3A_1124 : vector<16xi32> to vector<16xf32>
        %add3A_1126 = arith.addf %add3A_1094, %bitcast3A_1125 : vector<16xf32>
        %and3A_1127 = arith.andi %get3A_1113, %broadcast_in_dim3A_98 : vector<16xi32>
        %bitcast3A_1128 = vector.bitcast %and3A_1127 : vector<16xi32> to vector<16xf32>
        %add3A_1129 = arith.addf %add3A_1097, %bitcast3A_1128 : vector<16xf32>
        scf.yield %add3A_1118, %add3A_1126, %add3A_1121, %add3A_1129 : vector<16xf32>, vector<16xf32>, vector<16xf32>, vector<16xf32>
      }
      %scan3A_717 = arith.constant 10 : i32
      %mul3A_718 = arith.constant 2 : i32
      %mul3A_719 = arith.muli %add3A_646, %mul3A_718 : i32
      %add3A_720 = arith.constant 1 : i32
      %add3A_721 = arith.addi %mul3A_719, %add3A_720 : i32
      %swap3A_722 = arith.index_cast %add3A_721 : i32 to index
      %swap3A_723 = arith.constant 0 : index
      %swap3A_724 = tpu.vector_load %arg7[%swap3A_722, %swap3A_723] {strides = array<i32>} : memref<512x64xf32, #tpu.memory_space<vmem>>, vector<16xf32>,
      tpu.vector_store %arg7[%swap3A_722, %swap3A_723], %scan3A_716#0 {strides = array<i32>} : memref<512x64xf32, #tpu.memory_space<vmem>>, vector<16xf32>,
      %mul3A_725 = arith.constant 2 : i32
      %mul3A_726 = arith.muli %add3A_646, %mul3A_725 : i32
      %add3A_727 = arith.constant 1 : i32
      %add3A_728 = arith.addi %mul3A_726, %add3A_727 : i32
      %swap3A_729 = arith.index_cast %add3A_728 : i32 to index
      %swap3A_730 = arith.constant 16 : index
      %swap3A_731 = tpu.vector_load %arg7[%swap3A_729, %swap3A_730] {strides = array<i32>} : memref<512x64xf32, #tpu.memory_space<vmem>>, vector<16xf32>,
      tpu.vector_store %arg7[%swap3A_729, %swap3A_730], %scan3A_716#1 {strides = array<i32>} : memref<512x64xf32, #tpu.memory_space<vmem>>, vector<16xf32>,
      %mul3A_732 = arith.constant 2 : i32
      %mul3A_733 = arith.muli %add3A_646, %mul3A_732 : i32
      %add3A_734 = arith.constant 1 : i32
      %add3A_735 = arith.addi %mul3A_733, %add3A_734 : i32
      %swap3A_736 = arith.index_cast %add3A_735 : i32 to index
      %swap3A_737 = arith.constant 32 : index
      %swap3A_738 = tpu.vector_load %arg7[%swap3A_736, %swap3A_737] {strides = array<i32>} : memref<512x64xf32, #tpu.memory_space<vmem>>, vector<16xf32>,
      tpu.vector_store %arg7[%swap3A_736, %swap3A_737], %scan3A_716#2 {strides = array<i32>} : memref<512x64xf32, #tpu.memory_space<vmem>>, vector<16xf32>,
      %mul3A_739 = arith.constant 2 : i32
      %mul3A_740 = arith.muli %add3A_646, %mul3A_739 : i32
      %add3A_741 = arith.constant 1 : i32
      %add3A_742 = arith.addi %mul3A_740, %add3A_741 : i32
      %swap3A_743 = arith.index_cast %add3A_742 : i32 to index
      %swap3A_744 = arith.constant 48 : index
      %swap3A_745 = tpu.vector_load %arg7[%swap3A_743, %swap3A_744] {strides = array<i32>} : memref<512x64xf32, #tpu.memory_space<vmem>>, vector<16xf32>,
      tpu.vector_store %arg7[%swap3A_743, %swap3A_744], %scan3A_716#3 {strides = array<i32>} : memref<512x64xf32, #tpu.memory_space<vmem>>, vector<16xf32>,
      %add3A_746 = arith.constant 8 : i32
      %add3A_747 = arith.addi %add3A_646, %add3A_746 : i32
      %lt3A_748 = arith.constant 256 : i32
      %lt3A_749 = arith.cmpi slt, %add3A_747, %lt3A_748 : i32
      %convert_element_type3A_750 = arith.extui %lt3A_749 : i1 to i32
      %cond3A_751 = arith.constant 0 : i32
      %cond3A_752 = arith.cmpi ne, %convert_element_type3A_750, %cond3A_751 : i32
      scf.if %cond3A_752 {
        %dma_start3A_969 = arith.constant 5 : i32
        %dma_start3A_970 = arith.constant 0 : i32
        %dma_start3A_971 = arith.constant 0 : i32
        %dma_start3A_972 = tpu.memref_slice %arg6[%dma_start3A_969, %dma_start3A_970, %dma_start3A_971] : memref<8x100x32xi32, #tpu.memory_space<vmem>> -> memref<1x100x32xi32, #tpu.memory_space<vmem>>
        %dma_start3A_973 = tpu.memref_squeeze %dma_start3A_972 : memref<1x100x32xi32, #tpu.memory_space<vmem>> -> memref<100x32xi32, #tpu.memory_space<vmem>>
        %dma_start3A_974 = arith.constant 0 : i32
        %dma_start3A_975 = tpu.memref_slice %arg5[%add3A_747, %dma_start3A_974] : memref<256x100xi32, #tpu.memory_space<vmem>> -> memref<1x100xi32, #tpu.memory_space<vmem>>
        %dma_start3A_976 = tpu.memref_squeeze %dma_start3A_975 : memref<1x100xi32, #tpu.memory_space<vmem>> -> memref<100xi32, #tpu.memory_space<vmem>>
        %dma_start3A_977 = arith.constant 0 : i32
        %dma_start3A_978 = arith.constant 0 : i32
        %dma_start3A_979 = tpu.memref_slice %arg3[%dma_start3A_977, %dma_start3A_978] : memref<1015808x32xi32, #tpu.memory_space<hbm>> -> memref<1015808x32xi32, #tpu.memory_space<hbm>>
        tpu.enqueue_indirect_dma source(%dma_start3A_979 : memref<1015808x32xi32, #tpu.memory_space<hbm>>) target(%dma_start3A_973 : memref<100x32xi32, #tpu.memory_space<vmem>>) offsets(%dma_start3A_976 : memref<100xi32, #tpu.memory_space<vmem>>) semaphore(%arg8 : memref<!tpu.dma_semaphore, #tpu.memory_space<semaphore_mem>>)
      } else {
      }
      %add3A_753 = arith.constant 6 : i32
      %add3A_754 = arith.addi %add3A_109, %add3A_753 : i32
      %dma_wait3A_755 = arith.constant 6 : i32
      %dma_wait3A_756 = arith.constant 0 : i32
      %dma_wait3A_757 = arith.constant 0 : i32
      %dma_wait3A_758 = tpu.memref_slice %arg6[%dma_wait3A_755, %dma_wait3A_756, %dma_wait3A_757] : memref<8x100x32xi32, #tpu.memory_space<vmem>> -> memref<1x100x32xi32, #tpu.memory_space<vmem>>
      %dma_wait3A_759 = tpu.memref_squeeze %dma_wait3A_758 : memref<1x100x32xi32, #tpu.memory_space<vmem>> -> memref<100x32xi32, #tpu.memory_space<vmem>>
      %dma_wait3A_760 = arith.constant 0 : i32
      %dma_wait3A_761 = arith.constant 0 : i32
      %dma_wait3A_762 = tpu.memref_slice %arg3[%dma_wait3A_760, %dma_wait3A_761] : memref<1015808x32xi32, #tpu.memory_space<hbm>> -> memref<100x32xi32, #tpu.memory_space<hbm>>
      %dma_wait3A_763 = arith.constant 0 : i32
      %dma_wait3A_764 = arith.constant 0 : i32
      %dma_wait3A_765 = tpu.memref_slice %arg6[%dma_wait3A_755, %dma_wait3A_763, %dma_wait3A_764] : memref<8x100x32xi32, #tpu.memory_space<vmem>> -> memref<1x100x32xi32, #tpu.memory_space<vmem>>
      %dma_wait3A_766 = tpu.memref_squeeze %dma_wait3A_765 : memref<1x100x32xi32, #tpu.memory_space<vmem>> -> memref<100x32xi32, #tpu.memory_space<vmem>>
      %dma_wait3A_767 = arith.constant 0 : i32
      %dma_wait3A_768 = arith.constant 0 : i32
      %dma_wait3A_769 = tpu.memref_slice %arg3[%dma_wait3A_767, %dma_wait3A_768] : memref<1015808x32xi32, #tpu.memory_space<hbm>> -> memref<100x32xi32, #tpu.memory_space<hbm>>
      tpu.wait_dma2 semaphore(%arg8 : memref<!tpu.dma_semaphore, #tpu.memory_space<semaphore_mem>>) src(%dma_wait3A_769 : memref<100x32xi32, #tpu.memory_space<hbm>>) dst(%dma_wait3A_766 : memref<100x32xi32, #tpu.memory_space<vmem>>)
      %broadcast_in_dim3A_770 = arith.constant 0.000000e+00 : f32
      %broadcast_in_dim3A_771 = vector.broadcast %broadcast_in_dim3A_770 : f32 to vector<16xf32>
      %broadcast_in_dim3A_772 = arith.constant 0.000000e+00 : f32
      %broadcast_in_dim3A_773 = vector.broadcast %broadcast_in_dim3A_772 : f32 to vector<16xf32>
      %broadcast_in_dim3A_774 = arith.constant 0.000000e+00 : f32
      %broadcast_in_dim3A_775 = vector.broadcast %broadcast_in_dim3A_774 : f32 to vector<16xf32>
      %broadcast_in_dim3A_776 = arith.constant 0.000000e+00 : f32
      %broadcast_in_dim3A_777 = vector.broadcast %broadcast_in_dim3A_776 : f32 to vector<16xf32>
      %scan3A_778 = arith.constant 0 : i32
      %scan3A_779 = arith.constant 10 : i32
      %scan3A_780 = arith.addi %scan3A_778, %scan3A_779 : i32
      %scan3A_781 = arith.constant 1 : i32
      %scan3A_782:4 = scf.for %scan3A_969 = %scan3A_778 to %scan3A_780 step %scan3A_781 iter_args(%scan3A_970 = %broadcast_in_dim3A_771, %scan3A_971 = %broadcast_in_dim3A_773, %scan3A_972 = %broadcast_in_dim3A_775, %scan3A_973 = %broadcast_in_dim3A_777) -> (vector<16xf32>, vector<16xf32>, vector<16xf32>, vector<16xf32>)  : i32 {
        %mul3A_974 = arith.constant 5 : i32
        %mul3A_975 = arith.muli %scan3A_969, %mul3A_974 : i32
        %add3A_976 = arith.constant 0 : i32
        %add3A_977 = arith.addi %add3A_976, %mul3A_975 : i32
        %add3A_978 = arith.constant 0 : i32
        %add3A_979 = arith.addi %add3A_977, %add3A_978 : i32
        %get3A = arith.constant 6 : i32
        %get3A_980 = arith.index_cast %get3A : i32 to index
        %get3A_981 = arith.index_cast %add3A_979 : i32 to index
        %get3A_982 = arith.constant 0 : index
        %get3A_983 = tpu.vector_load %arg6[%get3A_980, %get3A_981, %get3A_982] {strides = array<i32>} : memref<8x100x32xi32, #tpu.memory_space<vmem>>, vector<16xi32>,
        %get3A_984 = arith.constant 6 : i32
        %get3A_985 = arith.index_cast %get3A_984 : i32 to index
        %get3A_986 = arith.index_cast %add3A_979 : i32 to index
        %get3A_987 = arith.constant 16 : index
        %get3A_988 = tpu.vector_load %arg6[%get3A_985, %get3A_986, %get3A_987] {strides = array<i32>} : memref<8x100x32xi32, #tpu.memory_space<vmem>>, vector<16xi32>,
        %shift_left3A = arith.constant 16 : i32
        %shift_left3A_989 = vector.broadcast %shift_left3A : i32 to vector<16xi32>
        %shift_left3A_990 = arith.shli %get3A_983, %shift_left3A_989 : vector<16xi32>
        %bitcast3A = vector.bitcast %shift_left3A_990 : vector<16xi32> to vector<16xf32>
        %add3A_991 = arith.addf %scan3A_970, %bitcast3A : vector<16xf32>
        %and3A = arith.andi %get3A_983, %broadcast_in_dim3A_98 : vector<16xi32>
        %bitcast3A_992 = vector.bitcast %and3A : vector<16xi32> to vector<16xf32>
        %add3A_993 = arith.addf %scan3A_972, %bitcast3A_992 : vector<16xf32>
        %shift_left3A_994 = arith.constant 16 : i32
        %shift_left3A_995 = vector.broadcast %shift_left3A_994 : i32 to vector<16xi32>
        %shift_left3A_996 = arith.shli %get3A_988, %shift_left3A_995 : vector<16xi32>
        %bitcast3A_997 = vector.bitcast %shift_left3A_996 : vector<16xi32> to vector<16xf32>
        %add3A_998 = arith.addf %scan3A_971, %bitcast3A_997 : vector<16xf32>
        %and3A_999 = arith.andi %get3A_988, %broadcast_in_dim3A_98 : vector<16xi32>
        %bitcast3A_1000 = vector.bitcast %and3A_999 : vector<16xi32> to vector<16xf32>
        %add3A_1001 = arith.addf %scan3A_973, %bitcast3A_1000 : vector<16xf32>
        %mul3A_1002 = arith.constant 5 : i32
        %mul3A_1003 = arith.muli %scan3A_969, %mul3A_1002 : i32
        %add3A_1004 = arith.constant 0 : i32
        %add3A_1005 = arith.addi %add3A_1004, %mul3A_1003 : i32
        %add3A_1006 = arith.constant 1 : i32
        %add3A_1007 = arith.addi %add3A_1005, %add3A_1006 : i32
        %get3A_1008 = arith.constant 6 : i32
        %get3A_1009 = arith.index_cast %get3A_1008 : i32 to index
        %get3A_1010 = arith.index_cast %add3A_1007 : i32 to index
        %get3A_1011 = arith.constant 0 : index
        %get3A_1012 = tpu.vector_load %arg6[%get3A_1009, %get3A_1010, %get3A_1011] {strides = array<i32>} : memref<8x100x32xi32, #tpu.memory_space<vmem>>, vector<16xi32>,
        %get3A_1013 = arith.constant 6 : i32
        %get3A_1014 = arith.index_cast %get3A_1013 : i32 to index
        %get3A_1015 = arith.index_cast %add3A_1007 : i32 to index
        %get3A_1016 = arith.constant 16 : index
        %get3A_1017 = tpu.vector_load %arg6[%get3A_1014, %get3A_1015, %get3A_1016] {strides = array<i32>} : memref<8x100x32xi32, #tpu.memory_space<vmem>>, vector<16xi32>,
        %shift_left3A_1018 = arith.constant 16 : i32
        %shift_left3A_1019 = vector.broadcast %shift_left3A_1018 : i32 to vector<16xi32>
        %shift_left3A_1020 = arith.shli %get3A_1012, %shift_left3A_1019 : vector<16xi32>
        %bitcast3A_1021 = vector.bitcast %shift_left3A_1020 : vector<16xi32> to vector<16xf32>
        %add3A_1022 = arith.addf %add3A_991, %bitcast3A_1021 : vector<16xf32>
        %and3A_1023 = arith.andi %get3A_1012, %broadcast_in_dim3A_98 : vector<16xi32>
        %bitcast3A_1024 = vector.bitcast %and3A_1023 : vector<16xi32> to vector<16xf32>
        %add3A_1025 = arith.addf %add3A_993, %bitcast3A_1024 : vector<16xf32>
        %shift_left3A_1026 = arith.constant 16 : i32
        %shift_left3A_1027 = vector.broadcast %shift_left3A_1026 : i32 to vector<16xi32>
        %shift_left3A_1028 = arith.shli %get3A_1017, %shift_left3A_1027 : vector<16xi32>
        %bitcast3A_1029 = vector.bitcast %shift_left3A_1028 : vector<16xi32> to vector<16xf32>
        %add3A_1030 = arith.addf %add3A_998, %bitcast3A_1029 : vector<16xf32>
        %and3A_1031 = arith.andi %get3A_1017, %broadcast_in_dim3A_98 : vector<16xi32>
        %bitcast3A_1032 = vector.bitcast %and3A_1031 : vector<16xi32> to vector<16xf32>
        %add3A_1033 = arith.addf %add3A_1001, %bitcast3A_1032 : vector<16xf32>
        %mul3A_1034 = arith.constant 5 : i32
        %mul3A_1035 = arith.muli %scan3A_969, %mul3A_1034 : i32
        %add3A_1036 = arith.constant 0 : i32
        %add3A_1037 = arith.addi %add3A_1036, %mul3A_1035 : i32
        %add3A_1038 = arith.constant 2 : i32
        %add3A_1039 = arith.addi %add3A_1037, %add3A_1038 : i32
        %get3A_1040 = arith.constant 6 : i32
        %get3A_1041 = arith.index_cast %get3A_1040 : i32 to index
        %get3A_1042 = arith.index_cast %add3A_1039 : i32 to index
        %get3A_1043 = arith.constant 0 : index
        %get3A_1044 = tpu.vector_load %arg6[%get3A_1041, %get3A_1042, %get3A_1043] {strides = array<i32>} : memref<8x100x32xi32, #tpu.memory_space<vmem>>, vector<16xi32>,
        %get3A_1045 = arith.constant 6 : i32
        %get3A_1046 = arith.index_cast %get3A_1045 : i32 to index
        %get3A_1047 = arith.index_cast %add3A_1039 : i32 to index
        %get3A_1048 = arith.constant 16 : index
        %get3A_1049 = tpu.vector_load %arg6[%get3A_1046, %get3A_1047, %get3A_1048] {strides = array<i32>} : memref<8x100x32xi32, #tpu.memory_space<vmem>>, vector<16xi32>,
        %shift_left3A_1050 = arith.constant 16 : i32
        %shift_left3A_1051 = vector.broadcast %shift_left3A_1050 : i32 to vector<16xi32>
        %shift_left3A_1052 = arith.shli %get3A_1044, %shift_left3A_1051 : vector<16xi32>
        %bitcast3A_1053 = vector.bitcast %shift_left3A_1052 : vector<16xi32> to vector<16xf32>
        %add3A_1054 = arith.addf %add3A_1022, %bitcast3A_1053 : vector<16xf32>
        %and3A_1055 = arith.andi %get3A_1044, %broadcast_in_dim3A_98 : vector<16xi32>
        %bitcast3A_1056 = vector.bitcast %and3A_1055 : vector<16xi32> to vector<16xf32>
        %add3A_1057 = arith.addf %add3A_1025, %bitcast3A_1056 : vector<16xf32>
        %shift_left3A_1058 = arith.constant 16 : i32
        %shift_left3A_1059 = vector.broadcast %shift_left3A_1058 : i32 to vector<16xi32>
        %shift_left3A_1060 = arith.shli %get3A_1049, %shift_left3A_1059 : vector<16xi32>
        %bitcast3A_1061 = vector.bitcast %shift_left3A_1060 : vector<16xi32> to vector<16xf32>
        %add3A_1062 = arith.addf %add3A_1030, %bitcast3A_1061 : vector<16xf32>
        %and3A_1063 = arith.andi %get3A_1049, %broadcast_in_dim3A_98 : vector<16xi32>
        %bitcast3A_1064 = vector.bitcast %and3A_1063 : vector<16xi32> to vector<16xf32>
        %add3A_1065 = arith.addf %add3A_1033, %bitcast3A_1064 : vector<16xf32>
        %mul3A_1066 = arith.constant 5 : i32
        %mul3A_1067 = arith.muli %scan3A_969, %mul3A_1066 : i32
        %add3A_1068 = arith.constant 0 : i32
        %add3A_1069 = arith.addi %add3A_1068, %mul3A_1067 : i32
        %add3A_1070 = arith.constant 3 : i32
        %add3A_1071 = arith.addi %add3A_1069, %add3A_1070 : i32
        %get3A_1072 = arith.constant 6 : i32
        %get3A_1073 = arith.index_cast %get3A_1072 : i32 to index
        %get3A_1074 = arith.index_cast %add3A_1071 : i32 to index
        %get3A_1075 = arith.constant 0 : index
        %get3A_1076 = tpu.vector_load %arg6[%get3A_1073, %get3A_1074, %get3A_1075] {strides = array<i32>} : memref<8x100x32xi32, #tpu.memory_space<vmem>>, vector<16xi32>,
        %get3A_1077 = arith.constant 6 : i32
        %get3A_1078 = arith.index_cast %get3A_1077 : i32 to index
        %get3A_1079 = arith.index_cast %add3A_1071 : i32 to index
        %get3A_1080 = arith.constant 16 : index
        %get3A_1081 = tpu.vector_load %arg6[%get3A_1078, %get3A_1079, %get3A_1080] {strides = array<i32>} : memref<8x100x32xi32, #tpu.memory_space<vmem>>, vector<16xi32>,
        %shift_left3A_1082 = arith.constant 16 : i32
        %shift_left3A_1083 = vector.broadcast %shift_left3A_1082 : i32 to vector<16xi32>
        %shift_left3A_1084 = arith.shli %get3A_1076, %shift_left3A_1083 : vector<16xi32>
        %bitcast3A_1085 = vector.bitcast %shift_left3A_1084 : vector<16xi32> to vector<16xf32>
        %add3A_1086 = arith.addf %add3A_1054, %bitcast3A_1085 : vector<16xf32>
        %and3A_1087 = arith.andi %get3A_1076, %broadcast_in_dim3A_98 : vector<16xi32>
        %bitcast3A_1088 = vector.bitcast %and3A_1087 : vector<16xi32> to vector<16xf32>
        %add3A_1089 = arith.addf %add3A_1057, %bitcast3A_1088 : vector<16xf32>
        %shift_left3A_1090 = arith.constant 16 : i32
        %shift_left3A_1091 = vector.broadcast %shift_left3A_1090 : i32 to vector<16xi32>
        %shift_left3A_1092 = arith.shli %get3A_1081, %shift_left3A_1091 : vector<16xi32>
        %bitcast3A_1093 = vector.bitcast %shift_left3A_1092 : vector<16xi32> to vector<16xf32>
        %add3A_1094 = arith.addf %add3A_1062, %bitcast3A_1093 : vector<16xf32>
        %and3A_1095 = arith.andi %get3A_1081, %broadcast_in_dim3A_98 : vector<16xi32>
        %bitcast3A_1096 = vector.bitcast %and3A_1095 : vector<16xi32> to vector<16xf32>
        %add3A_1097 = arith.addf %add3A_1065, %bitcast3A_1096 : vector<16xf32>
        %mul3A_1098 = arith.constant 5 : i32
        %mul3A_1099 = arith.muli %scan3A_969, %mul3A_1098 : i32
        %add3A_1100 = arith.constant 0 : i32
        %add3A_1101 = arith.addi %add3A_1100, %mul3A_1099 : i32
        %add3A_1102 = arith.constant 4 : i32
        %add3A_1103 = arith.addi %add3A_1101, %add3A_1102 : i32
        %get3A_1104 = arith.constant 6 : i32
        %get3A_1105 = arith.index_cast %get3A_1104 : i32 to index
        %get3A_1106 = arith.index_cast %add3A_1103 : i32 to index
        %get3A_1107 = arith.constant 0 : index
        %get3A_1108 = tpu.vector_load %arg6[%get3A_1105, %get3A_1106, %get3A_1107] {strides = array<i32>} : memref<8x100x32xi32, #tpu.memory_space<vmem>>, vector<16xi32>,
        %get3A_1109 = arith.constant 6 : i32
        %get3A_1110 = arith.index_cast %get3A_1109 : i32 to index
        %get3A_1111 = arith.index_cast %add3A_1103 : i32 to index
        %get3A_1112 = arith.constant 16 : index
        %get3A_1113 = tpu.vector_load %arg6[%get3A_1110, %get3A_1111, %get3A_1112] {strides = array<i32>} : memref<8x100x32xi32, #tpu.memory_space<vmem>>, vector<16xi32>,
        %shift_left3A_1114 = arith.constant 16 : i32
        %shift_left3A_1115 = vector.broadcast %shift_left3A_1114 : i32 to vector<16xi32>
        %shift_left3A_1116 = arith.shli %get3A_1108, %shift_left3A_1115 : vector<16xi32>
        %bitcast3A_1117 = vector.bitcast %shift_left3A_1116 : vector<16xi32> to vector<16xf32>
        %add3A_1118 = arith.addf %add3A_1086, %bitcast3A_1117 : vector<16xf32>
        %and3A_1119 = arith.andi %get3A_1108, %broadcast_in_dim3A_98 : vector<16xi32>
        %bitcast3A_1120 = vector.bitcast %and3A_1119 : vector<16xi32> to vector<16xf32>
        %add3A_1121 = arith.addf %add3A_1089, %bitcast3A_1120 : vector<16xf32>
        %shift_left3A_1122 = arith.constant 16 : i32
        %shift_left3A_1123 = vector.broadcast %shift_left3A_1122 : i32 to vector<16xi32>
        %shift_left3A_1124 = arith.shli %get3A_1113, %shift_left3A_1123 : vector<16xi32>
        %bitcast3A_1125 = vector.bitcast %shift_left3A_1124 : vector<16xi32> to vector<16xf32>
        %add3A_1126 = arith.addf %add3A_1094, %bitcast3A_1125 : vector<16xf32>
        %and3A_1127 = arith.andi %get3A_1113, %broadcast_in_dim3A_98 : vector<16xi32>
        %bitcast3A_1128 = vector.bitcast %and3A_1127 : vector<16xi32> to vector<16xf32>
        %add3A_1129 = arith.addf %add3A_1097, %bitcast3A_1128 : vector<16xf32>
        scf.yield %add3A_1118, %add3A_1126, %add3A_1121, %add3A_1129 : vector<16xf32>, vector<16xf32>, vector<16xf32>, vector<16xf32>
      }
      %scan3A_783 = arith.constant 10 : i32
      %mul3A_784 = arith.constant 2 : i32
      %mul3A_785 = arith.muli %add3A_754, %mul3A_784 : i32
      %add3A_786 = arith.constant 0 : i32
      %add3A_787 = arith.addi %mul3A_785, %add3A_786 : i32
      %swap3A_788 = arith.index_cast %add3A_787 : i32 to index
      %swap3A_789 = arith.constant 0 : index
      %swap3A_790 = tpu.vector_load %arg7[%swap3A_788, %swap3A_789] {strides = array<i32>} : memref<512x64xf32, #tpu.memory_space<vmem>>, vector<16xf32>,
      tpu.vector_store %arg7[%swap3A_788, %swap3A_789], %scan3A_782#0 {strides = array<i32>} : memref<512x64xf32, #tpu.memory_space<vmem>>, vector<16xf32>,
      %mul3A_791 = arith.constant 2 : i32
      %mul3A_792 = arith.muli %add3A_754, %mul3A_791 : i32
      %add3A_793 = arith.constant 0 : i32
      %add3A_794 = arith.addi %mul3A_792, %add3A_793 : i32
      %swap3A_795 = arith.index_cast %add3A_794 : i32 to index
      %swap3A_796 = arith.constant 16 : index
      %swap3A_797 = tpu.vector_load %arg7[%swap3A_795, %swap3A_796] {strides = array<i32>} : memref<512x64xf32, #tpu.memory_space<vmem>>, vector<16xf32>,
      tpu.vector_store %arg7[%swap3A_795, %swap3A_796], %scan3A_782#1 {strides = array<i32>} : memref<512x64xf32, #tpu.memory_space<vmem>>, vector<16xf32>,
      %mul3A_798 = arith.constant 2 : i32
      %mul3A_799 = arith.muli %add3A_754, %mul3A_798 : i32
      %add3A_800 = arith.constant 0 : i32
      %add3A_801 = arith.addi %mul3A_799, %add3A_800 : i32
      %swap3A_802 = arith.index_cast %add3A_801 : i32 to index
      %swap3A_803 = arith.constant 32 : index
      %swap3A_804 = tpu.vector_load %arg7[%swap3A_802, %swap3A_803] {strides = array<i32>} : memref<512x64xf32, #tpu.memory_space<vmem>>, vector<16xf32>,
      tpu.vector_store %arg7[%swap3A_802, %swap3A_803], %scan3A_782#2 {strides = array<i32>} : memref<512x64xf32, #tpu.memory_space<vmem>>, vector<16xf32>,
      %mul3A_805 = arith.constant 2 : i32
      %mul3A_806 = arith.muli %add3A_754, %mul3A_805 : i32
      %add3A_807 = arith.constant 0 : i32
      %add3A_808 = arith.addi %mul3A_806, %add3A_807 : i32
      %swap3A_809 = arith.index_cast %add3A_808 : i32 to index
      %swap3A_810 = arith.constant 48 : index
      %swap3A_811 = tpu.vector_load %arg7[%swap3A_809, %swap3A_810] {strides = array<i32>} : memref<512x64xf32, #tpu.memory_space<vmem>>, vector<16xf32>,
      tpu.vector_store %arg7[%swap3A_809, %swap3A_810], %scan3A_782#3 {strides = array<i32>} : memref<512x64xf32, #tpu.memory_space<vmem>>, vector<16xf32>,
      %broadcast_in_dim3A_812 = arith.constant 0.000000e+00 : f32
      %broadcast_in_dim3A_813 = vector.broadcast %broadcast_in_dim3A_812 : f32 to vector<16xf32>
      %broadcast_in_dim3A_814 = arith.constant 0.000000e+00 : f32
      %broadcast_in_dim3A_815 = vector.broadcast %broadcast_in_dim3A_814 : f32 to vector<16xf32>
      %broadcast_in_dim3A_816 = arith.constant 0.000000e+00 : f32
      %broadcast_in_dim3A_817 = vector.broadcast %broadcast_in_dim3A_816 : f32 to vector<16xf32>
      %broadcast_in_dim3A_818 = arith.constant 0.000000e+00 : f32
      %broadcast_in_dim3A_819 = vector.broadcast %broadcast_in_dim3A_818 : f32 to vector<16xf32>
      %scan3A_820 = arith.constant 0 : i32
      %scan3A_821 = arith.constant 10 : i32
      %scan3A_822 = arith.addi %scan3A_820, %scan3A_821 : i32
      %scan3A_823 = arith.constant 1 : i32
      %scan3A_824:4 = scf.for %scan3A_969 = %scan3A_820 to %scan3A_822 step %scan3A_823 iter_args(%scan3A_970 = %broadcast_in_dim3A_813, %scan3A_971 = %broadcast_in_dim3A_815, %scan3A_972 = %broadcast_in_dim3A_817, %scan3A_973 = %broadcast_in_dim3A_819) -> (vector<16xf32>, vector<16xf32>, vector<16xf32>, vector<16xf32>)  : i32 {
        %mul3A_974 = arith.constant 5 : i32
        %mul3A_975 = arith.muli %scan3A_969, %mul3A_974 : i32
        %add3A_976 = arith.constant 50 : i32
        %add3A_977 = arith.addi %add3A_976, %mul3A_975 : i32
        %add3A_978 = arith.constant 0 : i32
        %add3A_979 = arith.addi %add3A_977, %add3A_978 : i32
        %get3A = arith.constant 6 : i32
        %get3A_980 = arith.index_cast %get3A : i32 to index
        %get3A_981 = arith.index_cast %add3A_979 : i32 to index
        %get3A_982 = arith.constant 0 : index
        %get3A_983 = tpu.vector_load %arg6[%get3A_980, %get3A_981, %get3A_982] {strides = array<i32>} : memref<8x100x32xi32, #tpu.memory_space<vmem>>, vector<16xi32>,
        %get3A_984 = arith.constant 6 : i32
        %get3A_985 = arith.index_cast %get3A_984 : i32 to index
        %get3A_986 = arith.index_cast %add3A_979 : i32 to index
        %get3A_987 = arith.constant 16 : index
        %get3A_988 = tpu.vector_load %arg6[%get3A_985, %get3A_986, %get3A_987] {strides = array<i32>} : memref<8x100x32xi32, #tpu.memory_space<vmem>>, vector<16xi32>,
        %shift_left3A = arith.constant 16 : i32
        %shift_left3A_989 = vector.broadcast %shift_left3A : i32 to vector<16xi32>
        %shift_left3A_990 = arith.shli %get3A_983, %shift_left3A_989 : vector<16xi32>
        %bitcast3A = vector.bitcast %shift_left3A_990 : vector<16xi32> to vector<16xf32>
        %add3A_991 = arith.addf %scan3A_970, %bitcast3A : vector<16xf32>
        %and3A = arith.andi %get3A_983, %broadcast_in_dim3A_98 : vector<16xi32>
        %bitcast3A_992 = vector.bitcast %and3A : vector<16xi32> to vector<16xf32>
        %add3A_993 = arith.addf %scan3A_972, %bitcast3A_992 : vector<16xf32>
        %shift_left3A_994 = arith.constant 16 : i32
        %shift_left3A_995 = vector.broadcast %shift_left3A_994 : i32 to vector<16xi32>
        %shift_left3A_996 = arith.shli %get3A_988, %shift_left3A_995 : vector<16xi32>
        %bitcast3A_997 = vector.bitcast %shift_left3A_996 : vector<16xi32> to vector<16xf32>
        %add3A_998 = arith.addf %scan3A_971, %bitcast3A_997 : vector<16xf32>
        %and3A_999 = arith.andi %get3A_988, %broadcast_in_dim3A_98 : vector<16xi32>
        %bitcast3A_1000 = vector.bitcast %and3A_999 : vector<16xi32> to vector<16xf32>
        %add3A_1001 = arith.addf %scan3A_973, %bitcast3A_1000 : vector<16xf32>
        %mul3A_1002 = arith.constant 5 : i32
        %mul3A_1003 = arith.muli %scan3A_969, %mul3A_1002 : i32
        %add3A_1004 = arith.constant 50 : i32
        %add3A_1005 = arith.addi %add3A_1004, %mul3A_1003 : i32
        %add3A_1006 = arith.constant 1 : i32
        %add3A_1007 = arith.addi %add3A_1005, %add3A_1006 : i32
        %get3A_1008 = arith.constant 6 : i32
        %get3A_1009 = arith.index_cast %get3A_1008 : i32 to index
        %get3A_1010 = arith.index_cast %add3A_1007 : i32 to index
        %get3A_1011 = arith.constant 0 : index
        %get3A_1012 = tpu.vector_load %arg6[%get3A_1009, %get3A_1010, %get3A_1011] {strides = array<i32>} : memref<8x100x32xi32, #tpu.memory_space<vmem>>, vector<16xi32>,
        %get3A_1013 = arith.constant 6 : i32
        %get3A_1014 = arith.index_cast %get3A_1013 : i32 to index
        %get3A_1015 = arith.index_cast %add3A_1007 : i32 to index
        %get3A_1016 = arith.constant 16 : index
        %get3A_1017 = tpu.vector_load %arg6[%get3A_1014, %get3A_1015, %get3A_1016] {strides = array<i32>} : memref<8x100x32xi32, #tpu.memory_space<vmem>>, vector<16xi32>,
        %shift_left3A_1018 = arith.constant 16 : i32
        %shift_left3A_1019 = vector.broadcast %shift_left3A_1018 : i32 to vector<16xi32>
        %shift_left3A_1020 = arith.shli %get3A_1012, %shift_left3A_1019 : vector<16xi32>
        %bitcast3A_1021 = vector.bitcast %shift_left3A_1020 : vector<16xi32> to vector<16xf32>
        %add3A_1022 = arith.addf %add3A_991, %bitcast3A_1021 : vector<16xf32>
        %and3A_1023 = arith.andi %get3A_1012, %broadcast_in_dim3A_98 : vector<16xi32>
        %bitcast3A_1024 = vector.bitcast %and3A_1023 : vector<16xi32> to vector<16xf32>
        %add3A_1025 = arith.addf %add3A_993, %bitcast3A_1024 : vector<16xf32>
        %shift_left3A_1026 = arith.constant 16 : i32
        %shift_left3A_1027 = vector.broadcast %shift_left3A_1026 : i32 to vector<16xi32>
        %shift_left3A_1028 = arith.shli %get3A_1017, %shift_left3A_1027 : vector<16xi32>
        %bitcast3A_1029 = vector.bitcast %shift_left3A_1028 : vector<16xi32> to vector<16xf32>
        %add3A_1030 = arith.addf %add3A_998, %bitcast3A_1029 : vector<16xf32>
        %and3A_1031 = arith.andi %get3A_1017, %broadcast_in_dim3A_98 : vector<16xi32>
        %bitcast3A_1032 = vector.bitcast %and3A_1031 : vector<16xi32> to vector<16xf32>
        %add3A_1033 = arith.addf %add3A_1001, %bitcast3A_1032 : vector<16xf32>
        %mul3A_1034 = arith.constant 5 : i32
        %mul3A_1035 = arith.muli %scan3A_969, %mul3A_1034 : i32
        %add3A_1036 = arith.constant 50 : i32
        %add3A_1037 = arith.addi %add3A_1036, %mul3A_1035 : i32
        %add3A_1038 = arith.constant 2 : i32
        %add3A_1039 = arith.addi %add3A_1037, %add3A_1038 : i32
        %get3A_1040 = arith.constant 6 : i32
        %get3A_1041 = arith.index_cast %get3A_1040 : i32 to index
        %get3A_1042 = arith.index_cast %add3A_1039 : i32 to index
        %get3A_1043 = arith.constant 0 : index
        %get3A_1044 = tpu.vector_load %arg6[%get3A_1041, %get3A_1042, %get3A_1043] {strides = array<i32>} : memref<8x100x32xi32, #tpu.memory_space<vmem>>, vector<16xi32>,
        %get3A_1045 = arith.constant 6 : i32
        %get3A_1046 = arith.index_cast %get3A_1045 : i32 to index
        %get3A_1047 = arith.index_cast %add3A_1039 : i32 to index
        %get3A_1048 = arith.constant 16 : index
        %get3A_1049 = tpu.vector_load %arg6[%get3A_1046, %get3A_1047, %get3A_1048] {strides = array<i32>} : memref<8x100x32xi32, #tpu.memory_space<vmem>>, vector<16xi32>,
        %shift_left3A_1050 = arith.constant 16 : i32
        %shift_left3A_1051 = vector.broadcast %shift_left3A_1050 : i32 to vector<16xi32>
        %shift_left3A_1052 = arith.shli %get3A_1044, %shift_left3A_1051 : vector<16xi32>
        %bitcast3A_1053 = vector.bitcast %shift_left3A_1052 : vector<16xi32> to vector<16xf32>
        %add3A_1054 = arith.addf %add3A_1022, %bitcast3A_1053 : vector<16xf32>
        %and3A_1055 = arith.andi %get3A_1044, %broadcast_in_dim3A_98 : vector<16xi32>
        %bitcast3A_1056 = vector.bitcast %and3A_1055 : vector<16xi32> to vector<16xf32>
        %add3A_1057 = arith.addf %add3A_1025, %bitcast3A_1056 : vector<16xf32>
        %shift_left3A_1058 = arith.constant 16 : i32
        %shift_left3A_1059 = vector.broadcast %shift_left3A_1058 : i32 to vector<16xi32>
        %shift_left3A_1060 = arith.shli %get3A_1049, %shift_left3A_1059 : vector<16xi32>
        %bitcast3A_1061 = vector.bitcast %shift_left3A_1060 : vector<16xi32> to vector<16xf32>
        %add3A_1062 = arith.addf %add3A_1030, %bitcast3A_1061 : vector<16xf32>
        %and3A_1063 = arith.andi %get3A_1049, %broadcast_in_dim3A_98 : vector<16xi32>
        %bitcast3A_1064 = vector.bitcast %and3A_1063 : vector<16xi32> to vector<16xf32>
        %add3A_1065 = arith.addf %add3A_1033, %bitcast3A_1064 : vector<16xf32>
        %mul3A_1066 = arith.constant 5 : i32
        %mul3A_1067 = arith.muli %scan3A_969, %mul3A_1066 : i32
        %add3A_1068 = arith.constant 50 : i32
        %add3A_1069 = arith.addi %add3A_1068, %mul3A_1067 : i32
        %add3A_1070 = arith.constant 3 : i32
        %add3A_1071 = arith.addi %add3A_1069, %add3A_1070 : i32
        %get3A_1072 = arith.constant 6 : i32
        %get3A_1073 = arith.index_cast %get3A_1072 : i32 to index
        %get3A_1074 = arith.index_cast %add3A_1071 : i32 to index
        %get3A_1075 = arith.constant 0 : index
        %get3A_1076 = tpu.vector_load %arg6[%get3A_1073, %get3A_1074, %get3A_1075] {strides = array<i32>} : memref<8x100x32xi32, #tpu.memory_space<vmem>>, vector<16xi32>,
        %get3A_1077 = arith.constant 6 : i32
        %get3A_1078 = arith.index_cast %get3A_1077 : i32 to index
        %get3A_1079 = arith.index_cast %add3A_1071 : i32 to index
        %get3A_1080 = arith.constant 16 : index
        %get3A_1081 = tpu.vector_load %arg6[%get3A_1078, %get3A_1079, %get3A_1080] {strides = array<i32>} : memref<8x100x32xi32, #tpu.memory_space<vmem>>, vector<16xi32>,
        %shift_left3A_1082 = arith.constant 16 : i32
        %shift_left3A_1083 = vector.broadcast %shift_left3A_1082 : i32 to vector<16xi32>
        %shift_left3A_1084 = arith.shli %get3A_1076, %shift_left3A_1083 : vector<16xi32>
        %bitcast3A_1085 = vector.bitcast %shift_left3A_1084 : vector<16xi32> to vector<16xf32>
        %add3A_1086 = arith.addf %add3A_1054, %bitcast3A_1085 : vector<16xf32>
        %and3A_1087 = arith.andi %get3A_1076, %broadcast_in_dim3A_98 : vector<16xi32>
        %bitcast3A_1088 = vector.bitcast %and3A_1087 : vector<16xi32> to vector<16xf32>
        %add3A_1089 = arith.addf %add3A_1057, %bitcast3A_1088 : vector<16xf32>
        %shift_left3A_1090 = arith.constant 16 : i32
        %shift_left3A_1091 = vector.broadcast %shift_left3A_1090 : i32 to vector<16xi32>
        %shift_left3A_1092 = arith.shli %get3A_1081, %shift_left3A_1091 : vector<16xi32>
        %bitcast3A_1093 = vector.bitcast %shift_left3A_1092 : vector<16xi32> to vector<16xf32>
        %add3A_1094 = arith.addf %add3A_1062, %bitcast3A_1093 : vector<16xf32>
        %and3A_1095 = arith.andi %get3A_1081, %broadcast_in_dim3A_98 : vector<16xi32>
        %bitcast3A_1096 = vector.bitcast %and3A_1095 : vector<16xi32> to vector<16xf32>
        %add3A_1097 = arith.addf %add3A_1065, %bitcast3A_1096 : vector<16xf32>
        %mul3A_1098 = arith.constant 5 : i32
        %mul3A_1099 = arith.muli %scan3A_969, %mul3A_1098 : i32
        %add3A_1100 = arith.constant 50 : i32
        %add3A_1101 = arith.addi %add3A_1100, %mul3A_1099 : i32
        %add3A_1102 = arith.constant 4 : i32
        %add3A_1103 = arith.addi %add3A_1101, %add3A_1102 : i32
        %get3A_1104 = arith.constant 6 : i32
        %get3A_1105 = arith.index_cast %get3A_1104 : i32 to index
        %get3A_1106 = arith.index_cast %add3A_1103 : i32 to index
        %get3A_1107 = arith.constant 0 : index
        %get3A_1108 = tpu.vector_load %arg6[%get3A_1105, %get3A_1106, %get3A_1107] {strides = array<i32>} : memref<8x100x32xi32, #tpu.memory_space<vmem>>, vector<16xi32>,
        %get3A_1109 = arith.constant 6 : i32
        %get3A_1110 = arith.index_cast %get3A_1109 : i32 to index
        %get3A_1111 = arith.index_cast %add3A_1103 : i32 to index
        %get3A_1112 = arith.constant 16 : index
        %get3A_1113 = tpu.vector_load %arg6[%get3A_1110, %get3A_1111, %get3A_1112] {strides = array<i32>} : memref<8x100x32xi32, #tpu.memory_space<vmem>>, vector<16xi32>,
        %shift_left3A_1114 = arith.constant 16 : i32
        %shift_left3A_1115 = vector.broadcast %shift_left3A_1114 : i32 to vector<16xi32>
        %shift_left3A_1116 = arith.shli %get3A_1108, %shift_left3A_1115 : vector<16xi32>
        %bitcast3A_1117 = vector.bitcast %shift_left3A_1116 : vector<16xi32> to vector<16xf32>
        %add3A_1118 = arith.addf %add3A_1086, %bitcast3A_1117 : vector<16xf32>
        %and3A_1119 = arith.andi %get3A_1108, %broadcast_in_dim3A_98 : vector<16xi32>
        %bitcast3A_1120 = vector.bitcast %and3A_1119 : vector<16xi32> to vector<16xf32>
        %add3A_1121 = arith.addf %add3A_1089, %bitcast3A_1120 : vector<16xf32>
        %shift_left3A_1122 = arith.constant 16 : i32
        %shift_left3A_1123 = vector.broadcast %shift_left3A_1122 : i32 to vector<16xi32>
        %shift_left3A_1124 = arith.shli %get3A_1113, %shift_left3A_1123 : vector<16xi32>
        %bitcast3A_1125 = vector.bitcast %shift_left3A_1124 : vector<16xi32> to vector<16xf32>
        %add3A_1126 = arith.addf %add3A_1094, %bitcast3A_1125 : vector<16xf32>
        %and3A_1127 = arith.andi %get3A_1113, %broadcast_in_dim3A_98 : vector<16xi32>
        %bitcast3A_1128 = vector.bitcast %and3A_1127 : vector<16xi32> to vector<16xf32>
        %add3A_1129 = arith.addf %add3A_1097, %bitcast3A_1128 : vector<16xf32>
        scf.yield %add3A_1118, %add3A_1126, %add3A_1121, %add3A_1129 : vector<16xf32>, vector<16xf32>, vector<16xf32>, vector<16xf32>
      }
      %scan3A_825 = arith.constant 10 : i32
      %mul3A_826 = arith.constant 2 : i32
      %mul3A_827 = arith.muli %add3A_754, %mul3A_826 : i32
      %add3A_828 = arith.constant 1 : i32
      %add3A_829 = arith.addi %mul3A_827, %add3A_828 : i32
      %swap3A_830 = arith.index_cast %add3A_829 : i32 to index
      %swap3A_831 = arith.constant 0 : index
      %swap3A_832 = tpu.vector_load %arg7[%swap3A_830, %swap3A_831] {strides = array<i32>} : memref<512x64xf32, #tpu.memory_space<vmem>>, vector<16xf32>,
      tpu.vector_store %arg7[%swap3A_830, %swap3A_831], %scan3A_824#0 {strides = array<i32>} : memref<512x64xf32, #tpu.memory_space<vmem>>, vector<16xf32>,
      %mul3A_833 = arith.constant 2 : i32
      %mul3A_834 = arith.muli %add3A_754, %mul3A_833 : i32
      %add3A_835 = arith.constant 1 : i32
      %add3A_836 = arith.addi %mul3A_834, %add3A_835 : i32
      %swap3A_837 = arith.index_cast %add3A_836 : i32 to index
      %swap3A_838 = arith.constant 16 : index
      %swap3A_839 = tpu.vector_load %arg7[%swap3A_837, %swap3A_838] {strides = array<i32>} : memref<512x64xf32, #tpu.memory_space<vmem>>, vector<16xf32>,
      tpu.vector_store %arg7[%swap3A_837, %swap3A_838], %scan3A_824#1 {strides = array<i32>} : memref<512x64xf32, #tpu.memory_space<vmem>>, vector<16xf32>,
      %mul3A_840 = arith.constant 2 : i32
      %mul3A_841 = arith.muli %add3A_754, %mul3A_840 : i32
      %add3A_842 = arith.constant 1 : i32
      %add3A_843 = arith.addi %mul3A_841, %add3A_842 : i32
      %swap3A_844 = arith.index_cast %add3A_843 : i32 to index
      %swap3A_845 = arith.constant 32 : index
      %swap3A_846 = tpu.vector_load %arg7[%swap3A_844, %swap3A_845] {strides = array<i32>} : memref<512x64xf32, #tpu.memory_space<vmem>>, vector<16xf32>,
      tpu.vector_store %arg7[%swap3A_844, %swap3A_845], %scan3A_824#2 {strides = array<i32>} : memref<512x64xf32, #tpu.memory_space<vmem>>, vector<16xf32>,
      %mul3A_847 = arith.constant 2 : i32
      %mul3A_848 = arith.muli %add3A_754, %mul3A_847 : i32
      %add3A_849 = arith.constant 1 : i32
      %add3A_850 = arith.addi %mul3A_848, %add3A_849 : i32
      %swap3A_851 = arith.index_cast %add3A_850 : i32 to index
      %swap3A_852 = arith.constant 48 : index
      %swap3A_853 = tpu.vector_load %arg7[%swap3A_851, %swap3A_852] {strides = array<i32>} : memref<512x64xf32, #tpu.memory_space<vmem>>, vector<16xf32>,
      tpu.vector_store %arg7[%swap3A_851, %swap3A_852], %scan3A_824#3 {strides = array<i32>} : memref<512x64xf32, #tpu.memory_space<vmem>>, vector<16xf32>,
      %add3A_854 = arith.constant 8 : i32
      %add3A_855 = arith.addi %add3A_754, %add3A_854 : i32
      %lt3A_856 = arith.constant 256 : i32
      %lt3A_857 = arith.cmpi slt, %add3A_855, %lt3A_856 : i32
      %convert_element_type3A_858 = arith.extui %lt3A_857 : i1 to i32
      %cond3A_859 = arith.constant 0 : i32
      %cond3A_860 = arith.cmpi ne, %convert_element_type3A_858, %cond3A_859 : i32
      scf.if %cond3A_860 {
        %dma_start3A_969 = arith.constant 6 : i32
        %dma_start3A_970 = arith.constant 0 : i32
        %dma_start3A_971 = arith.constant 0 : i32
        %dma_start3A_972 = tpu.memref_slice %arg6[%dma_start3A_969, %dma_start3A_970, %dma_start3A_971] : memref<8x100x32xi32, #tpu.memory_space<vmem>> -> memref<1x100x32xi32, #tpu.memory_space<vmem>>
        %dma_start3A_973 = tpu.memref_squeeze %dma_start3A_972 : memref<1x100x32xi32, #tpu.memory_space<vmem>> -> memref<100x32xi32, #tpu.memory_space<vmem>>
        %dma_start3A_974 = arith.constant 0 : i32
        %dma_start3A_975 = tpu.memref_slice %arg5[%add3A_855, %dma_start3A_974] : memref<256x100xi32, #tpu.memory_space<vmem>> -> memref<1x100xi32, #tpu.memory_space<vmem>>
        %dma_start3A_976 = tpu.memref_squeeze %dma_start3A_975 : memref<1x100xi32, #tpu.memory_space<vmem>> -> memref<100xi32, #tpu.memory_space<vmem>>
        %dma_start3A_977 = arith.constant 0 : i32
        %dma_start3A_978 = arith.constant 0 : i32
        %dma_start3A_979 = tpu.memref_slice %arg3[%dma_start3A_977, %dma_start3A_978] : memref<1015808x32xi32, #tpu.memory_space<hbm>> -> memref<1015808x32xi32, #tpu.memory_space<hbm>>
        tpu.enqueue_indirect_dma source(%dma_start3A_979 : memref<1015808x32xi32, #tpu.memory_space<hbm>>) target(%dma_start3A_973 : memref<100x32xi32, #tpu.memory_space<vmem>>) offsets(%dma_start3A_976 : memref<100xi32, #tpu.memory_space<vmem>>) semaphore(%arg8 : memref<!tpu.dma_semaphore, #tpu.memory_space<semaphore_mem>>)
      } else {
      }
      %add3A_861 = arith.constant 7 : i32
      %add3A_862 = arith.addi %add3A_109, %add3A_861 : i32
      %dma_wait3A_863 = arith.constant 7 : i32
      %dma_wait3A_864 = arith.constant 0 : i32
      %dma_wait3A_865 = arith.constant 0 : i32
      %dma_wait3A_866 = tpu.memref_slice %arg6[%dma_wait3A_863, %dma_wait3A_864, %dma_wait3A_865] : memref<8x100x32xi32, #tpu.memory_space<vmem>> -> memref<1x100x32xi32, #tpu.memory_space<vmem>>
      %dma_wait3A_867 = tpu.memref_squeeze %dma_wait3A_866 : memref<1x100x32xi32, #tpu.memory_space<vmem>> -> memref<100x32xi32, #tpu.memory_space<vmem>>
      %dma_wait3A_868 = arith.constant 0 : i32
      %dma_wait3A_869 = arith.constant 0 : i32
      %dma_wait3A_870 = tpu.memref_slice %arg3[%dma_wait3A_868, %dma_wait3A_869] : memref<1015808x32xi32, #tpu.memory_space<hbm>> -> memref<100x32xi32, #tpu.memory_space<hbm>>
      %dma_wait3A_871 = arith.constant 0 : i32
      %dma_wait3A_872 = arith.constant 0 : i32
      %dma_wait3A_873 = tpu.memref_slice %arg6[%dma_wait3A_863, %dma_wait3A_871, %dma_wait3A_872] : memref<8x100x32xi32, #tpu.memory_space<vmem>> -> memref<1x100x32xi32, #tpu.memory_space<vmem>>
      %dma_wait3A_874 = tpu.memref_squeeze %dma_wait3A_873 : memref<1x100x32xi32, #tpu.memory_space<vmem>> -> memref<100x32xi32, #tpu.memory_space<vmem>>
      %dma_wait3A_875 = arith.constant 0 : i32
      %dma_wait3A_876 = arith.constant 0 : i32
      %dma_wait3A_877 = tpu.memref_slice %arg3[%dma_wait3A_875, %dma_wait3A_876] : memref<1015808x32xi32, #tpu.memory_space<hbm>> -> memref<100x32xi32, #tpu.memory_space<hbm>>
      tpu.wait_dma2 semaphore(%arg8 : memref<!tpu.dma_semaphore, #tpu.memory_space<semaphore_mem>>) src(%dma_wait3A_877 : memref<100x32xi32, #tpu.memory_space<hbm>>) dst(%dma_wait3A_874 : memref<100x32xi32, #tpu.memory_space<vmem>>)
      %broadcast_in_dim3A_878 = arith.constant 0.000000e+00 : f32
      %broadcast_in_dim3A_879 = vector.broadcast %broadcast_in_dim3A_878 : f32 to vector<16xf32>
      %broadcast_in_dim3A_880 = arith.constant 0.000000e+00 : f32
      %broadcast_in_dim3A_881 = vector.broadcast %broadcast_in_dim3A_880 : f32 to vector<16xf32>
      %broadcast_in_dim3A_882 = arith.constant 0.000000e+00 : f32
      %broadcast_in_dim3A_883 = vector.broadcast %broadcast_in_dim3A_882 : f32 to vector<16xf32>
      %broadcast_in_dim3A_884 = arith.constant 0.000000e+00 : f32
      %broadcast_in_dim3A_885 = vector.broadcast %broadcast_in_dim3A_884 : f32 to vector<16xf32>
      %scan3A_886 = arith.constant 0 : i32
      %scan3A_887 = arith.constant 10 : i32
      %scan3A_888 = arith.addi %scan3A_886, %scan3A_887 : i32
      %scan3A_889 = arith.constant 1 : i32
      %scan3A_890:4 = scf.for %scan3A_969 = %scan3A_886 to %scan3A_888 step %scan3A_889 iter_args(%scan3A_970 = %broadcast_in_dim3A_879, %scan3A_971 = %broadcast_in_dim3A_881, %scan3A_972 = %broadcast_in_dim3A_883, %scan3A_973 = %broadcast_in_dim3A_885) -> (vector<16xf32>, vector<16xf32>, vector<16xf32>, vector<16xf32>)  : i32 {
        %mul3A_974 = arith.constant 5 : i32
        %mul3A_975 = arith.muli %scan3A_969, %mul3A_974 : i32
        %add3A_976 = arith.constant 0 : i32
        %add3A_977 = arith.addi %add3A_976, %mul3A_975 : i32
        %add3A_978 = arith.constant 0 : i32
        %add3A_979 = arith.addi %add3A_977, %add3A_978 : i32
        %get3A = arith.constant 7 : i32
        %get3A_980 = arith.index_cast %get3A : i32 to index
        %get3A_981 = arith.index_cast %add3A_979 : i32 to index
        %get3A_982 = arith.constant 0 : index
        %get3A_983 = tpu.vector_load %arg6[%get3A_980, %get3A_981, %get3A_982] {strides = array<i32>} : memref<8x100x32xi32, #tpu.memory_space<vmem>>, vector<16xi32>,
        %get3A_984 = arith.constant 7 : i32
        %get3A_985 = arith.index_cast %get3A_984 : i32 to index
        %get3A_986 = arith.index_cast %add3A_979 : i32 to index
        %get3A_987 = arith.constant 16 : index
        %get3A_988 = tpu.vector_load %arg6[%get3A_985, %get3A_986, %get3A_987] {strides = array<i32>} : memref<8x100x32xi32, #tpu.memory_space<vmem>>, vector<16xi32>,
        %shift_left3A = arith.constant 16 : i32
        %shift_left3A_989 = vector.broadcast %shift_left3A : i32 to vector<16xi32>
        %shift_left3A_990 = arith.shli %get3A_983, %shift_left3A_989 : vector<16xi32>
        %bitcast3A = vector.bitcast %shift_left3A_990 : vector<16xi32> to vector<16xf32>
        %add3A_991 = arith.addf %scan3A_970, %bitcast3A : vector<16xf32>
        %and3A = arith.andi %get3A_983, %broadcast_in_dim3A_98 : vector<16xi32>
        %bitcast3A_992 = vector.bitcast %and3A : vector<16xi32> to vector<16xf32>
        %add3A_993 = arith.addf %scan3A_972, %bitcast3A_992 : vector<16xf32>
        %shift_left3A_994 = arith.constant 16 : i32
        %shift_left3A_995 = vector.broadcast %shift_left3A_994 : i32 to vector<16xi32>
        %shift_left3A_996 = arith.shli %get3A_988, %shift_left3A_995 : vector<16xi32>
        %bitcast3A_997 = vector.bitcast %shift_left3A_996 : vector<16xi32> to vector<16xf32>
        %add3A_998 = arith.addf %scan3A_971, %bitcast3A_997 : vector<16xf32>
        %and3A_999 = arith.andi %get3A_988, %broadcast_in_dim3A_98 : vector<16xi32>
        %bitcast3A_1000 = vector.bitcast %and3A_999 : vector<16xi32> to vector<16xf32>
        %add3A_1001 = arith.addf %scan3A_973, %bitcast3A_1000 : vector<16xf32>
        %mul3A_1002 = arith.constant 5 : i32
        %mul3A_1003 = arith.muli %scan3A_969, %mul3A_1002 : i32
        %add3A_1004 = arith.constant 0 : i32
        %add3A_1005 = arith.addi %add3A_1004, %mul3A_1003 : i32
        %add3A_1006 = arith.constant 1 : i32
        %add3A_1007 = arith.addi %add3A_1005, %add3A_1006 : i32
        %get3A_1008 = arith.constant 7 : i32
        %get3A_1009 = arith.index_cast %get3A_1008 : i32 to index
        %get3A_1010 = arith.index_cast %add3A_1007 : i32 to index
        %get3A_1011 = arith.constant 0 : index
        %get3A_1012 = tpu.vector_load %arg6[%get3A_1009, %get3A_1010, %get3A_1011] {strides = array<i32>} : memref<8x100x32xi32, #tpu.memory_space<vmem>>, vector<16xi32>,
        %get3A_1013 = arith.constant 7 : i32
        %get3A_1014 = arith.index_cast %get3A_1013 : i32 to index
        %get3A_1015 = arith.index_cast %add3A_1007 : i32 to index
        %get3A_1016 = arith.constant 16 : index
        %get3A_1017 = tpu.vector_load %arg6[%get3A_1014, %get3A_1015, %get3A_1016] {strides = array<i32>} : memref<8x100x32xi32, #tpu.memory_space<vmem>>, vector<16xi32>,
        %shift_left3A_1018 = arith.constant 16 : i32
        %shift_left3A_1019 = vector.broadcast %shift_left3A_1018 : i32 to vector<16xi32>
        %shift_left3A_1020 = arith.shli %get3A_1012, %shift_left3A_1019 : vector<16xi32>
        %bitcast3A_1021 = vector.bitcast %shift_left3A_1020 : vector<16xi32> to vector<16xf32>
        %add3A_1022 = arith.addf %add3A_991, %bitcast3A_1021 : vector<16xf32>
        %and3A_1023 = arith.andi %get3A_1012, %broadcast_in_dim3A_98 : vector<16xi32>
        %bitcast3A_1024 = vector.bitcast %and3A_1023 : vector<16xi32> to vector<16xf32>
        %add3A_1025 = arith.addf %add3A_993, %bitcast3A_1024 : vector<16xf32>
        %shift_left3A_1026 = arith.constant 16 : i32
        %shift_left3A_1027 = vector.broadcast %shift_left3A_1026 : i32 to vector<16xi32>
        %shift_left3A_1028 = arith.shli %get3A_1017, %shift_left3A_1027 : vector<16xi32>
        %bitcast3A_1029 = vector.bitcast %shift_left3A_1028 : vector<16xi32> to vector<16xf32>
        %add3A_1030 = arith.addf %add3A_998, %bitcast3A_1029 : vector<16xf32>
        %and3A_1031 = arith.andi %get3A_1017, %broadcast_in_dim3A_98 : vector<16xi32>
        %bitcast3A_1032 = vector.bitcast %and3A_1031 : vector<16xi32> to vector<16xf32>
        %add3A_1033 = arith.addf %add3A_1001, %bitcast3A_1032 : vector<16xf32>
        %mul3A_1034 = arith.constant 5 : i32
        %mul3A_1035 = arith.muli %scan3A_969, %mul3A_1034 : i32
        %add3A_1036 = arith.constant 0 : i32
        %add3A_1037 = arith.addi %add3A_1036, %mul3A_1035 : i32
        %add3A_1038 = arith.constant 2 : i32
        %add3A_1039 = arith.addi %add3A_1037, %add3A_1038 : i32
        %get3A_1040 = arith.constant 7 : i32
        %get3A_1041 = arith.index_cast %get3A_1040 : i32 to index
        %get3A_1042 = arith.index_cast %add3A_1039 : i32 to index
        %get3A_1043 = arith.constant 0 : index
        %get3A_1044 = tpu.vector_load %arg6[%get3A_1041, %get3A_1042, %get3A_1043] {strides = array<i32>} : memref<8x100x32xi32, #tpu.memory_space<vmem>>, vector<16xi32>,
        %get3A_1045 = arith.constant 7 : i32
        %get3A_1046 = arith.index_cast %get3A_1045 : i32 to index
        %get3A_1047 = arith.index_cast %add3A_1039 : i32 to index
        %get3A_1048 = arith.constant 16 : index
        %get3A_1049 = tpu.vector_load %arg6[%get3A_1046, %get3A_1047, %get3A_1048] {strides = array<i32>} : memref<8x100x32xi32, #tpu.memory_space<vmem>>, vector<16xi32>,
        %shift_left3A_1050 = arith.constant 16 : i32
        %shift_left3A_1051 = vector.broadcast %shift_left3A_1050 : i32 to vector<16xi32>
        %shift_left3A_1052 = arith.shli %get3A_1044, %shift_left3A_1051 : vector<16xi32>
        %bitcast3A_1053 = vector.bitcast %shift_left3A_1052 : vector<16xi32> to vector<16xf32>
        %add3A_1054 = arith.addf %add3A_1022, %bitcast3A_1053 : vector<16xf32>
        %and3A_1055 = arith.andi %get3A_1044, %broadcast_in_dim3A_98 : vector<16xi32>
        %bitcast3A_1056 = vector.bitcast %and3A_1055 : vector<16xi32> to vector<16xf32>
        %add3A_1057 = arith.addf %add3A_1025, %bitcast3A_1056 : vector<16xf32>
        %shift_left3A_1058 = arith.constant 16 : i32
        %shift_left3A_1059 = vector.broadcast %shift_left3A_1058 : i32 to vector<16xi32>
        %shift_left3A_1060 = arith.shli %get3A_1049, %shift_left3A_1059 : vector<16xi32>
        %bitcast3A_1061 = vector.bitcast %shift_left3A_1060 : vector<16xi32> to vector<16xf32>
        %add3A_1062 = arith.addf %add3A_1030, %bitcast3A_1061 : vector<16xf32>
        %and3A_1063 = arith.andi %get3A_1049, %broadcast_in_dim3A_98 : vector<16xi32>
        %bitcast3A_1064 = vector.bitcast %and3A_1063 : vector<16xi32> to vector<16xf32>
        %add3A_1065 = arith.addf %add3A_1033, %bitcast3A_1064 : vector<16xf32>
        %mul3A_1066 = arith.constant 5 : i32
        %mul3A_1067 = arith.muli %scan3A_969, %mul3A_1066 : i32
        %add3A_1068 = arith.constant 0 : i32
        %add3A_1069 = arith.addi %add3A_1068, %mul3A_1067 : i32
        %add3A_1070 = arith.constant 3 : i32
        %add3A_1071 = arith.addi %add3A_1069, %add3A_1070 : i32
        %get3A_1072 = arith.constant 7 : i32
        %get3A_1073 = arith.index_cast %get3A_1072 : i32 to index
        %get3A_1074 = arith.index_cast %add3A_1071 : i32 to index
        %get3A_1075 = arith.constant 0 : index
        %get3A_1076 = tpu.vector_load %arg6[%get3A_1073, %get3A_1074, %get3A_1075] {strides = array<i32>} : memref<8x100x32xi32, #tpu.memory_space<vmem>>, vector<16xi32>,
        %get3A_1077 = arith.constant 7 : i32
        %get3A_1078 = arith.index_cast %get3A_1077 : i32 to index
        %get3A_1079 = arith.index_cast %add3A_1071 : i32 to index
        %get3A_1080 = arith.constant 16 : index
        %get3A_1081 = tpu.vector_load %arg6[%get3A_1078, %get3A_1079, %get3A_1080] {strides = array<i32>} : memref<8x100x32xi32, #tpu.memory_space<vmem>>, vector<16xi32>,
        %shift_left3A_1082 = arith.constant 16 : i32
        %shift_left3A_1083 = vector.broadcast %shift_left3A_1082 : i32 to vector<16xi32>
        %shift_left3A_1084 = arith.shli %get3A_1076, %shift_left3A_1083 : vector<16xi32>
        %bitcast3A_1085 = vector.bitcast %shift_left3A_1084 : vector<16xi32> to vector<16xf32>
        %add3A_1086 = arith.addf %add3A_1054, %bitcast3A_1085 : vector<16xf32>
        %and3A_1087 = arith.andi %get3A_1076, %broadcast_in_dim3A_98 : vector<16xi32>
        %bitcast3A_1088 = vector.bitcast %and3A_1087 : vector<16xi32> to vector<16xf32>
        %add3A_1089 = arith.addf %add3A_1057, %bitcast3A_1088 : vector<16xf32>
        %shift_left3A_1090 = arith.constant 16 : i32
        %shift_left3A_1091 = vector.broadcast %shift_left3A_1090 : i32 to vector<16xi32>
        %shift_left3A_1092 = arith.shli %get3A_1081, %shift_left3A_1091 : vector<16xi32>
        %bitcast3A_1093 = vector.bitcast %shift_left3A_1092 : vector<16xi32> to vector<16xf32>
        %add3A_1094 = arith.addf %add3A_1062, %bitcast3A_1093 : vector<16xf32>
        %and3A_1095 = arith.andi %get3A_1081, %broadcast_in_dim3A_98 : vector<16xi32>
        %bitcast3A_1096 = vector.bitcast %and3A_1095 : vector<16xi32> to vector<16xf32>
        %add3A_1097 = arith.addf %add3A_1065, %bitcast3A_1096 : vector<16xf32>
        %mul3A_1098 = arith.constant 5 : i32
        %mul3A_1099 = arith.muli %scan3A_969, %mul3A_1098 : i32
        %add3A_1100 = arith.constant 0 : i32
        %add3A_1101 = arith.addi %add3A_1100, %mul3A_1099 : i32
        %add3A_1102 = arith.constant 4 : i32
        %add3A_1103 = arith.addi %add3A_1101, %add3A_1102 : i32
        %get3A_1104 = arith.constant 7 : i32
        %get3A_1105 = arith.index_cast %get3A_1104 : i32 to index
        %get3A_1106 = arith.index_cast %add3A_1103 : i32 to index
        %get3A_1107 = arith.constant 0 : index
        %get3A_1108 = tpu.vector_load %arg6[%get3A_1105, %get3A_1106, %get3A_1107] {strides = array<i32>} : memref<8x100x32xi32, #tpu.memory_space<vmem>>, vector<16xi32>,
        %get3A_1109 = arith.constant 7 : i32
        %get3A_1110 = arith.index_cast %get3A_1109 : i32 to index
        %get3A_1111 = arith.index_cast %add3A_1103 : i32 to index
        %get3A_1112 = arith.constant 16 : index
        %get3A_1113 = tpu.vector_load %arg6[%get3A_1110, %get3A_1111, %get3A_1112] {strides = array<i32>} : memref<8x100x32xi32, #tpu.memory_space<vmem>>, vector<16xi32>,
        %shift_left3A_1114 = arith.constant 16 : i32
        %shift_left3A_1115 = vector.broadcast %shift_left3A_1114 : i32 to vector<16xi32>
        %shift_left3A_1116 = arith.shli %get3A_1108, %shift_left3A_1115 : vector<16xi32>
        %bitcast3A_1117 = vector.bitcast %shift_left3A_1116 : vector<16xi32> to vector<16xf32>
        %add3A_1118 = arith.addf %add3A_1086, %bitcast3A_1117 : vector<16xf32>
        %and3A_1119 = arith.andi %get3A_1108, %broadcast_in_dim3A_98 : vector<16xi32>
        %bitcast3A_1120 = vector.bitcast %and3A_1119 : vector<16xi32> to vector<16xf32>
        %add3A_1121 = arith.addf %add3A_1089, %bitcast3A_1120 : vector<16xf32>
        %shift_left3A_1122 = arith.constant 16 : i32
        %shift_left3A_1123 = vector.broadcast %shift_left3A_1122 : i32 to vector<16xi32>
        %shift_left3A_1124 = arith.shli %get3A_1113, %shift_left3A_1123 : vector<16xi32>
        %bitcast3A_1125 = vector.bitcast %shift_left3A_1124 : vector<16xi32> to vector<16xf32>
        %add3A_1126 = arith.addf %add3A_1094, %bitcast3A_1125 : vector<16xf32>
        %and3A_1127 = arith.andi %get3A_1113, %broadcast_in_dim3A_98 : vector<16xi32>
        %bitcast3A_1128 = vector.bitcast %and3A_1127 : vector<16xi32> to vector<16xf32>
        %add3A_1129 = arith.addf %add3A_1097, %bitcast3A_1128 : vector<16xf32>
        scf.yield %add3A_1118, %add3A_1126, %add3A_1121, %add3A_1129 : vector<16xf32>, vector<16xf32>, vector<16xf32>, vector<16xf32>
      }
      %scan3A_891 = arith.constant 10 : i32
      %mul3A_892 = arith.constant 2 : i32
      %mul3A_893 = arith.muli %add3A_862, %mul3A_892 : i32
      %add3A_894 = arith.constant 0 : i32
      %add3A_895 = arith.addi %mul3A_893, %add3A_894 : i32
      %swap3A_896 = arith.index_cast %add3A_895 : i32 to index
      %swap3A_897 = arith.constant 0 : index
      %swap3A_898 = tpu.vector_load %arg7[%swap3A_896, %swap3A_897] {strides = array<i32>} : memref<512x64xf32, #tpu.memory_space<vmem>>, vector<16xf32>,
      tpu.vector_store %arg7[%swap3A_896, %swap3A_897], %scan3A_890#0 {strides = array<i32>} : memref<512x64xf32, #tpu.memory_space<vmem>>, vector<16xf32>,
      %mul3A_899 = arith.constant 2 : i32
      %mul3A_900 = arith.muli %add3A_862, %mul3A_899 : i32
      %add3A_901 = arith.constant 0 : i32
      %add3A_902 = arith.addi %mul3A_900, %add3A_901 : i32
      %swap3A_903 = arith.index_cast %add3A_902 : i32 to index
      %swap3A_904 = arith.constant 16 : index
      %swap3A_905 = tpu.vector_load %arg7[%swap3A_903, %swap3A_904] {strides = array<i32>} : memref<512x64xf32, #tpu.memory_space<vmem>>, vector<16xf32>,
      tpu.vector_store %arg7[%swap3A_903, %swap3A_904], %scan3A_890#1 {strides = array<i32>} : memref<512x64xf32, #tpu.memory_space<vmem>>, vector<16xf32>,
      %mul3A_906 = arith.constant 2 : i32
      %mul3A_907 = arith.muli %add3A_862, %mul3A_906 : i32
      %add3A_908 = arith.constant 0 : i32
      %add3A_909 = arith.addi %mul3A_907, %add3A_908 : i32
      %swap3A_910 = arith.index_cast %add3A_909 : i32 to index
      %swap3A_911 = arith.constant 32 : index
      %swap3A_912 = tpu.vector_load %arg7[%swap3A_910, %swap3A_911] {strides = array<i32>} : memref<512x64xf32, #tpu.memory_space<vmem>>, vector<16xf32>,
      tpu.vector_store %arg7[%swap3A_910, %swap3A_911], %scan3A_890#2 {strides = array<i32>} : memref<512x64xf32, #tpu.memory_space<vmem>>, vector<16xf32>,
      %mul3A_913 = arith.constant 2 : i32
      %mul3A_914 = arith.muli %add3A_862, %mul3A_913 : i32
      %add3A_915 = arith.constant 0 : i32
      %add3A_916 = arith.addi %mul3A_914, %add3A_915 : i32
      %swap3A_917 = arith.index_cast %add3A_916 : i32 to index
      %swap3A_918 = arith.constant 48 : index
      %swap3A_919 = tpu.vector_load %arg7[%swap3A_917, %swap3A_918] {strides = array<i32>} : memref<512x64xf32, #tpu.memory_space<vmem>>, vector<16xf32>,
      tpu.vector_store %arg7[%swap3A_917, %swap3A_918], %scan3A_890#3 {strides = array<i32>} : memref<512x64xf32, #tpu.memory_space<vmem>>, vector<16xf32>,
      %broadcast_in_dim3A_920 = arith.constant 0.000000e+00 : f32
      %broadcast_in_dim3A_921 = vector.broadcast %broadcast_in_dim3A_920 : f32 to vector<16xf32>
      %broadcast_in_dim3A_922 = arith.constant 0.000000e+00 : f32
      %broadcast_in_dim3A_923 = vector.broadcast %broadcast_in_dim3A_922 : f32 to vector<16xf32>
      %broadcast_in_dim3A_924 = arith.constant 0.000000e+00 : f32
      %broadcast_in_dim3A_925 = vector.broadcast %broadcast_in_dim3A_924 : f32 to vector<16xf32>
      %broadcast_in_dim3A_926 = arith.constant 0.000000e+00 : f32
      %broadcast_in_dim3A_927 = vector.broadcast %broadcast_in_dim3A_926 : f32 to vector<16xf32>
      %scan3A_928 = arith.constant 0 : i32
      %scan3A_929 = arith.constant 10 : i32
      %scan3A_930 = arith.addi %scan3A_928, %scan3A_929 : i32
      %scan3A_931 = arith.constant 1 : i32
      %scan3A_932:4 = scf.for %scan3A_969 = %scan3A_928 to %scan3A_930 step %scan3A_931 iter_args(%scan3A_970 = %broadcast_in_dim3A_921, %scan3A_971 = %broadcast_in_dim3A_923, %scan3A_972 = %broadcast_in_dim3A_925, %scan3A_973 = %broadcast_in_dim3A_927) -> (vector<16xf32>, vector<16xf32>, vector<16xf32>, vector<16xf32>)  : i32 {
        %mul3A_974 = arith.constant 5 : i32
        %mul3A_975 = arith.muli %scan3A_969, %mul3A_974 : i32
        %add3A_976 = arith.constant 50 : i32
        %add3A_977 = arith.addi %add3A_976, %mul3A_975 : i32
        %add3A_978 = arith.constant 0 : i32
        %add3A_979 = arith.addi %add3A_977, %add3A_978 : i32
        %get3A = arith.constant 7 : i32
        %get3A_980 = arith.index_cast %get3A : i32 to index
        %get3A_981 = arith.index_cast %add3A_979 : i32 to index
        %get3A_982 = arith.constant 0 : index
        %get3A_983 = tpu.vector_load %arg6[%get3A_980, %get3A_981, %get3A_982] {strides = array<i32>} : memref<8x100x32xi32, #tpu.memory_space<vmem>>, vector<16xi32>,
        %get3A_984 = arith.constant 7 : i32
        %get3A_985 = arith.index_cast %get3A_984 : i32 to index
        %get3A_986 = arith.index_cast %add3A_979 : i32 to index
        %get3A_987 = arith.constant 16 : index
        %get3A_988 = tpu.vector_load %arg6[%get3A_985, %get3A_986, %get3A_987] {strides = array<i32>} : memref<8x100x32xi32, #tpu.memory_space<vmem>>, vector<16xi32>,
        %shift_left3A = arith.constant 16 : i32
        %shift_left3A_989 = vector.broadcast %shift_left3A : i32 to vector<16xi32>
        %shift_left3A_990 = arith.shli %get3A_983, %shift_left3A_989 : vector<16xi32>
        %bitcast3A = vector.bitcast %shift_left3A_990 : vector<16xi32> to vector<16xf32>
        %add3A_991 = arith.addf %scan3A_970, %bitcast3A : vector<16xf32>
        %and3A = arith.andi %get3A_983, %broadcast_in_dim3A_98 : vector<16xi32>
        %bitcast3A_992 = vector.bitcast %and3A : vector<16xi32> to vector<16xf32>
        %add3A_993 = arith.addf %scan3A_972, %bitcast3A_992 : vector<16xf32>
        %shift_left3A_994 = arith.constant 16 : i32
        %shift_left3A_995 = vector.broadcast %shift_left3A_994 : i32 to vector<16xi32>
        %shift_left3A_996 = arith.shli %get3A_988, %shift_left3A_995 : vector<16xi32>
        %bitcast3A_997 = vector.bitcast %shift_left3A_996 : vector<16xi32> to vector<16xf32>
        %add3A_998 = arith.addf %scan3A_971, %bitcast3A_997 : vector<16xf32>
        %and3A_999 = arith.andi %get3A_988, %broadcast_in_dim3A_98 : vector<16xi32>
        %bitcast3A_1000 = vector.bitcast %and3A_999 : vector<16xi32> to vector<16xf32>
        %add3A_1001 = arith.addf %scan3A_973, %bitcast3A_1000 : vector<16xf32>
        %mul3A_1002 = arith.constant 5 : i32
        %mul3A_1003 = arith.muli %scan3A_969, %mul3A_1002 : i32
        %add3A_1004 = arith.constant 50 : i32
        %add3A_1005 = arith.addi %add3A_1004, %mul3A_1003 : i32
        %add3A_1006 = arith.constant 1 : i32
        %add3A_1007 = arith.addi %add3A_1005, %add3A_1006 : i32
        %get3A_1008 = arith.constant 7 : i32
        %get3A_1009 = arith.index_cast %get3A_1008 : i32 to index
        %get3A_1010 = arith.index_cast %add3A_1007 : i32 to index
        %get3A_1011 = arith.constant 0 : index
        %get3A_1012 = tpu.vector_load %arg6[%get3A_1009, %get3A_1010, %get3A_1011] {strides = array<i32>} : memref<8x100x32xi32, #tpu.memory_space<vmem>>, vector<16xi32>,
        %get3A_1013 = arith.constant 7 : i32
        %get3A_1014 = arith.index_cast %get3A_1013 : i32 to index
        %get3A_1015 = arith.index_cast %add3A_1007 : i32 to index
        %get3A_1016 = arith.constant 16 : index
        %get3A_1017 = tpu.vector_load %arg6[%get3A_1014, %get3A_1015, %get3A_1016] {strides = array<i32>} : memref<8x100x32xi32, #tpu.memory_space<vmem>>, vector<16xi32>,
        %shift_left3A_1018 = arith.constant 16 : i32
        %shift_left3A_1019 = vector.broadcast %shift_left3A_1018 : i32 to vector<16xi32>
        %shift_left3A_1020 = arith.shli %get3A_1012, %shift_left3A_1019 : vector<16xi32>
        %bitcast3A_1021 = vector.bitcast %shift_left3A_1020 : vector<16xi32> to vector<16xf32>
        %add3A_1022 = arith.addf %add3A_991, %bitcast3A_1021 : vector<16xf32>
        %and3A_1023 = arith.andi %get3A_1012, %broadcast_in_dim3A_98 : vector<16xi32>
        %bitcast3A_1024 = vector.bitcast %and3A_1023 : vector<16xi32> to vector<16xf32>
        %add3A_1025 = arith.addf %add3A_993, %bitcast3A_1024 : vector<16xf32>
        %shift_left3A_1026 = arith.constant 16 : i32
        %shift_left3A_1027 = vector.broadcast %shift_left3A_1026 : i32 to vector<16xi32>
        %shift_left3A_1028 = arith.shli %get3A_1017, %shift_left3A_1027 : vector<16xi32>
        %bitcast3A_1029 = vector.bitcast %shift_left3A_1028 : vector<16xi32> to vector<16xf32>
        %add3A_1030 = arith.addf %add3A_998, %bitcast3A_1029 : vector<16xf32>
        %and3A_1031 = arith.andi %get3A_1017, %broadcast_in_dim3A_98 : vector<16xi32>
        %bitcast3A_1032 = vector.bitcast %and3A_1031 : vector<16xi32> to vector<16xf32>
        %add3A_1033 = arith.addf %add3A_1001, %bitcast3A_1032 : vector<16xf32>
        %mul3A_1034 = arith.constant 5 : i32
        %mul3A_1035 = arith.muli %scan3A_969, %mul3A_1034 : i32
        %add3A_1036 = arith.constant 50 : i32
        %add3A_1037 = arith.addi %add3A_1036, %mul3A_1035 : i32
        %add3A_1038 = arith.constant 2 : i32
        %add3A_1039 = arith.addi %add3A_1037, %add3A_1038 : i32
        %get3A_1040 = arith.constant 7 : i32
        %get3A_1041 = arith.index_cast %get3A_1040 : i32 to index
        %get3A_1042 = arith.index_cast %add3A_1039 : i32 to index
        %get3A_1043 = arith.constant 0 : index
        %get3A_1044 = tpu.vector_load %arg6[%get3A_1041, %get3A_1042, %get3A_1043] {strides = array<i32>} : memref<8x100x32xi32, #tpu.memory_space<vmem>>, vector<16xi32>,
        %get3A_1045 = arith.constant 7 : i32
        %get3A_1046 = arith.index_cast %get3A_1045 : i32 to index
        %get3A_1047 = arith.index_cast %add3A_1039 : i32 to index
        %get3A_1048 = arith.constant 16 : index
        %get3A_1049 = tpu.vector_load %arg6[%get3A_1046, %get3A_1047, %get3A_1048] {strides = array<i32>} : memref<8x100x32xi32, #tpu.memory_space<vmem>>, vector<16xi32>,
        %shift_left3A_1050 = arith.constant 16 : i32
        %shift_left3A_1051 = vector.broadcast %shift_left3A_1050 : i32 to vector<16xi32>
        %shift_left3A_1052 = arith.shli %get3A_1044, %shift_left3A_1051 : vector<16xi32>
        %bitcast3A_1053 = vector.bitcast %shift_left3A_1052 : vector<16xi32> to vector<16xf32>
        %add3A_1054 = arith.addf %add3A_1022, %bitcast3A_1053 : vector<16xf32>
        %and3A_1055 = arith.andi %get3A_1044, %broadcast_in_dim3A_98 : vector<16xi32>
        %bitcast3A_1056 = vector.bitcast %and3A_1055 : vector<16xi32> to vector<16xf32>
        %add3A_1057 = arith.addf %add3A_1025, %bitcast3A_1056 : vector<16xf32>
        %shift_left3A_1058 = arith.constant 16 : i32
        %shift_left3A_1059 = vector.broadcast %shift_left3A_1058 : i32 to vector<16xi32>
        %shift_left3A_1060 = arith.shli %get3A_1049, %shift_left3A_1059 : vector<16xi32>
        %bitcast3A_1061 = vector.bitcast %shift_left3A_1060 : vector<16xi32> to vector<16xf32>
        %add3A_1062 = arith.addf %add3A_1030, %bitcast3A_1061 : vector<16xf32>
        %and3A_1063 = arith.andi %get3A_1049, %broadcast_in_dim3A_98 : vector<16xi32>
        %bitcast3A_1064 = vector.bitcast %and3A_1063 : vector<16xi32> to vector<16xf32>
        %add3A_1065 = arith.addf %add3A_1033, %bitcast3A_1064 : vector<16xf32>
        %mul3A_1066 = arith.constant 5 : i32
        %mul3A_1067 = arith.muli %scan3A_969, %mul3A_1066 : i32
        %add3A_1068 = arith.constant 50 : i32
        %add3A_1069 = arith.addi %add3A_1068, %mul3A_1067 : i32
        %add3A_1070 = arith.constant 3 : i32
        %add3A_1071 = arith.addi %add3A_1069, %add3A_1070 : i32
        %get3A_1072 = arith.constant 7 : i32
        %get3A_1073 = arith.index_cast %get3A_1072 : i32 to index
        %get3A_1074 = arith.index_cast %add3A_1071 : i32 to index
        %get3A_1075 = arith.constant 0 : index
        %get3A_1076 = tpu.vector_load %arg6[%get3A_1073, %get3A_1074, %get3A_1075] {strides = array<i32>} : memref<8x100x32xi32, #tpu.memory_space<vmem>>, vector<16xi32>,
        %get3A_1077 = arith.constant 7 : i32
        %get3A_1078 = arith.index_cast %get3A_1077 : i32 to index
        %get3A_1079 = arith.index_cast %add3A_1071 : i32 to index
        %get3A_1080 = arith.constant 16 : index
        %get3A_1081 = tpu.vector_load %arg6[%get3A_1078, %get3A_1079, %get3A_1080] {strides = array<i32>} : memref<8x100x32xi32, #tpu.memory_space<vmem>>, vector<16xi32>,
        %shift_left3A_1082 = arith.constant 16 : i32
        %shift_left3A_1083 = vector.broadcast %shift_left3A_1082 : i32 to vector<16xi32>
        %shift_left3A_1084 = arith.shli %get3A_1076, %shift_left3A_1083 : vector<16xi32>
        %bitcast3A_1085 = vector.bitcast %shift_left3A_1084 : vector<16xi32> to vector<16xf32>
        %add3A_1086 = arith.addf %add3A_1054, %bitcast3A_1085 : vector<16xf32>
        %and3A_1087 = arith.andi %get3A_1076, %broadcast_in_dim3A_98 : vector<16xi32>
        %bitcast3A_1088 = vector.bitcast %and3A_1087 : vector<16xi32> to vector<16xf32>
        %add3A_1089 = arith.addf %add3A_1057, %bitcast3A_1088 : vector<16xf32>
        %shift_left3A_1090 = arith.constant 16 : i32
        %shift_left3A_1091 = vector.broadcast %shift_left3A_1090 : i32 to vector<16xi32>
        %shift_left3A_1092 = arith.shli %get3A_1081, %shift_left3A_1091 : vector<16xi32>
        %bitcast3A_1093 = vector.bitcast %shift_left3A_1092 : vector<16xi32> to vector<16xf32>
        %add3A_1094 = arith.addf %add3A_1062, %bitcast3A_1093 : vector<16xf32>
        %and3A_1095 = arith.andi %get3A_1081, %broadcast_in_dim3A_98 : vector<16xi32>
        %bitcast3A_1096 = vector.bitcast %and3A_1095 : vector<16xi32> to vector<16xf32>
        %add3A_1097 = arith.addf %add3A_1065, %bitcast3A_1096 : vector<16xf32>
        %mul3A_1098 = arith.constant 5 : i32
        %mul3A_1099 = arith.muli %scan3A_969, %mul3A_1098 : i32
        %add3A_1100 = arith.constant 50 : i32
        %add3A_1101 = arith.addi %add3A_1100, %mul3A_1099 : i32
        %add3A_1102 = arith.constant 4 : i32
        %add3A_1103 = arith.addi %add3A_1101, %add3A_1102 : i32
        %get3A_1104 = arith.constant 7 : i32
        %get3A_1105 = arith.index_cast %get3A_1104 : i32 to index
        %get3A_1106 = arith.index_cast %add3A_1103 : i32 to index
        %get3A_1107 = arith.constant 0 : index
        %get3A_1108 = tpu.vector_load %arg6[%get3A_1105, %get3A_1106, %get3A_1107] {strides = array<i32>} : memref<8x100x32xi32, #tpu.memory_space<vmem>>, vector<16xi32>,
        %get3A_1109 = arith.constant 7 : i32
        %get3A_1110 = arith.index_cast %get3A_1109 : i32 to index
        %get3A_1111 = arith.index_cast %add3A_1103 : i32 to index
        %get3A_1112 = arith.constant 16 : index
        %get3A_1113 = tpu.vector_load %arg6[%get3A_1110, %get3A_1111, %get3A_1112] {strides = array<i32>} : memref<8x100x32xi32, #tpu.memory_space<vmem>>, vector<16xi32>,
        %shift_left3A_1114 = arith.constant 16 : i32
        %shift_left3A_1115 = vector.broadcast %shift_left3A_1114 : i32 to vector<16xi32>
        %shift_left3A_1116 = arith.shli %get3A_1108, %shift_left3A_1115 : vector<16xi32>
        %bitcast3A_1117 = vector.bitcast %shift_left3A_1116 : vector<16xi32> to vector<16xf32>
        %add3A_1118 = arith.addf %add3A_1086, %bitcast3A_1117 : vector<16xf32>
        %and3A_1119 = arith.andi %get3A_1108, %broadcast_in_dim3A_98 : vector<16xi32>
        %bitcast3A_1120 = vector.bitcast %and3A_1119 : vector<16xi32> to vector<16xf32>
        %add3A_1121 = arith.addf %add3A_1089, %bitcast3A_1120 : vector<16xf32>
        %shift_left3A_1122 = arith.constant 16 : i32
        %shift_left3A_1123 = vector.broadcast %shift_left3A_1122 : i32 to vector<16xi32>
        %shift_left3A_1124 = arith.shli %get3A_1113, %shift_left3A_1123 : vector<16xi32>
        %bitcast3A_1125 = vector.bitcast %shift_left3A_1124 : vector<16xi32> to vector<16xf32>
        %add3A_1126 = arith.addf %add3A_1094, %bitcast3A_1125 : vector<16xf32>
        %and3A_1127 = arith.andi %get3A_1113, %broadcast_in_dim3A_98 : vector<16xi32>
        %bitcast3A_1128 = vector.bitcast %and3A_1127 : vector<16xi32> to vector<16xf32>
        %add3A_1129 = arith.addf %add3A_1097, %bitcast3A_1128 : vector<16xf32>
        scf.yield %add3A_1118, %add3A_1126, %add3A_1121, %add3A_1129 : vector<16xf32>, vector<16xf32>, vector<16xf32>, vector<16xf32>
      }
      %scan3A_933 = arith.constant 10 : i32
      %mul3A_934 = arith.constant 2 : i32
      %mul3A_935 = arith.muli %add3A_862, %mul3A_934 : i32
      %add3A_936 = arith.constant 1 : i32
      %add3A_937 = arith.addi %mul3A_935, %add3A_936 : i32
      %swap3A_938 = arith.index_cast %add3A_937 : i32 to index
      %swap3A_939 = arith.constant 0 : index
      %swap3A_940 = tpu.vector_load %arg7[%swap3A_938, %swap3A_939] {strides = array<i32>} : memref<512x64xf32, #tpu.memory_space<vmem>>, vector<16xf32>,
      tpu.vector_store %arg7[%swap3A_938, %swap3A_939], %scan3A_932#0 {strides = array<i32>} : memref<512x64xf32, #tpu.memory_space<vmem>>, vector<16xf32>,
      %mul3A_941 = arith.constant 2 : i32
      %mul3A_942 = arith.muli %add3A_862, %mul3A_941 : i32
      %add3A_943 = arith.constant 1 : i32
      %add3A_944 = arith.addi %mul3A_942, %add3A_943 : i32
      %swap3A_945 = arith.index_cast %add3A_944 : i32 to index
      %swap3A_946 = arith.constant 16 : index
      %swap3A_947 = tpu.vector_load %arg7[%swap3A_945, %swap3A_946] {strides = array<i32>} : memref<512x64xf32, #tpu.memory_space<vmem>>, vector<16xf32>,
      tpu.vector_store %arg7[%swap3A_945, %swap3A_946], %scan3A_932#1 {strides = array<i32>} : memref<512x64xf32, #tpu.memory_space<vmem>>, vector<16xf32>,
      %mul3A_948 = arith.constant 2 : i32
      %mul3A_949 = arith.muli %add3A_862, %mul3A_948 : i32
      %add3A_950 = arith.constant 1 : i32
      %add3A_951 = arith.addi %mul3A_949, %add3A_950 : i32
      %swap3A_952 = arith.index_cast %add3A_951 : i32 to index
      %swap3A_953 = arith.constant 32 : index
      %swap3A_954 = tpu.vector_load %arg7[%swap3A_952, %swap3A_953] {strides = array<i32>} : memref<512x64xf32, #tpu.memory_space<vmem>>, vector<16xf32>,
      tpu.vector_store %arg7[%swap3A_952, %swap3A_953], %scan3A_932#2 {strides = array<i32>} : memref<512x64xf32, #tpu.memory_space<vmem>>, vector<16xf32>,
      %mul3A_955 = arith.constant 2 : i32
      %mul3A_956 = arith.muli %add3A_862, %mul3A_955 : i32
      %add3A_957 = arith.constant 1 : i32
      %add3A_958 = arith.addi %mul3A_956, %add3A_957 : i32
      %swap3A_959 = arith.index_cast %add3A_958 : i32 to index
      %swap3A_960 = arith.constant 48 : index
      %swap3A_961 = tpu.vector_load %arg7[%swap3A_959, %swap3A_960] {strides = array<i32>} : memref<512x64xf32, #tpu.memory_space<vmem>>, vector<16xf32>,
      tpu.vector_store %arg7[%swap3A_959, %swap3A_960], %scan3A_932#3 {strides = array<i32>} : memref<512x64xf32, #tpu.memory_space<vmem>>, vector<16xf32>,
      %add3A_962 = arith.constant 8 : i32
      %add3A_963 = arith.addi %add3A_862, %add3A_962 : i32
      %lt3A_964 = arith.constant 256 : i32
      %lt3A_965 = arith.cmpi slt, %add3A_963, %lt3A_964 : i32
      %convert_element_type3A_966 = arith.extui %lt3A_965 : i1 to i32
      %cond3A_967 = arith.constant 0 : i32
      %cond3A_968 = arith.cmpi ne, %convert_element_type3A_966, %cond3A_967 : i32
      scf.if %cond3A_968 {
        %dma_start3A_969 = arith.constant 7 : i32
        %dma_start3A_970 = arith.constant 0 : i32
        %dma_start3A_971 = arith.constant 0 : i32
        %dma_start3A_972 = tpu.memref_slice %arg6[%dma_start3A_969, %dma_start3A_970, %dma_start3A_971] : memref<8x100x32xi32, #tpu.memory_space<vmem>> -> memref<1x100x32xi32, #tpu.memory_space<vmem>>
        %dma_start3A_973 = tpu.memref_squeeze %dma_start3A_972 : memref<1x100x32xi32, #tpu.memory_space<vmem>> -> memref<100x32xi32, #tpu.memory_space<vmem>>
        %dma_start3A_974 = arith.constant 0 : i32
        %dma_start3A_975 = tpu.memref_slice %arg5[%add3A_963, %dma_start3A_974] : memref<256x100xi32, #tpu.memory_space<vmem>> -> memref<1x100xi32, #tpu.memory_space<vmem>>
        %dma_start3A_976 = tpu.memref_squeeze %dma_start3A_975 : memref<1x100xi32, #tpu.memory_space<vmem>> -> memref<100xi32, #tpu.memory_space<vmem>>
        %dma_start3A_977 = arith.constant 0 : i32
        %dma_start3A_978 = arith.constant 0 : i32
        %dma_start3A_979 = tpu.memref_slice %arg3[%dma_start3A_977, %dma_start3A_978] : memref<1015808x32xi32, #tpu.memory_space<hbm>> -> memref<1015808x32xi32, #tpu.memory_space<hbm>>
        tpu.enqueue_indirect_dma source(%dma_start3A_979 : memref<1015808x32xi32, #tpu.memory_space<hbm>>) target(%dma_start3A_973 : memref<100x32xi32, #tpu.memory_space<vmem>>) offsets(%dma_start3A_976 : memref<100xi32, #tpu.memory_space<vmem>>) semaphore(%arg8 : memref<!tpu.dma_semaphore, #tpu.memory_space<semaphore_mem>>)
      } else {
      }
    }
    %scan3A_102 = arith.constant 32 : i32
    %mul3A_103 = arith.constant 512 : i32
    %mul3A_104 = arith.muli %add3A, %mul3A_103 : i32
    "tpu.region"() ({
      %run_scoped3A = tpu.sem_alloc : memref<!tpu.dma_semaphore, #tpu.memory_space<semaphore_mem>>
      %dma_start3A_105 = arith.constant 0 : i32
      %dma_start3A_106 = tpu.memref_slice %arg4[%mul3A_104, %dma_start3A_105] : memref<16384x64xf32, #tpu.memory_space<hbm>> -> memref<512x64xf32, #tpu.memory_space<hbm>>
      %dma_start3A_107 = arith.constant 0 : i32
      %dma_start3A_108 = tpu.memref_slice %arg4[%mul3A_104, %dma_start3A_107] : memref<16384x64xf32, #tpu.memory_space<hbm>> -> memref<512x64xf32, #tpu.memory_space<hbm>>
      tpu.enqueue_dma source(%arg7 : memref<512x64xf32, #tpu.memory_space<vmem>>) target(%dma_start3A_108 : memref<512x64xf32, #tpu.memory_space<hbm>>) target_semaphore(%run_scoped3A : memref<!tpu.dma_semaphore, #tpu.memory_space<semaphore_mem>>)
      %dma_wait3A = arith.constant 0 : i32
      %dma_wait3A_109 = tpu.memref_slice %arg4[%mul3A_104, %dma_wait3A] : memref<16384x64xf32, #tpu.memory_space<hbm>> -> memref<512x64xf32, #tpu.memory_space<hbm>>
      %dma_wait3A_110 = arith.constant 0 : i32
      %dma_wait3A_111 = tpu.memref_slice %arg4[%mul3A_104, %dma_wait3A_110] : memref<16384x64xf32, #tpu.memory_space<hbm>> -> memref<512x64xf32, #tpu.memory_space<hbm>>
      tpu.wait_dma2 semaphore(%run_scoped3A : memref<!tpu.dma_semaphore, #tpu.memory_space<semaphore_mem>>) src(%arg7 : memref<512x64xf32, #tpu.memory_space<vmem>>) dst(%dma_wait3A_111 : memref<512x64xf32, #tpu.memory_space<hbm>>)
      tpu.yield
    }) : () -> ()
    return
  }
}

module attributes {stable_mosaic.version = 14 : i64} {
  func.func @body(%arg0: i32, %arg1: memref<64x16384xf32, #tpu.memory_space<vmem>>, %arg2: memref<4096x128xi32, #tpu.memory_space<vmem>>) attributes {dimension_semantics = [#tpu.dimension_semantics<arbitrary>], iteration_bounds = array<i64: 62>, scalar_prefetch = 0 : i64, scratch_operands = 0 : i64, tpu.core_type = #tpu.core_type<tc>, window_params = [{transform_indices = @transform_0, window_bounds = array<i64: 64, 16384>}, {transform_indices = @transform_1, window_bounds = array<i64: 4096, 128>}]} {
    %get3A = arith.constant 0 : index
    %get3A_0 = arith.constant 0 : index
    %get3A_1 = vector.load %arg1[%get3A, %get3A_0] : memref<64x16384xf32, #tpu.memory_space<vmem>>, vector<64x16384xf32>
    %convert_element_type3A = arith.truncf %get3A_1 : vector<64x16384xf32> to vector<64x16384xbf16>
    %iota3A = tpu.iota {dimensions = array<i32: 0>} : vector<64x64xi32>
    %iota3A_2 = tpu.iota {dimensions = array<i32: 1>} : vector<64x64xi32>
    %add3A = arith.constant 0 : i32
    %add3A_3 = vector.broadcast %add3A : i32 to vector<64x64xi32>
    %add3A_4 = arith.addi %iota3A, %add3A_3 : vector<64x64xi32>
    %eq3A = arith.cmpi eq, %add3A_4, %iota3A_2 : vector<64x64xi32>
    %convert_element_type3A_5 = arith.extui %eq3A : vector<64x64xi1> to vector<64x64xi32>
    %convert_element_type3A_6 = arith.sitofp %convert_element_type3A_5 : vector<64x64xi32> to vector<64x64xf32>
    %convert_element_type3A_7 = arith.truncf %convert_element_type3A_6 : vector<64x64xf32> to vector<64x64xbf16>
    %dot_general3A = arith.constant dense<0.000000e+00> : vector<16384x64xf32>
    %dot_general3A_8 = tpu.matmul %convert_element_type3A, %convert_element_type3A_7, %dot_general3A {dimension_numbers = #tpu.dot_dimension_numbers<[0], [0], [1], [1], [0, 1, 1, 1], [], []>, transpose_lhs_hint = true} : vector<64x16384xbf16>, vector<64x64xbf16>, vector<16384x64xf32> -> vector<16384x64xf32>
    %slice3A = vector.extract_strided_slice %dot_general3A_8 {offsets = [0, 0], sizes = [4096, 64], strides = [1, 1]} : vector<16384x64xf32> to vector<4096x64xf32>
    %slice3A_9 = vector.extract_strided_slice %slice3A {offsets = [0, 0], sizes = [4096, 32], strides = [1, 1]} : vector<4096x64xf32> to vector<4096x32xf32>
    %bitcast_convert_type3A = tpu.bitcast %slice3A_9 : vector<4096x32xf32> -> vector<4096x32xi32>
    %slice3A_10 = vector.extract_strided_slice %slice3A {offsets = [0, 32], sizes = [4096, 32], strides = [1, 1]} : vector<4096x64xf32> to vector<4096x32xf32>
    %bitcast_convert_type3A_11 = tpu.bitcast %slice3A_10 : vector<4096x32xf32> -> vector<4096x32xi32>
    %shift_right_logical3A = arith.constant 16 : i32
    %shift_right_logical3A_12 = vector.broadcast %shift_right_logical3A : i32 to vector<4096x32xi32>
    %shift_right_logical3A_13 = arith.shrui %bitcast_convert_type3A, %shift_right_logical3A_12 : vector<4096x32xi32>
    %and3A = arith.constant -65536 : i32
    %and3A_14 = vector.broadcast %and3A : i32 to vector<4096x32xi32>
    %and3A_15 = arith.andi %bitcast_convert_type3A_11, %and3A_14 : vector<4096x32xi32>
    %or3A = arith.ori %shift_right_logical3A_13, %and3A_15 : vector<4096x32xi32>
    %bitcast_convert_type3A_16 = tpu.bitcast %or3A : vector<4096x32xi32> -> vector<4096x32xi32>
    %slice3A_17 = vector.extract_strided_slice %dot_general3A_8 {offsets = [4096, 0], sizes = [4096, 64], strides = [1, 1]} : vector<16384x64xf32> to vector<4096x64xf32>
    %slice3A_18 = vector.extract_strided_slice %slice3A_17 {offsets = [0, 0], sizes = [4096, 32], strides = [1, 1]} : vector<4096x64xf32> to vector<4096x32xf32>
    %bitcast_convert_type3A_19 = tpu.bitcast %slice3A_18 : vector<4096x32xf32> -> vector<4096x32xi32>
    %slice3A_20 = vector.extract_strided_slice %slice3A_17 {offsets = [0, 32], sizes = [4096, 32], strides = [1, 1]} : vector<4096x64xf32> to vector<4096x32xf32>
    %bitcast_convert_type3A_21 = tpu.bitcast %slice3A_20 : vector<4096x32xf32> -> vector<4096x32xi32>
    %shift_right_logical3A_22 = arith.constant 16 : i32
    %shift_right_logical3A_23 = vector.broadcast %shift_right_logical3A_22 : i32 to vector<4096x32xi32>
    %shift_right_logical3A_24 = arith.shrui %bitcast_convert_type3A_19, %shift_right_logical3A_23 : vector<4096x32xi32>
    %and3A_25 = arith.constant -65536 : i32
    %and3A_26 = vector.broadcast %and3A_25 : i32 to vector<4096x32xi32>
    %and3A_27 = arith.andi %bitcast_convert_type3A_21, %and3A_26 : vector<4096x32xi32>
    %or3A_28 = arith.ori %shift_right_logical3A_24, %and3A_27 : vector<4096x32xi32>
    %bitcast_convert_type3A_29 = tpu.bitcast %or3A_28 : vector<4096x32xi32> -> vector<4096x32xi32>
    %slice3A_30 = vector.extract_strided_slice %dot_general3A_8 {offsets = [8192, 0], sizes = [4096, 64], strides = [1, 1]} : vector<16384x64xf32> to vector<4096x64xf32>
    %slice3A_31 = vector.extract_strided_slice %slice3A_30 {offsets = [0, 0], sizes = [4096, 32], strides = [1, 1]} : vector<4096x64xf32> to vector<4096x32xf32>
    %bitcast_convert_type3A_32 = tpu.bitcast %slice3A_31 : vector<4096x32xf32> -> vector<4096x32xi32>
    %slice3A_33 = vector.extract_strided_slice %slice3A_30 {offsets = [0, 32], sizes = [4096, 32], strides = [1, 1]} : vector<4096x64xf32> to vector<4096x32xf32>
    %bitcast_convert_type3A_34 = tpu.bitcast %slice3A_33 : vector<4096x32xf32> -> vector<4096x32xi32>
    %shift_right_logical3A_35 = arith.constant 16 : i32
    %shift_right_logical3A_36 = vector.broadcast %shift_right_logical3A_35 : i32 to vector<4096x32xi32>
    %shift_right_logical3A_37 = arith.shrui %bitcast_convert_type3A_32, %shift_right_logical3A_36 : vector<4096x32xi32>
    %and3A_38 = arith.constant -65536 : i32
    %and3A_39 = vector.broadcast %and3A_38 : i32 to vector<4096x32xi32>
    %and3A_40 = arith.andi %bitcast_convert_type3A_34, %and3A_39 : vector<4096x32xi32>
    %or3A_41 = arith.ori %shift_right_logical3A_37, %and3A_40 : vector<4096x32xi32>
    %bitcast_convert_type3A_42 = tpu.bitcast %or3A_41 : vector<4096x32xi32> -> vector<4096x32xi32>
    %slice3A_43 = vector.extract_strided_slice %dot_general3A_8 {offsets = [12288, 0], sizes = [4096, 64], strides = [1, 1]} : vector<16384x64xf32> to vector<4096x64xf32>
    %slice3A_44 = vector.extract_strided_slice %slice3A_43 {offsets = [0, 0], sizes = [4096, 32], strides = [1, 1]} : vector<4096x64xf32> to vector<4096x32xf32>
    %bitcast_convert_type3A_45 = tpu.bitcast %slice3A_44 : vector<4096x32xf32> -> vector<4096x32xi32>
    %slice3A_46 = vector.extract_strided_slice %slice3A_43 {offsets = [0, 32], sizes = [4096, 32], strides = [1, 1]} : vector<4096x64xf32> to vector<4096x32xf32>
    %bitcast_convert_type3A_47 = tpu.bitcast %slice3A_46 : vector<4096x32xf32> -> vector<4096x32xi32>
    %shift_right_logical3A_48 = arith.constant 16 : i32
    %shift_right_logical3A_49 = vector.broadcast %shift_right_logical3A_48 : i32 to vector<4096x32xi32>
    %shift_right_logical3A_50 = arith.shrui %bitcast_convert_type3A_45, %shift_right_logical3A_49 : vector<4096x32xi32>
    %and3A_51 = arith.constant -65536 : i32
    %and3A_52 = vector.broadcast %and3A_51 : i32 to vector<4096x32xi32>
    %and3A_53 = arith.andi %bitcast_convert_type3A_47, %and3A_52 : vector<4096x32xi32>
    %or3A_54 = arith.ori %shift_right_logical3A_50, %and3A_53 : vector<4096x32xi32>
    %bitcast_convert_type3A_55 = tpu.bitcast %or3A_54 : vector<4096x32xi32> -> vector<4096x32xi32>
    %concatenate3A = tpu.concatenate %bitcast_convert_type3A_16, %bitcast_convert_type3A_29, %bitcast_convert_type3A_42, %bitcast_convert_type3A_55 in 1 : vector<4096x32xi32>, vector<4096x32xi32>, vector<4096x32xi32>, vector<4096x32xi32> -> vector<4096x128xi32>
    %swap3A = arith.constant 0 : index
    %swap3A_56 = arith.constant 0 : index
    %swap3A_57 = vector.load %arg2[%swap3A, %swap3A_56] : memref<4096x128xi32, #tpu.memory_space<vmem>>, vector<4096x128xi32>
    tpu.vector_store %arg2[%swap3A, %swap3A_56], %concatenate3A {strides = array<i32>} : memref<4096x128xi32, #tpu.memory_space<vmem>>, vector<4096x128xi32>,
    return
  }
  func.func @transform_0(%arg0: i32) -> (i32, i32) {
    %c0_i32 = arith.constant 0 : i32
    %c0_i32_0 = arith.constant 0 : i32
    return %c0_i32, %arg0 : i32, i32
  }
  func.func @transform_1(%arg0: i32) -> (i32, i32) {
    %c0_i32 = arith.constant 0 : i32
    %c0_i32_0 = arith.constant 0 : i32
    return %arg0, %c0_i32 : i32, i32
  }
}

module attributes {stable_mosaic.version = 14 : i64} {
  func.func @body(%arg0: i32, %arg1: memref<2048x64xf32, #tpu.memory_space<vmem>>, %arg2: memref<64x64xf32, #tpu.memory_space<vmem>>, %arg3: memref<1x64xf32, #tpu.memory_space<vmem>>, %arg4: memref<2048x64xf32, #tpu.memory_space<vmem>>) attributes {dimension_semantics = [#tpu.dimension_semantics<arbitrary>], iteration_bounds = array<i64: 8>, scalar_prefetch = 0 : i64, scratch_operands = 0 : i64, tpu.core_type = #tpu.core_type<tc>, window_params = [{transform_indices = @transform_0, window_bounds = array<i64: 2048, 64>}, {pipeline_mode = #tpu.pipeline_mode<synchronous>, transform_indices = @transform_1, window_bounds = array<i64: 64, 64>}, {pipeline_mode = #tpu.pipeline_mode<synchronous>, transform_indices = @transform_2, window_bounds = array<i64: 1, 64>}, {transform_indices = @transform_3, window_bounds = array<i64: 2048, 64>}]} {
    %get3A = arith.constant 0 : index
    %get3A_0 = arith.constant 0 : index
    %get3A_1 = vector.load %arg1[%get3A, %get3A_0] : memref<2048x64xf32, #tpu.memory_space<vmem>>, vector<2048x64xf32>
    %mul3A = arith.constant 2.000000e-02 : f32
    %mul3A_2 = vector.broadcast %mul3A : f32 to vector<2048x64xf32>
    %mul3A_3 = arith.mulf %get3A_1, %mul3A_2 : vector<2048x64xf32>
    %get3A_4 = arith.constant 0 : index
    %get3A_5 = arith.constant 0 : index
    %get3A_6 = vector.load %arg2[%get3A_4, %get3A_5] : memref<64x64xf32, #tpu.memory_space<vmem>>, vector<64x64xf32>
    %dot_general3A = arith.constant dense<0.000000e+00> : vector<2048x64xf32>
    %dot_general3A_7 = tpu.matmul %mul3A_3, %get3A_6, %dot_general3A {dimension_numbers = #tpu.dot_dimension_numbers<[1], [1], [0], [0], [0, 0, 1, 0], [], []>, transpose_lhs_hint = false} : vector<2048x64xf32>, vector<64x64xf32>, vector<2048x64xf32> -> vector<2048x64xf32>
    %get3A_8 = arith.constant 0 : index
    %get3A_9 = arith.constant 0 : index
    %get3A_10 = vector.load %arg3[%get3A_8, %get3A_9] : memref<1x64xf32, #tpu.memory_space<vmem>>, vector<1x64xf32>
    %add3A = vector.broadcast %get3A_10 : vector<1x64xf32> to vector<2048x64xf32>
    %add3A_11 = arith.addf %dot_general3A_7, %add3A : vector<2048x64xf32>
    %swap3A = arith.constant 0 : index
    %swap3A_12 = arith.constant 0 : index
    %swap3A_13 = vector.load %arg4[%swap3A, %swap3A_12] : memref<2048x64xf32, #tpu.memory_space<vmem>>, vector<2048x64xf32>
    tpu.vector_store %arg4[%swap3A, %swap3A_12], %add3A_11 {strides = array<i32>} : memref<2048x64xf32, #tpu.memory_space<vmem>>, vector<2048x64xf32>,
    return
  }
  func.func @transform_0(%arg0: i32) -> (i32, i32) {
    %c0_i32 = arith.constant 0 : i32
    %c0_i32_0 = arith.constant 0 : i32
    return %arg0, %c0_i32 : i32, i32
  }
  func.func @transform_1(%arg0: i32) -> (i32, i32) {
    %c0_i32 = arith.constant 0 : i32
    %c0_i32_0 = arith.constant 0 : i32
    %c0_i32_1 = arith.constant 0 : i32
    return %c0_i32, %c0_i32_0 : i32, i32
  }
  func.func @transform_2(%arg0: i32) -> (i32, i32) {
    %c0_i32 = arith.constant 0 : i32
    %c0_i32_0 = arith.constant 0 : i32
    %c0_i32_1 = arith.constant 0 : i32
    return %c0_i32, %c0_i32_0 : i32, i32
  }
  func.func @transform_3(%arg0: i32) -> (i32, i32) {
    %c0_i32 = arith.constant 0 : i32
    %c0_i32_0 = arith.constant 0 : i32
    return %arg0, %c0_i32 : i32, i32
  }
}

</mosaic_0001>

<sc_bundles>
// kernel: kernel.5.cloned.1.call-start
scs
__scs_entry_jumppad:
0x0: {  	(pc) =	sbr.rel $0x88, $3  }
0x1: {  	(tag) =	ssettag $0x0;
	lr =	simm.s32 $0x1  }
0x2: {  	[smem:$0x3F9D] =	sst lr;
	_ =	strace $0xD0000000  }
0x3: {  	_ = 	snop  }
0x4: {  	_ = 	snop  }
0x5: {  	_ = 	snop  }
0x6: {  	_ = 	snop  }
0x7: {  	_ = 	snop  }
__scs_overlays_trampoline_lowered:
0x8: {  	[smem:$0x3FAC] =	sst s0  }
0x9: {  	[smem:$0x3FAD] =	sst s1  }
0xa: {  	[smem:$0x3FAE] =	sst s2  }
0xb: {  	[smem:$0x3FAF] =	sst s3  }
0xc: {  	[smem:$0x3FB0] =	sst s4  }
0xd: {  	[smem:$0x3FB1] =	sst s5  }
0xe: {  	[smem:$0x3FB2] =	sst s6  }
0xf: {  	[smem:$0x3FB3] =	sst s7  }
0x10: {  	[smem:$0x3FB4] =	sst s8  }
0x11: {  	[smem:$0x3FB5] =	sst s9;
	s0 =	simm.s32 @!p0 $0x0  }
0x12: {  	s1 =	sld [smem:$0x3F9B];
	s0 =	simm.s32 @p0 $0x1  }
0x13: {  	[smem:$0x3FB6] =	sst s0;
	s0 =	simm.s32 @!p1 $0x0  }
0x14: {  	s2 =	sld [smem:$0x3F9A];
	s0 =	simm.s32 @p1 $0x1  }
0x15: {  	[smem:$0x3FB7] =	sst s0;
	s0 =	simm.s32 @!p2 $0x0  }
0x16: {  	s3 =	sld [smem:$0x3FDB];
	s0 =	simm.s32 @p2 $0x1  }
0x17: {  	s4 =	simm.s32 $0x1BF5;
	[smem:$0x3FB9] =	sst s0  }
0x18: {  	s0 =	sld [smem:$0x3F9C];
	_ =	swait.ge [sflag:s4], $0x0  }
0x19: {  	s7 =	sld [smem:$0x3F9D]  }
0x1a: {  	s8 =	sadd.s32 $0xFFFFE003, lr  }
0x1b: {  	s9 =	sadd.s32 $0xFFFFFEF7, lr;
	s5 =	simm.s32 $0xFFFFFFFF;
	p2 =	slt.u32 s8, $0xFFFFF086  }
0x1c: {  	p1 =	slt.u32 s9, $0xF7A;
	s5 =	simm.s32 @!p2 $0x0  }
0x1d: {  	s5 =	simm.s32 @p1 $0x1;
	p0 =	seq.s32 s7, s2  }
0x1e: {  	s7 =	smul.u32 @!p0 $0xF7A, s2;
	p2 =	seq.s32 @!p0 s5, $0x0  }
0x1f: {  	s9 =	smul.u32 $0xF7A, s1;
	s8 =	simm.s32 @!p0 $0x1BF5;
	p2 =	por !p2, p0  }
0x20: {  	[sflag:s8] =	ssyncset.s32 @!p0 $0xFFFFF086;
	s6 =	sadd.s32 @!p0 s3, s7;
	s7 =	simm.s32 @!p0 $0x108  }
0x21: {  	s3 =	sadd.s32 s3, s9;
	s6 =	sadd.s32 @!p0 $0x88, s6;
	s7 =	simm.s32 @p2 $0x1082  }
0x22: {  	[simem:s7], [sflag:s8] =	dma.local @!p0 [hbm:s6], $0xF7A  }
0x23: {  	s9 =	sor.u32 $0xD0000000, s2;
	s6 =	simm.s32 $0x108;
	_ =	swait.ge @!p0 [sflag:s8], $0x0  }
0x24: {  	s3 =	sadd.s32 $0x88, s3;
	s6 =	simm.s32 @!p1 $0x1082;
	[sflag:s4] =	ssyncset.s32 $0xFFFFF086  }
0x25: {  	[simem:s6], [sflag:s4] =	dma.local [hbm:s3], $0xF7A  }
0x26: {  	[smem:$0x3F9D] =	sst s1;
	(tag) =	ssettag s2;
	_ =	strace s9  }
0x27: {  	s1 =	sld [smem:$0x3FAD]  }
0x28: {  	s2 =	sld [smem:$0x3FAE]  }
0x29: {  	s4 =	sld [smem:$0x3FB0]  }
0x2a: {  	p0 =	seq.s32 s5, $0x0;
	s5 =	sld [smem:$0x3FB1]  }
0x2b: {  	s6 =	sld [smem:$0x3FB2]  }
0x2c: {  	s7 =	sld [smem:$0x3FB3]  }
0x2d: {  	s3 =	simm.s32 $0x108;
	s8 =	sld [smem:$0x3FB4]  }
0x2e: {  	s3 =	simm.s32 @!p0 $0x1082;
	s9 =	sld [smem:$0x3FB5]  }
0x2f: {  	lr =	sadd.s32 s0, s3;
	s0 =	sld [smem:$0x3FAC]  }
0x30: {  	s3 =	sld [smem:$0x3FAF]  }
0x31: {  	[smem:$0x3FB8] =	sst s10  }
0x32: {  	s10 =	sld [smem:$0x3FB6];
	_ =	sdelay $0x3  }
0x33: {  	p0 =	seq.s32 s10, $0x1;
	s10 =	sld [smem:$0x3FB8];
	_ =	sdelay $0x3  }
0x34: {  	[smem:$0x3FB8] =	sst s10  }
0x35: {  	s10 =	sld [smem:$0x3FB7];
	_ =	sdelay $0x3  }
0x36: {  	p1 =	seq.s32 s10, $0x1;
	s10 =	sld [smem:$0x3FB8];
	_ =	sdelay $0x3  }
0x37: {  	[smem:$0x3FB8] =	sst s10  }
0x38: {  	s10 =	sld [smem:$0x3FB9]  }
0x39: {  	_ = 	snop;
	(pc) =	sbr.ind lr, $3  }
0x3a: {  	_ = 	snop  }
0x3b: {  	_ = 	snop  }
0x3c: {  	p2 =	seq.s32 s10, $0x1;
	s10 =	sld [smem:$0x3FB8]  }
0x3d: {  	_ =	shalt  }
0x3e: {  	_ =	shalt  }
0x3f: {  	_ =	shalt  }
0x40: {  	_ =	shalt  }
0x41: {  	_ =	shalt  }
0x42: {  	_ =	shalt  }
0x43: {  	_ =	shalt  }
0x44: {  	_ =	shalt  }
0x45: {  	_ =	shalt  }
0x46: {  	_ =	shalt  }
0x47: {  	_ =	shalt  }
0x48: {  	_ =	shalt  }
0x49: {  	_ =	shalt  }
0x4a: {  	_ =	shalt  }
0x4b: {  	_ =	shalt  }
0x4c: {  	_ =	shalt  }
0x4d: {  	_ =	shalt  }
0x4e: {  	_ =	shalt  }
0x4f: {  	_ =	shalt  }
0x50: {  	_ =	shalt  }
0x51: {  	_ =	shalt  }
0x52: {  	_ =	shalt  }
0x53: {  	_ =	shalt  }
0x54: {  	_ =	shalt  }
0x55: {  	_ =	shalt  }
0x56: {  	_ =	shalt  }
0x57: {  	_ =	shalt  }
0x58: {  	_ =	shalt  }
0x59: {  	_ =	shalt  }
0x5a: {  	_ =	shalt  }
0x5b: {  	_ =	shalt  }
0x5c: {  	_ =	shalt  }
0x5d: {  	_ =	shalt  }
0x5e: {  	_ =	shalt  }
0x5f: {  	_ =	shalt  }
0x60: {  	_ =	shalt  }
0x61: {  	_ =	shalt  }
0x62: {  	_ =	shalt  }
0x63: {  	_ =	shalt  }
0x64: {  	_ =	shalt  }
0x65: {  	_ =	shalt  }
0x66: {  	_ =	shalt  }
0x67: {  	_ =	shalt  }
0x68: {  	_ =	shalt  }
0x69: {  	_ =	shalt  }
0x6a: {  	_ =	shalt  }
0x6b: {  	_ =	shalt  }
0x6c: {  	_ =	shalt  }
0x6d: {  	_ =	shalt  }
0x6e: {  	_ =	shalt  }
0x6f: {  	_ =	shalt  }
0x70: {  	_ =	shalt  }
0x71: {  	_ =	shalt  }
0x72: {  	_ =	shalt  }
0x73: {  	_ =	shalt  }
0x74: {  	_ =	shalt  }
0x75: {  	_ =	shalt  }
0x76: {  	_ =	shalt  }
0x77: {  	_ =	shalt  }
0x78: {  	_ =	shalt  }
0x79: {  	_ =	shalt  }
0x7a: {  	_ =	shalt  }
0x7b: {  	_ =	shalt  }
0x7c: {  	_ =	shalt  }
0x7d: {  	_ =	shalt  }
0x7e: {  	_ =	shalt  }
0x7f: {  	_ =	shalt  }
0x80: {  	_ =	shalt  }
0x81: {  	_ =	shalt  }
0x82: {  	_ =	shalt  }
0x83: {  	_ =	shalt  }
0x84: {  	_ =	shalt  }
0x85: {  	_ =	shalt  }
0x86: {  	_ =	shalt  }
0x87: {  	_ =	shalt  }
.Lfunc_end0:
.L_simem_size_0:
called_computation_lowered:
.L_overlay_start_0:
0x88: {  	s2 =	sld [smem:$0x3FD9]  }
0x89: {  	s3 =	sld [smem:$0x3FFE];
	_ =	sdelay $0x1  }
0x8a: {  	s1 =	srdreg.scid  }
0x8b: {  	s0 =	sand.u32 $0x1, s1  }
0x8c: {  	s17 =	sshll.u32 s0, $0xA;
	s2 =	sadd.s32 s3, s2  }
0x8d: {  	s2 =	sadd.s32 s2, s17  }
0x8e: {  	[smem:$0x3FC4] =	sst s2  }
0x8f: {  	_ = 	snop  }
0x90: {  	s2 =	sld [smem:$0x3FD0];
	(tm) =	ssettm $0x1  }
0x91: {  	s18 =	sld [smem:$0x3FFB];
	_ =	sdelay $0x3  }
0x92: {  	_ =	strace s18  }
0x93: {  	s3 =	sld [smem:$0x3FFC];
	_ =	sdelay $0x3  }
0x94: {  	_ =	strace s3  }
0x95: {  	s3 =	sld [smem:$0x3FFD];
	_ =	sdelay $0x3  }
0x96: {  	_ =	strace s3  }
0x97: {  	_ =	strace $0x8FFFFFFF  }
0x98: {  	s19 =	sld [smem:$0x3FDB];
	_ =	sdelay $0x1  }
0x99: {  	s4 =	simm.s32 $_scs_section_size  }
0x9a: {  	s5 =	simm.s32 $_size__tile_overlayer_lowered;
	s6 =	simm.s32 $_tile_overlayer_lowered  }
0x9b: {  	s22 =	simm.s32 $0x1BFF;
	s21 =	sshll.u32 s6, $0x1;
	s3 =	sadd.s32 s4, s19  }
0x9c: {  	s7 =	simm.s32 $0x0;
	s20 =	sshll.u32 s5, $0x1;
	s5 =	sadd.s32 s21, s3  }
0x9d: {  	[timem:s7], [sflag:s22] =	dma.local [hbm:s5], s20  }
0x9e: {  	_ =	swait.ge [sflag:s22], s20  }
0x9f: {  	s4 =	ssub.s32 $0x0, s20;
	[sflag:s22] =	ssyncset.done $0x0  }
0xa0: {  	[sflag:s22] =	ssyncadd.s32 s4;
	_ =	sdelay $0x1  }
0xa1: {  	s23 =	simm.s32 $0x1B8B  }
0xa2: {  	_ =	swait.ge [sflag:s23], $0x1  }
0xa3: {  	[sflag:s23] =	ssyncset.done $0x0  }
0xa4: {  	s25 =	simm.s32 $0x1B8E;
	s24 =	sld [smem:$0x3FFE];
	[sflag:s23] =	ssyncadd.s32 $0xFFFFFFFF  }
0xa5: {  	s26 =	simm.s32 $execute0_lowered;
	[smem:$0x3FD2] =	sst s25  }
0xa6: {  	s5 =	sshll.u32 s26, $0x1;
	_ =	strace $0x80000046;
	[dreg:$0x1] =	wrdreg $0xFFFFFFFF  }
0xa7: {  	s28 =	simm.s32 $_size_execute0_lowered;
	s3 =	sadd.s32 s3, s5;
	[dreg:$0x0] =	wrdreg $0x0  }
0xa8: {  	s5 =	sshll.u32 s28, $0x1;
	[dreg:$0x2] =	wrdreg s3  }
0xa9: {  	[dreg:$0x3] =	wrdreg s5  }
0xaa: {  	[dreg:$0x4] =	wrdreg $0xC0  }
0xab: {  	_ =	task [dreg:s7], $0x5FFFF  }
0xac: {  	[dreg:$0x1] =	wrdreg $0xFFFFFFFF  }
0xad: {  	[dreg:$0x0] =	wrdreg $0x60  }
0xae: {  	[dreg:$0x2] =	wrdreg s24  }
0xaf: {  	[dreg:$0x3] =	wrdreg s2  }
0xb0: {  	[dreg:$0x4] =	wrdreg $0x9  }
0xb1: {  	_ =	task.clear_ibuf [dreg:s7], $0x5FFFF;
	_ =	strace $0x90000046  }
0xb2: {  	s29 =	simm.s32 $0x9;
	_ =	strace $0x80000048  }
0xb3: {  	_ =	swait.ge [sflag:s29], $0x1  }
0xb4: {  	[sflag:s29] =	ssyncadd.s32 $0xFFFFFFFF  }
0xb5: {  	_ =	strace $0x90000048  }
0xb6: {  	_ =	sfence  }
0xb7: {  	s30 =	sld [smem:$0x0];
	_ =	sdelay $0x2  }
0xb8: {  	s31 =	sshll.u32 s1, $0xD;
	s1 =	sshrl.u32 s1, $0x2  }
0xb9: {  	s3 =	sand.u32 $0x4000, s31;
	s1 =	sadd.s32 s1, s30  }
0xba: {  	s0 =	sor.u32 s3, s0;
	s1 =	sshll.u32 s1, $0x11  }
0xbb: {  	s0 =	sor.u32 s1, s0  }
0xbc: {  	s0 =	sadd.s32 $0x8F2B, s0  }
0xbd: {  	[sflag:s0] =	ssyncadd.remote.s32 $0x1  }
0xbe: {  	_ =	sfence.sel $0xFFFF  }
0xbf: {  	[dreg:$0x0] =	wrdreg $0xFFFFFFFF;
	(pc) =	sbr.abs _section_cstart, $3  }
0xc0: {  	[dreg:$0x1] =	wrdreg $0xFFFFFFFF  }
0xc1: {  	_ =	task.clear_ibuf [dreg:s7], $0x2FFFF;
	_ =	strace $0x9FFFFFFF  }
0xc2: {  	(tm) =	ssettm $0x7FFFFFFF  }
0xc3: {  	_ =	shalt  }
tec
execute0_lowered:
.L_overlay_start_1:
0x0: {  	(tag) =	ssettag $0x1  }
0x1: {  	s1 =	srdreg.scid;
	s3 =	rddreg [dreg:$0x0]  }
0x2: {  	s0 =	stileid.u32;
	s5 =	rddreg [dreg:$0x1];
	s9 =	simm.s32 $0x6800  }
0x3: {  	s10 =	simm.s32 $0x68;
	s11 =	simm.s32 $0x7480;
	s12 =	simm.s32 $0xD0  }
0x4: {  	s13 =	simm.s32 $0x8100;
	s14 =	simm.s32 $0x138;
	s15 =	simm.s32 $0x8D80  }
0x5: {  	s16 =	simm.s32 $0x1A0;
	s17 =	simm.s32 $0x9A00;
	s18 =	simm.s32 $0x208  }
0x6: {  	s19 =	simm.s32 $0xA680;
	s20 =	simm.s32 $0x270;
	s21 =	simm.s32 $0xB300  }
0x7: {  	s22 =	simm.s32 $0x2D8;
	s1 =	sand.u32 $0x1, s1;
	s2 =	sshll.u32 s0, $0x1  }
0x8: {  	s23 =	simm.s32 $0xBF80;
	s24 =	simm.s32 $0x1;
	s4 =	sor.u32 s1, s2  }
0x9: {  	s25 =	simm.s32 $0xCC00;
	s26 =	simm.s32 $0x0;
	s6 =	smul.u32 $0xD00, s4  }
.Ltmp0:
0xa: {  	s2 =	simm.s32 $0x0;
	s1 =	ssub.s32 $0x2, s1;
	(pc) =	sbr.rel .LBB2_1-.Ltmp0, $4  }
0xb: {  	[smem:$0x7FF] =	sst s2;
	s7 =	sshrl.u32 s1, $0x1;
	s8 =	sshll.u32 s4, $0xC  }
0xc: {  	_ =	strace $0x80000047;
	s1 =	ssub.s32 s1, s7;
	s5 =	sadd.s32 s5, s8  }
0xd: {  	s7 =	simm.s32 $0x2;
	s8 =	simm.s32 $0x64;
	s6 =	sadd.s32 s6, s3  }
0xe: {  	s3 =	sadd.s32 $0x1A800, s3;
	s4 =	sadd.s32 $0x800, s6;
	s6 =	smax.u32 s1, $0x1  }
.LBB2_36:
0xf: {  	s26 =	sadd.s32 $0x1, s26  }
0x10: {  	p0 =	sne.s32 s26, s6  }
.Ltmp1:
0x11: {  	_ = 	snop;
	(pc) =	sbr.rel @!p0 .LBB2_37-.Ltmp1, $4  }
0x12: {  	[hbm4b:s5+s2] =	stream.linear.scatter [tilespmem:s25], [sflag:$0x2], $0x8000, $0x38;
	[tilespmem:$0x14C00] =	vst v63  }
0x13: {  	_ =	swait.ge [sflag:s7], $0x8000  }
0x14: {  	[sflag:s7] =	ssyncset.done $0x0  }
0x15: {  	[sflag:s7] =	ssyncadd.s32 $0xFFFF8000  }
.LBB2_1:
0x16: {  	[tilespmem:s2], [sflag:$0x2] =	stream.linear.gather [hbm4b:s4+s2], $0x6800, $0x38;
	[tilespmem:$0x14C00] =	vst v63  }
0x17: {  	_ =	swait.ge [sflag:s7], $0x6800  }
0x18: {  	[sflag:s7] =	ssyncset.done $0x0  }
0x19: {  	[sflag:s7] =	ssyncadd.s32 $0xFFFF9800  }
0x1a: {  	[tilespmem:s9], [sflag:$0x1] =	stream.indirect.gather [hbm4b:s3+s8], $0x20, s2, s8, $0xb8;
	[tilespmem:$0x14C00] =	vst v63  }
0x1b: {  	_ = 	snop  }
0x1c: {  	[tilespmem:s11], [sflag:$0x1] =	stream.indirect.gather [hbm4b:s3+s8], $0x20, s10, s8, $0xb8;
	[tilespmem:$0x14C00] =	vst v63  }
0x1d: {  	_ = 	snop  }
0x1e: {  	[tilespmem:s13], [sflag:$0x1] =	stream.indirect.gather [hbm4b:s3+s8], $0x20, s12, s8, $0xb8;
	[tilespmem:$0x14C00] =	vst v63  }
0x1f: {  	_ = 	snop  }
0x20: {  	[tilespmem:s15], [sflag:$0x1] =	stream.indirect.gather [hbm4b:s3+s8], $0x20, s14, s8, $0xb8;
	[tilespmem:$0x14C00] =	vst v63  }
0x21: {  	_ = 	snop  }
0x22: {  	[tilespmem:s17], [sflag:$0x1] =	stream.indirect.gather [hbm4b:s3+s8], $0x20, s16, s8, $0xb8;
	[tilespmem:$0x14C00] =	vst v63  }
0x23: {  	_ = 	snop  }
0x24: {  	[tilespmem:s19], [sflag:$0x1] =	stream.indirect.gather [hbm4b:s3+s8], $0x20, s18, s8, $0xb8;
	[tilespmem:$0x14C00] =	vst v63  }
0x25: {  	_ = 	snop  }
0x26: {  	[tilespmem:s21], [sflag:$0x1] =	stream.indirect.gather [hbm4b:s3+s8], $0x20, s20, s8, $0xb8;
	[tilespmem:$0x14C00] =	vst v63  }
0x27: {  	s28 =	simm.s32 $0x0  }
0x28: {  	[tilespmem:s23], [sflag:$0x1] =	stream.indirect.gather [hbm4b:s3+s8], $0x20, s22, s8, $0xb8;
	[tilespmem:$0x14C00] =	vst v63  }
.LBB2_2:
0x29: {  	_ =	swait.ge [sflag:s24], $0xC80  }
0x2a: {  	[sflag:s24] =	ssyncset.done $0x0  }
0x2b: {  	s1 =	simm.s32 $0x0;
	[sflag:s24] =	ssyncadd.s32 $0xFFFFF380  }
0x2c: {  	v0 =	vld [tilespmem:s1+$0x6880]  }
0x2d: {  	v1 =	vld [tilespmem:s1+$0x6860]  }
0x2e: {  	v2 =	vld [tilespmem:s1+$0x6840]  }
0x2f: {  	v3 =	vld [tilespmem:s1+$0x6820]  }
0x30: {  	v4 =	vld [tilespmem:s1+$0x6800]  }
0x31: {  	v5 =	vld [tilespmem:s1+$0x6810];
	_ =	sdelay $0x1  }
0x32: {  	v6 =	vimm.f32 $0.0e+00;
	v7 =	vld [tilespmem:s1+$0x6830];
	v11 =	vshll.u32 v0, $0x10;
	v12 =	vand.u32 $0xFFFF0000, v0  }
0x33: {  	v8 =	vshll.u32 v2, $0x10;
	v9 =	vshll.u32 v1, $0x10;
	v10 =	vand.u32 $0xFFFF0000, v1  }
0x34: {  	v0 =	vshll.u32 v3, $0x10;
	v1 =	vand.u32 $0xFFFF0000, v3;
	v3 =	vld [tilespmem:s1+$0x6850];
	v13 =	vand.u32 $0xFFFF0000, v2  }
0x35: {  	v2 =	vshll.u32 v4, $0x10;
	v4 =	vand.u32 $0xFFFF0000, v4;
	v14 =	vshll.u32 v5, $0x10  }
0x36: {  	v15 =	vld [tilespmem:s1+$0x6870];
	v5 =	vand.u32 $0xFFFF0000, v5;
	v2 =	vadd.f32 v2, v6;
	v4 =	vadd.f32 v4, v6  }
0x37: {  	v14 =	vadd.f32 v14, v6;
	v5 =	vadd.f32 v5, v6;
	v6 =	vshll.u32 v7, $0x10  }
0x38: {  	s29 =	simm.s32 $0xA0;
	v17 =	vld [tilespmem:s1+$0x6890];
	v16 =	vadd.f32 v0, v2;
	v1 =	vadd.f32 v1, v4;
	v2 =	vand.u32 $0xFFFF0000, v7  }
0x39: {  	v0 =	vld [tilespmem:s29+$0x6880];
	v4 =	vadd.f32 v6, v14;
	v5 =	vadd.f32 v2, v5;
	v6 =	vshll.u32 v3, $0x10  }
0x3a: {  	v2 =	vld [tilespmem:s29+$0x6860];
	v7 =	vadd.f32 v8, v16;
	v8 =	vadd.f32 v13, v1;
	v3 =	vand.u32 $0xFFFF0000, v3  }
0x3b: {  	v62 =	vshll.u32 v15, $0x10;
	v1 =	vld [tilespmem:s29+$0x6840];
	v6 =	vadd.f32 v6, v4;
	v5 =	vadd.f32 v3, v5  }
0x3c: {  	v3 =	vld [tilespmem:s29+$0x6820];
	v7 =	vadd.f32 v9, v7;
	v63 =	vadd.f32 v10, v8;
	v9 =	vand.u32 $0xFFFF0000, v15  }
0x3d: {  	v4 =	vld [tilespmem:s29+$0x6800];
	v10 =	vshll.u32 v17, $0x10;
	v8 =	vadd.f32 v62, v6;
	v9 =	vadd.f32 v9, v5  }
0x3e: {  	s30 =	simm.s32 $0x500;
	v5 =	vld [tilespmem:s29+$0x6810];
	v6 =	vadd.f32 v11, v7;
	v7 =	vadd.f32 v12, v63;
	v11 =	vand.u32 $0xFFFF0000, v17  }
.LBB2_3:
0x3f: {  	p0 =	sne.s32 s30, $0x1680;
	v8 =	vadd.f32 v10, v8;
	v9 =	vadd.f32 v11, v9  }
0x40: {  	v11 =	vshll.u32 v0, $0x10;
	v12 =	vand.u32 $0xFFFF0000, v0;
	v10 =	vld [tilespmem:s29+$0x6830]  }
0x41: {  	v14 =	vshll.u32 v2, $0x10;
	v15 =	vand.u32 $0xFFFF0000, v2;
	v13 =	vshll.u32 v1, $0x10  }
0x42: {  	v1 =	vand.u32 $0xFFFF0000, v1;
	v0 =	vshll.u32 v3, $0x10;
	v2 =	vand.u32 $0xFFFF0000, v3;
	v3 =	vld [tilespmem:s29+$0x6850]  }
0x43: {  	v16 =	vshll.u32 v4, $0x10;
	v4 =	vand.u32 $0xFFFF0000, v4;
	v17 =	vshll.u32 v5, $0x10  }
0x44: {  	v6 =	vadd.f32 v16, v6;
	v4 =	vadd.f32 v4, v7;
	v5 =	vand.u32 $0xFFFF0000, v5;
	v7 =	vld [tilespmem:s29+$0x6870]  }
0x45: {  	v8 =	vadd.f32 v17, v8;
	v5 =	vadd.f32 v5, v9;
	v9 =	vshll.u32 v10, $0x10  }
0x46: {  	v6 =	vadd.f32 v0, v6;
	v4 =	vadd.f32 v2, v4;
	v2 =	vand.u32 $0xFFFF0000, v10;
	v16 =	vld [tilespmem:s29+$0x6890];
	s29 =	sshra.s32 s30, $0x2  }
0x47: {  	v8 =	vadd.f32 v9, v8;
	v5 =	vadd.f32 v2, v5;
	v0 =	vld [tilespmem:s29+$0x6880];
	v9 =	vshll.u32 v3, $0x10  }
.Ltmp2:
0x48: {  	v6 =	vadd.f32 v13, v6;
	v4 =	vadd.f32 v1, v4;
	v3 =	vand.u32 $0xFFFF0000, v3;
	v2 =	vld [tilespmem:s29+$0x6860];
	(pc) =	sbr.rel @p0 .LBB2_3-.Ltmp2, $4  }
0x49: {  	v8 =	vadd.f32 v9, v8;
	v5 =	vadd.f32 v3, v5;
	v1 =	vld [tilespmem:s29+$0x6840];
	v9 =	vshll.u32 v7, $0x10  }
0x4a: {  	v6 =	vadd.f32 v14, v6;
	v13 =	vadd.f32 v15, v4;
	v7 =	vand.u32 $0xFFFF0000, v7;
	v3 =	vld [tilespmem:s29+$0x6820]  }
0x4b: {  	v8 =	vadd.f32 v9, v8;
	v9 =	vadd.f32 v7, v5;
	v4 =	vld [tilespmem:s29+$0x6800];
	v10 =	vshll.u32 v16, $0x10  }
0x4c: {  	s30 =	sadd.s32 $0x280, s30;
	v6 =	vadd.f32 v11, v6;
	v7 =	vadd.f32 v12, v13;
	v11 =	vand.u32 $0xFFFF0000, v16;
	v5 =	vld [tilespmem:s29+$0x6810]  }
0x4d: {  	_ = 	snop  }
0x4e: {  	v8 =	vadd.f32 v10, v8;
	v9 =	vadd.f32 v11, v9;
	v10 =	vld [tilespmem:s29+$0x6830];
	v12 =	vshll.u32 v2, $0x10  }
0x4f: {  	v2 =	vand.u32 $0xFFFF0000, v2;
	v11 =	vshll.u32 v1, $0x10;
	v1 =	vand.u32 $0xFFFF0000, v1  }
0x50: {  	v14 =	vld [tilespmem:s29+$0x6850];
	v13 =	vshll.u32 v3, $0x10;
	v3 =	vand.u32 $0xFFFF0000, v3;
	v15 =	vshll.u32 v4, $0x10  }
0x51: {  	v4 =	vand.u32 $0xFFFF0000, v4;
	v16 =	vshll.u32 v5, $0x10;
	v6 =	vadd.f32 v15, v6  }
0x52: {  	v4 =	vadd.f32 v4, v7;
	v5 =	vand.u32 $0xFFFF0000, v5;
	v7 =	vld [tilespmem:s29+$0x6870];
	v8 =	vadd.f32 v16, v8  }
0x53: {  	v5 =	vadd.f32 v5, v9;
	v9 =	vshll.u32 v10, $0x10;
	v6 =	vadd.f32 v13, v6  }
0x54: {  	v3 =	vadd.f32 v3, v4;
	v4 =	vand.u32 $0xFFFF0000, v10;
	v8 =	vadd.f32 v9, v8  }
0x55: {  	v10 =	vld [tilespmem:s29+$0x6890];
	v4 =	vadd.f32 v4, v5;
	v5 =	vshll.u32 v14, $0x10;
	v6 =	vadd.f32 v11, v6  }
0x56: {  	v1 =	vadd.f32 v1, v3;
	v3 =	vand.u32 $0xFFFF0000, v14;
	v5 =	vadd.f32 v5, v8  }
0x57: {  	v3 =	vadd.f32 v3, v4;
	v4 =	vshll.u32 v7, $0x10;
	v6 =	vadd.f32 v12, v6  }
0x58: {  	v8 =	vshll.u32 v0, $0x10;
	v0 =	vand.u32 $0xFFFF0000, v0;
	v1 =	vadd.f32 v2, v1  }
0x59: {  	s1 =	sshll.u32 s28, $0xC;
	v2 =	vadd.f32 v4, v5;
	v4 =	vand.u32 $0xFFFF0000, v7;
	v6 =	vadd.f32 v8, v6  }
0x5a: {  	s29 =	sshra.s32 s1, $0x2;
	v5 =	vshll.u32 v10, $0x10;
	v3 =	vadd.f32 v4, v3;
	v0 =	vadd.f32 v0, v1  }
0x5b: {  	v1 =	vand.u32 $0xFFFF0000, v10;
	v2 =	vadd.f32 v5, v2;
	[tilespmem:s29+$0xCC00] =	vst v6  }
0x5c: {  	v1 =	vadd.f32 v1, v3;
	[tilespmem:s29+$0xCC20] =	vst v0  }
0x5d: {  	[tilespmem:s29+$0xCC10] =	vst v2  }
0x5e: {  	s0 =	simm.s32 $0x0;
	[tilespmem:s29+$0xCC30] =	vst v1  }
0x5f: {  	v0 =	vld [tilespmem:s0+$0x6EC0]  }
0x60: {  	v1 =	vld [tilespmem:s0+$0x6EA0]  }
0x61: {  	v2 =	vld [tilespmem:s0+$0x6E80]  }
0x62: {  	v3 =	vld [tilespmem:s0+$0x6E60]  }
0x63: {  	v4 =	vld [tilespmem:s0+$0x6E40]  }
0x64: {  	v5 =	vld [tilespmem:s0+$0x6E50];
	_ =	sdelay $0x1  }
0x65: {  	v6 =	vimm.f32 $0.0e+00;
	v7 =	vld [tilespmem:s0+$0x6E70];
	v11 =	vshll.u32 v0, $0x10;
	v57 =	vand.u32 $0xFFFF0000, v0  }
0x66: {  	v8 =	vshll.u32 v2, $0x10;
	v9 =	vshll.u32 v1, $0x10;
	v10 =	vand.u32 $0xFFFF0000, v1  }
0x67: {  	v0 =	vshll.u32 v3, $0x10;
	v1 =	vand.u32 $0xFFFF0000, v3;
	v3 =	vld [tilespmem:s0+$0x6E90];
	v58 =	vand.u32 $0xFFFF0000, v2  }
0x68: {  	v2 =	vshll.u32 v4, $0x10;
	v4 =	vand.u32 $0xFFFF0000, v4;
	v59 =	vshll.u32 v5, $0x10  }
0x69: {  	v60 =	vld [tilespmem:s0+$0x6EB0];
	v5 =	vand.u32 $0xFFFF0000, v5;
	v2 =	vadd.f32 v2, v6;
	v4 =	vadd.f32 v4, v6  }
0x6a: {  	v14 =	vadd.f32 v59, v6;
	v5 =	vadd.f32 v5, v6;
	v6 =	vshll.u32 v7, $0x10  }
0x6b: {  	s30 =	simm.s32 $0xA0;
	v17 =	vld [tilespmem:s0+$0x6ED0];
	v61 =	vadd.f32 v0, v2;
	v1 =	vadd.f32 v1, v4;
	v2 =	vand.u32 $0xFFFF0000, v7  }
0x6c: {  	v0 =	vld [tilespmem:s30+$0x6EC0];
	v4 =	vadd.f32 v6, v14;
	v5 =	vadd.f32 v2, v5;
	v6 =	vshll.u32 v3, $0x10  }
0x6d: {  	v2 =	vld [tilespmem:s30+$0x6EA0];
	v7 =	vadd.f32 v8, v61;
	v8 =	vadd.f32 v58, v1;
	v3 =	vand.u32 $0xFFFF0000, v3  }
0x6e: {  	v62 =	vshll.u32 v60, $0x10;
	v1 =	vld [tilespmem:s30+$0x6E80];
	v6 =	vadd.f32 v6, v4;
	v5 =	vadd.f32 v3, v5  }
0x6f: {  	v3 =	vld [tilespmem:s30+$0x6E60];
	v7 =	vadd.f32 v9, v7;
	v63 =	vadd.f32 v10, v8;
	v9 =	vand.u32 $0xFFFF0000, v60  }
0x70: {  	v4 =	vld [tilespmem:s30+$0x6E40];
	v10 =	vshll.u32 v17, $0x10;
	v8 =	vadd.f32 v62, v6;
	v9 =	vadd.f32 v9, v5  }
0x71: {  	s31 =	simm.s32 $0x500;
	v5 =	vld [tilespmem:s30+$0x6E50];
	v6 =	vadd.f32 v11, v7;
	v7 =	vadd.f32 v57, v63;
	v11 =	vand.u32 $0xFFFF0000, v17  }
.LBB2_5:
0x72: {  	p0 =	sne.s32 s31, $0x1680;
	v8 =	vadd.f32 v10, v8;
	v9 =	vadd.f32 v11, v9  }
0x73: {  	v11 =	vshll.u32 v0, $0x10;
	v12 =	vand.u32 $0xFFFF0000, v0;
	v10 =	vld [tilespmem:s30+$0x6E70]  }
0x74: {  	v14 =	vshll.u32 v2, $0x10;
	v15 =	vand.u32 $0xFFFF0000, v2;
	v13 =	vshll.u32 v1, $0x10  }
0x75: {  	v1 =	vand.u32 $0xFFFF0000, v1;
	v0 =	vshll.u32 v3, $0x10;
	v2 =	vand.u32 $0xFFFF0000, v3;
	v3 =	vld [tilespmem:s30+$0x6E90]  }
0x76: {  	v16 =	vshll.u32 v4, $0x10;
	v4 =	vand.u32 $0xFFFF0000, v4;
	v17 =	vshll.u32 v5, $0x10  }
0x77: {  	v6 =	vadd.f32 v16, v6;
	v4 =	vadd.f32 v4, v7;
	v5 =	vand.u32 $0xFFFF0000, v5;
	v7 =	vld [tilespmem:s30+$0x6EB0]  }
0x78: {  	v8 =	vadd.f32 v17, v8;
	v5 =	vadd.f32 v5, v9;
	v9 =	vshll.u32 v10, $0x10  }
0x79: {  	v6 =	vadd.f32 v0, v6;
	v4 =	vadd.f32 v2, v4;
	v2 =	vand.u32 $0xFFFF0000, v10;
	v16 =	vld [tilespmem:s30+$0x6ED0];
	s30 =	sshra.s32 s31, $0x2  }
0x7a: {  	v8 =	vadd.f32 v9, v8;
	v5 =	vadd.f32 v2, v5;
	v0 =	vld [tilespmem:s30+$0x6EC0];
	v9 =	vshll.u32 v3, $0x10  }
.Ltmp3:
0x7b: {  	v6 =	vadd.f32 v13, v6;
	v4 =	vadd.f32 v1, v4;
	v3 =	vand.u32 $0xFFFF0000, v3;
	v2 =	vld [tilespmem:s30+$0x6EA0];
	(pc) =	sbr.rel @p0 .LBB2_5-.Ltmp3, $4  }
0x7c: {  	v8 =	vadd.f32 v9, v8;
	v5 =	vadd.f32 v3, v5;
	v1 =	vld [tilespmem:s30+$0x6E80];
	v9 =	vshll.u32 v7, $0x10  }
0x7d: {  	v6 =	vadd.f32 v14, v6;
	v13 =	vadd.f32 v15, v4;
	v7 =	vand.u32 $0xFFFF0000, v7;
	v3 =	vld [tilespmem:s30+$0x6E60]  }
0x7e: {  	v8 =	vadd.f32 v9, v8;
	v9 =	vadd.f32 v7, v5;
	v4 =	vld [tilespmem:s30+$0x6E40];
	v10 =	vshll.u32 v16, $0x10  }
0x7f: {  	s31 =	sadd.s32 $0x280, s31;
	v6 =	vadd.f32 v11, v6;
	v7 =	vadd.f32 v12, v13;
	v11 =	vand.u32 $0xFFFF0000, v16;
	v5 =	vld [tilespmem:s30+$0x6E50]  }
0x80: {  	_ = 	snop  }
0x81: {  	v8 =	vadd.f32 v10, v8;
	v9 =	vadd.f32 v11, v9;
	v10 =	vld [tilespmem:s30+$0x6E70];
	v12 =	vshll.u32 v2, $0x10  }
0x82: {  	v2 =	vand.u32 $0xFFFF0000, v2;
	v11 =	vshll.u32 v1, $0x10;
	v1 =	vand.u32 $0xFFFF0000, v1  }
0x83: {  	v14 =	vld [tilespmem:s30+$0x6E90];
	v13 =	vshll.u32 v3, $0x10;
	v3 =	vand.u32 $0xFFFF0000, v3;
	v15 =	vshll.u32 v4, $0x10  }
0x84: {  	v4 =	vand.u32 $0xFFFF0000, v4;
	v16 =	vshll.u32 v5, $0x10;
	v6 =	vadd.f32 v15, v6  }
0x85: {  	v4 =	vadd.f32 v4, v7;
	v5 =	vand.u32 $0xFFFF0000, v5;
	v7 =	vld [tilespmem:s30+$0x6EB0];
	v8 =	vadd.f32 v16, v8  }
0x86: {  	v5 =	vadd.f32 v5, v9;
	v9 =	vshll.u32 v10, $0x10;
	v6 =	vadd.f32 v13, v6  }
0x87: {  	v3 =	vadd.f32 v3, v4;
	v4 =	vand.u32 $0xFFFF0000, v10;
	v8 =	vadd.f32 v9, v8  }
0x88: {  	v10 =	vld [tilespmem:s30+$0x6ED0];
	v4 =	vadd.f32 v4, v5;
	v5 =	vshll.u32 v14, $0x10;
	v6 =	vadd.f32 v11, v6  }
0x89: {  	v1 =	vadd.f32 v1, v3;
	v3 =	vand.u32 $0xFFFF0000, v14;
	v5 =	vadd.f32 v5, v8  }
0x8a: {  	v3 =	vadd.f32 v3, v4;
	v4 =	vshll.u32 v7, $0x10;
	v6 =	vadd.f32 v12, v6  }
0x8b: {  	v8 =	vshll.u32 v0, $0x10;
	v0 =	vand.u32 $0xFFFF0000, v0;
	v1 =	vadd.f32 v2, v1  }
0x8c: {  	v2 =	vadd.f32 v4, v5;
	v4 =	vand.u32 $0xFFFF0000, v7;
	v6 =	vadd.f32 v8, v6  }
0x8d: {  	p0 =	seq.s32 s28, $0x1F;
	v5 =	vshll.u32 v10, $0x10;
	v3 =	vadd.f32 v4, v3;
	v0 =	vadd.f32 v0, v1  }
0x8e: {  	s1 =	smul.u32 @!p0 $0xD00, s28;
	v1 =	vand.u32 $0xFFFF0000, v10;
	v2 =	vadd.f32 v5, v2;
	[tilespmem:s29+$0xCC40] =	vst v6  }
0x8f: {  	v1 =	vadd.f32 v1, v3;
	[tilespmem:s29+$0xCC60] =	vst v0  }
0x90: {  	s30 =	sshra.s32 @!p0 s1, $0x2;
	[tilespmem:s29+$0xCC50] =	vst v2  }
0x91: {  	s31 =	simm.s32 @!p0 $0x64;
	s0 =	simm.s32 @!p0 $0x6800;
	s1 =	sadd.s32 @!p0 $0x340, s30;
	[tilespmem:s29+$0xCC70] =	vst v1  }
0x92: {  	[tilespmem:s0], [sflag:$0x1] =	stream.indirect.gather @!p0 [hbm4b:s3+s31], $0x20, s1, s31, $0xb8;
	[tilespmem:$0x14C00] =	vst v63  }
0x93: {  	_ =	swait.ge [sflag:s24], $0xC80  }
0x94: {  	[sflag:s24] =	ssyncset.done $0x0  }
0x95: {  	s1 =	simm.s32 $0x0;
	[sflag:s24] =	ssyncadd.s32 $0xFFFFF380  }
0x96: {  	v0 =	vld [tilespmem:s1+$0x7500]  }
0x97: {  	v1 =	vld [tilespmem:s1+$0x74E0]  }
0x98: {  	v2 =	vld [tilespmem:s1+$0x74C0]  }
0x99: {  	v3 =	vld [tilespmem:s1+$0x74A0]  }
0x9a: {  	v4 =	vld [tilespmem:s1+$0x7480]  }
0x9b: {  	v5 =	vld [tilespmem:s1+$0x7490];
	_ =	sdelay $0x1  }
0x9c: {  	v6 =	vimm.f32 $0.0e+00;
	v7 =	vld [tilespmem:s1+$0x74B0];
	v11 =	vshll.u32 v0, $0x10;
	v57 =	vand.u32 $0xFFFF0000, v0  }
0x9d: {  	v8 =	vshll.u32 v2, $0x10;
	v9 =	vshll.u32 v1, $0x10;
	v10 =	vand.u32 $0xFFFF0000, v1  }
0x9e: {  	v0 =	vshll.u32 v3, $0x10;
	v1 =	vand.u32 $0xFFFF0000, v3;
	v3 =	vld [tilespmem:s1+$0x74D0];
	v58 =	vand.u32 $0xFFFF0000, v2  }
0x9f: {  	v2 =	vshll.u32 v4, $0x10;
	v4 =	vand.u32 $0xFFFF0000, v4;
	v59 =	vshll.u32 v5, $0x10  }
0xa0: {  	v60 =	vld [tilespmem:s1+$0x74F0];
	v5 =	vand.u32 $0xFFFF0000, v5;
	v2 =	vadd.f32 v2, v6;
	v4 =	vadd.f32 v4, v6  }
0xa1: {  	v14 =	vadd.f32 v59, v6;
	v5 =	vadd.f32 v5, v6;
	v6 =	vshll.u32 v7, $0x10  }
0xa2: {  	s31 =	simm.s32 $0xA0;
	v17 =	vld [tilespmem:s1+$0x7510];
	v61 =	vadd.f32 v0, v2;
	v1 =	vadd.f32 v1, v4;
	v2 =	vand.u32 $0xFFFF0000, v7  }
0xa3: {  	v0 =	vld [tilespmem:s31+$0x7500];
	v4 =	vadd.f32 v6, v14;
	v5 =	vadd.f32 v2, v5;
	v6 =	vshll.u32 v3, $0x10  }
0xa4: {  	v2 =	vld [tilespmem:s31+$0x74E0];
	v7 =	vadd.f32 v8, v61;
	v8 =	vadd.f32 v58, v1;
	v3 =	vand.u32 $0xFFFF0000, v3  }
0xa5: {  	v62 =	vshll.u32 v60, $0x10;
	v1 =	vld [tilespmem:s31+$0x74C0];
	v6 =	vadd.f32 v6, v4;
	v5 =	vadd.f32 v3, v5  }
0xa6: {  	v3 =	vld [tilespmem:s31+$0x74A0];
	v7 =	vadd.f32 v9, v7;
	v63 =	vadd.f32 v10, v8;
	v9 =	vand.u32 $0xFFFF0000, v60  }
0xa7: {  	v4 =	vld [tilespmem:s31+$0x7480];
	v10 =	vshll.u32 v17, $0x10;
	v8 =	vadd.f32 v62, v6;
	v9 =	vadd.f32 v9, v5  }
0xa8: {  	s1 =	simm.s32 $0x500;
	v5 =	vld [tilespmem:s31+$0x7490];
	v6 =	vadd.f32 v11, v7;
	v7 =	vadd.f32 v57, v63;
	v11 =	vand.u32 $0xFFFF0000, v17  }
.LBB2_7:
0xa9: {  	p1 =	sne.s32 s1, $0x1680;
	v8 =	vadd.f32 v10, v8;
	v9 =	vadd.f32 v11, v9  }
0xaa: {  	v11 =	vshll.u32 v0, $0x10;
	v12 =	vand.u32 $0xFFFF0000, v0;
	v10 =	vld [tilespmem:s31+$0x74B0]  }
0xab: {  	v14 =	vshll.u32 v2, $0x10;
	v15 =	vand.u32 $0xFFFF0000, v2;
	v13 =	vshll.u32 v1, $0x10  }
0xac: {  	v1 =	vand.u32 $0xFFFF0000, v1;
	v0 =	vshll.u32 v3, $0x10;
	v2 =	vand.u32 $0xFFFF0000, v3;
	v3 =	vld [tilespmem:s31+$0x74D0]  }
0xad: {  	v16 =	vshll.u32 v4, $0x10;
	v4 =	vand.u32 $0xFFFF0000, v4;
	v17 =	vshll.u32 v5, $0x10  }
0xae: {  	v6 =	vadd.f32 v16, v6;
	v4 =	vadd.f32 v4, v7;
	v5 =	vand.u32 $0xFFFF0000, v5;
	v7 =	vld [tilespmem:s31+$0x74F0]  }
0xaf: {  	v8 =	vadd.f32 v17, v8;
	v5 =	vadd.f32 v5, v9;
	v9 =	vshll.u32 v10, $0x10  }
0xb0: {  	v6 =	vadd.f32 v0, v6;
	v4 =	vadd.f32 v2, v4;
	v2 =	vand.u32 $0xFFFF0000, v10;
	v16 =	vld [tilespmem:s31+$0x7510];
	s31 =	sshra.s32 s1, $0x2  }
0xb1: {  	v8 =	vadd.f32 v9, v8;
	v5 =	vadd.f32 v2, v5;
	v0 =	vld [tilespmem:s31+$0x7500];
	v9 =	vshll.u32 v3, $0x10  }
.Ltmp4:
0xb2: {  	v6 =	vadd.f32 v13, v6;
	v4 =	vadd.f32 v1, v4;
	v3 =	vand.u32 $0xFFFF0000, v3;
	v2 =	vld [tilespmem:s31+$0x74E0];
	(pc) =	sbr.rel @p1 .LBB2_7-.Ltmp4, $4  }
0xb3: {  	v8 =	vadd.f32 v9, v8;
	v5 =	vadd.f32 v3, v5;
	v1 =	vld [tilespmem:s31+$0x74C0];
	v9 =	vshll.u32 v7, $0x10  }
0xb4: {  	v6 =	vadd.f32 v14, v6;
	v13 =	vadd.f32 v15, v4;
	v7 =	vand.u32 $0xFFFF0000, v7;
	v3 =	vld [tilespmem:s31+$0x74A0]  }
0xb5: {  	v8 =	vadd.f32 v9, v8;
	v9 =	vadd.f32 v7, v5;
	v4 =	vld [tilespmem:s31+$0x7480];
	v10 =	vshll.u32 v16, $0x10  }
0xb6: {  	s1 =	sadd.s32 $0x280, s1;
	v6 =	vadd.f32 v11, v6;
	v7 =	vadd.f32 v12, v13;
	v11 =	vand.u32 $0xFFFF0000, v16;
	v5 =	vld [tilespmem:s31+$0x7490]  }
0xb7: {  	_ = 	snop  }
0xb8: {  	v8 =	vadd.f32 v10, v8;
	v9 =	vadd.f32 v11, v9;
	v10 =	vld [tilespmem:s31+$0x74B0];
	v12 =	vshll.u32 v2, $0x10  }
0xb9: {  	v2 =	vand.u32 $0xFFFF0000, v2;
	v11 =	vshll.u32 v1, $0x10;
	v1 =	vand.u32 $0xFFFF0000, v1  }
0xba: {  	v14 =	vld [tilespmem:s31+$0x74D0];
	v13 =	vshll.u32 v3, $0x10;
	v3 =	vand.u32 $0xFFFF0000, v3;
	v15 =	vshll.u32 v4, $0x10  }
0xbb: {  	v4 =	vand.u32 $0xFFFF0000, v4;
	v16 =	vshll.u32 v5, $0x10;
	v6 =	vadd.f32 v15, v6  }
0xbc: {  	v4 =	vadd.f32 v4, v7;
	v5 =	vand.u32 $0xFFFF0000, v5;
	v7 =	vld [tilespmem:s31+$0x74F0];
	v8 =	vadd.f32 v16, v8  }
0xbd: {  	v5 =	vadd.f32 v5, v9;
	v9 =	vshll.u32 v10, $0x10;
	v6 =	vadd.f32 v13, v6  }
0xbe: {  	v3 =	vadd.f32 v3, v4;
	v4 =	vand.u32 $0xFFFF0000, v10;
	v8 =	vadd.f32 v9, v8  }
0xbf: {  	v10 =	vld [tilespmem:s31+$0x7510];
	v4 =	vadd.f32 v4, v5;
	v5 =	vshll.u32 v14, $0x10;
	v6 =	vadd.f32 v11, v6  }
0xc0: {  	v1 =	vadd.f32 v1, v3;
	v3 =	vand.u32 $0xFFFF0000, v14;
	v5 =	vadd.f32 v5, v8  }
0xc1: {  	v3 =	vadd.f32 v3, v4;
	v4 =	vshll.u32 v7, $0x10;
	v6 =	vadd.f32 v12, v6  }
0xc2: {  	v8 =	vshll.u32 v0, $0x10;
	v0 =	vand.u32 $0xFFFF0000, v0;
	v1 =	vadd.f32 v2, v1  }
0xc3: {  	v2 =	vadd.f32 v4, v5;
	v4 =	vand.u32 $0xFFFF0000, v7;
	v6 =	vadd.f32 v8, v6  }
0xc4: {  	v5 =	vshll.u32 v10, $0x10;
	v3 =	vadd.f32 v4, v3;
	v0 =	vadd.f32 v0, v1  }
0xc5: {  	v1 =	vand.u32 $0xFFFF0000, v10;
	v2 =	vadd.f32 v5, v2;
	[tilespmem:s29+$0xCC80] =	vst v6  }
0xc6: {  	v1 =	vadd.f32 v1, v3;
	[tilespmem:s29+$0xCCA0] =	vst v0  }
0xc7: {  	[tilespmem:s29+$0xCC90] =	vst v2  }
0xc8: {  	s0 =	simm.s32 $0x0;
	[tilespmem:s29+$0xCCB0] =	vst v1  }
0xc9: {  	v0 =	vld [tilespmem:s0+$0x7B40]  }
0xca: {  	v1 =	vld [tilespmem:s0+$0x7B20]  }
0xcb: {  	v2 =	vld [tilespmem:s0+$0x7B00]  }
0xcc: {  	v3 =	vld [tilespmem:s0+$0x7AE0]  }
0xcd: {  	v4 =	vld [tilespmem:s0+$0x7AC0]  }
0xce: {  	v5 =	vld [tilespmem:s0+$0x7AD0];
	_ =	sdelay $0x1  }
0xcf: {  	v6 =	vimm.f32 $0.0e+00;
	v7 =	vld [tilespmem:s0+$0x7AF0];
	v11 =	vshll.u32 v0, $0x10;
	v57 =	vand.u32 $0xFFFF0000, v0  }
0xd0: {  	v8 =	vshll.u32 v2, $0x10;
	v9 =	vshll.u32 v1, $0x10;
	v10 =	vand.u32 $0xFFFF0000, v1  }
0xd1: {  	v0 =	vshll.u32 v3, $0x10;
	v1 =	vand.u32 $0xFFFF0000, v3;
	v3 =	vld [tilespmem:s0+$0x7B10];
	v58 =	vand.u32 $0xFFFF0000, v2  }
0xd2: {  	v2 =	vshll.u32 v4, $0x10;
	v4 =	vand.u32 $0xFFFF0000, v4;
	v59 =	vshll.u32 v5, $0x10  }
0xd3: {  	v60 =	vld [tilespmem:s0+$0x7B30];
	v5 =	vand.u32 $0xFFFF0000, v5;
	v2 =	vadd.f32 v2, v6;
	v4 =	vadd.f32 v4, v6  }
0xd4: {  	v14 =	vadd.f32 v59, v6;
	v5 =	vadd.f32 v5, v6;
	v6 =	vshll.u32 v7, $0x10  }
0xd5: {  	s31 =	simm.s32 $0xA0;
	v17 =	vld [tilespmem:s0+$0x7B50];
	v61 =	vadd.f32 v0, v2;
	v1 =	vadd.f32 v1, v4;
	v2 =	vand.u32 $0xFFFF0000, v7  }
0xd6: {  	v0 =	vld [tilespmem:s31+$0x7B40];
	v4 =	vadd.f32 v6, v14;
	v5 =	vadd.f32 v2, v5;
	v6 =	vshll.u32 v3, $0x10  }
0xd7: {  	v2 =	vld [tilespmem:s31+$0x7B20];
	v7 =	vadd.f32 v8, v61;
	v8 =	vadd.f32 v58, v1;
	v3 =	vand.u32 $0xFFFF0000, v3  }
0xd8: {  	v62 =	vshll.u32 v60, $0x10;
	v1 =	vld [tilespmem:s31+$0x7B00];
	v6 =	vadd.f32 v6, v4;
	v5 =	vadd.f32 v3, v5  }
0xd9: {  	v3 =	vld [tilespmem:s31+$0x7AE0];
	v7 =	vadd.f32 v9, v7;
	v63 =	vadd.f32 v10, v8;
	v9 =	vand.u32 $0xFFFF0000, v60  }
0xda: {  	v4 =	vld [tilespmem:s31+$0x7AC0];
	v10 =	vshll.u32 v17, $0x10;
	v8 =	vadd.f32 v62, v6;
	v9 =	vadd.f32 v9, v5  }
0xdb: {  	s1 =	simm.s32 $0x500;
	v5 =	vld [tilespmem:s31+$0x7AD0];
	v6 =	vadd.f32 v11, v7;
	v7 =	vadd.f32 v57, v63;
	v11 =	vand.u32 $0xFFFF0000, v17  }
.LBB2_9:
0xdc: {  	p1 =	sne.s32 s1, $0x1680;
	v8 =	vadd.f32 v10, v8;
	v9 =	vadd.f32 v11, v9  }
0xdd: {  	v11 =	vshll.u32 v0, $0x10;
	v12 =	vand.u32 $0xFFFF0000, v0;
	v10 =	vld [tilespmem:s31+$0x7AF0]  }
0xde: {  	v14 =	vshll.u32 v2, $0x10;
	v15 =	vand.u32 $0xFFFF0000, v2;
	v13 =	vshll.u32 v1, $0x10  }
0xdf: {  	v1 =	vand.u32 $0xFFFF0000, v1;
	v0 =	vshll.u32 v3, $0x10;
	v2 =	vand.u32 $0xFFFF0000, v3;
	v3 =	vld [tilespmem:s31+$0x7B10]  }
0xe0: {  	v16 =	vshll.u32 v4, $0x10;
	v4 =	vand.u32 $0xFFFF0000, v4;
	v17 =	vshll.u32 v5, $0x10  }
0xe1: {  	v6 =	vadd.f32 v16, v6;
	v4 =	vadd.f32 v4, v7;
	v5 =	vand.u32 $0xFFFF0000, v5;
	v7 =	vld [tilespmem:s31+$0x7B30]  }
0xe2: {  	v8 =	vadd.f32 v17, v8;
	v5 =	vadd.f32 v5, v9;
	v9 =	vshll.u32 v10, $0x10  }
0xe3: {  	v6 =	vadd.f32 v0, v6;
	v4 =	vadd.f32 v2, v4;
	v2 =	vand.u32 $0xFFFF0000, v10;
	v16 =	vld [tilespmem:s31+$0x7B50];
	s31 =	sshra.s32 s1, $0x2  }
0xe4: {  	v8 =	vadd.f32 v9, v8;
	v5 =	vadd.f32 v2, v5;
	v0 =	vld [tilespmem:s31+$0x7B40];
	v9 =	vshll.u32 v3, $0x10  }
.Ltmp5:
0xe5: {  	v6 =	vadd.f32 v13, v6;
	v4 =	vadd.f32 v1, v4;
	v3 =	vand.u32 $0xFFFF0000, v3;
	v2 =	vld [tilespmem:s31+$0x7B20];
	(pc) =	sbr.rel @p1 .LBB2_9-.Ltmp5, $4  }
0xe6: {  	v8 =	vadd.f32 v9, v8;
	v5 =	vadd.f32 v3, v5;
	v1 =	vld [tilespmem:s31+$0x7B00];
	v9 =	vshll.u32 v7, $0x10  }
0xe7: {  	v6 =	vadd.f32 v14, v6;
	v13 =	vadd.f32 v15, v4;
	v7 =	vand.u32 $0xFFFF0000, v7;
	v3 =	vld [tilespmem:s31+$0x7AE0]  }
0xe8: {  	v8 =	vadd.f32 v9, v8;
	v9 =	vadd.f32 v7, v5;
	v4 =	vld [tilespmem:s31+$0x7AC0];
	v10 =	vshll.u32 v16, $0x10  }
0xe9: {  	s1 =	sadd.s32 $0x280, s1;
	v6 =	vadd.f32 v11, v6;
	v7 =	vadd.f32 v12, v13;
	v11 =	vand.u32 $0xFFFF0000, v16;
	v5 =	vld [tilespmem:s31+$0x7AD0]  }
0xea: {  	_ = 	snop  }
0xeb: {  	v8 =	vadd.f32 v10, v8;
	v9 =	vadd.f32 v11, v9;
	v10 =	vld [tilespmem:s31+$0x7AF0];
	v12 =	vshll.u32 v2, $0x10  }
0xec: {  	v2 =	vand.u32 $0xFFFF0000, v2;
	v11 =	vshll.u32 v1, $0x10;
	v1 =	vand.u32 $0xFFFF0000, v1  }
0xed: {  	v14 =	vld [tilespmem:s31+$0x7B10];
	v13 =	vshll.u32 v3, $0x10;
	v3 =	vand.u32 $0xFFFF0000, v3;
	v15 =	vshll.u32 v4, $0x10  }
0xee: {  	v4 =	vand.u32 $0xFFFF0000, v4;
	v16 =	vshll.u32 v5, $0x10;
	v6 =	vadd.f32 v15, v6  }
0xef: {  	v4 =	vadd.f32 v4, v7;
	v5 =	vand.u32 $0xFFFF0000, v5;
	v7 =	vld [tilespmem:s31+$0x7B30];
	v8 =	vadd.f32 v16, v8  }
0xf0: {  	v5 =	vadd.f32 v5, v9;
	v9 =	vshll.u32 v10, $0x10;
	v6 =	vadd.f32 v13, v6  }
0xf1: {  	v3 =	vadd.f32 v3, v4;
	v4 =	vand.u32 $0xFFFF0000, v10;
	v8 =	vadd.f32 v9, v8  }
0xf2: {  	v10 =	vld [tilespmem:s31+$0x7B50];
	v4 =	vadd.f32 v4, v5;
	v5 =	vshll.u32 v14, $0x10;
	v6 =	vadd.f32 v11, v6  }
0xf3: {  	v1 =	vadd.f32 v1, v3;
	v3 =	vand.u32 $0xFFFF0000, v14;
	v5 =	vadd.f32 v5, v8  }
0xf4: {  	v3 =	vadd.f32 v3, v4;
	v4 =	vshll.u32 v7, $0x10;
	v6 =	vadd.f32 v12, v6  }
0xf5: {  	v8 =	vshll.u32 v0, $0x10;
	v0 =	vand.u32 $0xFFFF0000, v0;
	v1 =	vadd.f32 v2, v1  }
0xf6: {  	v2 =	vadd.f32 v4, v5;
	v4 =	vand.u32 $0xFFFF0000, v7;
	v6 =	vadd.f32 v8, v6  }
0xf7: {  	v5 =	vshll.u32 v10, $0x10;
	v3 =	vadd.f32 v4, v3;
	v0 =	vadd.f32 v0, v1  }
0xf8: {  	v1 =	vand.u32 $0xFFFF0000, v10;
	v2 =	vadd.f32 v5, v2;
	[tilespmem:s29+$0xCCC0] =	vst v6  }
0xf9: {  	v1 =	vadd.f32 v1, v3;
	[tilespmem:s29+$0xCCE0] =	vst v0  }
0xfa: {  	[tilespmem:s29+$0xCCD0] =	vst v2  }
0xfb: {  	s0 =	sadd.s32 @!p0 $0x3A8, s30;
	s1 =	simm.s32 @!p0 $0x64;
	s31 =	simm.s32 @!p0 $0x7480;
	[tilespmem:s29+$0xCCF0] =	vst v1  }
0xfc: {  	[tilespmem:s31], [sflag:$0x1] =	stream.indirect.gather @!p0 [hbm4b:s3+s1], $0x20, s0, s1, $0xb8;
	[tilespmem:$0x14C00] =	vst v63  }
0xfd: {  	_ =	swait.ge [sflag:s24], $0xC80  }
0xfe: {  	[sflag:s24] =	ssyncset.done $0x0  }
0xff: {  	s1 =	simm.s32 $0x0;
	[sflag:s24] =	ssyncadd.s32 $0xFFFFF380  }
0x100: {  	v0 =	vld [tilespmem:s1+$0x8180]  }
0x101: {  	v1 =	vld [tilespmem:s1+$0x8160]  }
0x102: {  	v2 =	vld [tilespmem:s1+$0x8140]  }
0x103: {  	v3 =	vld [tilespmem:s1+$0x8120]  }
0x104: {  	v4 =	vld [tilespmem:s1+$0x8100]  }
0x105: {  	v5 =	vld [tilespmem:s1+$0x8110];
	_ =	sdelay $0x1  }
0x106: {  	v6 =	vimm.f32 $0.0e+00;
	v7 =	vld [tilespmem:s1+$0x8130];
	v11 =	vshll.u32 v0, $0x10;
	v57 =	vand.u32 $0xFFFF0000, v0  }
0x107: {  	v8 =	vshll.u32 v2, $0x10;
	v9 =	vshll.u32 v1, $0x10;
	v10 =	vand.u32 $0xFFFF0000, v1  }
0x108: {  	v0 =	vshll.u32 v3, $0x10;
	v1 =	vand.u32 $0xFFFF0000, v3;
	v3 =	vld [tilespmem:s1+$0x8150];
	v58 =	vand.u32 $0xFFFF0000, v2  }
0x109: {  	v2 =	vshll.u32 v4, $0x10;
	v4 =	vand.u32 $0xFFFF0000, v4;
	v59 =	vshll.u32 v5, $0x10  }
0x10a: {  	v60 =	vld [tilespmem:s1+$0x8170];
	v5 =	vand.u32 $0xFFFF0000, v5;
	v2 =	vadd.f32 v2, v6;
	v4 =	vadd.f32 v4, v6  }
0x10b: {  	v14 =	vadd.f32 v59, v6;
	v5 =	vadd.f32 v5, v6;
	v6 =	vshll.u32 v7, $0x10  }
0x10c: {  	s31 =	simm.s32 $0xA0;
	v17 =	vld [tilespmem:s1+$0x8190];
	v61 =	vadd.f32 v0, v2;
	v1 =	vadd.f32 v1, v4;
	v2 =	vand.u32 $0xFFFF0000, v7  }
0x10d: {  	v0 =	vld [tilespmem:s31+$0x8180];
	v4 =	vadd.f32 v6, v14;
	v5 =	vadd.f32 v2, v5;
	v6 =	vshll.u32 v3, $0x10  }
0x10e: {  	v2 =	vld [tilespmem:s31+$0x8160];
	v7 =	vadd.f32 v8, v61;
	v8 =	vadd.f32 v58, v1;
	v3 =	vand.u32 $0xFFFF0000, v3  }
0x10f: {  	v62 =	vshll.u32 v60, $0x10;
	v1 =	vld [tilespmem:s31+$0x8140];
	v6 =	vadd.f32 v6, v4;
	v5 =	vadd.f32 v3, v5  }
0x110: {  	v3 =	vld [tilespmem:s31+$0x8120];
	v7 =	vadd.f32 v9, v7;
	v63 =	vadd.f32 v10, v8;
	v9 =	vand.u32 $0xFFFF0000, v60  }
0x111: {  	v4 =	vld [tilespmem:s31+$0x8100];
	v10 =	vshll.u32 v17, $0x10;
	v8 =	vadd.f32 v62, v6;
	v9 =	vadd.f32 v9, v5  }
0x112: {  	s1 =	simm.s32 $0x500;
	v5 =	vld [tilespmem:s31+$0x8110];
	v6 =	vadd.f32 v11, v7;
	v7 =	vadd.f32 v57, v63;
	v11 =	vand.u32 $0xFFFF0000, v17  }
.LBB2_11:
0x113: {  	p1 =	sne.s32 s1, $0x1680;
	v8 =	vadd.f32 v10, v8;
	v9 =	vadd.f32 v11, v9  }
0x114: {  	v11 =	vshll.u32 v0, $0x10;
	v12 =	vand.u32 $0xFFFF0000, v0;
	v10 =	vld [tilespmem:s31+$0x8130]  }
0x115: {  	v14 =	vshll.u32 v2, $0x10;
	v15 =	vand.u32 $0xFFFF0000, v2;
	v13 =	vshll.u32 v1, $0x10  }
0x116: {  	v1 =	vand.u32 $0xFFFF0000, v1;
	v0 =	vshll.u32 v3, $0x10;
	v2 =	vand.u32 $0xFFFF0000, v3;
	v3 =	vld [tilespmem:s31+$0x8150]  }
0x117: {  	v16 =	vshll.u32 v4, $0x10;
	v4 =	vand.u32 $0xFFFF0000, v4;
	v17 =	vshll.u32 v5, $0x10  }
0x118: {  	v6 =	vadd.f32 v16, v6;
	v4 =	vadd.f32 v4, v7;
	v5 =	vand.u32 $0xFFFF0000, v5;
	v7 =	vld [tilespmem:s31+$0x8170]  }
0x119: {  	v8 =	vadd.f32 v17, v8;
	v5 =	vadd.f32 v5, v9;
	v9 =	vshll.u32 v10, $0x10  }
0x11a: {  	v6 =	vadd.f32 v0, v6;
	v4 =	vadd.f32 v2, v4;
	v2 =	vand.u32 $0xFFFF0000, v10;
	v16 =	vld [tilespmem:s31+$0x8190];
	s31 =	sshra.s32 s1, $0x2  }
0x11b: {  	v8 =	vadd.f32 v9, v8;
	v5 =	vadd.f32 v2, v5;
	v0 =	vld [tilespmem:s31+$0x8180];
	v9 =	vshll.u32 v3, $0x10  }
.Ltmp6:
0x11c: {  	v6 =	vadd.f32 v13, v6;
	v4 =	vadd.f32 v1, v4;
	v3 =	vand.u32 $0xFFFF0000, v3;
	v2 =	vld [tilespmem:s31+$0x8160];
	(pc) =	sbr.rel @p1 .LBB2_11-.Ltmp6, $4  }
0x11d: {  	v8 =	vadd.f32 v9, v8;
	v5 =	vadd.f32 v3, v5;
	v1 =	vld [tilespmem:s31+$0x8140];
	v9 =	vshll.u32 v7, $0x10  }
0x11e: {  	v6 =	vadd.f32 v14, v6;
	v13 =	vadd.f32 v15, v4;
	v7 =	vand.u32 $0xFFFF0000, v7;
	v3 =	vld [tilespmem:s31+$0x8120]  }
0x11f: {  	v8 =	vadd.f32 v9, v8;
	v9 =	vadd.f32 v7, v5;
	v4 =	vld [tilespmem:s31+$0x8100];
	v10 =	vshll.u32 v16, $0x10  }
0x120: {  	s1 =	sadd.s32 $0x280, s1;
	v6 =	vadd.f32 v11, v6;
	v7 =	vadd.f32 v12, v13;
	v11 =	vand.u32 $0xFFFF0000, v16;
	v5 =	vld [tilespmem:s31+$0x8110]  }
0x121: {  	_ = 	snop  }
0x122: {  	v8 =	vadd.f32 v10, v8;
	v9 =	vadd.f32 v11, v9;
	v10 =	vld [tilespmem:s31+$0x8130];
	v12 =	vshll.u32 v2, $0x10  }
0x123: {  	v2 =	vand.u32 $0xFFFF0000, v2;
	v11 =	vshll.u32 v1, $0x10;
	v1 =	vand.u32 $0xFFFF0000, v1  }
0x124: {  	v14 =	vld [tilespmem:s31+$0x8150];
	v13 =	vshll.u32 v3, $0x10;
	v3 =	vand.u32 $0xFFFF0000, v3;
	v15 =	vshll.u32 v4, $0x10  }
0x125: {  	v4 =	vand.u32 $0xFFFF0000, v4;
	v16 =	vshll.u32 v5, $0x10;
	v6 =	vadd.f32 v15, v6  }
0x126: {  	v4 =	vadd.f32 v4, v7;
	v5 =	vand.u32 $0xFFFF0000, v5;
	v7 =	vld [tilespmem:s31+$0x8170];
	v8 =	vadd.f32 v16, v8  }
0x127: {  	v5 =	vadd.f32 v5, v9;
	v9 =	vshll.u32 v10, $0x10;
	v6 =	vadd.f32 v13, v6  }
0x128: {  	v3 =	vadd.f32 v3, v4;
	v4 =	vand.u32 $0xFFFF0000, v10;
	v8 =	vadd.f32 v9, v8  }
0x129: {  	v10 =	vld [tilespmem:s31+$0x8190];
	v4 =	vadd.f32 v4, v5;
	v5 =	vshll.u32 v14, $0x10;
	v6 =	vadd.f32 v11, v6  }
0x12a: {  	v1 =	vadd.f32 v1, v3;
	v3 =	vand.u32 $0xFFFF0000, v14;
	v5 =	vadd.f32 v5, v8  }
0x12b: {  	v3 =	vadd.f32 v3, v4;
	v4 =	vshll.u32 v7, $0x10;
	v6 =	vadd.f32 v12, v6  }
0x12c: {  	v8 =	vshll.u32 v0, $0x10;
	v0 =	vand.u32 $0xFFFF0000, v0;
	v1 =	vadd.f32 v2, v1  }
0x12d: {  	v2 =	vadd.f32 v4, v5;
	v4 =	vand.u32 $0xFFFF0000, v7;
	v6 =	vadd.f32 v8, v6  }
0x12e: {  	v5 =	vshll.u32 v10, $0x10;
	v3 =	vadd.f32 v4, v3;
	v0 =	vadd.f32 v0, v1  }
0x12f: {  	v1 =	vand.u32 $0xFFFF0000, v10;
	v2 =	vadd.f32 v5, v2;
	[tilespmem:s29+$0xCD00] =	vst v6  }
0x130: {  	v1 =	vadd.f32 v1, v3;
	[tilespmem:s29+$0xCD20] =	vst v0  }
0x131: {  	[tilespmem:s29+$0xCD10] =	vst v2  }
0x132: {  	s0 =	simm.s32 $0x0;
	[tilespmem:s29+$0xCD30] =	vst v1  }
0x133: {  	v0 =	vld [tilespmem:s0+$0x87C0]  }
0x134: {  	v1 =	vld [tilespmem:s0+$0x87A0]  }
0x135: {  	v2 =	vld [tilespmem:s0+$0x8780]  }
0x136: {  	v3 =	vld [tilespmem:s0+$0x8760]  }
0x137: {  	v4 =	vld [tilespmem:s0+$0x8740]  }
0x138: {  	v5 =	vld [tilespmem:s0+$0x8750];
	_ =	sdelay $0x1  }
0x139: {  	v6 =	vimm.f32 $0.0e+00;
	v7 =	vld [tilespmem:s0+$0x8770];
	v11 =	vshll.u32 v0, $0x10;
	v57 =	vand.u32 $0xFFFF0000, v0  }
0x13a: {  	v8 =	vshll.u32 v2, $0x10;
	v9 =	vshll.u32 v1, $0x10;
	v10 =	vand.u32 $0xFFFF0000, v1  }
0x13b: {  	v0 =	vshll.u32 v3, $0x10;
	v1 =	vand.u32 $0xFFFF0000, v3;
	v3 =	vld [tilespmem:s0+$0x8790];
	v58 =	vand.u32 $0xFFFF0000, v2  }
0x13c: {  	v2 =	vshll.u32 v4, $0x10;
	v4 =	vand.u32 $0xFFFF0000, v4;
	v59 =	vshll.u32 v5, $0x10  }
0x13d: {  	v60 =	vld [tilespmem:s0+$0x87B0];
	v5 =	vand.u32 $0xFFFF0000, v5;
	v2 =	vadd.f32 v2, v6;
	v4 =	vadd.f32 v4, v6  }
0x13e: {  	v14 =	vadd.f32 v59, v6;
	v5 =	vadd.f32 v5, v6;
	v6 =	vshll.u32 v7, $0x10  }
0x13f: {  	s31 =	simm.s32 $0xA0;
	v17 =	vld [tilespmem:s0+$0x87D0];
	v61 =	vadd.f32 v0, v2;
	v1 =	vadd.f32 v1, v4;
	v2 =	vand.u32 $0xFFFF0000, v7  }
0x140: {  	v0 =	vld [tilespmem:s31+$0x87C0];
	v4 =	vadd.f32 v6, v14;
	v5 =	vadd.f32 v2, v5;
	v6 =	vshll.u32 v3, $0x10  }
0x141: {  	v2 =	vld [tilespmem:s31+$0x87A0];
	v7 =	vadd.f32 v8, v61;
	v8 =	vadd.f32 v58, v1;
	v3 =	vand.u32 $0xFFFF0000, v3  }
0x142: {  	v62 =	vshll.u32 v60, $0x10;
	v1 =	vld [tilespmem:s31+$0x8780];
	v6 =	vadd.f32 v6, v4;
	v5 =	vadd.f32 v3, v5  }
0x143: {  	v3 =	vld [tilespmem:s31+$0x8760];
	v7 =	vadd.f32 v9, v7;
	v63 =	vadd.f32 v10, v8;
	v9 =	vand.u32 $0xFFFF0000, v60  }
0x144: {  	v4 =	vld [tilespmem:s31+$0x8740];
	v10 =	vshll.u32 v17, $0x10;
	v8 =	vadd.f32 v62, v6;
	v9 =	vadd.f32 v9, v5  }
0x145: {  	s1 =	simm.s32 $0x500;
	v5 =	vld [tilespmem:s31+$0x8750];
	v6 =	vadd.f32 v11, v7;
	v7 =	vadd.f32 v57, v63;
	v11 =	vand.u32 $0xFFFF0000, v17  }
.LBB2_13:
0x146: {  	p1 =	sne.s32 s1, $0x1680;
	v8 =	vadd.f32 v10, v8;
	v9 =	vadd.f32 v11, v9  }
0x147: {  	v11 =	vshll.u32 v0, $0x10;
	v12 =	vand.u32 $0xFFFF0000, v0;
	v10 =	vld [tilespmem:s31+$0x8770]  }
0x148: {  	v14 =	vshll.u32 v2, $0x10;
	v15 =	vand.u32 $0xFFFF0000, v2;
	v13 =	vshll.u32 v1, $0x10  }
0x149: {  	v1 =	vand.u32 $0xFFFF0000, v1;
	v0 =	vshll.u32 v3, $0x10;
	v2 =	vand.u32 $0xFFFF0000, v3;
	v3 =	vld [tilespmem:s31+$0x8790]  }
0x14a: {  	v16 =	vshll.u32 v4, $0x10;
	v4 =	vand.u32 $0xFFFF0000, v4;
	v17 =	vshll.u32 v5, $0x10  }
0x14b: {  	v6 =	vadd.f32 v16, v6;
	v4 =	vadd.f32 v4, v7;
	v5 =	vand.u32 $0xFFFF0000, v5;
	v7 =	vld [tilespmem:s31+$0x87B0]  }
0x14c: {  	v8 =	vadd.f32 v17, v8;
	v5 =	vadd.f32 v5, v9;
	v9 =	vshll.u32 v10, $0x10  }
0x14d: {  	v6 =	vadd.f32 v0, v6;
	v4 =	vadd.f32 v2, v4;
	v2 =	vand.u32 $0xFFFF0000, v10;
	v16 =	vld [tilespmem:s31+$0x87D0];
	s31 =	sshra.s32 s1, $0x2  }
0x14e: {  	v8 =	vadd.f32 v9, v8;
	v5 =	vadd.f32 v2, v5;
	v0 =	vld [tilespmem:s31+$0x87C0];
	v9 =	vshll.u32 v3, $0x10  }
.Ltmp7:
0x14f: {  	v6 =	vadd.f32 v13, v6;
	v4 =	vadd.f32 v1, v4;
	v3 =	vand.u32 $0xFFFF0000, v3;
	v2 =	vld [tilespmem:s31+$0x87A0];
	(pc) =	sbr.rel @p1 .LBB2_13-.Ltmp7, $4  }
0x150: {  	v8 =	vadd.f32 v9, v8;
	v5 =	vadd.f32 v3, v5;
	v1 =	vld [tilespmem:s31+$0x8780];
	v9 =	vshll.u32 v7, $0x10  }
0x151: {  	v6 =	vadd.f32 v14, v6;
	v13 =	vadd.f32 v15, v4;
	v7 =	vand.u32 $0xFFFF0000, v7;
	v3 =	vld [tilespmem:s31+$0x8760]  }
0x152: {  	v8 =	vadd.f32 v9, v8;
	v9 =	vadd.f32 v7, v5;
	v4 =	vld [tilespmem:s31+$0x8740];
	v10 =	vshll.u32 v16, $0x10  }
0x153: {  	s1 =	sadd.s32 $0x280, s1;
	v6 =	vadd.f32 v11, v6;
	v7 =	vadd.f32 v12, v13;
	v11 =	vand.u32 $0xFFFF0000, v16;
	v5 =	vld [tilespmem:s31+$0x8750]  }
0x154: {  	_ = 	snop  }
0x155: {  	v8 =	vadd.f32 v10, v8;
	v9 =	vadd.f32 v11, v9;
	v10 =	vld [tilespmem:s31+$0x8770];
	v12 =	vshll.u32 v2, $0x10  }
0x156: {  	v2 =	vand.u32 $0xFFFF0000, v2;
	v11 =	vshll.u32 v1, $0x10;
	v1 =	vand.u32 $0xFFFF0000, v1  }
0x157: {  	v14 =	vld [tilespmem:s31+$0x8790];
	v13 =	vshll.u32 v3, $0x10;
	v3 =	vand.u32 $0xFFFF0000, v3;
	v15 =	vshll.u32 v4, $0x10  }
0x158: {  	v4 =	vand.u32 $0xFFFF0000, v4;
	v16 =	vshll.u32 v5, $0x10;
	v6 =	vadd.f32 v15, v6  }
0x159: {  	v4 =	vadd.f32 v4, v7;
	v5 =	vand.u32 $0xFFFF0000, v5;
	v7 =	vld [tilespmem:s31+$0x87B0];
	v8 =	vadd.f32 v16, v8  }
0x15a: {  	v5 =	vadd.f32 v5, v9;
	v9 =	vshll.u32 v10, $0x10;
	v6 =	vadd.f32 v13, v6  }
0x15b: {  	v3 =	vadd.f32 v3, v4;
	v4 =	vand.u32 $0xFFFF0000, v10;
	v8 =	vadd.f32 v9, v8  }
0x15c: {  	v10 =	vld [tilespmem:s31+$0x87D0];
	v4 =	vadd.f32 v4, v5;
	v5 =	vshll.u32 v14, $0x10;
	v6 =	vadd.f32 v11, v6  }
0x15d: {  	v1 =	vadd.f32 v1, v3;
	v3 =	vand.u32 $0xFFFF0000, v14;
	v5 =	vadd.f32 v5, v8  }
0x15e: {  	v3 =	vadd.f32 v3, v4;
	v4 =	vshll.u32 v7, $0x10;
	v6 =	vadd.f32 v12, v6  }
0x15f: {  	v8 =	vshll.u32 v0, $0x10;
	v0 =	vand.u32 $0xFFFF0000, v0;
	v1 =	vadd.f32 v2, v1  }
0x160: {  	v2 =	vadd.f32 v4, v5;
	v4 =	vand.u32 $0xFFFF0000, v7;
	v6 =	vadd.f32 v8, v6  }
0x161: {  	v5 =	vshll.u32 v10, $0x10;
	v3 =	vadd.f32 v4, v3;
	v0 =	vadd.f32 v0, v1  }
0x162: {  	v1 =	vand.u32 $0xFFFF0000, v10;
	v2 =	vadd.f32 v5, v2;
	[tilespmem:s29+$0xCD40] =	vst v6  }
0x163: {  	v1 =	vadd.f32 v1, v3;
	[tilespmem:s29+$0xCD60] =	vst v0  }
0x164: {  	[tilespmem:s29+$0xCD50] =	vst v2  }
0x165: {  	s0 =	sadd.s32 @!p0 $0x410, s30;
	s1 =	simm.s32 @!p0 $0x64;
	s31 =	simm.s32 @!p0 $0x8100;
	[tilespmem:s29+$0xCD70] =	vst v1  }
0x166: {  	[tilespmem:s31], [sflag:$0x1] =	stream.indirect.gather @!p0 [hbm4b:s3+s1], $0x20, s0, s1, $0xb8;
	[tilespmem:$0x14C00] =	vst v63  }
0x167: {  	_ =	swait.ge [sflag:s24], $0xC80  }
0x168: {  	[sflag:s24] =	ssyncset.done $0x0  }
0x169: {  	s1 =	simm.s32 $0x0;
	[sflag:s24] =	ssyncadd.s32 $0xFFFFF380  }
0x16a: {  	v0 =	vld [tilespmem:s1+$0x8E00]  }
0x16b: {  	v1 =	vld [tilespmem:s1+$0x8DE0]  }
0x16c: {  	v2 =	vld [tilespmem:s1+$0x8DC0]  }
0x16d: {  	v3 =	vld [tilespmem:s1+$0x8DA0]  }
0x16e: {  	v4 =	vld [tilespmem:s1+$0x8D80]  }
0x16f: {  	v5 =	vld [tilespmem:s1+$0x8D90];
	_ =	sdelay $0x1  }
0x170: {  	v6 =	vimm.f32 $0.0e+00;
	v7 =	vld [tilespmem:s1+$0x8DB0];
	v11 =	vshll.u32 v0, $0x10;
	v57 =	vand.u32 $0xFFFF0000, v0  }
0x171: {  	v8 =	vshll.u32 v2, $0x10;
	v9 =	vshll.u32 v1, $0x10;
	v10 =	vand.u32 $0xFFFF0000, v1  }
0x172: {  	v0 =	vshll.u32 v3, $0x10;
	v1 =	vand.u32 $0xFFFF0000, v3;
	v3 =	vld [tilespmem:s1+$0x8DD0];
	v58 =	vand.u32 $0xFFFF0000, v2  }
0x173: {  	v2 =	vshll.u32 v4, $0x10;
	v4 =	vand.u32 $0xFFFF0000, v4;
	v59 =	vshll.u32 v5, $0x10  }
0x174: {  	v60 =	vld [tilespmem:s1+$0x8DF0];
	v5 =	vand.u32 $0xFFFF0000, v5;
	v2 =	vadd.f32 v2, v6;
	v4 =	vadd.f32 v4, v6  }
0x175: {  	v14 =	vadd.f32 v59, v6;
	v5 =	vadd.f32 v5, v6;
	v6 =	vshll.u32 v7, $0x10  }
0x176: {  	s31 =	simm.s32 $0xA0;
	v17 =	vld [tilespmem:s1+$0x8E10];
	v61 =	vadd.f32 v0, v2;
	v1 =	vadd.f32 v1, v4;
	v2 =	vand.u32 $0xFFFF0000, v7  }
0x177: {  	v0 =	vld [tilespmem:s31+$0x8E00];
	v4 =	vadd.f32 v6, v14;
	v5 =	vadd.f32 v2, v5;
	v6 =	vshll.u32 v3, $0x10  }
0x178: {  	v2 =	vld [tilespmem:s31+$0x8DE0];
	v7 =	vadd.f32 v8, v61;
	v8 =	vadd.f32 v58, v1;
	v3 =	vand.u32 $0xFFFF0000, v3  }
0x179: {  	v62 =	vshll.u32 v60, $0x10;
	v1 =	vld [tilespmem:s31+$0x8DC0];
	v6 =	vadd.f32 v6, v4;
	v5 =	vadd.f32 v3, v5  }
0x17a: {  	v3 =	vld [tilespmem:s31+$0x8DA0];
	v7 =	vadd.f32 v9, v7;
	v63 =	vadd.f32 v10, v8;
	v9 =	vand.u32 $0xFFFF0000, v60  }
0x17b: {  	v4 =	vld [tilespmem:s31+$0x8D80];
	v10 =	vshll.u32 v17, $0x10;
	v8 =	vadd.f32 v62, v6;
	v9 =	vadd.f32 v9, v5  }
0x17c: {  	s1 =	simm.s32 $0x500;
	v5 =	vld [tilespmem:s31+$0x8D90];
	v6 =	vadd.f32 v11, v7;
	v7 =	vadd.f32 v57, v63;
	v11 =	vand.u32 $0xFFFF0000, v17  }
.LBB2_15:
0x17d: {  	p1 =	sne.s32 s1, $0x1680;
	v8 =	vadd.f32 v10, v8;
	v9 =	vadd.f32 v11, v9  }
0x17e: {  	v11 =	vshll.u32 v0, $0x10;
	v12 =	vand.u32 $0xFFFF0000, v0;
	v10 =	vld [tilespmem:s31+$0x8DB0]  }
0x17f: {  	v14 =	vshll.u32 v2, $0x10;
	v15 =	vand.u32 $0xFFFF0000, v2;
	v13 =	vshll.u32 v1, $0x10  }
0x180: {  	v1 =	vand.u32 $0xFFFF0000, v1;
	v0 =	vshll.u32 v3, $0x10;
	v2 =	vand.u32 $0xFFFF0000, v3;
	v3 =	vld [tilespmem:s31+$0x8DD0]  }
0x181: {  	v16 =	vshll.u32 v4, $0x10;
	v4 =	vand.u32 $0xFFFF0000, v4;
	v17 =	vshll.u32 v5, $0x10  }
0x182: {  	v6 =	vadd.f32 v16, v6;
	v4 =	vadd.f32 v4, v7;
	v5 =	vand.u32 $0xFFFF0000, v5;
	v7 =	vld [tilespmem:s31+$0x8DF0]  }
0x183: {  	v8 =	vadd.f32 v17, v8;
	v5 =	vadd.f32 v5, v9;
	v9 =	vshll.u32 v10, $0x10  }
0x184: {  	v6 =	vadd.f32 v0, v6;
	v4 =	vadd.f32 v2, v4;
	v2 =	vand.u32 $0xFFFF0000, v10;
	v16 =	vld [tilespmem:s31+$0x8E10];
	s31 =	sshra.s32 s1, $0x2  }
0x185: {  	v8 =	vadd.f32 v9, v8;
	v5 =	vadd.f32 v2, v5;
	v0 =	vld [tilespmem:s31+$0x8E00];
	v9 =	vshll.u32 v3, $0x10  }
.Ltmp8:
0x186: {  	v6 =	vadd.f32 v13, v6;
	v4 =	vadd.f32 v1, v4;
	v3 =	vand.u32 $0xFFFF0000, v3;
	v2 =	vld [tilespmem:s31+$0x8DE0];
	(pc) =	sbr.rel @p1 .LBB2_15-.Ltmp8, $4  }
0x187: {  	v8 =	vadd.f32 v9, v8;
	v5 =	vadd.f32 v3, v5;
	v1 =	vld [tilespmem:s31+$0x8DC0];
	v9 =	vshll.u32 v7, $0x10  }
0x188: {  	v6 =	vadd.f32 v14, v6;
	v13 =	vadd.f32 v15, v4;
	v7 =	vand.u32 $0xFFFF0000, v7;
	v3 =	vld [tilespmem:s31+$0x8DA0]  }
0x189: {  	v8 =	vadd.f32 v9, v8;
	v9 =	vadd.f32 v7, v5;
	v4 =	vld [tilespmem:s31+$0x8D80];
	v10 =	vshll.u32 v16, $0x10  }
0x18a: {  	s1 =	sadd.s32 $0x280, s1;
	v6 =	vadd.f32 v11, v6;
	v7 =	vadd.f32 v12, v13;
	v11 =	vand.u32 $0xFFFF0000, v16;
	v5 =	vld [tilespmem:s31+$0x8D90]  }
0x18b: {  	_ = 	snop  }
0x18c: {  	v8 =	vadd.f32 v10, v8;
	v9 =	vadd.f32 v11, v9;
	v10 =	vld [tilespmem:s31+$0x8DB0];
	v12 =	vshll.u32 v2, $0x10  }
0x18d: {  	v2 =	vand.u32 $0xFFFF0000, v2;
	v11 =	vshll.u32 v1, $0x10;
	v1 =	vand.u32 $0xFFFF0000, v1  }
0x18e: {  	v14 =	vld [tilespmem:s31+$0x8DD0];
	v13 =	vshll.u32 v3, $0x10;
	v3 =	vand.u32 $0xFFFF0000, v3;
	v15 =	vshll.u32 v4, $0x10  }
0x18f: {  	v4 =	vand.u32 $0xFFFF0000, v4;
	v16 =	vshll.u32 v5, $0x10;
	v6 =	vadd.f32 v15, v6  }
0x190: {  	v4 =	vadd.f32 v4, v7;
	v5 =	vand.u32 $0xFFFF0000, v5;
	v7 =	vld [tilespmem:s31+$0x8DF0];
	v8 =	vadd.f32 v16, v8  }
0x191: {  	v5 =	vadd.f32 v5, v9;
	v9 =	vshll.u32 v10, $0x10;
	v6 =	vadd.f32 v13, v6  }
0x192: {  	v3 =	vadd.f32 v3, v4;
	v4 =	vand.u32 $0xFFFF0000, v10;
	v8 =	vadd.f32 v9, v8  }
0x193: {  	v10 =	vld [tilespmem:s31+$0x8E10];
	v4 =	vadd.f32 v4, v5;
	v5 =	vshll.u32 v14, $0x10;
	v6 =	vadd.f32 v11, v6  }
0x194: {  	v1 =	vadd.f32 v1, v3;
	v3 =	vand.u32 $0xFFFF0000, v14;
	v5 =	vadd.f32 v5, v8  }
0x195: {  	v3 =	vadd.f32 v3, v4;
	v4 =	vshll.u32 v7, $0x10;
	v6 =	vadd.f32 v12, v6  }
0x196: {  	v8 =	vshll.u32 v0, $0x10;
	v0 =	vand.u32 $0xFFFF0000, v0;
	v1 =	vadd.f32 v2, v1  }
0x197: {  	v2 =	vadd.f32 v4, v5;
	v4 =	vand.u32 $0xFFFF0000, v7;
	v6 =	vadd.f32 v8, v6  }
0x198: {  	v5 =	vshll.u32 v10, $0x10;
	v3 =	vadd.f32 v4, v3;
	v0 =	vadd.f32 v0, v1  }
0x199: {  	v1 =	vand.u32 $0xFFFF0000, v10;
	v2 =	vadd.f32 v5, v2;
	[tilespmem:s29+$0xCD80] =	vst v6  }
0x19a: {  	v1 =	vadd.f32 v1, v3;
	[tilespmem:s29+$0xCDA0] =	vst v0  }
0x19b: {  	[tilespmem:s29+$0xCD90] =	vst v2  }
0x19c: {  	s0 =	simm.s32 $0x0;
	[tilespmem:s29+$0xCDB0] =	vst v1  }
0x19d: {  	v0 =	vld [tilespmem:s0+$0x9440]  }
0x19e: {  	v1 =	vld [tilespmem:s0+$0x9420]  }
0x19f: {  	v2 =	vld [tilespmem:s0+$0x9400]  }
0x1a0: {  	v3 =	vld [tilespmem:s0+$0x93E0]  }
0x1a1: {  	v4 =	vld [tilespmem:s0+$0x93C0]  }
0x1a2: {  	v5 =	vld [tilespmem:s0+$0x93D0];
	_ =	sdelay $0x1  }
0x1a3: {  	v6 =	vimm.f32 $0.0e+00;
	v7 =	vld [tilespmem:s0+$0x93F0];
	v11 =	vshll.u32 v0, $0x10;
	v57 =	vand.u32 $0xFFFF0000, v0  }
0x1a4: {  	v8 =	vshll.u32 v2, $0x10;
	v9 =	vshll.u32 v1, $0x10;
	v10 =	vand.u32 $0xFFFF0000, v1  }
0x1a5: {  	v0 =	vshll.u32 v3, $0x10;
	v1 =	vand.u32 $0xFFFF0000, v3;
	v3 =	vld [tilespmem:s0+$0x9410];
	v58 =	vand.u32 $0xFFFF0000, v2  }
0x1a6: {  	v2 =	vshll.u32 v4, $0x10;
	v4 =	vand.u32 $0xFFFF0000, v4;
	v59 =	vshll.u32 v5, $0x10  }
0x1a7: {  	v60 =	vld [tilespmem:s0+$0x9430];
	v5 =	vand.u32 $0xFFFF0000, v5;
	v2 =	vadd.f32 v2, v6;
	v4 =	vadd.f32 v4, v6  }
0x1a8: {  	v14 =	vadd.f32 v59, v6;
	v5 =	vadd.f32 v5, v6;
	v6 =	vshll.u32 v7, $0x10  }
0x1a9: {  	s31 =	simm.s32 $0xA0;
	v17 =	vld [tilespmem:s0+$0x9450];
	v61 =	vadd.f32 v0, v2;
	v1 =	vadd.f32 v1, v4;
	v2 =	vand.u32 $0xFFFF0000, v7  }
0x1aa: {  	v0 =	vld [tilespmem:s31+$0x9440];
	v4 =	vadd.f32 v6, v14;
	v5 =	vadd.f32 v2, v5;
	v6 =	vshll.u32 v3, $0x10  }
0x1ab: {  	v2 =	vld [tilespmem:s31+$0x9420];
	v7 =	vadd.f32 v8, v61;
	v8 =	vadd.f32 v58, v1;
	v3 =	vand.u32 $0xFFFF0000, v3  }
0x1ac: {  	v62 =	vshll.u32 v60, $0x10;
	v1 =	vld [tilespmem:s31+$0x9400];
	v6 =	vadd.f32 v6, v4;
	v5 =	vadd.f32 v3, v5  }
0x1ad: {  	v3 =	vld [tilespmem:s31+$0x93E0];
	v7 =	vadd.f32 v9, v7;
	v63 =	vadd.f32 v10, v8;
	v9 =	vand.u32 $0xFFFF0000, v60  }
0x1ae: {  	v4 =	vld [tilespmem:s31+$0x93C0];
	v10 =	vshll.u32 v17, $0x10;
	v8 =	vadd.f32 v62, v6;
	v9 =	vadd.f32 v9, v5  }
0x1af: {  	s1 =	simm.s32 $0x500;
	v5 =	vld [tilespmem:s31+$0x93D0];
	v6 =	vadd.f32 v11, v7;
	v7 =	vadd.f32 v57, v63;
	v11 =	vand.u32 $0xFFFF0000, v17  }
.LBB2_17:
0x1b0: {  	p1 =	sne.s32 s1, $0x1680;
	v8 =	vadd.f32 v10, v8;
	v9 =	vadd.f32 v11, v9  }
0x1b1: {  	v11 =	vshll.u32 v0, $0x10;
	v12 =	vand.u32 $0xFFFF0000, v0;
	v10 =	vld [tilespmem:s31+$0x93F0]  }
0x1b2: {  	v14 =	vshll.u32 v2, $0x10;
	v15 =	vand.u32 $0xFFFF0000, v2;
	v13 =	vshll.u32 v1, $0x10  }
0x1b3: {  	v1 =	vand.u32 $0xFFFF0000, v1;
	v0 =	vshll.u32 v3, $0x10;
	v2 =	vand.u32 $0xFFFF0000, v3;
	v3 =	vld [tilespmem:s31+$0x9410]  }
0x1b4: {  	v16 =	vshll.u32 v4, $0x10;
	v4 =	vand.u32 $0xFFFF0000, v4;
	v17 =	vshll.u32 v5, $0x10  }
0x1b5: {  	v6 =	vadd.f32 v16, v6;
	v4 =	vadd.f32 v4, v7;
	v5 =	vand.u32 $0xFFFF0000, v5;
	v7 =	vld [tilespmem:s31+$0x9430]  }
0x1b6: {  	v8 =	vadd.f32 v17, v8;
	v5 =	vadd.f32 v5, v9;
	v9 =	vshll.u32 v10, $0x10  }
0x1b7: {  	v6 =	vadd.f32 v0, v6;
	v4 =	vadd.f32 v2, v4;
	v2 =	vand.u32 $0xFFFF0000, v10;
	v16 =	vld [tilespmem:s31+$0x9450];
	s31 =	sshra.s32 s1, $0x2  }
0x1b8: {  	v8 =	vadd.f32 v9, v8;
	v5 =	vadd.f32 v2, v5;
	v0 =	vld [tilespmem:s31+$0x9440];
	v9 =	vshll.u32 v3, $0x10  }
.Ltmp9:
0x1b9: {  	v6 =	vadd.f32 v13, v6;
	v4 =	vadd.f32 v1, v4;
	v3 =	vand.u32 $0xFFFF0000, v3;
	v2 =	vld [tilespmem:s31+$0x9420];
	(pc) =	sbr.rel @p1 .LBB2_17-.Ltmp9, $4  }
0x1ba: {  	v8 =	vadd.f32 v9, v8;
	v5 =	vadd.f32 v3, v5;
	v1 =	vld [tilespmem:s31+$0x9400];
	v9 =	vshll.u32 v7, $0x10  }
0x1bb: {  	v6 =	vadd.f32 v14, v6;
	v13 =	vadd.f32 v15, v4;
	v7 =	vand.u32 $0xFFFF0000, v7;
	v3 =	vld [tilespmem:s31+$0x93E0]  }
0x1bc: {  	v8 =	vadd.f32 v9, v8;
	v9 =	vadd.f32 v7, v5;
	v4 =	vld [tilespmem:s31+$0x93C0];
	v10 =	vshll.u32 v16, $0x10  }
0x1bd: {  	s1 =	sadd.s32 $0x280, s1;
	v6 =	vadd.f32 v11, v6;
	v7 =	vadd.f32 v12, v13;
	v11 =	vand.u32 $0xFFFF0000, v16;
	v5 =	vld [tilespmem:s31+$0x93D0]  }
0x1be: {  	_ = 	snop  }
0x1bf: {  	v8 =	vadd.f32 v10, v8;
	v9 =	vadd.f32 v11, v9;
	v10 =	vld [tilespmem:s31+$0x93F0];
	v12 =	vshll.u32 v2, $0x10  }
0x1c0: {  	v2 =	vand.u32 $0xFFFF0000, v2;
	v11 =	vshll.u32 v1, $0x10;
	v1 =	vand.u32 $0xFFFF0000, v1  }
0x1c1: {  	v14 =	vld [tilespmem:s31+$0x9410];
	v13 =	vshll.u32 v3, $0x10;
	v3 =	vand.u32 $0xFFFF0000, v3;
	v15 =	vshll.u32 v4, $0x10  }
0x1c2: {  	v4 =	vand.u32 $0xFFFF0000, v4;
	v16 =	vshll.u32 v5, $0x10;
	v6 =	vadd.f32 v15, v6  }
0x1c3: {  	v4 =	vadd.f32 v4, v7;
	v5 =	vand.u32 $0xFFFF0000, v5;
	v7 =	vld [tilespmem:s31+$0x9430];
	v8 =	vadd.f32 v16, v8  }
0x1c4: {  	v5 =	vadd.f32 v5, v9;
	v9 =	vshll.u32 v10, $0x10;
	v6 =	vadd.f32 v13, v6  }
0x1c5: {  	v3 =	vadd.f32 v3, v4;
	v4 =	vand.u32 $0xFFFF0000, v10;
	v8 =	vadd.f32 v9, v8  }
0x1c6: {  	v10 =	vld [tilespmem:s31+$0x9450];
	v4 =	vadd.f32 v4, v5;
	v5 =	vshll.u32 v14, $0x10;
	v6 =	vadd.f32 v11, v6  }
0x1c7: {  	v1 =	vadd.f32 v1, v3;
	v3 =	vand.u32 $0xFFFF0000, v14;
	v5 =	vadd.f32 v5, v8  }
0x1c8: {  	v3 =	vadd.f32 v3, v4;
	v4 =	vshll.u32 v7, $0x10;
	v6 =	vadd.f32 v12, v6  }
0x1c9: {  	v8 =	vshll.u32 v0, $0x10;
	v0 =	vand.u32 $0xFFFF0000, v0;
	v1 =	vadd.f32 v2, v1  }
0x1ca: {  	v2 =	vadd.f32 v4, v5;
	v4 =	vand.u32 $0xFFFF0000, v7;
	v6 =	vadd.f32 v8, v6  }
0x1cb: {  	v5 =	vshll.u32 v10, $0x10;
	v3 =	vadd.f32 v4, v3;
	v0 =	vadd.f32 v0, v1  }
0x1cc: {  	v1 =	vand.u32 $0xFFFF0000, v10;
	v2 =	vadd.f32 v5, v2;
	[tilespmem:s29+$0xCDC0] =	vst v6  }
0x1cd: {  	v1 =	vadd.f32 v1, v3;
	[tilespmem:s29+$0xCDE0] =	vst v0  }
0x1ce: {  	[tilespmem:s29+$0xCDD0] =	vst v2  }
0x1cf: {  	s0 =	sadd.s32 @!p0 $0x478, s30;
	s1 =	simm.s32 @!p0 $0x64;
	s31 =	simm.s32 @!p0 $0x8D80;
	[tilespmem:s29+$0xCDF0] =	vst v1  }
0x1d0: {  	[tilespmem:s31], [sflag:$0x1] =	stream.indirect.gather @!p0 [hbm4b:s3+s1], $0x20, s0, s1, $0xb8;
	[tilespmem:$0x14C00] =	vst v63  }
0x1d1: {  	_ =	swait.ge [sflag:s24], $0xC80  }
0x1d2: {  	[sflag:s24] =	ssyncset.done $0x0  }
0x1d3: {  	s1 =	simm.s32 $0x0;
	[sflag:s24] =	ssyncadd.s32 $0xFFFFF380  }
0x1d4: {  	v0 =	vld [tilespmem:s1+$0x9A80]  }
0x1d5: {  	v1 =	vld [tilespmem:s1+$0x9A60]  }
0x1d6: {  	v2 =	vld [tilespmem:s1+$0x9A40]  }
0x1d7: {  	v3 =	vld [tilespmem:s1+$0x9A20]  }
0x1d8: {  	v4 =	vld [tilespmem:s1+$0x9A00]  }
0x1d9: {  	v5 =	vld [tilespmem:s1+$0x9A10];
	_ =	sdelay $0x1  }
0x1da: {  	v6 =	vimm.f32 $0.0e+00;
	v7 =	vld [tilespmem:s1+$0x9A30];
	v11 =	vshll.u32 v0, $0x10;
	v57 =	vand.u32 $0xFFFF0000, v0  }
0x1db: {  	v8 =	vshll.u32 v2, $0x10;
	v9 =	vshll.u32 v1, $0x10;
	v10 =	vand.u32 $0xFFFF0000, v1  }
0x1dc: {  	v0 =	vshll.u32 v3, $0x10;
	v1 =	vand.u32 $0xFFFF0000, v3;
	v3 =	vld [tilespmem:s1+$0x9A50];
	v58 =	vand.u32 $0xFFFF0000, v2  }
0x1dd: {  	v2 =	vshll.u32 v4, $0x10;
	v4 =	vand.u32 $0xFFFF0000, v4;
	v59 =	vshll.u32 v5, $0x10  }
0x1de: {  	v60 =	vld [tilespmem:s1+$0x9A70];
	v5 =	vand.u32 $0xFFFF0000, v5;
	v2 =	vadd.f32 v2, v6;
	v4 =	vadd.f32 v4, v6  }
0x1df: {  	v14 =	vadd.f32 v59, v6;
	v5 =	vadd.f32 v5, v6;
	v6 =	vshll.u32 v7, $0x10  }
0x1e0: {  	s31 =	simm.s32 $0xA0;
	v17 =	vld [tilespmem:s1+$0x9A90];
	v61 =	vadd.f32 v0, v2;
	v1 =	vadd.f32 v1, v4;
	v2 =	vand.u32 $0xFFFF0000, v7  }
0x1e1: {  	v0 =	vld [tilespmem:s31+$0x9A80];
	v4 =	vadd.f32 v6, v14;
	v5 =	vadd.f32 v2, v5;
	v6 =	vshll.u32 v3, $0x10  }
0x1e2: {  	v2 =	vld [tilespmem:s31+$0x9A60];
	v7 =	vadd.f32 v8, v61;
	v8 =	vadd.f32 v58, v1;
	v3 =	vand.u32 $0xFFFF0000, v3  }
0x1e3: {  	v62 =	vshll.u32 v60, $0x10;
	v1 =	vld [tilespmem:s31+$0x9A40];
	v6 =	vadd.f32 v6, v4;
	v5 =	vadd.f32 v3, v5  }
0x1e4: {  	v3 =	vld [tilespmem:s31+$0x9A20];
	v7 =	vadd.f32 v9, v7;
	v63 =	vadd.f32 v10, v8;
	v9 =	vand.u32 $0xFFFF0000, v60  }
0x1e5: {  	v4 =	vld [tilespmem:s31+$0x9A00];
	v10 =	vshll.u32 v17, $0x10;
	v8 =	vadd.f32 v62, v6;
	v9 =	vadd.f32 v9, v5  }
0x1e6: {  	s1 =	simm.s32 $0x500;
	v5 =	vld [tilespmem:s31+$0x9A10];
	v6 =	vadd.f32 v11, v7;
	v7 =	vadd.f32 v57, v63;
	v11 =	vand.u32 $0xFFFF0000, v17  }
.LBB2_19:
0x1e7: {  	p1 =	sne.s32 s1, $0x1680;
	v8 =	vadd.f32 v10, v8;
	v9 =	vadd.f32 v11, v9  }
0x1e8: {  	v11 =	vshll.u32 v0, $0x10;
	v12 =	vand.u32 $0xFFFF0000, v0;
	v10 =	vld [tilespmem:s31+$0x9A30]  }
0x1e9: {  	v14 =	vshll.u32 v2, $0x10;
	v15 =	vand.u32 $0xFFFF0000, v2;
	v13 =	vshll.u32 v1, $0x10  }
0x1ea: {  	v1 =	vand.u32 $0xFFFF0000, v1;
	v0 =	vshll.u32 v3, $0x10;
	v2 =	vand.u32 $0xFFFF0000, v3;
	v3 =	vld [tilespmem:s31+$0x9A50]  }
0x1eb: {  	v16 =	vshll.u32 v4, $0x10;
	v4 =	vand.u32 $0xFFFF0000, v4;
	v17 =	vshll.u32 v5, $0x10  }
0x1ec: {  	v6 =	vadd.f32 v16, v6;
	v4 =	vadd.f32 v4, v7;
	v5 =	vand.u32 $0xFFFF0000, v5;
	v7 =	vld [tilespmem:s31+$0x9A70]  }
0x1ed: {  	v8 =	vadd.f32 v17, v8;
	v5 =	vadd.f32 v5, v9;
	v9 =	vshll.u32 v10, $0x10  }
0x1ee: {  	v6 =	vadd.f32 v0, v6;
	v4 =	vadd.f32 v2, v4;
	v2 =	vand.u32 $0xFFFF0000, v10;
	v16 =	vld [tilespmem:s31+$0x9A90];
	s31 =	sshra.s32 s1, $0x2  }
0x1ef: {  	v8 =	vadd.f32 v9, v8;
	v5 =	vadd.f32 v2, v5;
	v0 =	vld [tilespmem:s31+$0x9A80];
	v9 =	vshll.u32 v3, $0x10  }
.Ltmp10:
0x1f0: {  	v6 =	vadd.f32 v13, v6;
	v4 =	vadd.f32 v1, v4;
	v3 =	vand.u32 $0xFFFF0000, v3;
	v2 =	vld [tilespmem:s31+$0x9A60];
	(pc) =	sbr.rel @p1 .LBB2_19-.Ltmp10, $4  }
0x1f1: {  	v8 =	vadd.f32 v9, v8;
	v5 =	vadd.f32 v3, v5;
	v1 =	vld [tilespmem:s31+$0x9A40];
	v9 =	vshll.u32 v7, $0x10  }
0x1f2: {  	v6 =	vadd.f32 v14, v6;
	v13 =	vadd.f32 v15, v4;
	v7 =	vand.u32 $0xFFFF0000, v7;
	v3 =	vld [tilespmem:s31+$0x9A20]  }
0x1f3: {  	v8 =	vadd.f32 v9, v8;
	v9 =	vadd.f32 v7, v5;
	v4 =	vld [tilespmem:s31+$0x9A00];
	v10 =	vshll.u32 v16, $0x10  }
0x1f4: {  	s1 =	sadd.s32 $0x280, s1;
	v6 =	vadd.f32 v11, v6;
	v7 =	vadd.f32 v12, v13;
	v11 =	vand.u32 $0xFFFF0000, v16;
	v5 =	vld [tilespmem:s31+$0x9A10]  }
0x1f5: {  	_ = 	snop  }
0x1f6: {  	v8 =	vadd.f32 v10, v8;
	v9 =	vadd.f32 v11, v9;
	v10 =	vld [tilespmem:s31+$0x9A30];
	v12 =	vshll.u32 v2, $0x10  }
0x1f7: {  	v2 =	vand.u32 $0xFFFF0000, v2;
	v11 =	vshll.u32 v1, $0x10;
	v1 =	vand.u32 $0xFFFF0000, v1  }
0x1f8: {  	v14 =	vld [tilespmem:s31+$0x9A50];
	v13 =	vshll.u32 v3, $0x10;
	v3 =	vand.u32 $0xFFFF0000, v3;
	v15 =	vshll.u32 v4, $0x10  }
0x1f9: {  	v4 =	vand.u32 $0xFFFF0000, v4;
	v16 =	vshll.u32 v5, $0x10;
	v6 =	vadd.f32 v15, v6  }
0x1fa: {  	v4 =	vadd.f32 v4, v7;
	v5 =	vand.u32 $0xFFFF0000, v5;
	v7 =	vld [tilespmem:s31+$0x9A70];
	v8 =	vadd.f32 v16, v8  }
0x1fb: {  	v5 =	vadd.f32 v5, v9;
	v9 =	vshll.u32 v10, $0x10;
	v6 =	vadd.f32 v13, v6  }
0x1fc: {  	v3 =	vadd.f32 v3, v4;
	v4 =	vand.u32 $0xFFFF0000, v10;
	v8 =	vadd.f32 v9, v8  }
0x1fd: {  	v10 =	vld [tilespmem:s31+$0x9A90];
	v4 =	vadd.f32 v4, v5;
	v5 =	vshll.u32 v14, $0x10;
	v6 =	vadd.f32 v11, v6  }
0x1fe: {  	v1 =	vadd.f32 v1, v3;
	v3 =	vand.u32 $0xFFFF0000, v14;
	v5 =	vadd.f32 v5, v8  }
0x1ff: {  	v3 =	vadd.f32 v3, v4;
	v4 =	vshll.u32 v7, $0x10;
	v6 =	vadd.f32 v12, v6  }
0x200: {  	v8 =	vshll.u32 v0, $0x10;
	v0 =	vand.u32 $0xFFFF0000, v0;
	v1 =	vadd.f32 v2, v1  }
0x201: {  	v2 =	vadd.f32 v4, v5;
	v4 =	vand.u32 $0xFFFF0000, v7;
	v6 =	vadd.f32 v8, v6  }
0x202: {  	v5 =	vshll.u32 v10, $0x10;
	v3 =	vadd.f32 v4, v3;
	v0 =	vadd.f32 v0, v1  }
0x203: {  	v1 =	vand.u32 $0xFFFF0000, v10;
	v2 =	vadd.f32 v5, v2;
	[tilespmem:s29+$0xCE00] =	vst v6  }
0x204: {  	v1 =	vadd.f32 v1, v3;
	[tilespmem:s29+$0xCE20] =	vst v0  }
0x205: {  	[tilespmem:s29+$0xCE10] =	vst v2  }
0x206: {  	s0 =	simm.s32 $0x0;
	[tilespmem:s29+$0xCE30] =	vst v1  }
0x207: {  	v0 =	vld [tilespmem:s0+$0xA0C0]  }
0x208: {  	v1 =	vld [tilespmem:s0+$0xA0A0]  }
0x209: {  	v2 =	vld [tilespmem:s0+$0xA080]  }
0x20a: {  	v3 =	vld [tilespmem:s0+$0xA060]  }
0x20b: {  	v4 =	vld [tilespmem:s0+$0xA040]  }
0x20c: {  	v5 =	vld [tilespmem:s0+$0xA050];
	_ =	sdelay $0x1  }
0x20d: {  	v6 =	vimm.f32 $0.0e+00;
	v7 =	vld [tilespmem:s0+$0xA070];
	v11 =	vshll.u32 v0, $0x10;
	v57 =	vand.u32 $0xFFFF0000, v0  }
0x20e: {  	v8 =	vshll.u32 v2, $0x10;
	v9 =	vshll.u32 v1, $0x10;
	v10 =	vand.u32 $0xFFFF0000, v1  }
0x20f: {  	v0 =	vshll.u32 v3, $0x10;
	v1 =	vand.u32 $0xFFFF0000, v3;
	v3 =	vld [tilespmem:s0+$0xA090];
	v58 =	vand.u32 $0xFFFF0000, v2  }
0x210: {  	v2 =	vshll.u32 v4, $0x10;
	v4 =	vand.u32 $0xFFFF0000, v4;
	v59 =	vshll.u32 v5, $0x10  }
0x211: {  	v60 =	vld [tilespmem:s0+$0xA0B0];
	v5 =	vand.u32 $0xFFFF0000, v5;
	v2 =	vadd.f32 v2, v6;
	v4 =	vadd.f32 v4, v6  }
0x212: {  	v14 =	vadd.f32 v59, v6;
	v5 =	vadd.f32 v5, v6;
	v6 =	vshll.u32 v7, $0x10  }
0x213: {  	s31 =	simm.s32 $0xA0;
	v17 =	vld [tilespmem:s0+$0xA0D0];
	v61 =	vadd.f32 v0, v2;
	v1 =	vadd.f32 v1, v4;
	v2 =	vand.u32 $0xFFFF0000, v7  }
0x214: {  	v0 =	vld [tilespmem:s31+$0xA0C0];
	v4 =	vadd.f32 v6, v14;
	v5 =	vadd.f32 v2, v5;
	v6 =	vshll.u32 v3, $0x10  }
0x215: {  	v2 =	vld [tilespmem:s31+$0xA0A0];
	v7 =	vadd.f32 v8, v61;
	v8 =	vadd.f32 v58, v1;
	v3 =	vand.u32 $0xFFFF0000, v3  }
0x216: {  	v62 =	vshll.u32 v60, $0x10;
	v1 =	vld [tilespmem:s31+$0xA080];
	v6 =	vadd.f32 v6, v4;
	v5 =	vadd.f32 v3, v5  }
0x217: {  	v3 =	vld [tilespmem:s31+$0xA060];
	v7 =	vadd.f32 v9, v7;
	v63 =	vadd.f32 v10, v8;
	v9 =	vand.u32 $0xFFFF0000, v60  }
0x218: {  	v4 =	vld [tilespmem:s31+$0xA040];
	v10 =	vshll.u32 v17, $0x10;
	v8 =	vadd.f32 v62, v6;
	v9 =	vadd.f32 v9, v5  }
0x219: {  	s1 =	simm.s32 $0x500;
	v5 =	vld [tilespmem:s31+$0xA050];
	v6 =	vadd.f32 v11, v7;
	v7 =	vadd.f32 v57, v63;
	v11 =	vand.u32 $0xFFFF0000, v17  }
.LBB2_21:
0x21a: {  	p1 =	sne.s32 s1, $0x1680;
	v8 =	vadd.f32 v10, v8;
	v9 =	vadd.f32 v11, v9  }
0x21b: {  	v11 =	vshll.u32 v0, $0x10;
	v12 =	vand.u32 $0xFFFF0000, v0;
	v10 =	vld [tilespmem:s31+$0xA070]  }
0x21c: {  	v14 =	vshll.u32 v2, $0x10;
	v15 =	vand.u32 $0xFFFF0000, v2;
	v13 =	vshll.u32 v1, $0x10  }
0x21d: {  	v1 =	vand.u32 $0xFFFF0000, v1;
	v0 =	vshll.u32 v3, $0x10;
	v2 =	vand.u32 $0xFFFF0000, v3;
	v3 =	vld [tilespmem:s31+$0xA090]  }
0x21e: {  	v16 =	vshll.u32 v4, $0x10;
	v4 =	vand.u32 $0xFFFF0000, v4;
	v17 =	vshll.u32 v5, $0x10  }
0x21f: {  	v6 =	vadd.f32 v16, v6;
	v4 =	vadd.f32 v4, v7;
	v5 =	vand.u32 $0xFFFF0000, v5;
	v7 =	vld [tilespmem:s31+$0xA0B0]  }
0x220: {  	v8 =	vadd.f32 v17, v8;
	v5 =	vadd.f32 v5, v9;
	v9 =	vshll.u32 v10, $0x10  }
0x221: {  	v6 =	vadd.f32 v0, v6;
	v4 =	vadd.f32 v2, v4;
	v2 =	vand.u32 $0xFFFF0000, v10;
	v16 =	vld [tilespmem:s31+$0xA0D0];
	s31 =	sshra.s32 s1, $0x2  }
0x222: {  	v8 =	vadd.f32 v9, v8;
	v5 =	vadd.f32 v2, v5;
	v0 =	vld [tilespmem:s31+$0xA0C0];
	v9 =	vshll.u32 v3, $0x10  }
.Ltmp11:
0x223: {  	v6 =	vadd.f32 v13, v6;
	v4 =	vadd.f32 v1, v4;
	v3 =	vand.u32 $0xFFFF0000, v3;
	v2 =	vld [tilespmem:s31+$0xA0A0];
	(pc) =	sbr.rel @p1 .LBB2_21-.Ltmp11, $4  }
0x224: {  	v8 =	vadd.f32 v9, v8;
	v5 =	vadd.f32 v3, v5;
	v1 =	vld [tilespmem:s31+$0xA080];
	v9 =	vshll.u32 v7, $0x10  }
0x225: {  	v6 =	vadd.f32 v14, v6;
	v13 =	vadd.f32 v15, v4;
	v7 =	vand.u32 $0xFFFF0000, v7;
	v3 =	vld [tilespmem:s31+$0xA060]  }
0x226: {  	v8 =	vadd.f32 v9, v8;
	v9 =	vadd.f32 v7, v5;
	v4 =	vld [tilespmem:s31+$0xA040];
	v10 =	vshll.u32 v16, $0x10  }
0x227: {  	s1 =	sadd.s32 $0x280, s1;
	v6 =	vadd.f32 v11, v6;
	v7 =	vadd.f32 v12, v13;
	v11 =	vand.u32 $0xFFFF0000, v16;
	v5 =	vld [tilespmem:s31+$0xA050]  }
0x228: {  	_ = 	snop  }
0x229: {  	v8 =	vadd.f32 v10, v8;
	v9 =	vadd.f32 v11, v9;
	v10 =	vld [tilespmem:s31+$0xA070];
	v12 =	vshll.u32 v2, $0x10  }
0x22a: {  	v2 =	vand.u32 $0xFFFF0000, v2;
	v11 =	vshll.u32 v1, $0x10;
	v1 =	vand.u32 $0xFFFF0000, v1  }
0x22b: {  	v14 =	vld [tilespmem:s31+$0xA090];
	v13 =	vshll.u32 v3, $0x10;
	v3 =	vand.u32 $0xFFFF0000, v3;
	v15 =	vshll.u32 v4, $0x10  }
0x22c: {  	v4 =	vand.u32 $0xFFFF0000, v4;
	v16 =	vshll.u32 v5, $0x10;
	v6 =	vadd.f32 v15, v6  }
0x22d: {  	v4 =	vadd.f32 v4, v7;
	v5 =	vand.u32 $0xFFFF0000, v5;
	v7 =	vld [tilespmem:s31+$0xA0B0];
	v8 =	vadd.f32 v16, v8  }
0x22e: {  	v5 =	vadd.f32 v5, v9;
	v9 =	vshll.u32 v10, $0x10;
	v6 =	vadd.f32 v13, v6  }
0x22f: {  	v3 =	vadd.f32 v3, v4;
	v4 =	vand.u32 $0xFFFF0000, v10;
	v8 =	vadd.f32 v9, v8  }
0x230: {  	v10 =	vld [tilespmem:s31+$0xA0D0];
	v4 =	vadd.f32 v4, v5;
	v5 =	vshll.u32 v14, $0x10;
	v6 =	vadd.f32 v11, v6  }
0x231: {  	v1 =	vadd.f32 v1, v3;
	v3 =	vand.u32 $0xFFFF0000, v14;
	v5 =	vadd.f32 v5, v8  }
0x232: {  	v3 =	vadd.f32 v3, v4;
	v4 =	vshll.u32 v7, $0x10;
	v6 =	vadd.f32 v12, v6  }
0x233: {  	v8 =	vshll.u32 v0, $0x10;
	v0 =	vand.u32 $0xFFFF0000, v0;
	v1 =	vadd.f32 v2, v1  }
0x234: {  	v2 =	vadd.f32 v4, v5;
	v4 =	vand.u32 $0xFFFF0000, v7;
	v6 =	vadd.f32 v8, v6  }
0x235: {  	v5 =	vshll.u32 v10, $0x10;
	v3 =	vadd.f32 v4, v3;
	v0 =	vadd.f32 v0, v1  }
0x236: {  	v1 =	vand.u32 $0xFFFF0000, v10;
	v2 =	vadd.f32 v5, v2;
	[tilespmem:s29+$0xCE40] =	vst v6  }
0x237: {  	v1 =	vadd.f32 v1, v3;
	[tilespmem:s29+$0xCE60] =	vst v0  }
0x238: {  	[tilespmem:s29+$0xCE50] =	vst v2  }
0x239: {  	s0 =	sadd.s32 @!p0 $0x4E0, s30;
	s1 =	simm.s32 @!p0 $0x64;
	s31 =	simm.s32 @!p0 $0x9A00;
	[tilespmem:s29+$0xCE70] =	vst v1  }
0x23a: {  	[tilespmem:s31], [sflag:$0x1] =	stream.indirect.gather @!p0 [hbm4b:s3+s1], $0x20, s0, s1, $0xb8;
	[tilespmem:$0x14C00] =	vst v63  }
0x23b: {  	_ =	swait.ge [sflag:s24], $0xC80  }
0x23c: {  	[sflag:s24] =	ssyncset.done $0x0  }
0x23d: {  	s1 =	simm.s32 $0x0;
	[sflag:s24] =	ssyncadd.s32 $0xFFFFF380  }
0x23e: {  	v0 =	vld [tilespmem:s1+$0xA700]  }
0x23f: {  	v1 =	vld [tilespmem:s1+$0xA6E0]  }
0x240: {  	v2 =	vld [tilespmem:s1+$0xA6C0]  }
0x241: {  	v3 =	vld [tilespmem:s1+$0xA6A0]  }
0x242: {  	v4 =	vld [tilespmem:s1+$0xA680]  }
0x243: {  	v5 =	vld [tilespmem:s1+$0xA690];
	_ =	sdelay $0x1  }
0x244: {  	v6 =	vimm.f32 $0.0e+00;
	v7 =	vld [tilespmem:s1+$0xA6B0];
	v11 =	vshll.u32 v0, $0x10;
	v57 =	vand.u32 $0xFFFF0000, v0  }
0x245: {  	v8 =	vshll.u32 v2, $0x10;
	v9 =	vshll.u32 v1, $0x10;
	v10 =	vand.u32 $0xFFFF0000, v1  }
0x246: {  	v0 =	vshll.u32 v3, $0x10;
	v1 =	vand.u32 $0xFFFF0000, v3;
	v3 =	vld [tilespmem:s1+$0xA6D0];
	v58 =	vand.u32 $0xFFFF0000, v2  }
0x247: {  	v2 =	vshll.u32 v4, $0x10;
	v4 =	vand.u32 $0xFFFF0000, v4;
	v59 =	vshll.u32 v5, $0x10  }
0x248: {  	v60 =	vld [tilespmem:s1+$0xA6F0];
	v5 =	vand.u32 $0xFFFF0000, v5;
	v2 =	vadd.f32 v2, v6;
	v4 =	vadd.f32 v4, v6  }
0x249: {  	v14 =	vadd.f32 v59, v6;
	v5 =	vadd.f32 v5, v6;
	v6 =	vshll.u32 v7, $0x10  }
0x24a: {  	s31 =	simm.s32 $0xA0;
	v17 =	vld [tilespmem:s1+$0xA710];
	v61 =	vadd.f32 v0, v2;
	v1 =	vadd.f32 v1, v4;
	v2 =	vand.u32 $0xFFFF0000, v7  }
0x24b: {  	v0 =	vld [tilespmem:s31+$0xA700];
	v4 =	vadd.f32 v6, v14;
	v5 =	vadd.f32 v2, v5;
	v6 =	vshll.u32 v3, $0x10  }
0x24c: {  	v2 =	vld [tilespmem:s31+$0xA6E0];
	v7 =	vadd.f32 v8, v61;
	v8 =	vadd.f32 v58, v1;
	v3 =	vand.u32 $0xFFFF0000, v3  }
0x24d: {  	v62 =	vshll.u32 v60, $0x10;
	v1 =	vld [tilespmem:s31+$0xA6C0];
	v6 =	vadd.f32 v6, v4;
	v5 =	vadd.f32 v3, v5  }
0x24e: {  	v3 =	vld [tilespmem:s31+$0xA6A0];
	v7 =	vadd.f32 v9, v7;
	v63 =	vadd.f32 v10, v8;
	v9 =	vand.u32 $0xFFFF0000, v60  }
0x24f: {  	v4 =	vld [tilespmem:s31+$0xA680];
	v10 =	vshll.u32 v17, $0x10;
	v8 =	vadd.f32 v62, v6;
	v9 =	vadd.f32 v9, v5  }
0x250: {  	s1 =	simm.s32 $0x500;
	v5 =	vld [tilespmem:s31+$0xA690];
	v6 =	vadd.f32 v11, v7;
	v7 =	vadd.f32 v57, v63;
	v11 =	vand.u32 $0xFFFF0000, v17  }
.LBB2_23:
0x251: {  	p1 =	sne.s32 s1, $0x1680;
	v8 =	vadd.f32 v10, v8;
	v9 =	vadd.f32 v11, v9  }
0x252: {  	v11 =	vshll.u32 v0, $0x10;
	v12 =	vand.u32 $0xFFFF0000, v0;
	v10 =	vld [tilespmem:s31+$0xA6B0]  }
0x253: {  	v14 =	vshll.u32 v2, $0x10;
	v15 =	vand.u32 $0xFFFF0000, v2;
	v13 =	vshll.u32 v1, $0x10  }
0x254: {  	v1 =	vand.u32 $0xFFFF0000, v1;
	v0 =	vshll.u32 v3, $0x10;
	v2 =	vand.u32 $0xFFFF0000, v3;
	v3 =	vld [tilespmem:s31+$0xA6D0]  }
0x255: {  	v16 =	vshll.u32 v4, $0x10;
	v4 =	vand.u32 $0xFFFF0000, v4;
	v17 =	vshll.u32 v5, $0x10  }
0x256: {  	v6 =	vadd.f32 v16, v6;
	v4 =	vadd.f32 v4, v7;
	v5 =	vand.u32 $0xFFFF0000, v5;
	v7 =	vld [tilespmem:s31+$0xA6F0]  }
0x257: {  	v8 =	vadd.f32 v17, v8;
	v5 =	vadd.f32 v5, v9;
	v9 =	vshll.u32 v10, $0x10  }
0x258: {  	v6 =	vadd.f32 v0, v6;
	v4 =	vadd.f32 v2, v4;
	v2 =	vand.u32 $0xFFFF0000, v10;
	v16 =	vld [tilespmem:s31+$0xA710];
	s31 =	sshra.s32 s1, $0x2  }
0x259: {  	v8 =	vadd.f32 v9, v8;
	v5 =	vadd.f32 v2, v5;
	v0 =	vld [tilespmem:s31+$0xA700];
	v9 =	vshll.u32 v3, $0x10  }
.Ltmp12:
0x25a: {  	v6 =	vadd.f32 v13, v6;
	v4 =	vadd.f32 v1, v4;
	v3 =	vand.u32 $0xFFFF0000, v3;
	v2 =	vld [tilespmem:s31+$0xA6E0];
	(pc) =	sbr.rel @p1 .LBB2_23-.Ltmp12, $4  }
0x25b: {  	v8 =	vadd.f32 v9, v8;
	v5 =	vadd.f32 v3, v5;
	v1 =	vld [tilespmem:s31+$0xA6C0];
	v9 =	vshll.u32 v7, $0x10  }
0x25c: {  	v6 =	vadd.f32 v14, v6;
	v13 =	vadd.f32 v15, v4;
	v7 =	vand.u32 $0xFFFF0000, v7;
	v3 =	vld [tilespmem:s31+$0xA6A0]  }
0x25d: {  	v8 =	vadd.f32 v9, v8;
	v9 =	vadd.f32 v7, v5;
	v4 =	vld [tilespmem:s31+$0xA680];
	v10 =	vshll.u32 v16, $0x10  }
0x25e: {  	s1 =	sadd.s32 $0x280, s1;
	v6 =	vadd.f32 v11, v6;
	v7 =	vadd.f32 v12, v13;
	v11 =	vand.u32 $0xFFFF0000, v16;
	v5 =	vld [tilespmem:s31+$0xA690]  }
0x25f: {  	_ = 	snop  }
0x260: {  	v8 =	vadd.f32 v10, v8;
	v9 =	vadd.f32 v11, v9;
	v10 =	vld [tilespmem:s31+$0xA6B0];
	v12 =	vshll.u32 v2, $0x10  }
0x261: {  	v2 =	vand.u32 $0xFFFF0000, v2;
	v11 =	vshll.u32 v1, $0x10;
	v1 =	vand.u32 $0xFFFF0000, v1  }
0x262: {  	v14 =	vld [tilespmem:s31+$0xA6D0];
	v13 =	vshll.u32 v3, $0x10;
	v3 =	vand.u32 $0xFFFF0000, v3;
	v15 =	vshll.u32 v4, $0x10  }
0x263: {  	v4 =	vand.u32 $0xFFFF0000, v4;
	v16 =	vshll.u32 v5, $0x10;
	v6 =	vadd.f32 v15, v6  }
0x264: {  	v4 =	vadd.f32 v4, v7;
	v5 =	vand.u32 $0xFFFF0000, v5;
	v7 =	vld [tilespmem:s31+$0xA6F0];
	v8 =	vadd.f32 v16, v8  }
0x265: {  	v5 =	vadd.f32 v5, v9;
	v9 =	vshll.u32 v10, $0x10;
	v6 =	vadd.f32 v13, v6  }
0x266: {  	v3 =	vadd.f32 v3, v4;
	v4 =	vand.u32 $0xFFFF0000, v10;
	v8 =	vadd.f32 v9, v8  }
0x267: {  	v10 =	vld [tilespmem:s31+$0xA710];
	v4 =	vadd.f32 v4, v5;
	v5 =	vshll.u32 v14, $0x10;
	v6 =	vadd.f32 v11, v6  }
0x268: {  	v1 =	vadd.f32 v1, v3;
	v3 =	vand.u32 $0xFFFF0000, v14;
	v5 =	vadd.f32 v5, v8  }
0x269: {  	v3 =	vadd.f32 v3, v4;
	v4 =	vshll.u32 v7, $0x10;
	v6 =	vadd.f32 v12, v6  }
0x26a: {  	v8 =	vshll.u32 v0, $0x10;
	v0 =	vand.u32 $0xFFFF0000, v0;
	v1 =	vadd.f32 v2, v1  }
0x26b: {  	v2 =	vadd.f32 v4, v5;
	v4 =	vand.u32 $0xFFFF0000, v7;
	v6 =	vadd.f32 v8, v6  }
0x26c: {  	v5 =	vshll.u32 v10, $0x10;
	v3 =	vadd.f32 v4, v3;
	v0 =	vadd.f32 v0, v1  }
0x26d: {  	v1 =	vand.u32 $0xFFFF0000, v10;
	v2 =	vadd.f32 v5, v2;
	[tilespmem:s29+$0xCE80] =	vst v6  }
0x26e: {  	v1 =	vadd.f32 v1, v3;
	[tilespmem:s29+$0xCEA0] =	vst v0  }
0x26f: {  	[tilespmem:s29+$0xCE90] =	vst v2  }
0x270: {  	s0 =	simm.s32 $0x0;
	[tilespmem:s29+$0xCEB0] =	vst v1  }
0x271: {  	v0 =	vld [tilespmem:s0+$0xAD40]  }
0x272: {  	v1 =	vld [tilespmem:s0+$0xAD20]  }
0x273: {  	v2 =	vld [tilespmem:s0+$0xAD00]  }
0x274: {  	v3 =	vld [tilespmem:s0+$0xACE0]  }
0x275: {  	v4 =	vld [tilespmem:s0+$0xACC0]  }
0x276: {  	v5 =	vld [tilespmem:s0+$0xACD0];
	_ =	sdelay $0x1  }
0x277: {  	v6 =	vimm.f32 $0.0e+00;
	v7 =	vld [tilespmem:s0+$0xACF0];
	v11 =	vshll.u32 v0, $0x10;
	v57 =	vand.u32 $0xFFFF0000, v0  }
0x278: {  	v8 =	vshll.u32 v2, $0x10;
	v9 =	vshll.u32 v1, $0x10;
	v10 =	vand.u32 $0xFFFF0000, v1  }
0x279: {  	v0 =	vshll.u32 v3, $0x10;
	v1 =	vand.u32 $0xFFFF0000, v3;
	v3 =	vld [tilespmem:s0+$0xAD10];
	v58 =	vand.u32 $0xFFFF0000, v2  }
0x27a: {  	v2 =	vshll.u32 v4, $0x10;
	v4 =	vand.u32 $0xFFFF0000, v4;
	v59 =	vshll.u32 v5, $0x10  }
0x27b: {  	v60 =	vld [tilespmem:s0+$0xAD30];
	v5 =	vand.u32 $0xFFFF0000, v5;
	v2 =	vadd.f32 v2, v6;
	v4 =	vadd.f32 v4, v6  }
0x27c: {  	v14 =	vadd.f32 v59, v6;
	v5 =	vadd.f32 v5, v6;
	v6 =	vshll.u32 v7, $0x10  }
0x27d: {  	s31 =	simm.s32 $0xA0;
	v17 =	vld [tilespmem:s0+$0xAD50];
	v61 =	vadd.f32 v0, v2;
	v1 =	vadd.f32 v1, v4;
	v2 =	vand.u32 $0xFFFF0000, v7  }
0x27e: {  	v0 =	vld [tilespmem:s31+$0xAD40];
	v4 =	vadd.f32 v6, v14;
	v5 =	vadd.f32 v2, v5;
	v6 =	vshll.u32 v3, $0x10  }
0x27f: {  	v2 =	vld [tilespmem:s31+$0xAD20];
	v7 =	vadd.f32 v8, v61;
	v8 =	vadd.f32 v58, v1;
	v3 =	vand.u32 $0xFFFF0000, v3  }
0x280: {  	v62 =	vshll.u32 v60, $0x10;
	v1 =	vld [tilespmem:s31+$0xAD00];
	v6 =	vadd.f32 v6, v4;
	v5 =	vadd.f32 v3, v5  }
0x281: {  	v3 =	vld [tilespmem:s31+$0xACE0];
	v7 =	vadd.f32 v9, v7;
	v63 =	vadd.f32 v10, v8;
	v9 =	vand.u32 $0xFFFF0000, v60  }
0x282: {  	v4 =	vld [tilespmem:s31+$0xACC0];
	v10 =	vshll.u32 v17, $0x10;
	v8 =	vadd.f32 v62, v6;
	v9 =	vadd.f32 v9, v5  }
0x283: {  	s1 =	simm.s32 $0x500;
	v5 =	vld [tilespmem:s31+$0xACD0];
	v6 =	vadd.f32 v11, v7;
	v7 =	vadd.f32 v57, v63;
	v11 =	vand.u32 $0xFFFF0000, v17  }
.LBB2_25:
0x284: {  	p1 =	sne.s32 s1, $0x1680;
	v8 =	vadd.f32 v10, v8;
	v9 =	vadd.f32 v11, v9  }
0x285: {  	v11 =	vshll.u32 v0, $0x10;
	v12 =	vand.u32 $0xFFFF0000, v0;
	v10 =	vld [tilespmem:s31+$0xACF0]  }
0x286: {  	v14 =	vshll.u32 v2, $0x10;
	v15 =	vand.u32 $0xFFFF0000, v2;
	v13 =	vshll.u32 v1, $0x10  }
0x287: {  	v1 =	vand.u32 $0xFFFF0000, v1;
	v0 =	vshll.u32 v3, $0x10;
	v2 =	vand.u32 $0xFFFF0000, v3;
	v3 =	vld [tilespmem:s31+$0xAD10]  }
0x288: {  	v16 =	vshll.u32 v4, $0x10;
	v4 =	vand.u32 $0xFFFF0000, v4;
	v17 =	vshll.u32 v5, $0x10  }
0x289: {  	v6 =	vadd.f32 v16, v6;
	v4 =	vadd.f32 v4, v7;
	v5 =	vand.u32 $0xFFFF0000, v5;
	v7 =	vld [tilespmem:s31+$0xAD30]  }
0x28a: {  	v8 =	vadd.f32 v17, v8;
	v5 =	vadd.f32 v5, v9;
	v9 =	vshll.u32 v10, $0x10  }
0x28b: {  	v6 =	vadd.f32 v0, v6;
	v4 =	vadd.f32 v2, v4;
	v2 =	vand.u32 $0xFFFF0000, v10;
	v16 =	vld [tilespmem:s31+$0xAD50];
	s31 =	sshra.s32 s1, $0x2  }
0x28c: {  	v8 =	vadd.f32 v9, v8;
	v5 =	vadd.f32 v2, v5;
	v0 =	vld [tilespmem:s31+$0xAD40];
	v9 =	vshll.u32 v3, $0x10  }
.Ltmp13:
0x28d: {  	v6 =	vadd.f32 v13, v6;
	v4 =	vadd.f32 v1, v4;
	v3 =	vand.u32 $0xFFFF0000, v3;
	v2 =	vld [tilespmem:s31+$0xAD20];
	(pc) =	sbr.rel @p1 .LBB2_25-.Ltmp13, $4  }
0x28e: {  	v8 =	vadd.f32 v9, v8;
	v5 =	vadd.f32 v3, v5;
	v1 =	vld [tilespmem:s31+$0xAD00];
	v9 =	vshll.u32 v7, $0x10  }
0x28f: {  	v6 =	vadd.f32 v14, v6;
	v13 =	vadd.f32 v15, v4;
	v7 =	vand.u32 $0xFFFF0000, v7;
	v3 =	vld [tilespmem:s31+$0xACE0]  }
0x290: {  	v8 =	vadd.f32 v9, v8;
	v9 =	vadd.f32 v7, v5;
	v4 =	vld [tilespmem:s31+$0xACC0];
	v10 =	vshll.u32 v16, $0x10  }
0x291: {  	s1 =	sadd.s32 $0x280, s1;
	v6 =	vadd.f32 v11, v6;
	v7 =	vadd.f32 v12, v13;
	v11 =	vand.u32 $0xFFFF0000, v16;
	v5 =	vld [tilespmem:s31+$0xACD0]  }
0x292: {  	_ = 	snop  }
0x293: {  	v8 =	vadd.f32 v10, v8;
	v9 =	vadd.f32 v11, v9;
	v10 =	vld [tilespmem:s31+$0xACF0];
	v12 =	vshll.u32 v2, $0x10  }
0x294: {  	v2 =	vand.u32 $0xFFFF0000, v2;
	v11 =	vshll.u32 v1, $0x10;
	v1 =	vand.u32 $0xFFFF0000, v1  }
0x295: {  	v14 =	vld [tilespmem:s31+$0xAD10];
	v13 =	vshll.u32 v3, $0x10;
	v3 =	vand.u32 $0xFFFF0000, v3;
	v15 =	vshll.u32 v4, $0x10  }
0x296: {  	v4 =	vand.u32 $0xFFFF0000, v4;
	v16 =	vshll.u32 v5, $0x10;
	v6 =	vadd.f32 v15, v6  }
0x297: {  	v4 =	vadd.f32 v4, v7;
	v5 =	vand.u32 $0xFFFF0000, v5;
	v7 =	vld [tilespmem:s31+$0xAD30];
	v8 =	vadd.f32 v16, v8  }
0x298: {  	v5 =	vadd.f32 v5, v9;
	v9 =	vshll.u32 v10, $0x10;
	v6 =	vadd.f32 v13, v6  }
0x299: {  	v3 =	vadd.f32 v3, v4;
	v4 =	vand.u32 $0xFFFF0000, v10;
	v8 =	vadd.f32 v9, v8  }
0x29a: {  	v10 =	vld [tilespmem:s31+$0xAD50];
	v4 =	vadd.f32 v4, v5;
	v5 =	vshll.u32 v14, $0x10;
	v6 =	vadd.f32 v11, v6  }
0x29b: {  	v1 =	vadd.f32 v1, v3;
	v3 =	vand.u32 $0xFFFF0000, v14;
	v5 =	vadd.f32 v5, v8  }
0x29c: {  	v3 =	vadd.f32 v3, v4;
	v4 =	vshll.u32 v7, $0x10;
	v6 =	vadd.f32 v12, v6  }
0x29d: {  	v8 =	vshll.u32 v0, $0x10;
	v0 =	vand.u32 $0xFFFF0000, v0;
	v1 =	vadd.f32 v2, v1  }
0x29e: {  	v2 =	vadd.f32 v4, v5;
	v4 =	vand.u32 $0xFFFF0000, v7;
	v6 =	vadd.f32 v8, v6  }
0x29f: {  	v5 =	vshll.u32 v10, $0x10;
	v3 =	vadd.f32 v4, v3;
	v0 =	vadd.f32 v0, v1  }
0x2a0: {  	v1 =	vand.u32 $0xFFFF0000, v10;
	v2 =	vadd.f32 v5, v2;
	[tilespmem:s29+$0xCEC0] =	vst v6  }
0x2a1: {  	v1 =	vadd.f32 v1, v3;
	[tilespmem:s29+$0xCEE0] =	vst v0  }
0x2a2: {  	[tilespmem:s29+$0xCED0] =	vst v2  }
0x2a3: {  	s0 =	sadd.s32 @!p0 $0x548, s30;
	s1 =	simm.s32 @!p0 $0x64;
	s31 =	simm.s32 @!p0 $0xA680;
	[tilespmem:s29+$0xCEF0] =	vst v1  }
0x2a4: {  	[tilespmem:s31], [sflag:$0x1] =	stream.indirect.gather @!p0 [hbm4b:s3+s1], $0x20, s0, s1, $0xb8;
	[tilespmem:$0x14C00] =	vst v63  }
0x2a5: {  	_ =	swait.ge [sflag:s24], $0xC80  }
0x2a6: {  	[sflag:s24] =	ssyncset.done $0x0  }
0x2a7: {  	s1 =	simm.s32 $0x0;
	[sflag:s24] =	ssyncadd.s32 $0xFFFFF380  }
0x2a8: {  	v0 =	vld [tilespmem:s1+$0xB380]  }
0x2a9: {  	v1 =	vld [tilespmem:s1+$0xB360]  }
0x2aa: {  	v2 =	vld [tilespmem:s1+$0xB340]  }
0x2ab: {  	v3 =	vld [tilespmem:s1+$0xB320]  }
0x2ac: {  	v4 =	vld [tilespmem:s1+$0xB300]  }
0x2ad: {  	v5 =	vld [tilespmem:s1+$0xB310];
	_ =	sdelay $0x1  }
0x2ae: {  	v6 =	vimm.f32 $0.0e+00;
	v7 =	vld [tilespmem:s1+$0xB330];
	v11 =	vshll.u32 v0, $0x10;
	v57 =	vand.u32 $0xFFFF0000, v0  }
0x2af: {  	v8 =	vshll.u32 v2, $0x10;
	v9 =	vshll.u32 v1, $0x10;
	v10 =	vand.u32 $0xFFFF0000, v1  }
0x2b0: {  	v0 =	vshll.u32 v3, $0x10;
	v1 =	vand.u32 $0xFFFF0000, v3;
	v3 =	vld [tilespmem:s1+$0xB350];
	v58 =	vand.u32 $0xFFFF0000, v2  }
0x2b1: {  	v2 =	vshll.u32 v4, $0x10;
	v4 =	vand.u32 $0xFFFF0000, v4;
	v59 =	vshll.u32 v5, $0x10  }
0x2b2: {  	v60 =	vld [tilespmem:s1+$0xB370];
	v5 =	vand.u32 $0xFFFF0000, v5;
	v2 =	vadd.f32 v2, v6;
	v4 =	vadd.f32 v4, v6  }
0x2b3: {  	v14 =	vadd.f32 v59, v6;
	v5 =	vadd.f32 v5, v6;
	v6 =	vshll.u32 v7, $0x10  }
0x2b4: {  	s31 =	simm.s32 $0xA0;
	v17 =	vld [tilespmem:s1+$0xB390];
	v61 =	vadd.f32 v0, v2;
	v1 =	vadd.f32 v1, v4;
	v2 =	vand.u32 $0xFFFF0000, v7  }
0x2b5: {  	v0 =	vld [tilespmem:s31+$0xB380];
	v4 =	vadd.f32 v6, v14;
	v5 =	vadd.f32 v2, v5;
	v6 =	vshll.u32 v3, $0x10  }
0x2b6: {  	v2 =	vld [tilespmem:s31+$0xB360];
	v7 =	vadd.f32 v8, v61;
	v8 =	vadd.f32 v58, v1;
	v3 =	vand.u32 $0xFFFF0000, v3  }
0x2b7: {  	v62 =	vshll.u32 v60, $0x10;
	v1 =	vld [tilespmem:s31+$0xB340];
	v6 =	vadd.f32 v6, v4;
	v5 =	vadd.f32 v3, v5  }
0x2b8: {  	v3 =	vld [tilespmem:s31+$0xB320];
	v7 =	vadd.f32 v9, v7;
	v63 =	vadd.f32 v10, v8;
	v9 =	vand.u32 $0xFFFF0000, v60  }
0x2b9: {  	v4 =	vld [tilespmem:s31+$0xB300];
	v10 =	vshll.u32 v17, $0x10;
	v8 =	vadd.f32 v62, v6;
	v9 =	vadd.f32 v9, v5  }
0x2ba: {  	s1 =	simm.s32 $0x500;
	v5 =	vld [tilespmem:s31+$0xB310];
	v6 =	vadd.f32 v11, v7;
	v7 =	vadd.f32 v57, v63;
	v11 =	vand.u32 $0xFFFF0000, v17  }
.LBB2_27:
0x2bb: {  	p1 =	sne.s32 s1, $0x1680;
	v8 =	vadd.f32 v10, v8;
	v9 =	vadd.f32 v11, v9  }
0x2bc: {  	v11 =	vshll.u32 v0, $0x10;
	v12 =	vand.u32 $0xFFFF0000, v0;
	v10 =	vld [tilespmem:s31+$0xB330]  }
0x2bd: {  	v14 =	vshll.u32 v2, $0x10;
	v15 =	vand.u32 $0xFFFF0000, v2;
	v13 =	vshll.u32 v1, $0x10  }
0x2be: {  	v1 =	vand.u32 $0xFFFF0000, v1;
	v0 =	vshll.u32 v3, $0x10;
	v2 =	vand.u32 $0xFFFF0000, v3;
	v3 =	vld [tilespmem:s31+$0xB350]  }
0x2bf: {  	v16 =	vshll.u32 v4, $0x10;
	v4 =	vand.u32 $0xFFFF0000, v4;
	v17 =	vshll.u32 v5, $0x10  }
0x2c0: {  	v6 =	vadd.f32 v16, v6;
	v4 =	vadd.f32 v4, v7;
	v5 =	vand.u32 $0xFFFF0000, v5;
	v7 =	vld [tilespmem:s31+$0xB370]  }
0x2c1: {  	v8 =	vadd.f32 v17, v8;
	v5 =	vadd.f32 v5, v9;
	v9 =	vshll.u32 v10, $0x10  }
0x2c2: {  	v6 =	vadd.f32 v0, v6;
	v4 =	vadd.f32 v2, v4;
	v2 =	vand.u32 $0xFFFF0000, v10;
	v16 =	vld [tilespmem:s31+$0xB390];
	s31 =	sshra.s32 s1, $0x2  }
0x2c3: {  	v8 =	vadd.f32 v9, v8;
	v5 =	vadd.f32 v2, v5;
	v0 =	vld [tilespmem:s31+$0xB380];
	v9 =	vshll.u32 v3, $0x10  }
.Ltmp14:
0x2c4: {  	v6 =	vadd.f32 v13, v6;
	v4 =	vadd.f32 v1, v4;
	v3 =	vand.u32 $0xFFFF0000, v3;
	v2 =	vld [tilespmem:s31+$0xB360];
	(pc) =	sbr.rel @p1 .LBB2_27-.Ltmp14, $4  }
0x2c5: {  	v8 =	vadd.f32 v9, v8;
	v5 =	vadd.f32 v3, v5;
	v1 =	vld [tilespmem:s31+$0xB340];
	v9 =	vshll.u32 v7, $0x10  }
0x2c6: {  	v6 =	vadd.f32 v14, v6;
	v13 =	vadd.f32 v15, v4;
	v7 =	vand.u32 $0xFFFF0000, v7;
	v3 =	vld [tilespmem:s31+$0xB320]  }
0x2c7: {  	v8 =	vadd.f32 v9, v8;
	v9 =	vadd.f32 v7, v5;
	v4 =	vld [tilespmem:s31+$0xB300];
	v10 =	vshll.u32 v16, $0x10  }
0x2c8: {  	s1 =	sadd.s32 $0x280, s1;
	v6 =	vadd.f32 v11, v6;
	v7 =	vadd.f32 v12, v13;
	v11 =	vand.u32 $0xFFFF0000, v16;
	v5 =	vld [tilespmem:s31+$0xB310]  }
0x2c9: {  	_ = 	snop  }
0x2ca: {  	v8 =	vadd.f32 v10, v8;
	v9 =	vadd.f32 v11, v9;
	v10 =	vld [tilespmem:s31+$0xB330];
	v12 =	vshll.u32 v2, $0x10  }
0x2cb: {  	v2 =	vand.u32 $0xFFFF0000, v2;
	v11 =	vshll.u32 v1, $0x10;
	v1 =	vand.u32 $0xFFFF0000, v1  }
0x2cc: {  	v14 =	vld [tilespmem:s31+$0xB350];
	v13 =	vshll.u32 v3, $0x10;
	v3 =	vand.u32 $0xFFFF0000, v3;
	v15 =	vshll.u32 v4, $0x10  }
0x2cd: {  	v4 =	vand.u32 $0xFFFF0000, v4;
	v16 =	vshll.u32 v5, $0x10;
	v6 =	vadd.f32 v15, v6  }
0x2ce: {  	v4 =	vadd.f32 v4, v7;
	v5 =	vand.u32 $0xFFFF0000, v5;
	v7 =	vld [tilespmem:s31+$0xB370];
	v8 =	vadd.f32 v16, v8  }
0x2cf: {  	v5 =	vadd.f32 v5, v9;
	v9 =	vshll.u32 v10, $0x10;
	v6 =	vadd.f32 v13, v6  }
0x2d0: {  	v3 =	vadd.f32 v3, v4;
	v4 =	vand.u32 $0xFFFF0000, v10;
	v8 =	vadd.f32 v9, v8  }
0x2d1: {  	v10 =	vld [tilespmem:s31+$0xB390];
	v4 =	vadd.f32 v4, v5;
	v5 =	vshll.u32 v14, $0x10;
	v6 =	vadd.f32 v11, v6  }
0x2d2: {  	v1 =	vadd.f32 v1, v3;
	v3 =	vand.u32 $0xFFFF0000, v14;
	v5 =	vadd.f32 v5, v8  }
0x2d3: {  	v3 =	vadd.f32 v3, v4;
	v4 =	vshll.u32 v7, $0x10;
	v6 =	vadd.f32 v12, v6  }
0x2d4: {  	v8 =	vshll.u32 v0, $0x10;
	v0 =	vand.u32 $0xFFFF0000, v0;
	v1 =	vadd.f32 v2, v1  }
0x2d5: {  	v2 =	vadd.f32 v4, v5;
	v4 =	vand.u32 $0xFFFF0000, v7;
	v6 =	vadd.f32 v8, v6  }
0x2d6: {  	v5 =	vshll.u32 v10, $0x10;
	v3 =	vadd.f32 v4, v3;
	v0 =	vadd.f32 v0, v1  }
0x2d7: {  	v1 =	vand.u32 $0xFFFF0000, v10;
	v2 =	vadd.f32 v5, v2;
	[tilespmem:s29+$0xCF00] =	vst v6  }
0x2d8: {  	v1 =	vadd.f32 v1, v3;
	[tilespmem:s29+$0xCF20] =	vst v0  }
0x2d9: {  	[tilespmem:s29+$0xCF10] =	vst v2  }
0x2da: {  	s0 =	simm.s32 $0x0;
	[tilespmem:s29+$0xCF30] =	vst v1  }
0x2db: {  	v0 =	vld [tilespmem:s0+$0xB9C0]  }
0x2dc: {  	v1 =	vld [tilespmem:s0+$0xB9A0]  }
0x2dd: {  	v2 =	vld [tilespmem:s0+$0xB980]  }
0x2de: {  	v3 =	vld [tilespmem:s0+$0xB960]  }
0x2df: {  	v4 =	vld [tilespmem:s0+$0xB940]  }
0x2e0: {  	v5 =	vld [tilespmem:s0+$0xB950];
	_ =	sdelay $0x1  }
0x2e1: {  	v6 =	vimm.f32 $0.0e+00;
	v7 =	vld [tilespmem:s0+$0xB970];
	v11 =	vshll.u32 v0, $0x10;
	v57 =	vand.u32 $0xFFFF0000, v0  }
0x2e2: {  	v8 =	vshll.u32 v2, $0x10;
	v9 =	vshll.u32 v1, $0x10;
	v10 =	vand.u32 $0xFFFF0000, v1  }
0x2e3: {  	v0 =	vshll.u32 v3, $0x10;
	v1 =	vand.u32 $0xFFFF0000, v3;
	v3 =	vld [tilespmem:s0+$0xB990];
	v58 =	vand.u32 $0xFFFF0000, v2  }
0x2e4: {  	v2 =	vshll.u32 v4, $0x10;
	v4 =	vand.u32 $0xFFFF0000, v4;
	v59 =	vshll.u32 v5, $0x10  }
0x2e5: {  	v60 =	vld [tilespmem:s0+$0xB9B0];
	v5 =	vand.u32 $0xFFFF0000, v5;
	v2 =	vadd.f32 v2, v6;
	v4 =	vadd.f32 v4, v6  }
0x2e6: {  	v14 =	vadd.f32 v59, v6;
	v5 =	vadd.f32 v5, v6;
	v6 =	vshll.u32 v7, $0x10  }
0x2e7: {  	s31 =	simm.s32 $0xA0;
	v17 =	vld [tilespmem:s0+$0xB9D0];
	v61 =	vadd.f32 v0, v2;
	v1 =	vadd.f32 v1, v4;
	v2 =	vand.u32 $0xFFFF0000, v7  }
0x2e8: {  	v0 =	vld [tilespmem:s31+$0xB9C0];
	v4 =	vadd.f32 v6, v14;
	v5 =	vadd.f32 v2, v5;
	v6 =	vshll.u32 v3, $0x10  }
0x2e9: {  	v2 =	vld [tilespmem:s31+$0xB9A0];
	v7 =	vadd.f32 v8, v61;
	v8 =	vadd.f32 v58, v1;
	v3 =	vand.u32 $0xFFFF0000, v3  }
0x2ea: {  	v62 =	vshll.u32 v60, $0x10;
	v1 =	vld [tilespmem:s31+$0xB980];
	v6 =	vadd.f32 v6, v4;
	v5 =	vadd.f32 v3, v5  }
0x2eb: {  	v3 =	vld [tilespmem:s31+$0xB960];
	v7 =	vadd.f32 v9, v7;
	v63 =	vadd.f32 v10, v8;
	v9 =	vand.u32 $0xFFFF0000, v60  }
0x2ec: {  	v4 =	vld [tilespmem:s31+$0xB940];
	v10 =	vshll.u32 v17, $0x10;
	v8 =	vadd.f32 v62, v6;
	v9 =	vadd.f32 v9, v5  }
0x2ed: {  	s1 =	simm.s32 $0x500;
	v5 =	vld [tilespmem:s31+$0xB950];
	v6 =	vadd.f32 v11, v7;
	v7 =	vadd.f32 v57, v63;
	v11 =	vand.u32 $0xFFFF0000, v17  }
.LBB2_29:
0x2ee: {  	p1 =	sne.s32 s1, $0x1680;
	v8 =	vadd.f32 v10, v8;
	v9 =	vadd.f32 v11, v9  }
0x2ef: {  	v11 =	vshll.u32 v0, $0x10;
	v12 =	vand.u32 $0xFFFF0000, v0;
	v10 =	vld [tilespmem:s31+$0xB970]  }
0x2f0: {  	v14 =	vshll.u32 v2, $0x10;
	v15 =	vand.u32 $0xFFFF0000, v2;
	v13 =	vshll.u32 v1, $0x10  }
0x2f1: {  	v1 =	vand.u32 $0xFFFF0000, v1;
	v0 =	vshll.u32 v3, $0x10;
	v2 =	vand.u32 $0xFFFF0000, v3;
	v3 =	vld [tilespmem:s31+$0xB990]  }
0x2f2: {  	v16 =	vshll.u32 v4, $0x10;
	v4 =	vand.u32 $0xFFFF0000, v4;
	v17 =	vshll.u32 v5, $0x10  }
0x2f3: {  	v6 =	vadd.f32 v16, v6;
	v4 =	vadd.f32 v4, v7;
	v5 =	vand.u32 $0xFFFF0000, v5;
	v7 =	vld [tilespmem:s31+$0xB9B0]  }
0x2f4: {  	v8 =	vadd.f32 v17, v8;
	v5 =	vadd.f32 v5, v9;
	v9 =	vshll.u32 v10, $0x10  }
0x2f5: {  	v6 =	vadd.f32 v0, v6;
	v4 =	vadd.f32 v2, v4;
	v2 =	vand.u32 $0xFFFF0000, v10;
	v16 =	vld [tilespmem:s31+$0xB9D0];
	s31 =	sshra.s32 s1, $0x2  }
0x2f6: {  	v8 =	vadd.f32 v9, v8;
	v5 =	vadd.f32 v2, v5;
	v0 =	vld [tilespmem:s31+$0xB9C0];
	v9 =	vshll.u32 v3, $0x10  }
.Ltmp15:
0x2f7: {  	v6 =	vadd.f32 v13, v6;
	v4 =	vadd.f32 v1, v4;
	v3 =	vand.u32 $0xFFFF0000, v3;
	v2 =	vld [tilespmem:s31+$0xB9A0];
	(pc) =	sbr.rel @p1 .LBB2_29-.Ltmp15, $4  }
0x2f8: {  	v8 =	vadd.f32 v9, v8;
	v5 =	vadd.f32 v3, v5;
	v1 =	vld [tilespmem:s31+$0xB980];
	v9 =	vshll.u32 v7, $0x10  }
0x2f9: {  	v6 =	vadd.f32 v14, v6;
	v13 =	vadd.f32 v15, v4;
	v7 =	vand.u32 $0xFFFF0000, v7;
	v3 =	vld [tilespmem:s31+$0xB960]  }
0x2fa: {  	v8 =	vadd.f32 v9, v8;
	v9 =	vadd.f32 v7, v5;
	v4 =	vld [tilespmem:s31+$0xB940];
	v10 =	vshll.u32 v16, $0x10  }
0x2fb: {  	s1 =	sadd.s32 $0x280, s1;
	v6 =	vadd.f32 v11, v6;
	v7 =	vadd.f32 v12, v13;
	v11 =	vand.u32 $0xFFFF0000, v16;
	v5 =	vld [tilespmem:s31+$0xB950]  }
0x2fc: {  	_ = 	snop  }
0x2fd: {  	v8 =	vadd.f32 v10, v8;
	v9 =	vadd.f32 v11, v9;
	v10 =	vld [tilespmem:s31+$0xB970];
	v12 =	vshll.u32 v2, $0x10  }
0x2fe: {  	v2 =	vand.u32 $0xFFFF0000, v2;
	v11 =	vshll.u32 v1, $0x10;
	v1 =	vand.u32 $0xFFFF0000, v1  }
0x2ff: {  	v14 =	vld [tilespmem:s31+$0xB990];
	v13 =	vshll.u32 v3, $0x10;
	v3 =	vand.u32 $0xFFFF0000, v3;
	v15 =	vshll.u32 v4, $0x10  }
0x300: {  	v4 =	vand.u32 $0xFFFF0000, v4;
	v16 =	vshll.u32 v5, $0x10;
	v6 =	vadd.f32 v15, v6  }
0x301: {  	v4 =	vadd.f32 v4, v7;
	v5 =	vand.u32 $0xFFFF0000, v5;
	v7 =	vld [tilespmem:s31+$0xB9B0];
	v8 =	vadd.f32 v16, v8  }
0x302: {  	v5 =	vadd.f32 v5, v9;
	v9 =	vshll.u32 v10, $0x10;
	v6 =	vadd.f32 v13, v6  }
0x303: {  	v3 =	vadd.f32 v3, v4;
	v4 =	vand.u32 $0xFFFF0000, v10;
	v8 =	vadd.f32 v9, v8  }
0x304: {  	v10 =	vld [tilespmem:s31+$0xB9D0];
	v4 =	vadd.f32 v4, v5;
	v5 =	vshll.u32 v14, $0x10;
	v6 =	vadd.f32 v11, v6  }
0x305: {  	v1 =	vadd.f32 v1, v3;
	v3 =	vand.u32 $0xFFFF0000, v14;
	v5 =	vadd.f32 v5, v8  }
0x306: {  	v3 =	vadd.f32 v3, v4;
	v4 =	vshll.u32 v7, $0x10;
	v6 =	vadd.f32 v12, v6  }
0x307: {  	v8 =	vshll.u32 v0, $0x10;
	v0 =	vand.u32 $0xFFFF0000, v0;
	v1 =	vadd.f32 v2, v1  }
0x308: {  	v2 =	vadd.f32 v4, v5;
	v4 =	vand.u32 $0xFFFF0000, v7;
	v6 =	vadd.f32 v8, v6  }
0x309: {  	v5 =	vshll.u32 v10, $0x10;
	v3 =	vadd.f32 v4, v3;
	v0 =	vadd.f32 v0, v1  }
0x30a: {  	v1 =	vand.u32 $0xFFFF0000, v10;
	v2 =	vadd.f32 v5, v2;
	[tilespmem:s29+$0xCF40] =	vst v6  }
0x30b: {  	v1 =	vadd.f32 v1, v3;
	[tilespmem:s29+$0xCF60] =	vst v0  }
0x30c: {  	[tilespmem:s29+$0xCF50] =	vst v2  }
0x30d: {  	s0 =	sadd.s32 @!p0 $0x5B0, s30;
	s1 =	simm.s32 @!p0 $0x64;
	s30 =	simm.s32 @!p0 $0xB300;
	[tilespmem:s29+$0xCF70] =	vst v1  }
0x30e: {  	[tilespmem:s30], [sflag:$0x1] =	stream.indirect.gather @!p0 [hbm4b:s3+s1], $0x20, s0, s1, $0xb8;
	[tilespmem:$0x14C00] =	vst v63  }
0x30f: {  	_ =	swait.ge [sflag:s24], $0xC80  }
0x310: {  	[sflag:s24] =	ssyncset.done $0x0  }
0x311: {  	s31 =	simm.s32 $0x0;
	[sflag:s24] =	ssyncadd.s32 $0xFFFFF380  }
0x312: {  	v0 =	vld [tilespmem:s31+$0xC000]  }
0x313: {  	v1 =	vld [tilespmem:s31+$0xBFE0]  }
0x314: {  	v2 =	vld [tilespmem:s31+$0xBFC0]  }
0x315: {  	v3 =	vld [tilespmem:s31+$0xBFA0]  }
0x316: {  	v4 =	vld [tilespmem:s31+$0xBF80]  }
0x317: {  	v5 =	vld [tilespmem:s31+$0xBF90];
	_ =	sdelay $0x1  }
0x318: {  	v6 =	vimm.f32 $0.0e+00;
	v7 =	vld [tilespmem:s31+$0xBFB0];
	v11 =	vshll.u32 v0, $0x10;
	v57 =	vand.u32 $0xFFFF0000, v0  }
0x319: {  	v8 =	vshll.u32 v2, $0x10;
	v9 =	vshll.u32 v1, $0x10;
	v10 =	vand.u32 $0xFFFF0000, v1  }
0x31a: {  	v0 =	vshll.u32 v3, $0x10;
	v1 =	vand.u32 $0xFFFF0000, v3;
	v3 =	vld [tilespmem:s31+$0xBFD0];
	v58 =	vand.u32 $0xFFFF0000, v2  }
0x31b: {  	v2 =	vshll.u32 v4, $0x10;
	v4 =	vand.u32 $0xFFFF0000, v4;
	v59 =	vshll.u32 v5, $0x10  }
0x31c: {  	v60 =	vld [tilespmem:s31+$0xBFF0];
	v5 =	vand.u32 $0xFFFF0000, v5;
	v2 =	vadd.f32 v2, v6;
	v4 =	vadd.f32 v4, v6  }
0x31d: {  	v14 =	vadd.f32 v59, v6;
	v5 =	vadd.f32 v5, v6;
	v6 =	vshll.u32 v7, $0x10  }
0x31e: {  	s30 =	simm.s32 $0xA0;
	v17 =	vld [tilespmem:s31+$0xC010];
	v61 =	vadd.f32 v0, v2;
	v1 =	vadd.f32 v1, v4;
	v2 =	vand.u32 $0xFFFF0000, v7  }
0x31f: {  	v0 =	vld [tilespmem:s30+$0xC000];
	v4 =	vadd.f32 v6, v14;
	v5 =	vadd.f32 v2, v5;
	v6 =	vshll.u32 v3, $0x10  }
0x320: {  	v2 =	vld [tilespmem:s30+$0xBFE0];
	v7 =	vadd.f32 v8, v61;
	v8 =	vadd.f32 v58, v1;
	v3 =	vand.u32 $0xFFFF0000, v3  }
0x321: {  	v62 =	vshll.u32 v60, $0x10;
	v1 =	vld [tilespmem:s30+$0xBFC0];
	v6 =	vadd.f32 v6, v4;
	v5 =	vadd.f32 v3, v5  }
0x322: {  	v3 =	vld [tilespmem:s30+$0xBFA0];
	v7 =	vadd.f32 v9, v7;
	v63 =	vadd.f32 v10, v8;
	v9 =	vand.u32 $0xFFFF0000, v60  }
0x323: {  	v4 =	vld [tilespmem:s30+$0xBF80];
	v10 =	vshll.u32 v17, $0x10;
	v8 =	vadd.f32 v62, v6;
	v9 =	vadd.f32 v9, v5  }
0x324: {  	s1 =	simm.s32 $0x500;
	v5 =	vld [tilespmem:s30+$0xBF90];
	v6 =	vadd.f32 v11, v7;
	v7 =	vadd.f32 v57, v63;
	v11 =	vand.u32 $0xFFFF0000, v17  }
.LBB2_31:
0x325: {  	p1 =	sne.s32 s1, $0x1680;
	v8 =	vadd.f32 v10, v8;
	v9 =	vadd.f32 v11, v9  }
0x326: {  	v11 =	vshll.u32 v0, $0x10;
	v12 =	vand.u32 $0xFFFF0000, v0;
	v10 =	vld [tilespmem:s30+$0xBFB0]  }
0x327: {  	v14 =	vshll.u32 v2, $0x10;
	v15 =	vand.u32 $0xFFFF0000, v2;
	v13 =	vshll.u32 v1, $0x10  }
0x328: {  	v1 =	vand.u32 $0xFFFF0000, v1;
	v0 =	vshll.u32 v3, $0x10;
	v2 =	vand.u32 $0xFFFF0000, v3;
	v3 =	vld [tilespmem:s30+$0xBFD0]  }
0x329: {  	v16 =	vshll.u32 v4, $0x10;
	v4 =	vand.u32 $0xFFFF0000, v4;
	v17 =	vshll.u32 v5, $0x10  }
0x32a: {  	v6 =	vadd.f32 v16, v6;
	v4 =	vadd.f32 v4, v7;
	v5 =	vand.u32 $0xFFFF0000, v5;
	v7 =	vld [tilespmem:s30+$0xBFF0]  }
0x32b: {  	v8 =	vadd.f32 v17, v8;
	v5 =	vadd.f32 v5, v9;
	v9 =	vshll.u32 v10, $0x10  }
0x32c: {  	v6 =	vadd.f32 v0, v6;
	v4 =	vadd.f32 v2, v4;
	v2 =	vand.u32 $0xFFFF0000, v10;
	v16 =	vld [tilespmem:s30+$0xC010];
	s30 =	sshra.s32 s1, $0x2  }
0x32d: {  	v8 =	vadd.f32 v9, v8;
	v5 =	vadd.f32 v2, v5;
	v0 =	vld [tilespmem:s30+$0xC000];
	v9 =	vshll.u32 v3, $0x10  }
.Ltmp16:
0x32e: {  	v6 =	vadd.f32 v13, v6;
	v4 =	vadd.f32 v1, v4;
	v3 =	vand.u32 $0xFFFF0000, v3;
	v2 =	vld [tilespmem:s30+$0xBFE0];
	(pc) =	sbr.rel @p1 .LBB2_31-.Ltmp16, $4  }
0x32f: {  	v8 =	vadd.f32 v9, v8;
	v5 =	vadd.f32 v3, v5;
	v1 =	vld [tilespmem:s30+$0xBFC0];
	v9 =	vshll.u32 v7, $0x10  }
0x330: {  	v6 =	vadd.f32 v14, v6;
	v13 =	vadd.f32 v15, v4;
	v7 =	vand.u32 $0xFFFF0000, v7;
	v3 =	vld [tilespmem:s30+$0xBFA0]  }
0x331: {  	v8 =	vadd.f32 v9, v8;
	v9 =	vadd.f32 v7, v5;
	v4 =	vld [tilespmem:s30+$0xBF80];
	v10 =	vshll.u32 v16, $0x10  }
0x332: {  	s1 =	sadd.s32 $0x280, s1;
	v6 =	vadd.f32 v11, v6;
	v7 =	vadd.f32 v12, v13;
	v11 =	vand.u32 $0xFFFF0000, v16;
	v5 =	vld [tilespmem:s30+$0xBF90]  }
0x333: {  	_ = 	snop  }
0x334: {  	v8 =	vadd.f32 v10, v8;
	v9 =	vadd.f32 v11, v9;
	v10 =	vld [tilespmem:s30+$0xBFB0];
	v12 =	vshll.u32 v2, $0x10  }
0x335: {  	v2 =	vand.u32 $0xFFFF0000, v2;
	v11 =	vshll.u32 v1, $0x10;
	v1 =	vand.u32 $0xFFFF0000, v1  }
0x336: {  	v14 =	vld [tilespmem:s30+$0xBFD0];
	v13 =	vshll.u32 v3, $0x10;
	v3 =	vand.u32 $0xFFFF0000, v3;
	v15 =	vshll.u32 v4, $0x10  }
0x337: {  	v4 =	vand.u32 $0xFFFF0000, v4;
	v16 =	vshll.u32 v5, $0x10;
	v6 =	vadd.f32 v15, v6  }
0x338: {  	v4 =	vadd.f32 v4, v7;
	v5 =	vand.u32 $0xFFFF0000, v5;
	v7 =	vld [tilespmem:s30+$0xBFF0];
	v8 =	vadd.f32 v16, v8  }
0x339: {  	v5 =	vadd.f32 v5, v9;
	v9 =	vshll.u32 v10, $0x10;
	v6 =	vadd.f32 v13, v6  }
0x33a: {  	v3 =	vadd.f32 v3, v4;
	v4 =	vand.u32 $0xFFFF0000, v10;
	v8 =	vadd.f32 v9, v8  }
0x33b: {  	v10 =	vld [tilespmem:s30+$0xC010];
	v4 =	vadd.f32 v4, v5;
	v5 =	vshll.u32 v14, $0x10;
	v6 =	vadd.f32 v11, v6  }
0x33c: {  	v1 =	vadd.f32 v1, v3;
	v3 =	vand.u32 $0xFFFF0000, v14;
	v5 =	vadd.f32 v5, v8  }
0x33d: {  	v3 =	vadd.f32 v3, v4;
	v4 =	vshll.u32 v7, $0x10;
	v6 =	vadd.f32 v12, v6  }
0x33e: {  	v8 =	vshll.u32 v0, $0x10;
	v0 =	vand.u32 $0xFFFF0000, v0;
	v1 =	vadd.f32 v2, v1  }
0x33f: {  	v2 =	vadd.f32 v4, v5;
	v4 =	vand.u32 $0xFFFF0000, v7;
	v6 =	vadd.f32 v8, v6  }
0x340: {  	v5 =	vshll.u32 v10, $0x10;
	v3 =	vadd.f32 v4, v3;
	v0 =	vadd.f32 v0, v1  }
0x341: {  	v1 =	vand.u32 $0xFFFF0000, v10;
	v2 =	vadd.f32 v5, v2;
	[tilespmem:s29+$0xCF80] =	vst v6  }
0x342: {  	v1 =	vadd.f32 v1, v3;
	[tilespmem:s29+$0xCFA0] =	vst v0  }
0x343: {  	[tilespmem:s29+$0xCF90] =	vst v2  }
0x344: {  	s0 =	simm.s32 $0x0;
	[tilespmem:s29+$0xCFB0] =	vst v1  }
0x345: {  	v0 =	vld [tilespmem:s0+$0xC640]  }
0x346: {  	v1 =	vld [tilespmem:s0+$0xC620]  }
0x347: {  	v2 =	vld [tilespmem:s0+$0xC600]  }
0x348: {  	v3 =	vld [tilespmem:s0+$0xC5E0]  }
0x349: {  	v4 =	vld [tilespmem:s0+$0xC5C0]  }
0x34a: {  	v5 =	vld [tilespmem:s0+$0xC5D0];
	_ =	sdelay $0x1  }
0x34b: {  	v6 =	vimm.f32 $0.0e+00;
	v7 =	vld [tilespmem:s0+$0xC5F0];
	v11 =	vshll.u32 v0, $0x10;
	v57 =	vand.u32 $0xFFFF0000, v0  }
0x34c: {  	v8 =	vshll.u32 v2, $0x10;
	v9 =	vshll.u32 v1, $0x10;
	v10 =	vand.u32 $0xFFFF0000, v1  }
0x34d: {  	v0 =	vshll.u32 v3, $0x10;
	v1 =	vand.u32 $0xFFFF0000, v3;
	v3 =	vld [tilespmem:s0+$0xC610];
	v58 =	vand.u32 $0xFFFF0000, v2  }
0x34e: {  	v2 =	vshll.u32 v4, $0x10;
	v4 =	vand.u32 $0xFFFF0000, v4;
	v59 =	vshll.u32 v5, $0x10  }
0x34f: {  	v60 =	vld [tilespmem:s0+$0xC630];
	v5 =	vand.u32 $0xFFFF0000, v5;
	v2 =	vadd.f32 v2, v6;
	v4 =	vadd.f32 v4, v6  }
0x350: {  	v14 =	vadd.f32 v59, v6;
	v5 =	vadd.f32 v5, v6;
	v6 =	vshll.u32 v7, $0x10  }
0x351: {  	s30 =	simm.s32 $0xA0;
	v17 =	vld [tilespmem:s0+$0xC650];
	v61 =	vadd.f32 v0, v2;
	v1 =	vadd.f32 v1, v4;
	v2 =	vand.u32 $0xFFFF0000, v7  }
0x352: {  	v0 =	vld [tilespmem:s30+$0xC640];
	v4 =	vadd.f32 v6, v14;
	v5 =	vadd.f32 v2, v5;
	v6 =	vshll.u32 v3, $0x10  }
0x353: {  	v2 =	vld [tilespmem:s30+$0xC620];
	v7 =	vadd.f32 v8, v61;
	v8 =	vadd.f32 v58, v1;
	v3 =	vand.u32 $0xFFFF0000, v3  }
0x354: {  	v62 =	vshll.u32 v60, $0x10;
	v1 =	vld [tilespmem:s30+$0xC600];
	v6 =	vadd.f32 v6, v4;
	v5 =	vadd.f32 v3, v5  }
0x355: {  	v3 =	vld [tilespmem:s30+$0xC5E0];
	v7 =	vadd.f32 v9, v7;
	v63 =	vadd.f32 v10, v8;
	v9 =	vand.u32 $0xFFFF0000, v60  }
0x356: {  	v4 =	vld [tilespmem:s30+$0xC5C0];
	v10 =	vshll.u32 v17, $0x10;
	v8 =	vadd.f32 v62, v6;
	v9 =	vadd.f32 v9, v5  }
0x357: {  	s1 =	simm.s32 $0x500;
	v5 =	vld [tilespmem:s30+$0xC5D0];
	v6 =	vadd.f32 v11, v7;
	v7 =	vadd.f32 v57, v63;
	v11 =	vand.u32 $0xFFFF0000, v17  }
.LBB2_33:
0x358: {  	p1 =	sne.s32 s1, $0x1680;
	v8 =	vadd.f32 v10, v8;
	v9 =	vadd.f32 v11, v9  }
0x359: {  	v11 =	vshll.u32 v0, $0x10;
	v12 =	vand.u32 $0xFFFF0000, v0;
	v10 =	vld [tilespmem:s30+$0xC5F0]  }
0x35a: {  	v14 =	vshll.u32 v2, $0x10;
	v15 =	vand.u32 $0xFFFF0000, v2;
	v13 =	vshll.u32 v1, $0x10  }
0x35b: {  	v1 =	vand.u32 $0xFFFF0000, v1;
	v0 =	vshll.u32 v3, $0x10;
	v2 =	vand.u32 $0xFFFF0000, v3;
	v3 =	vld [tilespmem:s30+$0xC610]  }
0x35c: {  	v16 =	vshll.u32 v4, $0x10;
	v4 =	vand.u32 $0xFFFF0000, v4;
	v17 =	vshll.u32 v5, $0x10  }
0x35d: {  	v6 =	vadd.f32 v16, v6;
	v4 =	vadd.f32 v4, v7;
	v5 =	vand.u32 $0xFFFF0000, v5;
	v7 =	vld [tilespmem:s30+$0xC630]  }
0x35e: {  	v8 =	vadd.f32 v17, v8;
	v5 =	vadd.f32 v5, v9;
	v9 =	vshll.u32 v10, $0x10  }
0x35f: {  	v6 =	vadd.f32 v0, v6;
	v4 =	vadd.f32 v2, v4;
	v2 =	vand.u32 $0xFFFF0000, v10;
	v16 =	vld [tilespmem:s30+$0xC650];
	s30 =	sshra.s32 s1, $0x2  }
0x360: {  	v8 =	vadd.f32 v9, v8;
	v5 =	vadd.f32 v2, v5;
	v0 =	vld [tilespmem:s30+$0xC640];
	v9 =	vshll.u32 v3, $0x10  }
.Ltmp17:
0x361: {  	v6 =	vadd.f32 v13, v6;
	v4 =	vadd.f32 v1, v4;
	v3 =	vand.u32 $0xFFFF0000, v3;
	v2 =	vld [tilespmem:s30+$0xC620];
	(pc) =	sbr.rel @p1 .LBB2_33-.Ltmp17, $4  }
0x362: {  	v8 =	vadd.f32 v9, v8;
	v5 =	vadd.f32 v3, v5;
	v1 =	vld [tilespmem:s30+$0xC600];
	v9 =	vshll.u32 v7, $0x10  }
0x363: {  	v6 =	vadd.f32 v14, v6;
	v13 =	vadd.f32 v15, v4;
	v7 =	vand.u32 $0xFFFF0000, v7;
	v3 =	vld [tilespmem:s30+$0xC5E0]  }
0x364: {  	v8 =	vadd.f32 v9, v8;
	v9 =	vadd.f32 v7, v5;
	v4 =	vld [tilespmem:s30+$0xC5C0];
	v10 =	vshll.u32 v16, $0x10  }
0x365: {  	s1 =	sadd.s32 $0x280, s1;
	v6 =	vadd.f32 v11, v6;
	v7 =	vadd.f32 v12, v13;
	v11 =	vand.u32 $0xFFFF0000, v16;
	v5 =	vld [tilespmem:s30+$0xC5D0]  }
0x366: {  	_ = 	snop  }
0x367: {  	v8 =	vadd.f32 v10, v8;
	v9 =	vadd.f32 v11, v9;
	v12 =	vshll.u32 v2, $0x10  }
0x368: {  	v44 =	vld [tilespmem:s30+$0xC5F0];
	v46 =	vand.u32 $0xFFFF0000, v2;
	v58 =	vshll.u32 v0, $0x10;
	v62 =	vand.u32 $0xFFFF0000, v0  }
0x369: {  	v45 =	vshll.u32 v1, $0x10;
	v48 =	vand.u32 $0xFFFF0000, v1;
	v15 =	vshll.u32 v4, $0x10  }
0x36a: {  	v14 =	vld [tilespmem:s30+$0xC610];
	v13 =	vshll.u32 v3, $0x10;
	v49 =	vand.u32 $0xFFFF0000, v4;
	v6 =	vadd.f32 v15, v6  }
0x36b: {  	v47 =	vand.u32 $0xFFFF0000, v3;
	v16 =	vshll.u32 v5, $0x10;
	v4 =	vadd.f32 v49, v7  }
0x36c: {  	v51 =	vld [tilespmem:s30+$0xC630];
	v50 =	vand.u32 $0xFFFF0000, v5;
	v8 =	vadd.f32 v16, v8;
	v6 =	vadd.f32 v13, v6  }
0x36d: {  	v5 =	vadd.f32 v50, v9;
	v52 =	vshll.u32 v44, $0x10;
	v3 =	vadd.f32 v47, v4  }
0x36e: {  	v54 =	vld [tilespmem:s30+$0xC650];
	v53 =	vand.u32 $0xFFFF0000, v44;
	v8 =	vadd.f32 v52, v8;
	v6 =	vadd.f32 v45, v6  }
0x36f: {  	v55 =	vshll.u32 v14, $0x10;
	v4 =	vadd.f32 v53, v5;
	v1 =	vadd.f32 v48, v3  }
0x370: {  	v56 =	vand.u32 $0xFFFF0000, v14;
	v5 =	vadd.f32 v55, v8;
	v6 =	vadd.f32 v12, v6  }
0x371: {  	v57 =	vshll.u32 v51, $0x10;
	v3 =	vadd.f32 v56, v4;
	v1 =	vadd.f32 v46, v1  }
0x372: {  	v60 =	vand.u32 $0xFFFF0000, v51;
	v59 =	vadd.f32 v57, v5;
	v6 =	vadd.f32 v58, v6  }
.Ltmp18:
0x373: {  	v61 =	vshll.u32 v54, $0x10;
	v3 =	vadd.f32 v60, v3;
	v0 =	vadd.f32 v62, v1;
	(pc) =	sbr.rel @p0 .LBB2_36-.Ltmp18, $4  }
0x374: {  	v63 =	vand.u32 $0xFFFF0000, v54;
	v2 =	vadd.f32 v61, v59;
	[tilespmem:s29+$0xCFC0] =	vst v6  }
0x375: {  	v1 =	vadd.f32 v63, v3;
	[tilespmem:s29+$0xCFE0] =	vst v0  }
0x376: {  	[tilespmem:s29+$0xCFD0] =	vst v2  }
0x377: {  	[tilespmem:s29+$0xCFF0] =	vst v1  }
0x378: {  	s0 =	smul.u32 $0xD00, s28  }
.Ltmp19:
0x379: {  	_ = 	snop;
	(pc) =	sbr.rel .LBB2_2-.Ltmp19, $4  }
0x37a: {  	_ = 	snop  }
0x37b: {  	s0 =	sshra.s32 s0, $0x2  }
0x37c: {  	s28 =	sadd.s32 $0x1, s28;
	s0 =	sadd.s32 $0x618, s0  }
0x37d: {  	[tilespmem:s23], [sflag:$0x1] =	stream.indirect.gather [hbm4b:s3+s8], $0x20, s0, s8, $0xb8;
	[tilespmem:$0x14C00] =	vst v63  }
.LBB2_37:
0x37e: {  	_ =	sfence.sel $0x180000  }
0x37f: {  	[bflag:$0x0] =	sbarrier.arrive $0xFFFF  }
0x380: {  	_ =	strace $0x90000047  }
0x381: {  	s0 =	stileid.u32;
	[bflag:$0x2] =	sbarrier.arrive $0xFFFF  }
0x382: {  	p0 =	sne.s32 s0, $0x0;
	s0 =	rddreg [dreg:$0x2]  }
0x383: {  	s0 =	sadd.s32 @!p0 $0x100000, s0  }
0x384: {  	[sflag:s0] =	ssyncadd.tile.s32 @!p0 $0x1;
	_ =	shalt  }
.Lfunc_end2:
_tile_overlayer_lowered:
.L_overlay_start_2:
0x385: {  	(tag) =	ssettag $0x2  }
0x386: {  	s0 =	rddreg [dreg:$0x0];
	s2 =	stileid.u32  }
0x387: {  	s1 =	rddreg [dreg:$0x1];
	p0 =	sne.s32 s2, $0x0  }
0x388: {  	s3 =	rddreg [dreg:$0x2];
	[bflag:$0x3] =	sbarrier.arrive $0xFFFF;
	s2 =	simm.s32 @!p0 $0x1C02  }
0x389: {  	[timem:s3], [sflag:s2] =	dma.local @!p0 [hbm:s0], s1  }
0x38a: {  	s0 =	simm.s32 @!p0 $0x2  }
0x38b: {  	_ =	swait.ge @!p0 [sflag:s0], s1  }
0x38c: {  	s1 =	ssub.s32 @!p0 $0x0, s1;
	[sflag:s0] =	ssyncset.done @!p0 $0x0  }
0x38d: {  	[sflag:s0] =	ssyncadd.s32 @!p0 s1  }
0x38e: {  	[bflag:$0x3] =	sbarrier.arrive $0xFFFF  }
0x38f: {  	_ =	shalt  }

</sc_bundles>
